<compile_context>
chip_gen: v7x
topology: tpu7x:2x2x1
jax: 0.10.2.dev20260603
libtpu: 0.0.44.dev20260713+nightly
codegen_flags: <defaults>
</compile_context>

<pallas_src>
import functools

import jax
import jax.numpy as jnp
from jax import lax
from jax.experimental import pallas as pl
from jax.experimental.pallas import tpu as pltpu
from jax.experimental.pallas import tpu_sc as plsc

_ROWS = 16384
_COLS = 200
_D = 128
_N = _ROWS * _COLS
_NC = 2
_NS = 16
_NW = _NC * _NS
_G = 128
_NBUF = 4
_L = 16
_ROWS_PER_W = _N // _NW
_PHASES = 2
_PH_ROWS = _ROWS_PER_W // _PHASES
_PH_STEPS = _PH_ROWS // _G
_IDX_ROWS = _N // _G


def _sc_gather(table, idx):
    mesh = plsc.VectorSubcoreMesh(core_axis_name="c", subcore_axis_name="s")

    @functools.partial(
        pl.kernel,
        mesh=mesh,
        out_type=jax.ShapeDtypeStruct((_IDX_ROWS, _G, _D), jnp.float32),
        scratch_types=[
            pltpu.VMEM_SHARED((3, _D), jnp.float32),
            pltpu.VMEM((3, _D), jnp.float32),
            pltpu.VMEM((_PH_STEPS, _G), jnp.int32),
            pltpu.VMEM((_NBUF, _G, _D), jnp.float32),
            pltpu.SemaphoreType.DMA((_NBUF,)),
            pltpu.SemaphoreType.DMA((_NBUF,)),
        ],
    )
    def k(table_hbm, idx_hbm, out_hbm, tab_s, tab_v, idx_v, rows_v, gsem, ssem):
        wid = lax.axis_index("s") * _NC + lax.axis_index("c")
        base_row = wid * (_ROWS_PER_W // _G)

        @pl.when(lax.axis_index("s") == 0)
        def _():
            pltpu.sync_copy(table_hbm, tab_s)

        pltpu.sync_copy(table_hbm, tab_v)
        plsc.subcore_barrier()

        def run_phase(ph, carry):
            ph_row = base_row + ph * _PH_STEPS
            pltpu.sync_copy(idx_hbm.at[pl.ds(ph_row, _PH_STEPS)], idx_v)

            trow = [
                [tab_v[r, pl.ds(kk * _L, _L)] for kk in range(_D // _L)]
                for r in range(3)
            ]

            def fire(g, b):
                pltpu.make_async_copy(
                    tab_s.at[idx_v.at[g]], rows_v.at[b], gsem.at[b]
                ).start()

            def wait_gather(g, b):
                pltpu.make_async_copy(
                    tab_s.at[idx_v.at[g]], rows_v.at[b], gsem.at[b]
                ).wait()

            def scatter_start(g, b):
                pltpu.make_async_copy(
                    rows_v.at[b], out_hbm.at[ph_row + g], ssem.at[b]
                ).start()

            def scatter_wait(g, b):
                pltpu.make_async_copy(
                    rows_v.at[b], out_hbm.at[ph_row + g], ssem.at[b]
                ).wait()

            def tec_fill(g, b):
                def grp(c16, carry3):
                    iv = idx_v[g, pl.ds(c16 * _L, _L)]
                    for l in range(_L):
                        c = c16 * _L + l
                        sf = iv[l].astype(jnp.float32)
                        w0 = jnp.full((_L,), (1.0 - sf) * (2.0 - sf) * 0.5)
                        w1 = jnp.full((_L,), sf * (2.0 - sf))
                        w2 = jnp.full((_L,), sf * (sf - 1.0) * 0.5)
                        for kk in range(_D // _L):
                            val = (w0 * trow[0][kk] + w1 * trow[1][kk]
                                   + w2 * trow[2][kk])
                            rows_v[b, c, pl.ds(kk * _L, _L)] = val
                    return carry3

                lax.fori_loop(0, _G // _L, grp, 0)

            fire(0, 0)

            def body(q, carry2):
                g0 = _NBUF * q
                g1 = g0 + 1
                g2 = g0 + 2
                g3 = g0 + 3

                wait_gather(g0, 0)
                scatter_start(g0, 0)

                @pl.when(q >= 1)
                def _():
                    scatter_wait(g2 - _NBUF, 2)
                fire(g2, 2)

                @pl.when(q >= 1)
                def _():
                    scatter_wait(g1 - _NBUF, 1)
                tec_fill(g1, 1)
                scatter_start(g1, 1)

                wait_gather(g2, 2)
                scatter_start(g2, 2)

                @pl.when(g0 + _NBUF < _PH_STEPS)
                def _():
                    scatter_wait(g0, 0)
                    fire(g0 + _NBUF, 0)

                @pl.when(q >= 1)
                def _():
                    scatter_wait(g3 - _NBUF, 3)
                tec_fill(g3, 3)
                scatter_start(g3, 3)
                return carry2

            lax.fori_loop(0, _PH_STEPS // _NBUF, body, 0)
            for i in range(_NBUF):
                g = _PH_STEPS - _NBUF + i
                scatter_wait(g, g % _NBUF)
            return carry

        lax.fori_loop(0, _PHASES, run_phase, 0)

    return k(table, idx)


def kernel(regime, table):
    idx = regime.astype(jnp.int32).reshape(_IDX_ROWS, _G)
    out = _sc_gather(table, idx)
    return out.reshape(_ROWS, _COLS, _D)

# --- scband reference (transcript-rebuilt; emitter-appended) ---
"""Pipeline reference for scband-regime-embedding-76845554860496 (READ-ONLY COPY).

The authoritative reference and input builder live on the scoring server;
editing this copy changes nothing except your own understanding.
"""

import jax, jax.numpy as jnp
import numpy as np

NUM_REGIMES = 3
EMB_DIM = 128

def setup_inputs(seed: int = 0) -> dict:
    key = jax.random.key(seed)
    k1, k2 = jax.random.split(key)
    regime = jax.random.randint(k1, (16384, 200), 0, NUM_REGIMES, dtype=jnp.int64)
    # nn.Embedding default init: N(0, 1)
    table = jax.random.normal(k2, (NUM_REGIMES, EMB_DIM), dtype=jnp.float32)
    return {"regime": regime, "table": table}

def reference(regime, table):
    # faithful to nn.Embedding forward: gather rows of the table by index
    return jnp.take(table, regime, axis=0)

if __name__ == "__main__":
    import jax
    _d = setup_inputs()
    print(jax.jit(kernel)(*tuple(_d.values())))

</pallas_src>

<mosaic_0001>
#map = affine_map<(d0, d1) -> (0, 0)>
#map1 = affine_map<(d0, d1) -> (0, 0, 0)>
module attributes {stable_mosaic.version = 14 : i64} {
  func.func @k(%arg0: i32, %arg1: i32, %arg2: memref<3x128xf32, #tpu.memory_space<hbm>>, %arg3: memref<25600x128xi32, #tpu.memory_space<hbm>>, %arg4: memref<25600x128x128xf32, #tpu.memory_space<hbm>>, %arg5: memref<3x128xf32, #tpu.memory_space<vmem_shared>>, %arg6: memref<3x128xf32, #tpu.memory_space<vmem>>, %arg7: memref<400x128xi32, #tpu.memory_space<vmem>>, %arg8: memref<4x128x128xf32, #tpu.memory_space<vmem>>, %arg9: memref<4x!tpu.dma_semaphore, #tpu.memory_space<semaphore_mem>>, %arg10: memref<4x!tpu.dma_semaphore, #tpu.memory_space<semaphore_mem>>) attributes {dimension_semantics = [#tpu.dimension_semantics<core_parallel>, #tpu.dimension_semantics<subcore_parallel>], iteration_bounds = array<i64: 2, 16>, scalar_prefetch = 0 : i64, scratch_operands = 6 : i64, tpu.core_type = #tpu.core_type<sc_vector_subcore>, window_params = [{transform_indices = #map}, {transform_indices = #map}, {transform_indices = #map1}]} {
    %mul3A = arith.constant 2 : i32
    %mul3A_0 = arith.muli %arg1, %mul3A : i32
    %add3A = arith.addi %mul3A_0, %arg0 : i32
    %mul3A_1 = arith.constant 800 : i32
    %mul3A_2 = arith.muli %add3A, %mul3A_1 : i32
    %eq3A = arith.constant 0 : i32
    %eq3A_3 = arith.cmpi eq, %arg1, %eq3A : i32
    %convert_element_type3A = arith.extui %eq3A_3 : i1 to i32
    %cond3A = arith.constant 0 : i32
    %cond3A_4 = arith.cmpi ne, %convert_element_type3A, %cond3A : i32
    scf.if %cond3A_4 {
      "tpu.region"() ({
        %run_scoped3A = tpu.sem_alloc : memref<!tpu.dma_semaphore, #tpu.memory_space<semaphore_mem>>
        tpu.enqueue_dma source(%arg2 : memref<3x128xf32, #tpu.memory_space<hbm>>) target(%arg5 : memref<3x128xf32, #tpu.memory_space<vmem_shared>>) target_semaphore(%run_scoped3A : memref<!tpu.dma_semaphore, #tpu.memory_space<semaphore_mem>>)
        tpu.wait_dma2 semaphore(%run_scoped3A : memref<!tpu.dma_semaphore, #tpu.memory_space<semaphore_mem>>) src(%arg2 : memref<3x128xf32, #tpu.memory_space<hbm>>) dst(%arg5 : memref<3x128xf32, #tpu.memory_space<vmem_shared>>)
        tpu.yield
      }) : () -> ()
    } else {
    }
    "tpu.region"() ({
      %run_scoped3A = tpu.sem_alloc : memref<!tpu.dma_semaphore, #tpu.memory_space<semaphore_mem>>
      tpu.enqueue_dma source(%arg2 : memref<3x128xf32, #tpu.memory_space<hbm>>) target(%arg6 : memref<3x128xf32, #tpu.memory_space<vmem>>) target_semaphore(%run_scoped3A : memref<!tpu.dma_semaphore, #tpu.memory_space<semaphore_mem>>)
      tpu.wait_dma2 semaphore(%run_scoped3A : memref<!tpu.dma_semaphore, #tpu.memory_space<semaphore_mem>>) src(%arg2 : memref<3x128xf32, #tpu.memory_space<hbm>>) dst(%arg6 : memref<3x128xf32, #tpu.memory_space<vmem>>)
      tpu.yield
    }) : () -> ()
    %barrier3A = arith.constant 0 : index
    tpu.barrier barrier_id(%barrier3A)
    %scan3A = arith.constant 0 : i32
    %scan3A_5 = arith.constant 0 : i32
    %scan3A_6 = arith.constant 2 : i32
    %scan3A_7 = arith.addi %scan3A_5, %scan3A_6 : i32
    %scan3A_8 = arith.constant 1 : i32
    scf.for %scan3A_10 = %scan3A_5 to %scan3A_7 step %scan3A_8  : i32 {
      %mul3A_11 = arith.constant 400 : i32
      %mul3A_12 = arith.muli %scan3A_10, %mul3A_11 : i32
      %add3A_13 = arith.addi %mul3A_2, %mul3A_12 : i32
      "tpu.region"() ({
        %run_scoped3A = tpu.sem_alloc : memref<!tpu.dma_semaphore, #tpu.memory_space<semaphore_mem>>
        %dma_start3A_240 = arith.constant 0 : i32
        %dma_start3A_241 = tpu.memref_slice %arg3[%add3A_13, %dma_start3A_240] : memref<25600x128xi32, #tpu.memory_space<hbm>> -> memref<400x128xi32, #tpu.memory_space<hbm>>
        %dma_start3A_242 = arith.constant 0 : i32
        %dma_start3A_243 = tpu.memref_slice %arg3[%add3A_13, %dma_start3A_242] : memref<25600x128xi32, #tpu.memory_space<hbm>> -> memref<400x128xi32, #tpu.memory_space<hbm>>
        tpu.enqueue_dma source(%dma_start3A_243 : memref<400x128xi32, #tpu.memory_space<hbm>>) target(%arg7 : memref<400x128xi32, #tpu.memory_space<vmem>>) target_semaphore(%run_scoped3A : memref<!tpu.dma_semaphore, #tpu.memory_space<semaphore_mem>>)
        %dma_wait3A_244 = arith.constant 0 : i32
        %dma_wait3A_245 = tpu.memref_slice %arg3[%add3A_13, %dma_wait3A_244] : memref<25600x128xi32, #tpu.memory_space<hbm>> -> memref<400x128xi32, #tpu.memory_space<hbm>>
        %dma_wait3A_246 = arith.constant 0 : i32
        %dma_wait3A_247 = tpu.memref_slice %arg3[%add3A_13, %dma_wait3A_246] : memref<25600x128xi32, #tpu.memory_space<hbm>> -> memref<400x128xi32, #tpu.memory_space<hbm>>
        tpu.wait_dma2 semaphore(%run_scoped3A : memref<!tpu.dma_semaphore, #tpu.memory_space<semaphore_mem>>) src(%dma_wait3A_247 : memref<400x128xi32, #tpu.memory_space<hbm>>) dst(%arg7 : memref<400x128xi32, #tpu.memory_space<vmem>>)
        tpu.yield
      }) : () -> ()
      %get3A = arith.constant 0 : i32
      %get3A_14 = arith.index_cast %get3A : i32 to index
      %get3A_15 = arith.constant 0 : index
      %get3A_16 = tpu.vector_load %arg6[%get3A_14, %get3A_15] {strides = array<i32>} : memref<3x128xf32, #tpu.memory_space<vmem>>, vector<1x16xf32>,
      %get3A_17 = vector.shape_cast %get3A_16 : vector<1x16xf32> to vector<16xf32>
      %get3A_18 = arith.constant 0 : i32
      %get3A_19 = arith.index_cast %get3A_18 : i32 to index
      %get3A_20 = arith.constant 16 : index
      %get3A_21 = tpu.vector_load %arg6[%get3A_19, %get3A_20] {strides = array<i32>} : memref<3x128xf32, #tpu.memory_space<vmem>>, vector<1x16xf32>,
      %get3A_22 = vector.shape_cast %get3A_21 : vector<1x16xf32> to vector<16xf32>
      %get3A_23 = arith.constant 0 : i32
      %get3A_24 = arith.index_cast %get3A_23 : i32 to index
      %get3A_25 = arith.constant 32 : index
      %get3A_26 = tpu.vector_load %arg6[%get3A_24, %get3A_25] {strides = array<i32>} : memref<3x128xf32, #tpu.memory_space<vmem>>, vector<1x16xf32>,
      %get3A_27 = vector.shape_cast %get3A_26 : vector<1x16xf32> to vector<16xf32>
      %get3A_28 = arith.constant 0 : i32
      %get3A_29 = arith.index_cast %get3A_28 : i32 to index
      %get3A_30 = arith.constant 48 : index
      %get3A_31 = tpu.vector_load %arg6[%get3A_29, %get3A_30] {strides = array<i32>} : memref<3x128xf32, #tpu.memory_space<vmem>>, vector<1x16xf32>,
      %get3A_32 = vector.shape_cast %get3A_31 : vector<1x16xf32> to vector<16xf32>
      %get3A_33 = arith.constant 0 : i32
      %get3A_34 = arith.index_cast %get3A_33 : i32 to index
      %get3A_35 = arith.constant 64 : index
      %get3A_36 = tpu.vector_load %arg6[%get3A_34, %get3A_35] {strides = array<i32>} : memref<3x128xf32, #tpu.memory_space<vmem>>, vector<1x16xf32>,
      %get3A_37 = vector.shape_cast %get3A_36 : vector<1x16xf32> to vector<16xf32>
      %get3A_38 = arith.constant 0 : i32
      %get3A_39 = arith.index_cast %get3A_38 : i32 to index
      %get3A_40 = arith.constant 80 : index
      %get3A_41 = tpu.vector_load %arg6[%get3A_39, %get3A_40] {strides = array<i32>} : memref<3x128xf32, #tpu.memory_space<vmem>>, vector<1x16xf32>,
      %get3A_42 = vector.shape_cast %get3A_41 : vector<1x16xf32> to vector<16xf32>
      %get3A_43 = arith.constant 0 : i32
      %get3A_44 = arith.index_cast %get3A_43 : i32 to index
      %get3A_45 = arith.constant 96 : index
      %get3A_46 = tpu.vector_load %arg6[%get3A_44, %get3A_45] {strides = array<i32>} : memref<3x128xf32, #tpu.memory_space<vmem>>, vector<1x16xf32>,
      %get3A_47 = vector.shape_cast %get3A_46 : vector<1x16xf32> to vector<16xf32>
      %get3A_48 = arith.constant 0 : i32
      %get3A_49 = arith.index_cast %get3A_48 : i32 to index
      %get3A_50 = arith.constant 112 : index
      %get3A_51 = tpu.vector_load %arg6[%get3A_49, %get3A_50] {strides = array<i32>} : memref<3x128xf32, #tpu.memory_space<vmem>>, vector<1x16xf32>,
      %get3A_52 = vector.shape_cast %get3A_51 : vector<1x16xf32> to vector<16xf32>
      %get3A_53 = arith.constant 1 : i32
      %get3A_54 = arith.index_cast %get3A_53 : i32 to index
      %get3A_55 = arith.constant 0 : index
      %get3A_56 = tpu.vector_load %arg6[%get3A_54, %get3A_55] {strides = array<i32>} : memref<3x128xf32, #tpu.memory_space<vmem>>, vector<1x16xf32>,
      %get3A_57 = vector.shape_cast %get3A_56 : vector<1x16xf32> to vector<16xf32>
      %get3A_58 = arith.constant 1 : i32
      %get3A_59 = arith.index_cast %get3A_58 : i32 to index
      %get3A_60 = arith.constant 16 : index
      %get3A_61 = tpu.vector_load %arg6[%get3A_59, %get3A_60] {strides = array<i32>} : memref<3x128xf32, #tpu.memory_space<vmem>>, vector<1x16xf32>,
      %get3A_62 = vector.shape_cast %get3A_61 : vector<1x16xf32> to vector<16xf32>
      %get3A_63 = arith.constant 1 : i32
      %get3A_64 = arith.index_cast %get3A_63 : i32 to index
      %get3A_65 = arith.constant 32 : index
      %get3A_66 = tpu.vector_load %arg6[%get3A_64, %get3A_65] {strides = array<i32>} : memref<3x128xf32, #tpu.memory_space<vmem>>, vector<1x16xf32>,
      %get3A_67 = vector.shape_cast %get3A_66 : vector<1x16xf32> to vector<16xf32>
      %get3A_68 = arith.constant 1 : i32
      %get3A_69 = arith.index_cast %get3A_68 : i32 to index
      %get3A_70 = arith.constant 48 : index
      %get3A_71 = tpu.vector_load %arg6[%get3A_69, %get3A_70] {strides = array<i32>} : memref<3x128xf32, #tpu.memory_space<vmem>>, vector<1x16xf32>,
      %get3A_72 = vector.shape_cast %get3A_71 : vector<1x16xf32> to vector<16xf32>
      %get3A_73 = arith.constant 1 : i32
      %get3A_74 = arith.index_cast %get3A_73 : i32 to index
      %get3A_75 = arith.constant 64 : index
      %get3A_76 = tpu.vector_load %arg6[%get3A_74, %get3A_75] {strides = array<i32>} : memref<3x128xf32, #tpu.memory_space<vmem>>, vector<1x16xf32>,
      %get3A_77 = vector.shape_cast %get3A_76 : vector<1x16xf32> to vector<16xf32>
      %get3A_78 = arith.constant 1 : i32
      %get3A_79 = arith.index_cast %get3A_78 : i32 to index
      %get3A_80 = arith.constant 80 : index
      %get3A_81 = tpu.vector_load %arg6[%get3A_79, %get3A_80] {strides = array<i32>} : memref<3x128xf32, #tpu.memory_space<vmem>>, vector<1x16xf32>,
      %get3A_82 = vector.shape_cast %get3A_81 : vector<1x16xf32> to vector<16xf32>
      %get3A_83 = arith.constant 1 : i32
      %get3A_84 = arith.index_cast %get3A_83 : i32 to index
      %get3A_85 = arith.constant 96 : index
      %get3A_86 = tpu.vector_load %arg6[%get3A_84, %get3A_85] {strides = array<i32>} : memref<3x128xf32, #tpu.memory_space<vmem>>, vector<1x16xf32>,
      %get3A_87 = vector.shape_cast %get3A_86 : vector<1x16xf32> to vector<16xf32>
      %get3A_88 = arith.constant 1 : i32
      %get3A_89 = arith.index_cast %get3A_88 : i32 to index
      %get3A_90 = arith.constant 112 : index
      %get3A_91 = tpu.vector_load %arg6[%get3A_89, %get3A_90] {strides = array<i32>} : memref<3x128xf32, #tpu.memory_space<vmem>>, vector<1x16xf32>,
      %get3A_92 = vector.shape_cast %get3A_91 : vector<1x16xf32> to vector<16xf32>
      %get3A_93 = arith.constant 2 : i32
      %get3A_94 = arith.index_cast %get3A_93 : i32 to index
      %get3A_95 = arith.constant 0 : index
      %get3A_96 = tpu.vector_load %arg6[%get3A_94, %get3A_95] {strides = array<i32>} : memref<3x128xf32, #tpu.memory_space<vmem>>, vector<1x16xf32>,
      %get3A_97 = vector.shape_cast %get3A_96 : vector<1x16xf32> to vector<16xf32>
      %get3A_98 = arith.constant 2 : i32
      %get3A_99 = arith.index_cast %get3A_98 : i32 to index
      %get3A_100 = arith.constant 16 : index
      %get3A_101 = tpu.vector_load %arg6[%get3A_99, %get3A_100] {strides = array<i32>} : memref<3x128xf32, #tpu.memory_space<vmem>>, vector<1x16xf32>,
      %get3A_102 = vector.shape_cast %get3A_101 : vector<1x16xf32> to vector<16xf32>
      %get3A_103 = arith.constant 2 : i32
      %get3A_104 = arith.index_cast %get3A_103 : i32 to index
      %get3A_105 = arith.constant 32 : index
      %get3A_106 = tpu.vector_load %arg6[%get3A_104, %get3A_105] {strides = array<i32>} : memref<3x128xf32, #tpu.memory_space<vmem>>, vector<1x16xf32>,
      %get3A_107 = vector.shape_cast %get3A_106 : vector<1x16xf32> to vector<16xf32>
      %get3A_108 = arith.constant 2 : i32
      %get3A_109 = arith.index_cast %get3A_108 : i32 to index
      %get3A_110 = arith.constant 48 : index
      %get3A_111 = tpu.vector_load %arg6[%get3A_109, %get3A_110] {strides = array<i32>} : memref<3x128xf32, #tpu.memory_space<vmem>>, vector<1x16xf32>,
      %get3A_112 = vector.shape_cast %get3A_111 : vector<1x16xf32> to vector<16xf32>
      %get3A_113 = arith.constant 2 : i32
      %get3A_114 = arith.index_cast %get3A_113 : i32 to index
      %get3A_115 = arith.constant 64 : index
      %get3A_116 = tpu.vector_load %arg6[%get3A_114, %get3A_115] {strides = array<i32>} : memref<3x128xf32, #tpu.memory_space<vmem>>, vector<1x16xf32>,
      %get3A_117 = vector.shape_cast %get3A_116 : vector<1x16xf32> to vector<16xf32>
      %get3A_118 = arith.constant 2 : i32
      %get3A_119 = arith.index_cast %get3A_118 : i32 to index
      %get3A_120 = arith.constant 80 : index
      %get3A_121 = tpu.vector_load %arg6[%get3A_119, %get3A_120] {strides = array<i32>} : memref<3x128xf32, #tpu.memory_space<vmem>>, vector<1x16xf32>,
      %get3A_122 = vector.shape_cast %get3A_121 : vector<1x16xf32> to vector<16xf32>
      %get3A_123 = arith.constant 2 : i32
      %get3A_124 = arith.index_cast %get3A_123 : i32 to index
      %get3A_125 = arith.constant 96 : index
      %get3A_126 = tpu.vector_load %arg6[%get3A_124, %get3A_125] {strides = array<i32>} : memref<3x128xf32, #tpu.memory_space<vmem>>, vector<1x16xf32>,
      %get3A_127 = vector.shape_cast %get3A_126 : vector<1x16xf32> to vector<16xf32>
      %get3A_128 = arith.constant 2 : i32
      %get3A_129 = arith.index_cast %get3A_128 : i32 to index
      %get3A_130 = arith.constant 112 : index
      %get3A_131 = tpu.vector_load %arg6[%get3A_129, %get3A_130] {strides = array<i32>} : memref<3x128xf32, #tpu.memory_space<vmem>>, vector<1x16xf32>,
      %get3A_132 = vector.shape_cast %get3A_131 : vector<1x16xf32> to vector<16xf32>
      %dma_start3A = arith.constant 0 : i32
      %dma_start3A_133 = arith.constant 0 : i32
      %dma_start3A_134 = arith.constant 0 : i32
      %dma_start3A_135 = arith.constant 0 : i32
      %dma_start3A_136 = arith.constant 0 : i32
      %dma_start3A_137 = tpu.memref_slice %arg8[%dma_start3A_133, %dma_start3A_135, %dma_start3A_136] : memref<4x128x128xf32, #tpu.memory_space<vmem>> -> memref<1x128x128xf32, #tpu.memory_space<vmem>>
      %dma_start3A_138 = tpu.memref_squeeze %dma_start3A_137 : memref<1x128x128xf32, #tpu.memory_space<vmem>> -> memref<128x128xf32, #tpu.memory_space<vmem>>
      %dma_start3A_139 = arith.constant 0 : i32
      %dma_start3A_140 = tpu.memref_slice %arg7[%dma_start3A, %dma_start3A_139] : memref<400x128xi32, #tpu.memory_space<vmem>> -> memref<1x128xi32, #tpu.memory_space<vmem>>
      %dma_start3A_141 = tpu.memref_squeeze %dma_start3A_140 : memref<1x128xi32, #tpu.memory_space<vmem>> -> memref<128xi32, #tpu.memory_space<vmem>>
      %dma_start3A_142 = arith.constant 0 : i32
      %dma_start3A_143 = arith.constant 0 : i32
      %dma_start3A_144 = tpu.memref_slice %arg5[%dma_start3A_142, %dma_start3A_143] : memref<3x128xf32, #tpu.memory_space<vmem_shared>> -> memref<3x128xf32, #tpu.memory_space<vmem_shared>>
      %dma_start3A_145 = tpu.memref_slice %arg9[%dma_start3A_134] : memref<4x!tpu.dma_semaphore, #tpu.memory_space<semaphore_mem>> -> memref<1x!tpu.dma_semaphore, #tpu.memory_space<semaphore_mem>>
      %dma_start3A_146 = tpu.memref_squeeze %dma_start3A_145 : memref<1x!tpu.dma_semaphore, #tpu.memory_space<semaphore_mem>> -> memref<!tpu.dma_semaphore, #tpu.memory_space<semaphore_mem>>
      tpu.enqueue_indirect_dma source(%dma_start3A_144 : memref<3x128xf32, #tpu.memory_space<vmem_shared>>) target(%dma_start3A_138 : memref<128x128xf32, #tpu.memory_space<vmem>>) offsets(%dma_start3A_141 : memref<128xi32, #tpu.memory_space<vmem>>) semaphore(%dma_start3A_146 : memref<!tpu.dma_semaphore, #tpu.memory_space<semaphore_mem>>)
      %scan3A_147 = arith.constant 0 : i32
      %scan3A_148 = arith.constant 0 : i32
      %scan3A_149 = arith.constant 100 : i32
      %scan3A_150 = arith.addi %scan3A_148, %scan3A_149 : i32
      %scan3A_151 = arith.constant 1 : i32
      scf.for %scan3A_240 = %scan3A_148 to %scan3A_150 step %scan3A_151  : i32 {
        %mul3A_241 = arith.constant 4 : i32
        %mul3A_242 = arith.muli %mul3A_241, %scan3A_240 : i32
        %add3A_243 = arith.constant 1 : i32
        %add3A_244 = arith.addi %mul3A_242, %add3A_243 : i32
        %add3A_245 = arith.constant 2 : i32
        %add3A_246 = arith.addi %mul3A_242, %add3A_245 : i32
        %add3A_247 = arith.constant 3 : i32
        %add3A_248 = arith.addi %mul3A_242, %add3A_247 : i32
        %dma_wait3A_249 = arith.constant 0 : i32
        %dma_wait3A_250 = arith.constant 0 : i32
        %dma_wait3A_251 = arith.constant 0 : i32
        %dma_wait3A_252 = arith.constant 0 : i32
        %dma_wait3A_253 = tpu.memref_slice %arg8[%dma_wait3A_249, %dma_wait3A_251, %dma_wait3A_252] : memref<4x128x128xf32, #tpu.memory_space<vmem>> -> memref<1x128x128xf32, #tpu.memory_space<vmem>>
        %dma_wait3A_254 = tpu.memref_squeeze %dma_wait3A_253 : memref<1x128x128xf32, #tpu.memory_space<vmem>> -> memref<128x128xf32, #tpu.memory_space<vmem>>
        %dma_wait3A_255 = arith.constant 0 : i32
        %dma_wait3A_256 = tpu.memref_slice %arg7[%mul3A_242, %dma_wait3A_255] : memref<400x128xi32, #tpu.memory_space<vmem>> -> memref<1x128xi32, #tpu.memory_space<vmem>>
        %dma_wait3A_257 = tpu.memref_squeeze %dma_wait3A_256 : memref<1x128xi32, #tpu.memory_space<vmem>> -> memref<128xi32, #tpu.memory_space<vmem>>
        %dma_wait3A_258 = arith.constant 0 : i32
        %dma_wait3A_259 = arith.constant 0 : i32
        %dma_wait3A_260 = tpu.memref_slice %arg5[%dma_wait3A_258, %dma_wait3A_259] : memref<3x128xf32, #tpu.memory_space<vmem_shared>> -> memref<3x128xf32, #tpu.memory_space<vmem_shared>>
        %dma_wait3A_261 = tpu.memref_slice %arg9[%dma_wait3A_250] : memref<4x!tpu.dma_semaphore, #tpu.memory_space<semaphore_mem>> -> memref<1x!tpu.dma_semaphore, #tpu.memory_space<semaphore_mem>>
        %dma_wait3A_262 = tpu.memref_squeeze %dma_wait3A_261 : memref<1x!tpu.dma_semaphore, #tpu.memory_space<semaphore_mem>> -> memref<!tpu.dma_semaphore, #tpu.memory_space<semaphore_mem>>
        tpu.wait_indirect_dma semaphore(%dma_wait3A_262 : memref<!tpu.dma_semaphore, #tpu.memory_space<semaphore_mem>>) src(%dma_wait3A_260 : memref<3x128xf32, #tpu.memory_space<vmem_shared>>) dst(%dma_wait3A_254 : memref<128x128xf32, #tpu.memory_space<vmem>>)
        %add3A_263 = arith.addi %add3A_13, %mul3A_242 : i32
        %dma_start3A_264 = arith.constant 0 : i32
        %dma_start3A_265 = arith.constant 0 : i32
        %dma_start3A_266 = arith.constant 0 : i32
        %dma_start3A_267 = arith.constant 0 : i32
        %dma_start3A_268 = tpu.memref_slice %arg8[%dma_start3A_264, %dma_start3A_266, %dma_start3A_267] : memref<4x128x128xf32, #tpu.memory_space<vmem>> -> memref<1x128x128xf32, #tpu.memory_space<vmem>>
        %dma_start3A_269 = tpu.memref_squeeze %dma_start3A_268 : memref<1x128x128xf32, #tpu.memory_space<vmem>> -> memref<128x128xf32, #tpu.memory_space<vmem>>
        %dma_start3A_270 = arith.constant 0 : i32
        %dma_start3A_271 = arith.constant 0 : i32
        %dma_start3A_272 = tpu.memref_slice %arg4[%add3A_263, %dma_start3A_270, %dma_start3A_271] : memref<25600x128x128xf32, #tpu.memory_space<hbm>> -> memref<1x128x128xf32, #tpu.memory_space<hbm>>
        %dma_start3A_273 = tpu.memref_squeeze %dma_start3A_272 : memref<1x128x128xf32, #tpu.memory_space<hbm>> -> memref<128x128xf32, #tpu.memory_space<hbm>>
        %dma_start3A_274 = tpu.memref_slice %arg10[%dma_start3A_265] : memref<4x!tpu.dma_semaphore, #tpu.memory_space<semaphore_mem>> -> memref<1x!tpu.dma_semaphore, #tpu.memory_space<semaphore_mem>>
        %dma_start3A_275 = tpu.memref_squeeze %dma_start3A_274 : memref<1x!tpu.dma_semaphore, #tpu.memory_space<semaphore_mem>> -> memref<!tpu.dma_semaphore, #tpu.memory_space<semaphore_mem>>
        %dma_start3A_276 = arith.constant 0 : i32
        %dma_start3A_277 = arith.constant 0 : i32
        %dma_start3A_278 = tpu.memref_slice %arg4[%add3A_263, %dma_start3A_276, %dma_start3A_277] : memref<25600x128x128xf32, #tpu.memory_space<hbm>> -> memref<1x128x128xf32, #tpu.memory_space<hbm>>
        %dma_start3A_279 = tpu.memref_squeeze %dma_start3A_278 : memref<1x128x128xf32, #tpu.memory_space<hbm>> -> memref<128x128xf32, #tpu.memory_space<hbm>>
        %dma_start3A_280 = arith.constant 0 : i32
        %dma_start3A_281 = arith.constant 0 : i32
        %dma_start3A_282 = tpu.memref_slice %arg8[%dma_start3A_264, %dma_start3A_280, %dma_start3A_281] : memref<4x128x128xf32, #tpu.memory_space<vmem>> -> memref<1x128x128xf32, #tpu.memory_space<vmem>>
        %dma_start3A_283 = tpu.memref_squeeze %dma_start3A_282 : memref<1x128x128xf32, #tpu.memory_space<vmem>> -> memref<128x128xf32, #tpu.memory_space<vmem>>
        tpu.enqueue_dma source(%dma_start3A_283 : memref<128x128xf32, #tpu.memory_space<vmem>>) target(%dma_start3A_279 : memref<128x128xf32, #tpu.memory_space<hbm>>) target_semaphore(%dma_start3A_275 : memref<!tpu.dma_semaphore, #tpu.memory_space<semaphore_mem>>)
        %ge3A = arith.constant 1 : i32
        %ge3A_284 = arith.cmpi sge, %scan3A_240, %ge3A : i32
        %convert_element_type3A_285 = arith.extui %ge3A_284 : i1 to i32
        %cond3A_286 = arith.constant 0 : i32
        %cond3A_287 = arith.cmpi ne, %convert_element_type3A_285, %cond3A_286 : i32
        scf.if %cond3A_287 {
          %sub3A = arith.constant 4 : i32
          %sub3A_407 = arith.subi %add3A_246, %sub3A : i32
          %add3A_408 = arith.addi %add3A_13, %sub3A_407 : i32
          %dma_wait3A_409 = arith.constant 2 : i32
          %dma_wait3A_410 = arith.constant 2 : i32
          %dma_wait3A_411 = arith.constant 0 : i32
          %dma_wait3A_412 = arith.constant 0 : i32
          %dma_wait3A_413 = tpu.memref_slice %arg8[%dma_wait3A_409, %dma_wait3A_411, %dma_wait3A_412] : memref<4x128x128xf32, #tpu.memory_space<vmem>> -> memref<1x128x128xf32, #tpu.memory_space<vmem>>
          %dma_wait3A_414 = tpu.memref_squeeze %dma_wait3A_413 : memref<1x128x128xf32, #tpu.memory_space<vmem>> -> memref<128x128xf32, #tpu.memory_space<vmem>>
          %dma_wait3A_415 = arith.constant 0 : i32
          %dma_wait3A_416 = arith.constant 0 : i32
          %dma_wait3A_417 = tpu.memref_slice %arg4[%add3A_408, %dma_wait3A_415, %dma_wait3A_416] : memref<25600x128x128xf32, #tpu.memory_space<hbm>> -> memref<1x128x128xf32, #tpu.memory_space<hbm>>
          %dma_wait3A_418 = tpu.memref_squeeze %dma_wait3A_417 : memref<1x128x128xf32, #tpu.memory_space<hbm>> -> memref<128x128xf32, #tpu.memory_space<hbm>>
          %dma_wait3A_419 = tpu.memref_slice %arg10[%dma_wait3A_410] : memref<4x!tpu.dma_semaphore, #tpu.memory_space<semaphore_mem>> -> memref<1x!tpu.dma_semaphore, #tpu.memory_space<semaphore_mem>>
          %dma_wait3A_420 = tpu.memref_squeeze %dma_wait3A_419 : memref<1x!tpu.dma_semaphore, #tpu.memory_space<semaphore_mem>> -> memref<!tpu.dma_semaphore, #tpu.memory_space<semaphore_mem>>
          %dma_wait3A_421 = arith.constant 0 : i32
          %dma_wait3A_422 = arith.constant 0 : i32
          %dma_wait3A_423 = tpu.memref_slice %arg4[%add3A_408, %dma_wait3A_421, %dma_wait3A_422] : memref<25600x128x128xf32, #tpu.memory_space<hbm>> -> memref<1x128x128xf32, #tpu.memory_space<hbm>>
          %dma_wait3A_424 = tpu.memref_squeeze %dma_wait3A_423 : memref<1x128x128xf32, #tpu.memory_space<hbm>> -> memref<128x128xf32, #tpu.memory_space<hbm>>
          %dma_wait3A_425 = arith.constant 0 : i32
          %dma_wait3A_426 = arith.constant 0 : i32
          %dma_wait3A_427 = tpu.memref_slice %arg8[%dma_wait3A_409, %dma_wait3A_425, %dma_wait3A_426] : memref<4x128x128xf32, #tpu.memory_space<vmem>> -> memref<1x128x128xf32, #tpu.memory_space<vmem>>
          %dma_wait3A_428 = tpu.memref_squeeze %dma_wait3A_427 : memref<1x128x128xf32, #tpu.memory_space<vmem>> -> memref<128x128xf32, #tpu.memory_space<vmem>>
          tpu.wait_dma2 semaphore(%dma_wait3A_420 : memref<!tpu.dma_semaphore, #tpu.memory_space<semaphore_mem>>) src(%dma_wait3A_428 : memref<128x128xf32, #tpu.memory_space<vmem>>) dst(%dma_wait3A_424 : memref<128x128xf32, #tpu.memory_space<hbm>>)
        } else {
        }
        %dma_start3A_288 = arith.constant 2 : i32
        %dma_start3A_289 = arith.constant 2 : i32
        %dma_start3A_290 = arith.constant 0 : i32
        %dma_start3A_291 = arith.constant 0 : i32
        %dma_start3A_292 = tpu.memref_slice %arg8[%dma_start3A_288, %dma_start3A_290, %dma_start3A_291] : memref<4x128x128xf32, #tpu.memory_space<vmem>> -> memref<1x128x128xf32, #tpu.memory_space<vmem>>
        %dma_start3A_293 = tpu.memref_squeeze %dma_start3A_292 : memref<1x128x128xf32, #tpu.memory_space<vmem>> -> memref<128x128xf32, #tpu.memory_space<vmem>>
        %dma_start3A_294 = arith.constant 0 : i32
        %dma_start3A_295 = tpu.memref_slice %arg7[%add3A_246, %dma_start3A_294] : memref<400x128xi32, #tpu.memory_space<vmem>> -> memref<1x128xi32, #tpu.memory_space<vmem>>
        %dma_start3A_296 = tpu.memref_squeeze %dma_start3A_295 : memref<1x128xi32, #tpu.memory_space<vmem>> -> memref<128xi32, #tpu.memory_space<vmem>>
        %dma_start3A_297 = arith.constant 0 : i32
        %dma_start3A_298 = arith.constant 0 : i32
        %dma_start3A_299 = tpu.memref_slice %arg5[%dma_start3A_297, %dma_start3A_298] : memref<3x128xf32, #tpu.memory_space<vmem_shared>> -> memref<3x128xf32, #tpu.memory_space<vmem_shared>>
        %dma_start3A_300 = tpu.memref_slice %arg9[%dma_start3A_289] : memref<4x!tpu.dma_semaphore, #tpu.memory_space<semaphore_mem>> -> memref<1x!tpu.dma_semaphore, #tpu.memory_space<semaphore_mem>>
        %dma_start3A_301 = tpu.memref_squeeze %dma_start3A_300 : memref<1x!tpu.dma_semaphore, #tpu.memory_space<semaphore_mem>> -> memref<!tpu.dma_semaphore, #tpu.memory_space<semaphore_mem>>
        tpu.enqueue_indirect_dma source(%dma_start3A_299 : memref<3x128xf32, #tpu.memory_space<vmem_shared>>) target(%dma_start3A_293 : memref<128x128xf32, #tpu.memory_space<vmem>>) offsets(%dma_start3A_296 : memref<128xi32, #tpu.memory_space<vmem>>) semaphore(%dma_start3A_301 : memref<!tpu.dma_semaphore, #tpu.memory_space<semaphore_mem>>)
        %ge3A_302 = arith.constant 1 : i32
        %ge3A_303 = arith.cmpi sge, %scan3A_240, %ge3A_302 : i32
        %convert_element_type3A_304 = arith.extui %ge3A_303 : i1 to i32
        %cond3A_305 = arith.constant 0 : i32
        %cond3A_306 = arith.cmpi ne, %convert_element_type3A_304, %cond3A_305 : i32
        scf.if %cond3A_306 {
          %sub3A = arith.constant 4 : i32
          %sub3A_407 = arith.subi %add3A_244, %sub3A : i32
          %add3A_408 = arith.addi %add3A_13, %sub3A_407 : i32
          %dma_wait3A_409 = arith.constant 1 : i32
          %dma_wait3A_410 = arith.constant 1 : i32
          %dma_wait3A_411 = arith.constant 0 : i32
          %dma_wait3A_412 = arith.constant 0 : i32
          %dma_wait3A_413 = tpu.memref_slice %arg8[%dma_wait3A_409, %dma_wait3A_411, %dma_wait3A_412] : memref<4x128x128xf32, #tpu.memory_space<vmem>> -> memref<1x128x128xf32, #tpu.memory_space<vmem>>
          %dma_wait3A_414 = tpu.memref_squeeze %dma_wait3A_413 : memref<1x128x128xf32, #tpu.memory_space<vmem>> -> memref<128x128xf32, #tpu.memory_space<vmem>>
          %dma_wait3A_415 = arith.constant 0 : i32
          %dma_wait3A_416 = arith.constant 0 : i32
          %dma_wait3A_417 = tpu.memref_slice %arg4[%add3A_408, %dma_wait3A_415, %dma_wait3A_416] : memref<25600x128x128xf32, #tpu.memory_space<hbm>> -> memref<1x128x128xf32, #tpu.memory_space<hbm>>
          %dma_wait3A_418 = tpu.memref_squeeze %dma_wait3A_417 : memref<1x128x128xf32, #tpu.memory_space<hbm>> -> memref<128x128xf32, #tpu.memory_space<hbm>>
          %dma_wait3A_419 = tpu.memref_slice %arg10[%dma_wait3A_410] : memref<4x!tpu.dma_semaphore, #tpu.memory_space<semaphore_mem>> -> memref<1x!tpu.dma_semaphore, #tpu.memory_space<semaphore_mem>>
          %dma_wait3A_420 = tpu.memref_squeeze %dma_wait3A_419 : memref<1x!tpu.dma_semaphore, #tpu.memory_space<semaphore_mem>> -> memref<!tpu.dma_semaphore, #tpu.memory_space<semaphore_mem>>
          %dma_wait3A_421 = arith.constant 0 : i32
          %dma_wait3A_422 = arith.constant 0 : i32
          %dma_wait3A_423 = tpu.memref_slice %arg4[%add3A_408, %dma_wait3A_421, %dma_wait3A_422] : memref<25600x128x128xf32, #tpu.memory_space<hbm>> -> memref<1x128x128xf32, #tpu.memory_space<hbm>>
          %dma_wait3A_424 = tpu.memref_squeeze %dma_wait3A_423 : memref<1x128x128xf32, #tpu.memory_space<hbm>> -> memref<128x128xf32, #tpu.memory_space<hbm>>
          %dma_wait3A_425 = arith.constant 0 : i32
          %dma_wait3A_426 = arith.constant 0 : i32
          %dma_wait3A_427 = tpu.memref_slice %arg8[%dma_wait3A_409, %dma_wait3A_425, %dma_wait3A_426] : memref<4x128x128xf32, #tpu.memory_space<vmem>> -> memref<1x128x128xf32, #tpu.memory_space<vmem>>
          %dma_wait3A_428 = tpu.memref_squeeze %dma_wait3A_427 : memref<1x128x128xf32, #tpu.memory_space<vmem>> -> memref<128x128xf32, #tpu.memory_space<vmem>>
          tpu.wait_dma2 semaphore(%dma_wait3A_420 : memref<!tpu.dma_semaphore, #tpu.memory_space<semaphore_mem>>) src(%dma_wait3A_428 : memref<128x128xf32, #tpu.memory_space<vmem>>) dst(%dma_wait3A_424 : memref<128x128xf32, #tpu.memory_space<hbm>>)
        } else {
        }
        %scan3A_307 = arith.constant 0 : i32
        %scan3A_308 = arith.constant 0 : i32
        %scan3A_309 = arith.constant 8 : i32
        %scan3A_310 = arith.addi %scan3A_308, %scan3A_309 : i32
        %scan3A_311 = arith.constant 1 : i32
        scf.for %scan3A_407 = %scan3A_308 to %scan3A_310 step %scan3A_311  : i32 {
          %mul3A_408 = arith.constant 16 : i32
          %mul3A_409 = arith.muli %scan3A_407, %mul3A_408 : i32
          %get3A_410 = arith.index_cast %add3A_244 : i32 to index
          %get3A_411 = arith.index_cast %mul3A_409 : i32 to index
          %get3A_412 = tpu.vector_load %arg7[%get3A_410, %get3A_411] {strides = array<i32>} : memref<400x128xi32, #tpu.memory_space<vmem>>, vector<1x16xi32>,
          %get3A_413 = vector.shape_cast %get3A_412 : vector<1x16xi32> to vector<16xi32>
          %mul3A_414 = arith.constant 16 : i32
          %mul3A_415 = arith.muli %scan3A_407, %mul3A_414 : i32
          %add3A_416 = arith.constant 0 : i32
          %add3A_417 = arith.addi %mul3A_415, %add3A_416 : i32
          %slice3A = vector.extract_strided_slice %get3A_413 {offsets = [0], sizes = [1], strides = [1]} : vector<16xi32> to vector<1xi32>
          %squeeze3A = vector.extract %slice3A[0] : i32 from vector<1xi32>
          %convert_element_type3A_418 = arith.sitofp %squeeze3A : i32 to f32
          %sub3A = arith.constant 1.000000e+00 : f32
          %sub3A_419 = arith.subf %sub3A, %convert_element_type3A_418 : f32
          %sub3A_420 = arith.constant 2.000000e+00 : f32
          %sub3A_421 = arith.subf %sub3A_420, %convert_element_type3A_418 : f32
          %mul3A_422 = arith.mulf %sub3A_419, %sub3A_421 : f32
          %mul3A_423 = arith.constant 5.000000e-01 : f32
          %mul3A_424 = arith.mulf %mul3A_422, %mul3A_423 : f32
          %broadcast_in_dim3A = vector.broadcast %mul3A_424 : f32 to vector<16xf32>
          %sub3A_425 = arith.constant 2.000000e+00 : f32
          %sub3A_426 = arith.subf %sub3A_425, %convert_element_type3A_418 : f32
          %mul3A_427 = arith.mulf %convert_element_type3A_418, %sub3A_426 : f32
          %broadcast_in_dim3A_428 = vector.broadcast %mul3A_427 : f32 to vector<16xf32>
          %sub3A_429 = arith.constant 1.000000e+00 : f32
          %sub3A_430 = arith.subf %convert_element_type3A_418, %sub3A_429 : f32
          %mul3A_431 = arith.mulf %convert_element_type3A_418, %sub3A_430 : f32
          %mul3A_432 = arith.constant 5.000000e-01 : f32
          %mul3A_433 = arith.mulf %mul3A_431, %mul3A_432 : f32
          %broadcast_in_dim3A_434 = vector.broadcast %mul3A_433 : f32 to vector<16xf32>
          %mul3A_435 = arith.mulf %broadcast_in_dim3A, %get3A_17 : vector<16xf32>
          %mul3A_436 = arith.mulf %broadcast_in_dim3A_428, %get3A_57 : vector<16xf32>
          %add3A_437 = arith.addf %mul3A_435, %mul3A_436 : vector<16xf32>
          %mul3A_438 = arith.mulf %broadcast_in_dim3A_434, %get3A_97 : vector<16xf32>
          %add3A_439 = arith.addf %add3A_437, %mul3A_438 : vector<16xf32>
          %swap3A = arith.constant 1 : i32
          %swap3A_440 = arith.index_cast %swap3A : i32 to index
          %swap3A_441 = arith.index_cast %add3A_417 : i32 to index
          %swap3A_442 = arith.constant 0 : index
          %swap3A_443 = tpu.vector_load %arg8[%swap3A_440, %swap3A_441, %swap3A_442] {strides = array<i32>} : memref<4x128x128xf32, #tpu.memory_space<vmem>>, vector<1x1x16xf32>,
          %swap3A_444 = vector.shape_cast %swap3A_443 : vector<1x1x16xf32> to vector<16xf32>
          %swap3A_445 = vector.shape_cast %add3A_439 : vector<16xf32> to vector<1x1x16xf32>
          tpu.vector_store %arg8[%swap3A_440, %swap3A_441, %swap3A_442], %swap3A_445 {strides = array<i32>} : memref<4x128x128xf32, #tpu.memory_space<vmem>>, vector<1x1x16xf32>,
          %mul3A_446 = arith.mulf %broadcast_in_dim3A, %get3A_22 : vector<16xf32>
          %mul3A_447 = arith.mulf %broadcast_in_dim3A_428, %get3A_62 : vector<16xf32>
          %add3A_448 = arith.addf %mul3A_446, %mul3A_447 : vector<16xf32>
          %mul3A_449 = arith.mulf %broadcast_in_dim3A_434, %get3A_102 : vector<16xf32>
          %add3A_450 = arith.addf %add3A_448, %mul3A_449 : vector<16xf32>
          %swap3A_451 = arith.constant 1 : i32
          %swap3A_452 = arith.index_cast %swap3A_451 : i32 to index
          %swap3A_453 = arith.index_cast %add3A_417 : i32 to index
          %swap3A_454 = arith.constant 16 : index
          %swap3A_455 = tpu.vector_load %arg8[%swap3A_452, %swap3A_453, %swap3A_454] {strides = array<i32>} : memref<4x128x128xf32, #tpu.memory_space<vmem>>, vector<1x1x16xf32>,
          %swap3A_456 = vector.shape_cast %swap3A_455 : vector<1x1x16xf32> to vector<16xf32>
          %swap3A_457 = vector.shape_cast %add3A_450 : vector<16xf32> to vector<1x1x16xf32>
          tpu.vector_store %arg8[%swap3A_452, %swap3A_453, %swap3A_454], %swap3A_457 {strides = array<i32>} : memref<4x128x128xf32, #tpu.memory_space<vmem>>, vector<1x1x16xf32>,
          %mul3A_458 = arith.mulf %broadcast_in_dim3A, %get3A_27 : vector<16xf32>
          %mul3A_459 = arith.mulf %broadcast_in_dim3A_428, %get3A_67 : vector<16xf32>
          %add3A_460 = arith.addf %mul3A_458, %mul3A_459 : vector<16xf32>
          %mul3A_461 = arith.mulf %broadcast_in_dim3A_434, %get3A_107 : vector<16xf32>
          %add3A_462 = arith.addf %add3A_460, %mul3A_461 : vector<16xf32>
          %swap3A_463 = arith.constant 1 : i32
          %swap3A_464 = arith.index_cast %swap3A_463 : i32 to index
          %swap3A_465 = arith.index_cast %add3A_417 : i32 to index
          %swap3A_466 = arith.constant 32 : index
          %swap3A_467 = tpu.vector_load %arg8[%swap3A_464, %swap3A_465, %swap3A_466] {strides = array<i32>} : memref<4x128x128xf32, #tpu.memory_space<vmem>>, vector<1x1x16xf32>,
          %swap3A_468 = vector.shape_cast %swap3A_467 : vector<1x1x16xf32> to vector<16xf32>
          %swap3A_469 = vector.shape_cast %add3A_462 : vector<16xf32> to vector<1x1x16xf32>
          tpu.vector_store %arg8[%swap3A_464, %swap3A_465, %swap3A_466], %swap3A_469 {strides = array<i32>} : memref<4x128x128xf32, #tpu.memory_space<vmem>>, vector<1x1x16xf32>,
          %mul3A_470 = arith.mulf %broadcast_in_dim3A, %get3A_32 : vector<16xf32>
          %mul3A_471 = arith.mulf %broadcast_in_dim3A_428, %get3A_72 : vector<16xf32>
          %add3A_472 = arith.addf %mul3A_470, %mul3A_471 : vector<16xf32>
          %mul3A_473 = arith.mulf %broadcast_in_dim3A_434, %get3A_112 : vector<16xf32>
          %add3A_474 = arith.addf %add3A_472, %mul3A_473 : vector<16xf32>
          %swap3A_475 = arith.constant 1 : i32
          %swap3A_476 = arith.index_cast %swap3A_475 : i32 to index
          %swap3A_477 = arith.index_cast %add3A_417 : i32 to index
          %swap3A_478 = arith.constant 48 : index
          %swap3A_479 = tpu.vector_load %arg8[%swap3A_476, %swap3A_477, %swap3A_478] {strides = array<i32>} : memref<4x128x128xf32, #tpu.memory_space<vmem>>, vector<1x1x16xf32>,
          %swap3A_480 = vector.shape_cast %swap3A_479 : vector<1x1x16xf32> to vector<16xf32>
          %swap3A_481 = vector.shape_cast %add3A_474 : vector<16xf32> to vector<1x1x16xf32>
          tpu.vector_store %arg8[%swap3A_476, %swap3A_477, %swap3A_478], %swap3A_481 {strides = array<i32>} : memref<4x128x128xf32, #tpu.memory_space<vmem>>, vector<1x1x16xf32>,
          %mul3A_482 = arith.mulf %broadcast_in_dim3A, %get3A_37 : vector<16xf32>
          %mul3A_483 = arith.mulf %broadcast_in_dim3A_428, %get3A_77 : vector<16xf32>
          %add3A_484 = arith.addf %mul3A_482, %mul3A_483 : vector<16xf32>
          %mul3A_485 = arith.mulf %broadcast_in_dim3A_434, %get3A_117 : vector<16xf32>
          %add3A_486 = arith.addf %add3A_484, %mul3A_485 : vector<16xf32>
          %swap3A_487 = arith.constant 1 : i32
          %swap3A_488 = arith.index_cast %swap3A_487 : i32 to index
          %swap3A_489 = arith.index_cast %add3A_417 : i32 to index
          %swap3A_490 = arith.constant 64 : index
          %swap3A_491 = tpu.vector_load %arg8[%swap3A_488, %swap3A_489, %swap3A_490] {strides = array<i32>} : memref<4x128x128xf32, #tpu.memory_space<vmem>>, vector<1x1x16xf32>,
          %swap3A_492 = vector.shape_cast %swap3A_491 : vector<1x1x16xf32> to vector<16xf32>
          %swap3A_493 = vector.shape_cast %add3A_486 : vector<16xf32> to vector<1x1x16xf32>
          tpu.vector_store %arg8[%swap3A_488, %swap3A_489, %swap3A_490], %swap3A_493 {strides = array<i32>} : memref<4x128x128xf32, #tpu.memory_space<vmem>>, vector<1x1x16xf32>,
          %mul3A_494 = arith.mulf %broadcast_in_dim3A, %get3A_42 : vector<16xf32>
          %mul3A_495 = arith.mulf %broadcast_in_dim3A_428, %get3A_82 : vector<16xf32>
          %add3A_496 = arith.addf %mul3A_494, %mul3A_495 : vector<16xf32>
          %mul3A_497 = arith.mulf %broadcast_in_dim3A_434, %get3A_122 : vector<16xf32>
          %add3A_498 = arith.addf %add3A_496, %mul3A_497 : vector<16xf32>
          %swap3A_499 = arith.constant 1 : i32
          %swap3A_500 = arith.index_cast %swap3A_499 : i32 to index
          %swap3A_501 = arith.index_cast %add3A_417 : i32 to index
          %swap3A_502 = arith.constant 80 : index
          %swap3A_503 = tpu.vector_load %arg8[%swap3A_500, %swap3A_501, %swap3A_502] {strides = array<i32>} : memref<4x128x128xf32, #tpu.memory_space<vmem>>, vector<1x1x16xf32>,
          %swap3A_504 = vector.shape_cast %swap3A_503 : vector<1x1x16xf32> to vector<16xf32>
          %swap3A_505 = vector.shape_cast %add3A_498 : vector<16xf32> to vector<1x1x16xf32>
          tpu.vector_store %arg8[%swap3A_500, %swap3A_501, %swap3A_502], %swap3A_505 {strides = array<i32>} : memref<4x128x128xf32, #tpu.memory_space<vmem>>, vector<1x1x16xf32>,
          %mul3A_506 = arith.mulf %broadcast_in_dim3A, %get3A_47 : vector<16xf32>
          %mul3A_507 = arith.mulf %broadcast_in_dim3A_428, %get3A_87 : vector<16xf32>
          %add3A_508 = arith.addf %mul3A_506, %mul3A_507 : vector<16xf32>
          %mul3A_509 = arith.mulf %broadcast_in_dim3A_434, %get3A_127 : vector<16xf32>
          %add3A_510 = arith.addf %add3A_508, %mul3A_509 : vector<16xf32>
          %swap3A_511 = arith.constant 1 : i32
          %swap3A_512 = arith.index_cast %swap3A_511 : i32 to index
          %swap3A_513 = arith.index_cast %add3A_417 : i32 to index
          %swap3A_514 = arith.constant 96 : index
          %swap3A_515 = tpu.vector_load %arg8[%swap3A_512, %swap3A_513, %swap3A_514] {strides = array<i32>} : memref<4x128x128xf32, #tpu.memory_space<vmem>>, vector<1x1x16xf32>,
          %swap3A_516 = vector.shape_cast %swap3A_515 : vector<1x1x16xf32> to vector<16xf32>
          %swap3A_517 = vector.shape_cast %add3A_510 : vector<16xf32> to vector<1x1x16xf32>
          tpu.vector_store %arg8[%swap3A_512, %swap3A_513, %swap3A_514], %swap3A_517 {strides = array<i32>} : memref<4x128x128xf32, #tpu.memory_space<vmem>>, vector<1x1x16xf32>,
          %mul3A_518 = arith.mulf %broadcast_in_dim3A, %get3A_52 : vector<16xf32>
          %mul3A_519 = arith.mulf %broadcast_in_dim3A_428, %get3A_92 : vector<16xf32>
          %add3A_520 = arith.addf %mul3A_518, %mul3A_519 : vector<16xf32>
          %mul3A_521 = arith.mulf %broadcast_in_dim3A_434, %get3A_132 : vector<16xf32>
          %add3A_522 = arith.addf %add3A_520, %mul3A_521 : vector<16xf32>
          %swap3A_523 = arith.constant 1 : i32
          %swap3A_524 = arith.index_cast %swap3A_523 : i32 to index
          %swap3A_525 = arith.index_cast %add3A_417 : i32 to index
          %swap3A_526 = arith.constant 112 : index
          %swap3A_527 = tpu.vector_load %arg8[%swap3A_524, %swap3A_525, %swap3A_526] {strides = array<i32>} : memref<4x128x128xf32, #tpu.memory_space<vmem>>, vector<1x1x16xf32>,
          %swap3A_528 = vector.shape_cast %swap3A_527 : vector<1x1x16xf32> to vector<16xf32>
          %swap3A_529 = vector.shape_cast %add3A_522 : vector<16xf32> to vector<1x1x16xf32>
          tpu.vector_store %arg8[%swap3A_524, %swap3A_525, %swap3A_526], %swap3A_529 {strides = array<i32>} : memref<4x128x128xf32, #tpu.memory_space<vmem>>, vector<1x1x16xf32>,
          %mul3A_530 = arith.constant 16 : i32
          %mul3A_531 = arith.muli %scan3A_407, %mul3A_530 : i32
          %add3A_532 = arith.constant 1 : i32
          %add3A_533 = arith.addi %mul3A_531, %add3A_532 : i32
          %slice3A_534 = vector.extract_strided_slice %get3A_413 {offsets = [1], sizes = [1], strides = [1]} : vector<16xi32> to vector<1xi32>
          %squeeze3A_535 = vector.extract %slice3A_534[0] : i32 from vector<1xi32>
          %convert_element_type3A_536 = arith.sitofp %squeeze3A_535 : i32 to f32
          %sub3A_537 = arith.constant 1.000000e+00 : f32
          %sub3A_538 = arith.subf %sub3A_537, %convert_element_type3A_536 : f32
          %sub3A_539 = arith.constant 2.000000e+00 : f32
          %sub3A_540 = arith.subf %sub3A_539, %convert_element_type3A_536 : f32
          %mul3A_541 = arith.mulf %sub3A_538, %sub3A_540 : f32
          %mul3A_542 = arith.constant 5.000000e-01 : f32
          %mul3A_543 = arith.mulf %mul3A_541, %mul3A_542 : f32
          %broadcast_in_dim3A_544 = vector.broadcast %mul3A_543 : f32 to vector<16xf32>
          %sub3A_545 = arith.constant 2.000000e+00 : f32
          %sub3A_546 = arith.subf %sub3A_545, %convert_element_type3A_536 : f32
          %mul3A_547 = arith.mulf %convert_element_type3A_536, %sub3A_546 : f32
          %broadcast_in_dim3A_548 = vector.broadcast %mul3A_547 : f32 to vector<16xf32>
          %sub3A_549 = arith.constant 1.000000e+00 : f32
          %sub3A_550 = arith.subf %convert_element_type3A_536, %sub3A_549 : f32
          %mul3A_551 = arith.mulf %convert_element_type3A_536, %sub3A_550 : f32
          %mul3A_552 = arith.constant 5.000000e-01 : f32
          %mul3A_553 = arith.mulf %mul3A_551, %mul3A_552 : f32
          %broadcast_in_dim3A_554 = vector.broadcast %mul3A_553 : f32 to vector<16xf32>
          %mul3A_555 = arith.mulf %broadcast_in_dim3A_544, %get3A_17 : vector<16xf32>
          %mul3A_556 = arith.mulf %broadcast_in_dim3A_548, %get3A_57 : vector<16xf32>
          %add3A_557 = arith.addf %mul3A_555, %mul3A_556 : vector<16xf32>
          %mul3A_558 = arith.mulf %broadcast_in_dim3A_554, %get3A_97 : vector<16xf32>
          %add3A_559 = arith.addf %add3A_557, %mul3A_558 : vector<16xf32>
          %swap3A_560 = arith.constant 1 : i32
          %swap3A_561 = arith.index_cast %swap3A_560 : i32 to index
          %swap3A_562 = arith.index_cast %add3A_533 : i32 to index
          %swap3A_563 = arith.constant 0 : index
          %swap3A_564 = tpu.vector_load %arg8[%swap3A_561, %swap3A_562, %swap3A_563] {strides = array<i32>} : memref<4x128x128xf32, #tpu.memory_space<vmem>>, vector<1x1x16xf32>,
          %swap3A_565 = vector.shape_cast %swap3A_564 : vector<1x1x16xf32> to vector<16xf32>
          %swap3A_566 = vector.shape_cast %add3A_559 : vector<16xf32> to vector<1x1x16xf32>
          tpu.vector_store %arg8[%swap3A_561, %swap3A_562, %swap3A_563], %swap3A_566 {strides = array<i32>} : memref<4x128x128xf32, #tpu.memory_space<vmem>>, vector<1x1x16xf32>,
          %mul3A_567 = arith.mulf %broadcast_in_dim3A_544, %get3A_22 : vector<16xf32>
          %mul3A_568 = arith.mulf %broadcast_in_dim3A_548, %get3A_62 : vector<16xf32>
          %add3A_569 = arith.addf %mul3A_567, %mul3A_568 : vector<16xf32>
          %mul3A_570 = arith.mulf %broadcast_in_dim3A_554, %get3A_102 : vector<16xf32>
          %add3A_571 = arith.addf %add3A_569, %mul3A_570 : vector<16xf32>
          %swap3A_572 = arith.constant 1 : i32
          %swap3A_573 = arith.index_cast %swap3A_572 : i32 to index
          %swap3A_574 = arith.index_cast %add3A_533 : i32 to index
          %swap3A_575 = arith.constant 16 : index
          %swap3A_576 = tpu.vector_load %arg8[%swap3A_573, %swap3A_574, %swap3A_575] {strides = array<i32>} : memref<4x128x128xf32, #tpu.memory_space<vmem>>, vector<1x1x16xf32>,
          %swap3A_577 = vector.shape_cast %swap3A_576 : vector<1x1x16xf32> to vector<16xf32>
          %swap3A_578 = vector.shape_cast %add3A_571 : vector<16xf32> to vector<1x1x16xf32>
          tpu.vector_store %arg8[%swap3A_573, %swap3A_574, %swap3A_575], %swap3A_578 {strides = array<i32>} : memref<4x128x128xf32, #tpu.memory_space<vmem>>, vector<1x1x16xf32>,
          %mul3A_579 = arith.mulf %broadcast_in_dim3A_544, %get3A_27 : vector<16xf32>
          %mul3A_580 = arith.mulf %broadcast_in_dim3A_548, %get3A_67 : vector<16xf32>
          %add3A_581 = arith.addf %mul3A_579, %mul3A_580 : vector<16xf32>
          %mul3A_582 = arith.mulf %broadcast_in_dim3A_554, %get3A_107 : vector<16xf32>
          %add3A_583 = arith.addf %add3A_581, %mul3A_582 : vector<16xf32>
          %swap3A_584 = arith.constant 1 : i32
          %swap3A_585 = arith.index_cast %swap3A_584 : i32 to index
          %swap3A_586 = arith.index_cast %add3A_533 : i32 to index
          %swap3A_587 = arith.constant 32 : index
          %swap3A_588 = tpu.vector_load %arg8[%swap3A_585, %swap3A_586, %swap3A_587] {strides = array<i32>} : memref<4x128x128xf32, #tpu.memory_space<vmem>>, vector<1x1x16xf32>,
          %swap3A_589 = vector.shape_cast %swap3A_588 : vector<1x1x16xf32> to vector<16xf32>
          %swap3A_590 = vector.shape_cast %add3A_583 : vector<16xf32> to vector<1x1x16xf32>
          tpu.vector_store %arg8[%swap3A_585, %swap3A_586, %swap3A_587], %swap3A_590 {strides = array<i32>} : memref<4x128x128xf32, #tpu.memory_space<vmem>>, vector<1x1x16xf32>,
          %mul3A_591 = arith.mulf %broadcast_in_dim3A_544, %get3A_32 : vector<16xf32>
          %mul3A_592 = arith.mulf %broadcast_in_dim3A_548, %get3A_72 : vector<16xf32>
          %add3A_593 = arith.addf %mul3A_591, %mul3A_592 : vector<16xf32>
          %mul3A_594 = arith.mulf %broadcast_in_dim3A_554, %get3A_112 : vector<16xf32>
          %add3A_595 = arith.addf %add3A_593, %mul3A_594 : vector<16xf32>
          %swap3A_596 = arith.constant 1 : i32
          %swap3A_597 = arith.index_cast %swap3A_596 : i32 to index
          %swap3A_598 = arith.index_cast %add3A_533 : i32 to index
          %swap3A_599 = arith.constant 48 : index
          %swap3A_600 = tpu.vector_load %arg8[%swap3A_597, %swap3A_598, %swap3A_599] {strides = array<i32>} : memref<4x128x128xf32, #tpu.memory_space<vmem>>, vector<1x1x16xf32>,
          %swap3A_601 = vector.shape_cast %swap3A_600 : vector<1x1x16xf32> to vector<16xf32>
          %swap3A_602 = vector.shape_cast %add3A_595 : vector<16xf32> to vector<1x1x16xf32>
          tpu.vector_store %arg8[%swap3A_597, %swap3A_598, %swap3A_599], %swap3A_602 {strides = array<i32>} : memref<4x128x128xf32, #tpu.memory_space<vmem>>, vector<1x1x16xf32>,
          %mul3A_603 = arith.mulf %broadcast_in_dim3A_544, %get3A_37 : vector<16xf32>
          %mul3A_604 = arith.mulf %broadcast_in_dim3A_548, %get3A_77 : vector<16xf32>
          %add3A_605 = arith.addf %mul3A_603, %mul3A_604 : vector<16xf32>
          %mul3A_606 = arith.mulf %broadcast_in_dim3A_554, %get3A_117 : vector<16xf32>
          %add3A_607 = arith.addf %add3A_605, %mul3A_606 : vector<16xf32>
          %swap3A_608 = arith.constant 1 : i32
          %swap3A_609 = arith.index_cast %swap3A_608 : i32 to index
          %swap3A_610 = arith.index_cast %add3A_533 : i32 to index
          %swap3A_611 = arith.constant 64 : index
          %swap3A_612 = tpu.vector_load %arg8[%swap3A_609, %swap3A_610, %swap3A_611] {strides = array<i32>} : memref<4x128x128xf32, #tpu.memory_space<vmem>>, vector<1x1x16xf32>,
          %swap3A_613 = vector.shape_cast %swap3A_612 : vector<1x1x16xf32> to vector<16xf32>
          %swap3A_614 = vector.shape_cast %add3A_607 : vector<16xf32> to vector<1x1x16xf32>
          tpu.vector_store %arg8[%swap3A_609, %swap3A_610, %swap3A_611], %swap3A_614 {strides = array<i32>} : memref<4x128x128xf32, #tpu.memory_space<vmem>>, vector<1x1x16xf32>,
          %mul3A_615 = arith.mulf %broadcast_in_dim3A_544, %get3A_42 : vector<16xf32>
          %mul3A_616 = arith.mulf %broadcast_in_dim3A_548, %get3A_82 : vector<16xf32>
          %add3A_617 = arith.addf %mul3A_615, %mul3A_616 : vector<16xf32>
          %mul3A_618 = arith.mulf %broadcast_in_dim3A_554, %get3A_122 : vector<16xf32>
          %add3A_619 = arith.addf %add3A_617, %mul3A_618 : vector<16xf32>
          %swap3A_620 = arith.constant 1 : i32
          %swap3A_621 = arith.index_cast %swap3A_620 : i32 to index
          %swap3A_622 = arith.index_cast %add3A_533 : i32 to index
          %swap3A_623 = arith.constant 80 : index
          %swap3A_624 = tpu.vector_load %arg8[%swap3A_621, %swap3A_622, %swap3A_623] {strides = array<i32>} : memref<4x128x128xf32, #tpu.memory_space<vmem>>, vector<1x1x16xf32>,
          %swap3A_625 = vector.shape_cast %swap3A_624 : vector<1x1x16xf32> to vector<16xf32>
          %swap3A_626 = vector.shape_cast %add3A_619 : vector<16xf32> to vector<1x1x16xf32>
          tpu.vector_store %arg8[%swap3A_621, %swap3A_622, %swap3A_623], %swap3A_626 {strides = array<i32>} : memref<4x128x128xf32, #tpu.memory_space<vmem>>, vector<1x1x16xf32>,
          %mul3A_627 = arith.mulf %broadcast_in_dim3A_544, %get3A_47 : vector<16xf32>
          %mul3A_628 = arith.mulf %broadcast_in_dim3A_548, %get3A_87 : vector<16xf32>
          %add3A_629 = arith.addf %mul3A_627, %mul3A_628 : vector<16xf32>
          %mul3A_630 = arith.mulf %broadcast_in_dim3A_554, %get3A_127 : vector<16xf32>
          %add3A_631 = arith.addf %add3A_629, %mul3A_630 : vector<16xf32>
          %swap3A_632 = arith.constant 1 : i32
          %swap3A_633 = arith.index_cast %swap3A_632 : i32 to index
          %swap3A_634 = arith.index_cast %add3A_533 : i32 to index
          %swap3A_635 = arith.constant 96 : index
          %swap3A_636 = tpu.vector_load %arg8[%swap3A_633, %swap3A_634, %swap3A_635] {strides = array<i32>} : memref<4x128x128xf32, #tpu.memory_space<vmem>>, vector<1x1x16xf32>,
          %swap3A_637 = vector.shape_cast %swap3A_636 : vector<1x1x16xf32> to vector<16xf32>
          %swap3A_638 = vector.shape_cast %add3A_631 : vector<16xf32> to vector<1x1x16xf32>
          tpu.vector_store %arg8[%swap3A_633, %swap3A_634, %swap3A_635], %swap3A_638 {strides = array<i32>} : memref<4x128x128xf32, #tpu.memory_space<vmem>>, vector<1x1x16xf32>,
          %mul3A_639 = arith.mulf %broadcast_in_dim3A_544, %get3A_52 : vector<16xf32>
          %mul3A_640 = arith.mulf %broadcast_in_dim3A_548, %get3A_92 : vector<16xf32>
          %add3A_641 = arith.addf %mul3A_639, %mul3A_640 : vector<16xf32>
          %mul3A_642 = arith.mulf %broadcast_in_dim3A_554, %get3A_132 : vector<16xf32>
          %add3A_643 = arith.addf %add3A_641, %mul3A_642 : vector<16xf32>
          %swap3A_644 = arith.constant 1 : i32
          %swap3A_645 = arith.index_cast %swap3A_644 : i32 to index
          %swap3A_646 = arith.index_cast %add3A_533 : i32 to index
          %swap3A_647 = arith.constant 112 : index
          %swap3A_648 = tpu.vector_load %arg8[%swap3A_645, %swap3A_646, %swap3A_647] {strides = array<i32>} : memref<4x128x128xf32, #tpu.memory_space<vmem>>, vector<1x1x16xf32>,
          %swap3A_649 = vector.shape_cast %swap3A_648 : vector<1x1x16xf32> to vector<16xf32>
          %swap3A_650 = vector.shape_cast %add3A_643 : vector<16xf32> to vector<1x1x16xf32>
          tpu.vector_store %arg8[%swap3A_645, %swap3A_646, %swap3A_647], %swap3A_650 {strides = array<i32>} : memref<4x128x128xf32, #tpu.memory_space<vmem>>, vector<1x1x16xf32>,
          %mul3A_651 = arith.constant 16 : i32
          %mul3A_652 = arith.muli %scan3A_407, %mul3A_651 : i32
          %add3A_653 = arith.constant 2 : i32
          %add3A_654 = arith.addi %mul3A_652, %add3A_653 : i32
          %slice3A_655 = vector.extract_strided_slice %get3A_413 {offsets = [2], sizes = [1], strides = [1]} : vector<16xi32> to vector<1xi32>
          %squeeze3A_656 = vector.extract %slice3A_655[0] : i32 from vector<1xi32>
          %convert_element_type3A_657 = arith.sitofp %squeeze3A_656 : i32 to f32
          %sub3A_658 = arith.constant 1.000000e+00 : f32
          %sub3A_659 = arith.subf %sub3A_658, %convert_element_type3A_657 : f32
          %sub3A_660 = arith.constant 2.000000e+00 : f32
          %sub3A_661 = arith.subf %sub3A_660, %convert_element_type3A_657 : f32
          %mul3A_662 = arith.mulf %sub3A_659, %sub3A_661 : f32
          %mul3A_663 = arith.constant 5.000000e-01 : f32
          %mul3A_664 = arith.mulf %mul3A_662, %mul3A_663 : f32
          %broadcast_in_dim3A_665 = vector.broadcast %mul3A_664 : f32 to vector<16xf32>
          %sub3A_666 = arith.constant 2.000000e+00 : f32
          %sub3A_667 = arith.subf %sub3A_666, %convert_element_type3A_657 : f32
          %mul3A_668 = arith.mulf %convert_element_type3A_657, %sub3A_667 : f32
          %broadcast_in_dim3A_669 = vector.broadcast %mul3A_668 : f32 to vector<16xf32>
          %sub3A_670 = arith.constant 1.000000e+00 : f32
          %sub3A_671 = arith.subf %convert_element_type3A_657, %sub3A_670 : f32
          %mul3A_672 = arith.mulf %convert_element_type3A_657, %sub3A_671 : f32
          %mul3A_673 = arith.constant 5.000000e-01 : f32
          %mul3A_674 = arith.mulf %mul3A_672, %mul3A_673 : f32
          %broadcast_in_dim3A_675 = vector.broadcast %mul3A_674 : f32 to vector<16xf32>
          %mul3A_676 = arith.mulf %broadcast_in_dim3A_665, %get3A_17 : vector<16xf32>
          %mul3A_677 = arith.mulf %broadcast_in_dim3A_669, %get3A_57 : vector<16xf32>
          %add3A_678 = arith.addf %mul3A_676, %mul3A_677 : vector<16xf32>
          %mul3A_679 = arith.mulf %broadcast_in_dim3A_675, %get3A_97 : vector<16xf32>
          %add3A_680 = arith.addf %add3A_678, %mul3A_679 : vector<16xf32>
          %swap3A_681 = arith.constant 1 : i32
          %swap3A_682 = arith.index_cast %swap3A_681 : i32 to index
          %swap3A_683 = arith.index_cast %add3A_654 : i32 to index
          %swap3A_684 = arith.constant 0 : index
          %swap3A_685 = tpu.vector_load %arg8[%swap3A_682, %swap3A_683, %swap3A_684] {strides = array<i32>} : memref<4x128x128xf32, #tpu.memory_space<vmem>>, vector<1x1x16xf32>,
          %swap3A_686 = vector.shape_cast %swap3A_685 : vector<1x1x16xf32> to vector<16xf32>
          %swap3A_687 = vector.shape_cast %add3A_680 : vector<16xf32> to vector<1x1x16xf32>
          tpu.vector_store %arg8[%swap3A_682, %swap3A_683, %swap3A_684], %swap3A_687 {strides = array<i32>} : memref<4x128x128xf32, #tpu.memory_space<vmem>>, vector<1x1x16xf32>,
          %mul3A_688 = arith.mulf %broadcast_in_dim3A_665, %get3A_22 : vector<16xf32>
          %mul3A_689 = arith.mulf %broadcast_in_dim3A_669, %get3A_62 : vector<16xf32>
          %add3A_690 = arith.addf %mul3A_688, %mul3A_689 : vector<16xf32>
          %mul3A_691 = arith.mulf %broadcast_in_dim3A_675, %get3A_102 : vector<16xf32>
          %add3A_692 = arith.addf %add3A_690, %mul3A_691 : vector<16xf32>
          %swap3A_693 = arith.constant 1 : i32
          %swap3A_694 = arith.index_cast %swap3A_693 : i32 to index
          %swap3A_695 = arith.index_cast %add3A_654 : i32 to index
          %swap3A_696 = arith.constant 16 : index
          %swap3A_697 = tpu.vector_load %arg8[%swap3A_694, %swap3A_695, %swap3A_696] {strides = array<i32>} : memref<4x128x128xf32, #tpu.memory_space<vmem>>, vector<1x1x16xf32>,
          %swap3A_698 = vector.shape_cast %swap3A_697 : vector<1x1x16xf32> to vector<16xf32>
          %swap3A_699 = vector.shape_cast %add3A_692 : vector<16xf32> to vector<1x1x16xf32>
          tpu.vector_store %arg8[%swap3A_694, %swap3A_695, %swap3A_696], %swap3A_699 {strides = array<i32>} : memref<4x128x128xf32, #tpu.memory_space<vmem>>, vector<1x1x16xf32>,
          %mul3A_700 = arith.mulf %broadcast_in_dim3A_665, %get3A_27 : vector<16xf32>
          %mul3A_701 = arith.mulf %broadcast_in_dim3A_669, %get3A_67 : vector<16xf32>
          %add3A_702 = arith.addf %mul3A_700, %mul3A_701 : vector<16xf32>
          %mul3A_703 = arith.mulf %broadcast_in_dim3A_675, %get3A_107 : vector<16xf32>
          %add3A_704 = arith.addf %add3A_702, %mul3A_703 : vector<16xf32>
          %swap3A_705 = arith.constant 1 : i32
          %swap3A_706 = arith.index_cast %swap3A_705 : i32 to index
          %swap3A_707 = arith.index_cast %add3A_654 : i32 to index
          %swap3A_708 = arith.constant 32 : index
          %swap3A_709 = tpu.vector_load %arg8[%swap3A_706, %swap3A_707, %swap3A_708] {strides = array<i32>} : memref<4x128x128xf32, #tpu.memory_space<vmem>>, vector<1x1x16xf32>,
          %swap3A_710 = vector.shape_cast %swap3A_709 : vector<1x1x16xf32> to vector<16xf32>
          %swap3A_711 = vector.shape_cast %add3A_704 : vector<16xf32> to vector<1x1x16xf32>
          tpu.vector_store %arg8[%swap3A_706, %swap3A_707, %swap3A_708], %swap3A_711 {strides = array<i32>} : memref<4x128x128xf32, #tpu.memory_space<vmem>>, vector<1x1x16xf32>,
          %mul3A_712 = arith.mulf %broadcast_in_dim3A_665, %get3A_32 : vector<16xf32>
          %mul3A_713 = arith.mulf %broadcast_in_dim3A_669, %get3A_72 : vector<16xf32>
          %add3A_714 = arith.addf %mul3A_712, %mul3A_713 : vector<16xf32>
          %mul3A_715 = arith.mulf %broadcast_in_dim3A_675, %get3A_112 : vector<16xf32>
          %add3A_716 = arith.addf %add3A_714, %mul3A_715 : vector<16xf32>
          %swap3A_717 = arith.constant 1 : i32
          %swap3A_718 = arith.index_cast %swap3A_717 : i32 to index
          %swap3A_719 = arith.index_cast %add3A_654 : i32 to index
          %swap3A_720 = arith.constant 48 : index
          %swap3A_721 = tpu.vector_load %arg8[%swap3A_718, %swap3A_719, %swap3A_720] {strides = array<i32>} : memref<4x128x128xf32, #tpu.memory_space<vmem>>, vector<1x1x16xf32>,
          %swap3A_722 = vector.shape_cast %swap3A_721 : vector<1x1x16xf32> to vector<16xf32>
          %swap3A_723 = vector.shape_cast %add3A_716 : vector<16xf32> to vector<1x1x16xf32>
          tpu.vector_store %arg8[%swap3A_718, %swap3A_719, %swap3A_720], %swap3A_723 {strides = array<i32>} : memref<4x128x128xf32, #tpu.memory_space<vmem>>, vector<1x1x16xf32>,
          %mul3A_724 = arith.mulf %broadcast_in_dim3A_665, %get3A_37 : vector<16xf32>
          %mul3A_725 = arith.mulf %broadcast_in_dim3A_669, %get3A_77 : vector<16xf32>
          %add3A_726 = arith.addf %mul3A_724, %mul3A_725 : vector<16xf32>
          %mul3A_727 = arith.mulf %broadcast_in_dim3A_675, %get3A_117 : vector<16xf32>
          %add3A_728 = arith.addf %add3A_726, %mul3A_727 : vector<16xf32>
          %swap3A_729 = arith.constant 1 : i32
          %swap3A_730 = arith.index_cast %swap3A_729 : i32 to index
          %swap3A_731 = arith.index_cast %add3A_654 : i32 to index
          %swap3A_732 = arith.constant 64 : index
          %swap3A_733 = tpu.vector_load %arg8[%swap3A_730, %swap3A_731, %swap3A_732] {strides = array<i32>} : memref<4x128x128xf32, #tpu.memory_space<vmem>>, vector<1x1x16xf32>,
          %swap3A_734 = vector.shape_cast %swap3A_733 : vector<1x1x16xf32> to vector<16xf32>
          %swap3A_735 = vector.shape_cast %add3A_728 : vector<16xf32> to vector<1x1x16xf32>
          tpu.vector_store %arg8[%swap3A_730, %swap3A_731, %swap3A_732], %swap3A_735 {strides = array<i32>} : memref<4x128x128xf32, #tpu.memory_space<vmem>>, vector<1x1x16xf32>,
          %mul3A_736 = arith.mulf %broadcast_in_dim3A_665, %get3A_42 : vector<16xf32>
          %mul3A_737 = arith.mulf %broadcast_in_dim3A_669, %get3A_82 : vector<16xf32>
          %add3A_738 = arith.addf %mul3A_736, %mul3A_737 : vector<16xf32>
          %mul3A_739 = arith.mulf %broadcast_in_dim3A_675, %get3A_122 : vector<16xf32>
          %add3A_740 = arith.addf %add3A_738, %mul3A_739 : vector<16xf32>
          %swap3A_741 = arith.constant 1 : i32
          %swap3A_742 = arith.index_cast %swap3A_741 : i32 to index
          %swap3A_743 = arith.index_cast %add3A_654 : i32 to index
          %swap3A_744 = arith.constant 80 : index
          %swap3A_745 = tpu.vector_load %arg8[%swap3A_742, %swap3A_743, %swap3A_744] {strides = array<i32>} : memref<4x128x128xf32, #tpu.memory_space<vmem>>, vector<1x1x16xf32>,
          %swap3A_746 = vector.shape_cast %swap3A_745 : vector<1x1x16xf32> to vector<16xf32>
          %swap3A_747 = vector.shape_cast %add3A_740 : vector<16xf32> to vector<1x1x16xf32>
          tpu.vector_store %arg8[%swap3A_742, %swap3A_743, %swap3A_744], %swap3A_747 {strides = array<i32>} : memref<4x128x128xf32, #tpu.memory_space<vmem>>, vector<1x1x16xf32>,
          %mul3A_748 = arith.mulf %broadcast_in_dim3A_665, %get3A_47 : vector<16xf32>
          %mul3A_749 = arith.mulf %broadcast_in_dim3A_669, %get3A_87 : vector<16xf32>
          %add3A_750 = arith.addf %mul3A_748, %mul3A_749 : vector<16xf32>
          %mul3A_751 = arith.mulf %broadcast_in_dim3A_675, %get3A_127 : vector<16xf32>
          %add3A_752 = arith.addf %add3A_750, %mul3A_751 : vector<16xf32>
          %swap3A_753 = arith.constant 1 : i32
          %swap3A_754 = arith.index_cast %swap3A_753 : i32 to index
          %swap3A_755 = arith.index_cast %add3A_654 : i32 to index
          %swap3A_756 = arith.constant 96 : index
          %swap3A_757 = tpu.vector_load %arg8[%swap3A_754, %swap3A_755, %swap3A_756] {strides = array<i32>} : memref<4x128x128xf32, #tpu.memory_space<vmem>>, vector<1x1x16xf32>,
          %swap3A_758 = vector.shape_cast %swap3A_757 : vector<1x1x16xf32> to vector<16xf32>
          %swap3A_759 = vector.shape_cast %add3A_752 : vector<16xf32> to vector<1x1x16xf32>
          tpu.vector_store %arg8[%swap3A_754, %swap3A_755, %swap3A_756], %swap3A_759 {strides = array<i32>} : memref<4x128x128xf32, #tpu.memory_space<vmem>>, vector<1x1x16xf32>,
          %mul3A_760 = arith.mulf %broadcast_in_dim3A_665, %get3A_52 : vector<16xf32>
          %mul3A_761 = arith.mulf %broadcast_in_dim3A_669, %get3A_92 : vector<16xf32>
          %add3A_762 = arith.addf %mul3A_760, %mul3A_761 : vector<16xf32>
          %mul3A_763 = arith.mulf %broadcast_in_dim3A_675, %get3A_132 : vector<16xf32>
          %add3A_764 = arith.addf %add3A_762, %mul3A_763 : vector<16xf32>
          %swap3A_765 = arith.constant 1 : i32
          %swap3A_766 = arith.index_cast %swap3A_765 : i32 to index
          %swap3A_767 = arith.index_cast %add3A_654 : i32 to index
          %swap3A_768 = arith.constant 112 : index
          %swap3A_769 = tpu.vector_load %arg8[%swap3A_766, %swap3A_767, %swap3A_768] {strides = array<i32>} : memref<4x128x128xf32, #tpu.memory_space<vmem>>, vector<1x1x16xf32>,
          %swap3A_770 = vector.shape_cast %swap3A_769 : vector<1x1x16xf32> to vector<16xf32>
          %swap3A_771 = vector.shape_cast %add3A_764 : vector<16xf32> to vector<1x1x16xf32>
          tpu.vector_store %arg8[%swap3A_766, %swap3A_767, %swap3A_768], %swap3A_771 {strides = array<i32>} : memref<4x128x128xf32, #tpu.memory_space<vmem>>, vector<1x1x16xf32>,
          %mul3A_772 = arith.constant 16 : i32
          %mul3A_773 = arith.muli %scan3A_407, %mul3A_772 : i32
          %add3A_774 = arith.constant 3 : i32
          %add3A_775 = arith.addi %mul3A_773, %add3A_774 : i32
          %slice3A_776 = vector.extract_strided_slice %get3A_413 {offsets = [3], sizes = [1], strides = [1]} : vector<16xi32> to vector<1xi32>
          %squeeze3A_777 = vector.extract %slice3A_776[0] : i32 from vector<1xi32>
          %convert_element_type3A_778 = arith.sitofp %squeeze3A_777 : i32 to f32
          %sub3A_779 = arith.constant 1.000000e+00 : f32
          %sub3A_780 = arith.subf %sub3A_779, %convert_element_type3A_778 : f32
          %sub3A_781 = arith.constant 2.000000e+00 : f32
          %sub3A_782 = arith.subf %sub3A_781, %convert_element_type3A_778 : f32
          %mul3A_783 = arith.mulf %sub3A_780, %sub3A_782 : f32
          %mul3A_784 = arith.constant 5.000000e-01 : f32
          %mul3A_785 = arith.mulf %mul3A_783, %mul3A_784 : f32
          %broadcast_in_dim3A_786 = vector.broadcast %mul3A_785 : f32 to vector<16xf32>
          %sub3A_787 = arith.constant 2.000000e+00 : f32
          %sub3A_788 = arith.subf %sub3A_787, %convert_element_type3A_778 : f32
          %mul3A_789 = arith.mulf %convert_element_type3A_778, %sub3A_788 : f32
          %broadcast_in_dim3A_790 = vector.broadcast %mul3A_789 : f32 to vector<16xf32>
          %sub3A_791 = arith.constant 1.000000e+00 : f32
          %sub3A_792 = arith.subf %convert_element_type3A_778, %sub3A_791 : f32
          %mul3A_793 = arith.mulf %convert_element_type3A_778, %sub3A_792 : f32
          %mul3A_794 = arith.constant 5.000000e-01 : f32
          %mul3A_795 = arith.mulf %mul3A_793, %mul3A_794 : f32
          %broadcast_in_dim3A_796 = vector.broadcast %mul3A_795 : f32 to vector<16xf32>
          %mul3A_797 = arith.mulf %broadcast_in_dim3A_786, %get3A_17 : vector<16xf32>
          %mul3A_798 = arith.mulf %broadcast_in_dim3A_790, %get3A_57 : vector<16xf32>
          %add3A_799 = arith.addf %mul3A_797, %mul3A_798 : vector<16xf32>
          %mul3A_800 = arith.mulf %broadcast_in_dim3A_796, %get3A_97 : vector<16xf32>
          %add3A_801 = arith.addf %add3A_799, %mul3A_800 : vector<16xf32>
          %swap3A_802 = arith.constant 1 : i32
          %swap3A_803 = arith.index_cast %swap3A_802 : i32 to index
          %swap3A_804 = arith.index_cast %add3A_775 : i32 to index
          %swap3A_805 = arith.constant 0 : index
          %swap3A_806 = tpu.vector_load %arg8[%swap3A_803, %swap3A_804, %swap3A_805] {strides = array<i32>} : memref<4x128x128xf32, #tpu.memory_space<vmem>>, vector<1x1x16xf32>,
          %swap3A_807 = vector.shape_cast %swap3A_806 : vector<1x1x16xf32> to vector<16xf32>
          %swap3A_808 = vector.shape_cast %add3A_801 : vector<16xf32> to vector<1x1x16xf32>
          tpu.vector_store %arg8[%swap3A_803, %swap3A_804, %swap3A_805], %swap3A_808 {strides = array<i32>} : memref<4x128x128xf32, #tpu.memory_space<vmem>>, vector<1x1x16xf32>,
          %mul3A_809 = arith.mulf %broadcast_in_dim3A_786, %get3A_22 : vector<16xf32>
          %mul3A_810 = arith.mulf %broadcast_in_dim3A_790, %get3A_62 : vector<16xf32>
          %add3A_811 = arith.addf %mul3A_809, %mul3A_810 : vector<16xf32>
          %mul3A_812 = arith.mulf %broadcast_in_dim3A_796, %get3A_102 : vector<16xf32>
          %add3A_813 = arith.addf %add3A_811, %mul3A_812 : vector<16xf32>
          %swap3A_814 = arith.constant 1 : i32
          %swap3A_815 = arith.index_cast %swap3A_814 : i32 to index
          %swap3A_816 = arith.index_cast %add3A_775 : i32 to index
          %swap3A_817 = arith.constant 16 : index
          %swap3A_818 = tpu.vector_load %arg8[%swap3A_815, %swap3A_816, %swap3A_817] {strides = array<i32>} : memref<4x128x128xf32, #tpu.memory_space<vmem>>, vector<1x1x16xf32>,
          %swap3A_819 = vector.shape_cast %swap3A_818 : vector<1x1x16xf32> to vector<16xf32>
          %swap3A_820 = vector.shape_cast %add3A_813 : vector<16xf32> to vector<1x1x16xf32>
          tpu.vector_store %arg8[%swap3A_815, %swap3A_816, %swap3A_817], %swap3A_820 {strides = array<i32>} : memref<4x128x128xf32, #tpu.memory_space<vmem>>, vector<1x1x16xf32>,
          %mul3A_821 = arith.mulf %broadcast_in_dim3A_786, %get3A_27 : vector<16xf32>
          %mul3A_822 = arith.mulf %broadcast_in_dim3A_790, %get3A_67 : vector<16xf32>
          %add3A_823 = arith.addf %mul3A_821, %mul3A_822 : vector<16xf32>
          %mul3A_824 = arith.mulf %broadcast_in_dim3A_796, %get3A_107 : vector<16xf32>
          %add3A_825 = arith.addf %add3A_823, %mul3A_824 : vector<16xf32>
          %swap3A_826 = arith.constant 1 : i32
          %swap3A_827 = arith.index_cast %swap3A_826 : i32 to index
          %swap3A_828 = arith.index_cast %add3A_775 : i32 to index
          %swap3A_829 = arith.constant 32 : index
          %swap3A_830 = tpu.vector_load %arg8[%swap3A_827, %swap3A_828, %swap3A_829] {strides = array<i32>} : memref<4x128x128xf32, #tpu.memory_space<vmem>>, vector<1x1x16xf32>,
          %swap3A_831 = vector.shape_cast %swap3A_830 : vector<1x1x16xf32> to vector<16xf32>
          %swap3A_832 = vector.shape_cast %add3A_825 : vector<16xf32> to vector<1x1x16xf32>
          tpu.vector_store %arg8[%swap3A_827, %swap3A_828, %swap3A_829], %swap3A_832 {strides = array<i32>} : memref<4x128x128xf32, #tpu.memory_space<vmem>>, vector<1x1x16xf32>,
          %mul3A_833 = arith.mulf %broadcast_in_dim3A_786, %get3A_32 : vector<16xf32>
          %mul3A_834 = arith.mulf %broadcast_in_dim3A_790, %get3A_72 : vector<16xf32>
          %add3A_835 = arith.addf %mul3A_833, %mul3A_834 : vector<16xf32>
          %mul3A_836 = arith.mulf %broadcast_in_dim3A_796, %get3A_112 : vector<16xf32>
          %add3A_837 = arith.addf %add3A_835, %mul3A_836 : vector<16xf32>
          %swap3A_838 = arith.constant 1 : i32
          %swap3A_839 = arith.index_cast %swap3A_838 : i32 to index
          %swap3A_840 = arith.index_cast %add3A_775 : i32 to index
          %swap3A_841 = arith.constant 48 : index
          %swap3A_842 = tpu.vector_load %arg8[%swap3A_839, %swap3A_840, %swap3A_841] {strides = array<i32>} : memref<4x128x128xf32, #tpu.memory_space<vmem>>, vector<1x1x16xf32>,
          %swap3A_843 = vector.shape_cast %swap3A_842 : vector<1x1x16xf32> to vector<16xf32>
          %swap3A_844 = vector.shape_cast %add3A_837 : vector<16xf32> to vector<1x1x16xf32>
          tpu.vector_store %arg8[%swap3A_839, %swap3A_840, %swap3A_841], %swap3A_844 {strides = array<i32>} : memref<4x128x128xf32, #tpu.memory_space<vmem>>, vector<1x1x16xf32>,
          %mul3A_845 = arith.mulf %broadcast_in_dim3A_786, %get3A_37 : vector<16xf32>
          %mul3A_846 = arith.mulf %broadcast_in_dim3A_790, %get3A_77 : vector<16xf32>
          %add3A_847 = arith.addf %mul3A_845, %mul3A_846 : vector<16xf32>
          %mul3A_848 = arith.mulf %broadcast_in_dim3A_796, %get3A_117 : vector<16xf32>
          %add3A_849 = arith.addf %add3A_847, %mul3A_848 : vector<16xf32>
          %swap3A_850 = arith.constant 1 : i32
          %swap3A_851 = arith.index_cast %swap3A_850 : i32 to index
          %swap3A_852 = arith.index_cast %add3A_775 : i32 to index
          %swap3A_853 = arith.constant 64 : index
          %swap3A_854 = tpu.vector_load %arg8[%swap3A_851, %swap3A_852, %swap3A_853] {strides = array<i32>} : memref<4x128x128xf32, #tpu.memory_space<vmem>>, vector<1x1x16xf32>,
          %swap3A_855 = vector.shape_cast %swap3A_854 : vector<1x1x16xf32> to vector<16xf32>
          %swap3A_856 = vector.shape_cast %add3A_849 : vector<16xf32> to vector<1x1x16xf32>
          tpu.vector_store %arg8[%swap3A_851, %swap3A_852, %swap3A_853], %swap3A_856 {strides = array<i32>} : memref<4x128x128xf32, #tpu.memory_space<vmem>>, vector<1x1x16xf32>,
          %mul3A_857 = arith.mulf %broadcast_in_dim3A_786, %get3A_42 : vector<16xf32>
          %mul3A_858 = arith.mulf %broadcast_in_dim3A_790, %get3A_82 : vector<16xf32>
          %add3A_859 = arith.addf %mul3A_857, %mul3A_858 : vector<16xf32>
          %mul3A_860 = arith.mulf %broadcast_in_dim3A_796, %get3A_122 : vector<16xf32>
          %add3A_861 = arith.addf %add3A_859, %mul3A_860 : vector<16xf32>
          %swap3A_862 = arith.constant 1 : i32
          %swap3A_863 = arith.index_cast %swap3A_862 : i32 to index
          %swap3A_864 = arith.index_cast %add3A_775 : i32 to index
          %swap3A_865 = arith.constant 80 : index
          %swap3A_866 = tpu.vector_load %arg8[%swap3A_863, %swap3A_864, %swap3A_865] {strides = array<i32>} : memref<4x128x128xf32, #tpu.memory_space<vmem>>, vector<1x1x16xf32>,
          %swap3A_867 = vector.shape_cast %swap3A_866 : vector<1x1x16xf32> to vector<16xf32>
          %swap3A_868 = vector.shape_cast %add3A_861 : vector<16xf32> to vector<1x1x16xf32>
          tpu.vector_store %arg8[%swap3A_863, %swap3A_864, %swap3A_865], %swap3A_868 {strides = array<i32>} : memref<4x128x128xf32, #tpu.memory_space<vmem>>, vector<1x1x16xf32>,
          %mul3A_869 = arith.mulf %broadcast_in_dim3A_786, %get3A_47 : vector<16xf32>
          %mul3A_870 = arith.mulf %broadcast_in_dim3A_790, %get3A_87 : vector<16xf32>
          %add3A_871 = arith.addf %mul3A_869, %mul3A_870 : vector<16xf32>
          %mul3A_872 = arith.mulf %broadcast_in_dim3A_796, %get3A_127 : vector<16xf32>
          %add3A_873 = arith.addf %add3A_871, %mul3A_872 : vector<16xf32>
          %swap3A_874 = arith.constant 1 : i32
          %swap3A_875 = arith.index_cast %swap3A_874 : i32 to index
          %swap3A_876 = arith.index_cast %add3A_775 : i32 to index
          %swap3A_877 = arith.constant 96 : index
          %swap3A_878 = tpu.vector_load %arg8[%swap3A_875, %swap3A_876, %swap3A_877] {strides = array<i32>} : memref<4x128x128xf32, #tpu.memory_space<vmem>>, vector<1x1x16xf32>,
          %swap3A_879 = vector.shape_cast %swap3A_878 : vector<1x1x16xf32> to vector<16xf32>
          %swap3A_880 = vector.shape_cast %add3A_873 : vector<16xf32> to vector<1x1x16xf32>
          tpu.vector_store %arg8[%swap3A_875, %swap3A_876, %swap3A_877], %swap3A_880 {strides = array<i32>} : memref<4x128x128xf32, #tpu.memory_space<vmem>>, vector<1x1x16xf32>,
          %mul3A_881 = arith.mulf %broadcast_in_dim3A_786, %get3A_52 : vector<16xf32>
          %mul3A_882 = arith.mulf %broadcast_in_dim3A_790, %get3A_92 : vector<16xf32>
          %add3A_883 = arith.addf %mul3A_881, %mul3A_882 : vector<16xf32>
          %mul3A_884 = arith.mulf %broadcast_in_dim3A_796, %get3A_132 : vector<16xf32>
          %add3A_885 = arith.addf %add3A_883, %mul3A_884 : vector<16xf32>
          %swap3A_886 = arith.constant 1 : i32
          %swap3A_887 = arith.index_cast %swap3A_886 : i32 to index
          %swap3A_888 = arith.index_cast %add3A_775 : i32 to index
          %swap3A_889 = arith.constant 112 : index
          %swap3A_890 = tpu.vector_load %arg8[%swap3A_887, %swap3A_888, %swap3A_889] {strides = array<i32>} : memref<4x128x128xf32, #tpu.memory_space<vmem>>, vector<1x1x16xf32>,
          %swap3A_891 = vector.shape_cast %swap3A_890 : vector<1x1x16xf32> to vector<16xf32>
          %swap3A_892 = vector.shape_cast %add3A_885 : vector<16xf32> to vector<1x1x16xf32>
          tpu.vector_store %arg8[%swap3A_887, %swap3A_888, %swap3A_889], %swap3A_892 {strides = array<i32>} : memref<4x128x128xf32, #tpu.memory_space<vmem>>, vector<1x1x16xf32>,
          %mul3A_893 = arith.constant 16 : i32
          %mul3A_894 = arith.muli %scan3A_407, %mul3A_893 : i32
          %add3A_895 = arith.constant 4 : i32
          %add3A_896 = arith.addi %mul3A_894, %add3A_895 : i32
          %slice3A_897 = vector.extract_strided_slice %get3A_413 {offsets = [4], sizes = [1], strides = [1]} : vector<16xi32> to vector<1xi32>
          %squeeze3A_898 = vector.extract %slice3A_897[0] : i32 from vector<1xi32>
          %convert_element_type3A_899 = arith.sitofp %squeeze3A_898 : i32 to f32
          %sub3A_900 = arith.constant 1.000000e+00 : f32
          %sub3A_901 = arith.subf %sub3A_900, %convert_element_type3A_899 : f32
          %sub3A_902 = arith.constant 2.000000e+00 : f32
          %sub3A_903 = arith.subf %sub3A_902, %convert_element_type3A_899 : f32
          %mul3A_904 = arith.mulf %sub3A_901, %sub3A_903 : f32
          %mul3A_905 = arith.constant 5.000000e-01 : f32
          %mul3A_906 = arith.mulf %mul3A_904, %mul3A_905 : f32
          %broadcast_in_dim3A_907 = vector.broadcast %mul3A_906 : f32 to vector<16xf32>
          %sub3A_908 = arith.constant 2.000000e+00 : f32
          %sub3A_909 = arith.subf %sub3A_908, %convert_element_type3A_899 : f32
          %mul3A_910 = arith.mulf %convert_element_type3A_899, %sub3A_909 : f32
          %broadcast_in_dim3A_911 = vector.broadcast %mul3A_910 : f32 to vector<16xf32>
          %sub3A_912 = arith.constant 1.000000e+00 : f32
          %sub3A_913 = arith.subf %convert_element_type3A_899, %sub3A_912 : f32
          %mul3A_914 = arith.mulf %convert_element_type3A_899, %sub3A_913 : f32
          %mul3A_915 = arith.constant 5.000000e-01 : f32
          %mul3A_916 = arith.mulf %mul3A_914, %mul3A_915 : f32
          %broadcast_in_dim3A_917 = vector.broadcast %mul3A_916 : f32 to vector<16xf32>
          %mul3A_918 = arith.mulf %broadcast_in_dim3A_907, %get3A_17 : vector<16xf32>
          %mul3A_919 = arith.mulf %broadcast_in_dim3A_911, %get3A_57 : vector<16xf32>
          %add3A_920 = arith.addf %mul3A_918, %mul3A_919 : vector<16xf32>
          %mul3A_921 = arith.mulf %broadcast_in_dim3A_917, %get3A_97 : vector<16xf32>
          %add3A_922 = arith.addf %add3A_920, %mul3A_921 : vector<16xf32>
          %swap3A_923 = arith.constant 1 : i32
          %swap3A_924 = arith.index_cast %swap3A_923 : i32 to index
          %swap3A_925 = arith.index_cast %add3A_896 : i32 to index
          %swap3A_926 = arith.constant 0 : index
          %swap3A_927 = tpu.vector_load %arg8[%swap3A_924, %swap3A_925, %swap3A_926] {strides = array<i32>} : memref<4x128x128xf32, #tpu.memory_space<vmem>>, vector<1x1x16xf32>,
          %swap3A_928 = vector.shape_cast %swap3A_927 : vector<1x1x16xf32> to vector<16xf32>
          %swap3A_929 = vector.shape_cast %add3A_922 : vector<16xf32> to vector<1x1x16xf32>
          tpu.vector_store %arg8[%swap3A_924, %swap3A_925, %swap3A_926], %swap3A_929 {strides = array<i32>} : memref<4x128x128xf32, #tpu.memory_space<vmem>>, vector<1x1x16xf32>,
          %mul3A_930 = arith.mulf %broadcast_in_dim3A_907, %get3A_22 : vector<16xf32>
          %mul3A_931 = arith.mulf %broadcast_in_dim3A_911, %get3A_62 : vector<16xf32>
          %add3A_932 = arith.addf %mul3A_930, %mul3A_931 : vector<16xf32>
          %mul3A_933 = arith.mulf %broadcast_in_dim3A_917, %get3A_102 : vector<16xf32>
          %add3A_934 = arith.addf %add3A_932, %mul3A_933 : vector<16xf32>
          %swap3A_935 = arith.constant 1 : i32
          %swap3A_936 = arith.index_cast %swap3A_935 : i32 to index
          %swap3A_937 = arith.index_cast %add3A_896 : i32 to index
          %swap3A_938 = arith.constant 16 : index
          %swap3A_939 = tpu.vector_load %arg8[%swap3A_936, %swap3A_937, %swap3A_938] {strides = array<i32>} : memref<4x128x128xf32, #tpu.memory_space<vmem>>, vector<1x1x16xf32>,
          %swap3A_940 = vector.shape_cast %swap3A_939 : vector<1x1x16xf32> to vector<16xf32>
          %swap3A_941 = vector.shape_cast %add3A_934 : vector<16xf32> to vector<1x1x16xf32>
          tpu.vector_store %arg8[%swap3A_936, %swap3A_937, %swap3A_938], %swap3A_941 {strides = array<i32>} : memref<4x128x128xf32, #tpu.memory_space<vmem>>, vector<1x1x16xf32>,
          %mul3A_942 = arith.mulf %broadcast_in_dim3A_907, %get3A_27 : vector<16xf32>
          %mul3A_943 = arith.mulf %broadcast_in_dim3A_911, %get3A_67 : vector<16xf32>
          %add3A_944 = arith.addf %mul3A_942, %mul3A_943 : vector<16xf32>
          %mul3A_945 = arith.mulf %broadcast_in_dim3A_917, %get3A_107 : vector<16xf32>
          %add3A_946 = arith.addf %add3A_944, %mul3A_945 : vector<16xf32>
          %swap3A_947 = arith.constant 1 : i32
          %swap3A_948 = arith.index_cast %swap3A_947 : i32 to index
          %swap3A_949 = arith.index_cast %add3A_896 : i32 to index
          %swap3A_950 = arith.constant 32 : index
          %swap3A_951 = tpu.vector_load %arg8[%swap3A_948, %swap3A_949, %swap3A_950] {strides = array<i32>} : memref<4x128x128xf32, #tpu.memory_space<vmem>>, vector<1x1x16xf32>,
          %swap3A_952 = vector.shape_cast %swap3A_951 : vector<1x1x16xf32> to vector<16xf32>
          %swap3A_953 = vector.shape_cast %add3A_946 : vector<16xf32> to vector<1x1x16xf32>
          tpu.vector_store %arg8[%swap3A_948, %swap3A_949, %swap3A_950], %swap3A_953 {strides = array<i32>} : memref<4x128x128xf32, #tpu.memory_space<vmem>>, vector<1x1x16xf32>,
          %mul3A_954 = arith.mulf %broadcast_in_dim3A_907, %get3A_32 : vector<16xf32>
          %mul3A_955 = arith.mulf %broadcast_in_dim3A_911, %get3A_72 : vector<16xf32>
          %add3A_956 = arith.addf %mul3A_954, %mul3A_955 : vector<16xf32>
          %mul3A_957 = arith.mulf %broadcast_in_dim3A_917, %get3A_112 : vector<16xf32>
          %add3A_958 = arith.addf %add3A_956, %mul3A_957 : vector<16xf32>
          %swap3A_959 = arith.constant 1 : i32
          %swap3A_960 = arith.index_cast %swap3A_959 : i32 to index
          %swap3A_961 = arith.index_cast %add3A_896 : i32 to index
          %swap3A_962 = arith.constant 48 : index
          %swap3A_963 = tpu.vector_load %arg8[%swap3A_960, %swap3A_961, %swap3A_962] {strides = array<i32>} : memref<4x128x128xf32, #tpu.memory_space<vmem>>, vector<1x1x16xf32>,
          %swap3A_964 = vector.shape_cast %swap3A_963 : vector<1x1x16xf32> to vector<16xf32>
          %swap3A_965 = vector.shape_cast %add3A_958 : vector<16xf32> to vector<1x1x16xf32>
          tpu.vector_store %arg8[%swap3A_960, %swap3A_961, %swap3A_962], %swap3A_965 {strides = array<i32>} : memref<4x128x128xf32, #tpu.memory_space<vmem>>, vector<1x1x16xf32>,
          %mul3A_966 = arith.mulf %broadcast_in_dim3A_907, %get3A_37 : vector<16xf32>
          %mul3A_967 = arith.mulf %broadcast_in_dim3A_911, %get3A_77 : vector<16xf32>
          %add3A_968 = arith.addf %mul3A_966, %mul3A_967 : vector<16xf32>
          %mul3A_969 = arith.mulf %broadcast_in_dim3A_917, %get3A_117 : vector<16xf32>
          %add3A_970 = arith.addf %add3A_968, %mul3A_969 : vector<16xf32>
          %swap3A_971 = arith.constant 1 : i32
          %swap3A_972 = arith.index_cast %swap3A_971 : i32 to index
          %swap3A_973 = arith.index_cast %add3A_896 : i32 to index
          %swap3A_974 = arith.constant 64 : index
          %swap3A_975 = tpu.vector_load %arg8[%swap3A_972, %swap3A_973, %swap3A_974] {strides = array<i32>} : memref<4x128x128xf32, #tpu.memory_space<vmem>>, vector<1x1x16xf32>,
          %swap3A_976 = vector.shape_cast %swap3A_975 : vector<1x1x16xf32> to vector<16xf32>
          %swap3A_977 = vector.shape_cast %add3A_970 : vector<16xf32> to vector<1x1x16xf32>
          tpu.vector_store %arg8[%swap3A_972, %swap3A_973, %swap3A_974], %swap3A_977 {strides = array<i32>} : memref<4x128x128xf32, #tpu.memory_space<vmem>>, vector<1x1x16xf32>,
          %mul3A_978 = arith.mulf %broadcast_in_dim3A_907, %get3A_42 : vector<16xf32>
          %mul3A_979 = arith.mulf %broadcast_in_dim3A_911, %get3A_82 : vector<16xf32>
          %add3A_980 = arith.addf %mul3A_978, %mul3A_979 : vector<16xf32>
          %mul3A_981 = arith.mulf %broadcast_in_dim3A_917, %get3A_122 : vector<16xf32>
          %add3A_982 = arith.addf %add3A_980, %mul3A_981 : vector<16xf32>
          %swap3A_983 = arith.constant 1 : i32
          %swap3A_984 = arith.index_cast %swap3A_983 : i32 to index
          %swap3A_985 = arith.index_cast %add3A_896 : i32 to index
          %swap3A_986 = arith.constant 80 : index
          %swap3A_987 = tpu.vector_load %arg8[%swap3A_984, %swap3A_985, %swap3A_986] {strides = array<i32>} : memref<4x128x128xf32, #tpu.memory_space<vmem>>, vector<1x1x16xf32>,
          %swap3A_988 = vector.shape_cast %swap3A_987 : vector<1x1x16xf32> to vector<16xf32>
          %swap3A_989 = vector.shape_cast %add3A_982 : vector<16xf32> to vector<1x1x16xf32>
          tpu.vector_store %arg8[%swap3A_984, %swap3A_985, %swap3A_986], %swap3A_989 {strides = array<i32>} : memref<4x128x128xf32, #tpu.memory_space<vmem>>, vector<1x1x16xf32>,
          %mul3A_990 = arith.mulf %broadcast_in_dim3A_907, %get3A_47 : vector<16xf32>
          %mul3A_991 = arith.mulf %broadcast_in_dim3A_911, %get3A_87 : vector<16xf32>
          %add3A_992 = arith.addf %mul3A_990, %mul3A_991 : vector<16xf32>
          %mul3A_993 = arith.mulf %broadcast_in_dim3A_917, %get3A_127 : vector<16xf32>
          %add3A_994 = arith.addf %add3A_992, %mul3A_993 : vector<16xf32>
          %swap3A_995 = arith.constant 1 : i32
          %swap3A_996 = arith.index_cast %swap3A_995 : i32 to index
          %swap3A_997 = arith.index_cast %add3A_896 : i32 to index
          %swap3A_998 = arith.constant 96 : index
          %swap3A_999 = tpu.vector_load %arg8[%swap3A_996, %swap3A_997, %swap3A_998] {strides = array<i32>} : memref<4x128x128xf32, #tpu.memory_space<vmem>>, vector<1x1x16xf32>,
          %swap3A_1000 = vector.shape_cast %swap3A_999 : vector<1x1x16xf32> to vector<16xf32>
          %swap3A_1001 = vector.shape_cast %add3A_994 : vector<16xf32> to vector<1x1x16xf32>
          tpu.vector_store %arg8[%swap3A_996, %swap3A_997, %swap3A_998], %swap3A_1001 {strides = array<i32>} : memref<4x128x128xf32, #tpu.memory_space<vmem>>, vector<1x1x16xf32>,
          %mul3A_1002 = arith.mulf %broadcast_in_dim3A_907, %get3A_52 : vector<16xf32>
          %mul3A_1003 = arith.mulf %broadcast_in_dim3A_911, %get3A_92 : vector<16xf32>
          %add3A_1004 = arith.addf %mul3A_1002, %mul3A_1003 : vector<16xf32>
          %mul3A_1005 = arith.mulf %broadcast_in_dim3A_917, %get3A_132 : vector<16xf32>
          %add3A_1006 = arith.addf %add3A_1004, %mul3A_1005 : vector<16xf32>
          %swap3A_1007 = arith.constant 1 : i32
          %swap3A_1008 = arith.index_cast %swap3A_1007 : i32 to index
          %swap3A_1009 = arith.index_cast %add3A_896 : i32 to index
          %swap3A_1010 = arith.constant 112 : index
          %swap3A_1011 = tpu.vector_load %arg8[%swap3A_1008, %swap3A_1009, %swap3A_1010] {strides = array<i32>} : memref<4x128x128xf32, #tpu.memory_space<vmem>>, vector<1x1x16xf32>,
          %swap3A_1012 = vector.shape_cast %swap3A_1011 : vector<1x1x16xf32> to vector<16xf32>
          %swap3A_1013 = vector.shape_cast %add3A_1006 : vector<16xf32> to vector<1x1x16xf32>
          tpu.vector_store %arg8[%swap3A_1008, %swap3A_1009, %swap3A_1010], %swap3A_1013 {strides = array<i32>} : memref<4x128x128xf32, #tpu.memory_space<vmem>>, vector<1x1x16xf32>,
          %mul3A_1014 = arith.constant 16 : i32
          %mul3A_1015 = arith.muli %scan3A_407, %mul3A_1014 : i32
          %add3A_1016 = arith.constant 5 : i32
          %add3A_1017 = arith.addi %mul3A_1015, %add3A_1016 : i32
          %slice3A_1018 = vector.extract_strided_slice %get3A_413 {offsets = [5], sizes = [1], strides = [1]} : vector<16xi32> to vector<1xi32>
          %squeeze3A_1019 = vector.extract %slice3A_1018[0] : i32 from vector<1xi32>
          %convert_element_type3A_1020 = arith.sitofp %squeeze3A_1019 : i32 to f32
          %sub3A_1021 = arith.constant 1.000000e+00 : f32
          %sub3A_1022 = arith.subf %sub3A_1021, %convert_element_type3A_1020 : f32
          %sub3A_1023 = arith.constant 2.000000e+00 : f32
          %sub3A_1024 = arith.subf %sub3A_1023, %convert_element_type3A_1020 : f32
          %mul3A_1025 = arith.mulf %sub3A_1022, %sub3A_1024 : f32
          %mul3A_1026 = arith.constant 5.000000e-01 : f32
          %mul3A_1027 = arith.mulf %mul3A_1025, %mul3A_1026 : f32
          %broadcast_in_dim3A_1028 = vector.broadcast %mul3A_1027 : f32 to vector<16xf32>
          %sub3A_1029 = arith.constant 2.000000e+00 : f32
          %sub3A_1030 = arith.subf %sub3A_1029, %convert_element_type3A_1020 : f32
          %mul3A_1031 = arith.mulf %convert_element_type3A_1020, %sub3A_1030 : f32
          %broadcast_in_dim3A_1032 = vector.broadcast %mul3A_1031 : f32 to vector<16xf32>
          %sub3A_1033 = arith.constant 1.000000e+00 : f32
          %sub3A_1034 = arith.subf %convert_element_type3A_1020, %sub3A_1033 : f32
          %mul3A_1035 = arith.mulf %convert_element_type3A_1020, %sub3A_1034 : f32
          %mul3A_1036 = arith.constant 5.000000e-01 : f32
          %mul3A_1037 = arith.mulf %mul3A_1035, %mul3A_1036 : f32
          %broadcast_in_dim3A_1038 = vector.broadcast %mul3A_1037 : f32 to vector<16xf32>
          %mul3A_1039 = arith.mulf %broadcast_in_dim3A_1028, %get3A_17 : vector<16xf32>
          %mul3A_1040 = arith.mulf %broadcast_in_dim3A_1032, %get3A_57 : vector<16xf32>
          %add3A_1041 = arith.addf %mul3A_1039, %mul3A_1040 : vector<16xf32>
          %mul3A_1042 = arith.mulf %broadcast_in_dim3A_1038, %get3A_97 : vector<16xf32>
          %add3A_1043 = arith.addf %add3A_1041, %mul3A_1042 : vector<16xf32>
          %swap3A_1044 = arith.constant 1 : i32
          %swap3A_1045 = arith.index_cast %swap3A_1044 : i32 to index
          %swap3A_1046 = arith.index_cast %add3A_1017 : i32 to index
          %swap3A_1047 = arith.constant 0 : index
          %swap3A_1048 = tpu.vector_load %arg8[%swap3A_1045, %swap3A_1046, %swap3A_1047] {strides = array<i32>} : memref<4x128x128xf32, #tpu.memory_space<vmem>>, vector<1x1x16xf32>,
          %swap3A_1049 = vector.shape_cast %swap3A_1048 : vector<1x1x16xf32> to vector<16xf32>
          %swap3A_1050 = vector.shape_cast %add3A_1043 : vector<16xf32> to vector<1x1x16xf32>
          tpu.vector_store %arg8[%swap3A_1045, %swap3A_1046, %swap3A_1047], %swap3A_1050 {strides = array<i32>} : memref<4x128x128xf32, #tpu.memory_space<vmem>>, vector<1x1x16xf32>,
          %mul3A_1051 = arith.mulf %broadcast_in_dim3A_1028, %get3A_22 : vector<16xf32>
          %mul3A_1052 = arith.mulf %broadcast_in_dim3A_1032, %get3A_62 : vector<16xf32>
          %add3A_1053 = arith.addf %mul3A_1051, %mul3A_1052 : vector<16xf32>
          %mul3A_1054 = arith.mulf %broadcast_in_dim3A_1038, %get3A_102 : vector<16xf32>
          %add3A_1055 = arith.addf %add3A_1053, %mul3A_1054 : vector<16xf32>
          %swap3A_1056 = arith.constant 1 : i32
          %swap3A_1057 = arith.index_cast %swap3A_1056 : i32 to index
          %swap3A_1058 = arith.index_cast %add3A_1017 : i32 to index
          %swap3A_1059 = arith.constant 16 : index
          %swap3A_1060 = tpu.vector_load %arg8[%swap3A_1057, %swap3A_1058, %swap3A_1059] {strides = array<i32>} : memref<4x128x128xf32, #tpu.memory_space<vmem>>, vector<1x1x16xf32>,
          %swap3A_1061 = vector.shape_cast %swap3A_1060 : vector<1x1x16xf32> to vector<16xf32>
          %swap3A_1062 = vector.shape_cast %add3A_1055 : vector<16xf32> to vector<1x1x16xf32>
          tpu.vector_store %arg8[%swap3A_1057, %swap3A_1058, %swap3A_1059], %swap3A_1062 {strides = array<i32>} : memref<4x128x128xf32, #tpu.memory_space<vmem>>, vector<1x1x16xf32>,
          %mul3A_1063 = arith.mulf %broadcast_in_dim3A_1028, %get3A_27 : vector<16xf32>
          %mul3A_1064 = arith.mulf %broadcast_in_dim3A_1032, %get3A_67 : vector<16xf32>
          %add3A_1065 = arith.addf %mul3A_1063, %mul3A_1064 : vector<16xf32>
          %mul3A_1066 = arith.mulf %broadcast_in_dim3A_1038, %get3A_107 : vector<16xf32>
          %add3A_1067 = arith.addf %add3A_1065, %mul3A_1066 : vector<16xf32>
          %swap3A_1068 = arith.constant 1 : i32
          %swap3A_1069 = arith.index_cast %swap3A_1068 : i32 to index
          %swap3A_1070 = arith.index_cast %add3A_1017 : i32 to index
          %swap3A_1071 = arith.constant 32 : index
          %swap3A_1072 = tpu.vector_load %arg8[%swap3A_1069, %swap3A_1070, %swap3A_1071] {strides = array<i32>} : memref<4x128x128xf32, #tpu.memory_space<vmem>>, vector<1x1x16xf32>,
          %swap3A_1073 = vector.shape_cast %swap3A_1072 : vector<1x1x16xf32> to vector<16xf32>
          %swap3A_1074 = vector.shape_cast %add3A_1067 : vector<16xf32> to vector<1x1x16xf32>
          tpu.vector_store %arg8[%swap3A_1069, %swap3A_1070, %swap3A_1071], %swap3A_1074 {strides = array<i32>} : memref<4x128x128xf32, #tpu.memory_space<vmem>>, vector<1x1x16xf32>,
          %mul3A_1075 = arith.mulf %broadcast_in_dim3A_1028, %get3A_32 : vector<16xf32>
          %mul3A_1076 = arith.mulf %broadcast_in_dim3A_1032, %get3A_72 : vector<16xf32>
          %add3A_1077 = arith.addf %mul3A_1075, %mul3A_1076 : vector<16xf32>
          %mul3A_1078 = arith.mulf %broadcast_in_dim3A_1038, %get3A_112 : vector<16xf32>
          %add3A_1079 = arith.addf %add3A_1077, %mul3A_1078 : vector<16xf32>
          %swap3A_1080 = arith.constant 1 : i32
          %swap3A_1081 = arith.index_cast %swap3A_1080 : i32 to index
          %swap3A_1082 = arith.index_cast %add3A_1017 : i32 to index
          %swap3A_1083 = arith.constant 48 : index
          %swap3A_1084 = tpu.vector_load %arg8[%swap3A_1081, %swap3A_1082, %swap3A_1083] {strides = array<i32>} : memref<4x128x128xf32, #tpu.memory_space<vmem>>, vector<1x1x16xf32>,
          %swap3A_1085 = vector.shape_cast %swap3A_1084 : vector<1x1x16xf32> to vector<16xf32>
          %swap3A_1086 = vector.shape_cast %add3A_1079 : vector<16xf32> to vector<1x1x16xf32>
          tpu.vector_store %arg8[%swap3A_1081, %swap3A_1082, %swap3A_1083], %swap3A_1086 {strides = array<i32>} : memref<4x128x128xf32, #tpu.memory_space<vmem>>, vector<1x1x16xf32>,
          %mul3A_1087 = arith.mulf %broadcast_in_dim3A_1028, %get3A_37 : vector<16xf32>
          %mul3A_1088 = arith.mulf %broadcast_in_dim3A_1032, %get3A_77 : vector<16xf32>
          %add3A_1089 = arith.addf %mul3A_1087, %mul3A_1088 : vector<16xf32>
          %mul3A_1090 = arith.mulf %broadcast_in_dim3A_1038, %get3A_117 : vector<16xf32>
          %add3A_1091 = arith.addf %add3A_1089, %mul3A_1090 : vector<16xf32>
          %swap3A_1092 = arith.constant 1 : i32
          %swap3A_1093 = arith.index_cast %swap3A_1092 : i32 to index
          %swap3A_1094 = arith.index_cast %add3A_1017 : i32 to index
          %swap3A_1095 = arith.constant 64 : index
          %swap3A_1096 = tpu.vector_load %arg8[%swap3A_1093, %swap3A_1094, %swap3A_1095] {strides = array<i32>} : memref<4x128x128xf32, #tpu.memory_space<vmem>>, vector<1x1x16xf32>,
          %swap3A_1097 = vector.shape_cast %swap3A_1096 : vector<1x1x16xf32> to vector<16xf32>
          %swap3A_1098 = vector.shape_cast %add3A_1091 : vector<16xf32> to vector<1x1x16xf32>
          tpu.vector_store %arg8[%swap3A_1093, %swap3A_1094, %swap3A_1095], %swap3A_1098 {strides = array<i32>} : memref<4x128x128xf32, #tpu.memory_space<vmem>>, vector<1x1x16xf32>,
          %mul3A_1099 = arith.mulf %broadcast_in_dim3A_1028, %get3A_42 : vector<16xf32>
          %mul3A_1100 = arith.mulf %broadcast_in_dim3A_1032, %get3A_82 : vector<16xf32>
          %add3A_1101 = arith.addf %mul3A_1099, %mul3A_1100 : vector<16xf32>
          %mul3A_1102 = arith.mulf %broadcast_in_dim3A_1038, %get3A_122 : vector<16xf32>
          %add3A_1103 = arith.addf %add3A_1101, %mul3A_1102 : vector<16xf32>
          %swap3A_1104 = arith.constant 1 : i32
          %swap3A_1105 = arith.index_cast %swap3A_1104 : i32 to index
          %swap3A_1106 = arith.index_cast %add3A_1017 : i32 to index
          %swap3A_1107 = arith.constant 80 : index
          %swap3A_1108 = tpu.vector_load %arg8[%swap3A_1105, %swap3A_1106, %swap3A_1107] {strides = array<i32>} : memref<4x128x128xf32, #tpu.memory_space<vmem>>, vector<1x1x16xf32>,
          %swap3A_1109 = vector.shape_cast %swap3A_1108 : vector<1x1x16xf32> to vector<16xf32>
          %swap3A_1110 = vector.shape_cast %add3A_1103 : vector<16xf32> to vector<1x1x16xf32>
          tpu.vector_store %arg8[%swap3A_1105, %swap3A_1106, %swap3A_1107], %swap3A_1110 {strides = array<i32>} : memref<4x128x128xf32, #tpu.memory_space<vmem>>, vector<1x1x16xf32>,
          %mul3A_1111 = arith.mulf %broadcast_in_dim3A_1028, %get3A_47 : vector<16xf32>
          %mul3A_1112 = arith.mulf %broadcast_in_dim3A_1032, %get3A_87 : vector<16xf32>
          %add3A_1113 = arith.addf %mul3A_1111, %mul3A_1112 : vector<16xf32>
          %mul3A_1114 = arith.mulf %broadcast_in_dim3A_1038, %get3A_127 : vector<16xf32>
          %add3A_1115 = arith.addf %add3A_1113, %mul3A_1114 : vector<16xf32>
          %swap3A_1116 = arith.constant 1 : i32
          %swap3A_1117 = arith.index_cast %swap3A_1116 : i32 to index
          %swap3A_1118 = arith.index_cast %add3A_1017 : i32 to index
          %swap3A_1119 = arith.constant 96 : index
          %swap3A_1120 = tpu.vector_load %arg8[%swap3A_1117, %swap3A_1118, %swap3A_1119] {strides = array<i32>} : memref<4x128x128xf32, #tpu.memory_space<vmem>>, vector<1x1x16xf32>,
          %swap3A_1121 = vector.shape_cast %swap3A_1120 : vector<1x1x16xf32> to vector<16xf32>
          %swap3A_1122 = vector.shape_cast %add3A_1115 : vector<16xf32> to vector<1x1x16xf32>
          tpu.vector_store %arg8[%swap3A_1117, %swap3A_1118, %swap3A_1119], %swap3A_1122 {strides = array<i32>} : memref<4x128x128xf32, #tpu.memory_space<vmem>>, vector<1x1x16xf32>,
          %mul3A_1123 = arith.mulf %broadcast_in_dim3A_1028, %get3A_52 : vector<16xf32>
          %mul3A_1124 = arith.mulf %broadcast_in_dim3A_1032, %get3A_92 : vector<16xf32>
          %add3A_1125 = arith.addf %mul3A_1123, %mul3A_1124 : vector<16xf32>
          %mul3A_1126 = arith.mulf %broadcast_in_dim3A_1038, %get3A_132 : vector<16xf32>
          %add3A_1127 = arith.addf %add3A_1125, %mul3A_1126 : vector<16xf32>
          %swap3A_1128 = arith.constant 1 : i32
          %swap3A_1129 = arith.index_cast %swap3A_1128 : i32 to index
          %swap3A_1130 = arith.index_cast %add3A_1017 : i32 to index
          %swap3A_1131 = arith.constant 112 : index
          %swap3A_1132 = tpu.vector_load %arg8[%swap3A_1129, %swap3A_1130, %swap3A_1131] {strides = array<i32>} : memref<4x128x128xf32, #tpu.memory_space<vmem>>, vector<1x1x16xf32>,
          %swap3A_1133 = vector.shape_cast %swap3A_1132 : vector<1x1x16xf32> to vector<16xf32>
          %swap3A_1134 = vector.shape_cast %add3A_1127 : vector<16xf32> to vector<1x1x16xf32>
          tpu.vector_store %arg8[%swap3A_1129, %swap3A_1130, %swap3A_1131], %swap3A_1134 {strides = array<i32>} : memref<4x128x128xf32, #tpu.memory_space<vmem>>, vector<1x1x16xf32>,
          %mul3A_1135 = arith.constant 16 : i32
          %mul3A_1136 = arith.muli %scan3A_407, %mul3A_1135 : i32
          %add3A_1137 = arith.constant 6 : i32
          %add3A_1138 = arith.addi %mul3A_1136, %add3A_1137 : i32
          %slice3A_1139 = vector.extract_strided_slice %get3A_413 {offsets = [6], sizes = [1], strides = [1]} : vector<16xi32> to vector<1xi32>
          %squeeze3A_1140 = vector.extract %slice3A_1139[0] : i32 from vector<1xi32>
          %convert_element_type3A_1141 = arith.sitofp %squeeze3A_1140 : i32 to f32
          %sub3A_1142 = arith.constant 1.000000e+00 : f32
          %sub3A_1143 = arith.subf %sub3A_1142, %convert_element_type3A_1141 : f32
          %sub3A_1144 = arith.constant 2.000000e+00 : f32
          %sub3A_1145 = arith.subf %sub3A_1144, %convert_element_type3A_1141 : f32
          %mul3A_1146 = arith.mulf %sub3A_1143, %sub3A_1145 : f32
          %mul3A_1147 = arith.constant 5.000000e-01 : f32
          %mul3A_1148 = arith.mulf %mul3A_1146, %mul3A_1147 : f32
          %broadcast_in_dim3A_1149 = vector.broadcast %mul3A_1148 : f32 to vector<16xf32>
          %sub3A_1150 = arith.constant 2.000000e+00 : f32
          %sub3A_1151 = arith.subf %sub3A_1150, %convert_element_type3A_1141 : f32
          %mul3A_1152 = arith.mulf %convert_element_type3A_1141, %sub3A_1151 : f32
          %broadcast_in_dim3A_1153 = vector.broadcast %mul3A_1152 : f32 to vector<16xf32>
          %sub3A_1154 = arith.constant 1.000000e+00 : f32
          %sub3A_1155 = arith.subf %convert_element_type3A_1141, %sub3A_1154 : f32
          %mul3A_1156 = arith.mulf %convert_element_type3A_1141, %sub3A_1155 : f32
          %mul3A_1157 = arith.constant 5.000000e-01 : f32
          %mul3A_1158 = arith.mulf %mul3A_1156, %mul3A_1157 : f32
          %broadcast_in_dim3A_1159 = vector.broadcast %mul3A_1158 : f32 to vector<16xf32>
          %mul3A_1160 = arith.mulf %broadcast_in_dim3A_1149, %get3A_17 : vector<16xf32>
          %mul3A_1161 = arith.mulf %broadcast_in_dim3A_1153, %get3A_57 : vector<16xf32>
          %add3A_1162 = arith.addf %mul3A_1160, %mul3A_1161 : vector<16xf32>
          %mul3A_1163 = arith.mulf %broadcast_in_dim3A_1159, %get3A_97 : vector<16xf32>
          %add3A_1164 = arith.addf %add3A_1162, %mul3A_1163 : vector<16xf32>
          %swap3A_1165 = arith.constant 1 : i32
          %swap3A_1166 = arith.index_cast %swap3A_1165 : i32 to index
          %swap3A_1167 = arith.index_cast %add3A_1138 : i32 to index
          %swap3A_1168 = arith.constant 0 : index
          %swap3A_1169 = tpu.vector_load %arg8[%swap3A_1166, %swap3A_1167, %swap3A_1168] {strides = array<i32>} : memref<4x128x128xf32, #tpu.memory_space<vmem>>, vector<1x1x16xf32>,
          %swap3A_1170 = vector.shape_cast %swap3A_1169 : vector<1x1x16xf32> to vector<16xf32>
          %swap3A_1171 = vector.shape_cast %add3A_1164 : vector<16xf32> to vector<1x1x16xf32>
          tpu.vector_store %arg8[%swap3A_1166, %swap3A_1167, %swap3A_1168], %swap3A_1171 {strides = array<i32>} : memref<4x128x128xf32, #tpu.memory_space<vmem>>, vector<1x1x16xf32>,
          %mul3A_1172 = arith.mulf %broadcast_in_dim3A_1149, %get3A_22 : vector<16xf32>
          %mul3A_1173 = arith.mulf %broadcast_in_dim3A_1153, %get3A_62 : vector<16xf32>
          %add3A_1174 = arith.addf %mul3A_1172, %mul3A_1173 : vector<16xf32>
          %mul3A_1175 = arith.mulf %broadcast_in_dim3A_1159, %get3A_102 : vector<16xf32>
          %add3A_1176 = arith.addf %add3A_1174, %mul3A_1175 : vector<16xf32>
          %swap3A_1177 = arith.constant 1 : i32
          %swap3A_1178 = arith.index_cast %swap3A_1177 : i32 to index
          %swap3A_1179 = arith.index_cast %add3A_1138 : i32 to index
          %swap3A_1180 = arith.constant 16 : index
          %swap3A_1181 = tpu.vector_load %arg8[%swap3A_1178, %swap3A_1179, %swap3A_1180] {strides = array<i32>} : memref<4x128x128xf32, #tpu.memory_space<vmem>>, vector<1x1x16xf32>,
          %swap3A_1182 = vector.shape_cast %swap3A_1181 : vector<1x1x16xf32> to vector<16xf32>
          %swap3A_1183 = vector.shape_cast %add3A_1176 : vector<16xf32> to vector<1x1x16xf32>
          tpu.vector_store %arg8[%swap3A_1178, %swap3A_1179, %swap3A_1180], %swap3A_1183 {strides = array<i32>} : memref<4x128x128xf32, #tpu.memory_space<vmem>>, vector<1x1x16xf32>,
          %mul3A_1184 = arith.mulf %broadcast_in_dim3A_1149, %get3A_27 : vector<16xf32>
          %mul3A_1185 = arith.mulf %broadcast_in_dim3A_1153, %get3A_67 : vector<16xf32>
          %add3A_1186 = arith.addf %mul3A_1184, %mul3A_1185 : vector<16xf32>
          %mul3A_1187 = arith.mulf %broadcast_in_dim3A_1159, %get3A_107 : vector<16xf32>
          %add3A_1188 = arith.addf %add3A_1186, %mul3A_1187 : vector<16xf32>
          %swap3A_1189 = arith.constant 1 : i32
          %swap3A_1190 = arith.index_cast %swap3A_1189 : i32 to index
          %swap3A_1191 = arith.index_cast %add3A_1138 : i32 to index
          %swap3A_1192 = arith.constant 32 : index
          %swap3A_1193 = tpu.vector_load %arg8[%swap3A_1190, %swap3A_1191, %swap3A_1192] {strides = array<i32>} : memref<4x128x128xf32, #tpu.memory_space<vmem>>, vector<1x1x16xf32>,
          %swap3A_1194 = vector.shape_cast %swap3A_1193 : vector<1x1x16xf32> to vector<16xf32>
          %swap3A_1195 = vector.shape_cast %add3A_1188 : vector<16xf32> to vector<1x1x16xf32>
          tpu.vector_store %arg8[%swap3A_1190, %swap3A_1191, %swap3A_1192], %swap3A_1195 {strides = array<i32>} : memref<4x128x128xf32, #tpu.memory_space<vmem>>, vector<1x1x16xf32>,
          %mul3A_1196 = arith.mulf %broadcast_in_dim3A_1149, %get3A_32 : vector<16xf32>
          %mul3A_1197 = arith.mulf %broadcast_in_dim3A_1153, %get3A_72 : vector<16xf32>
          %add3A_1198 = arith.addf %mul3A_1196, %mul3A_1197 : vector<16xf32>
          %mul3A_1199 = arith.mulf %broadcast_in_dim3A_1159, %get3A_112 : vector<16xf32>
          %add3A_1200 = arith.addf %add3A_1198, %mul3A_1199 : vector<16xf32>
          %swap3A_1201 = arith.constant 1 : i32
          %swap3A_1202 = arith.index_cast %swap3A_1201 : i32 to index
          %swap3A_1203 = arith.index_cast %add3A_1138 : i32 to index
          %swap3A_1204 = arith.constant 48 : index
          %swap3A_1205 = tpu.vector_load %arg8[%swap3A_1202, %swap3A_1203, %swap3A_1204] {strides = array<i32>} : memref<4x128x128xf32, #tpu.memory_space<vmem>>, vector<1x1x16xf32>,
          %swap3A_1206 = vector.shape_cast %swap3A_1205 : vector<1x1x16xf32> to vector<16xf32>
          %swap3A_1207 = vector.shape_cast %add3A_1200 : vector<16xf32> to vector<1x1x16xf32>
          tpu.vector_store %arg8[%swap3A_1202, %swap3A_1203, %swap3A_1204], %swap3A_1207 {strides = array<i32>} : memref<4x128x128xf32, #tpu.memory_space<vmem>>, vector<1x1x16xf32>,
          %mul3A_1208 = arith.mulf %broadcast_in_dim3A_1149, %get3A_37 : vector<16xf32>
          %mul3A_1209 = arith.mulf %broadcast_in_dim3A_1153, %get3A_77 : vector<16xf32>
          %add3A_1210 = arith.addf %mul3A_1208, %mul3A_1209 : vector<16xf32>
          %mul3A_1211 = arith.mulf %broadcast_in_dim3A_1159, %get3A_117 : vector<16xf32>
          %add3A_1212 = arith.addf %add3A_1210, %mul3A_1211 : vector<16xf32>
          %swap3A_1213 = arith.constant 1 : i32
          %swap3A_1214 = arith.index_cast %swap3A_1213 : i32 to index
          %swap3A_1215 = arith.index_cast %add3A_1138 : i32 to index
          %swap3A_1216 = arith.constant 64 : index
          %swap3A_1217 = tpu.vector_load %arg8[%swap3A_1214, %swap3A_1215, %swap3A_1216] {strides = array<i32>} : memref<4x128x128xf32, #tpu.memory_space<vmem>>, vector<1x1x16xf32>,
          %swap3A_1218 = vector.shape_cast %swap3A_1217 : vector<1x1x16xf32> to vector<16xf32>
          %swap3A_1219 = vector.shape_cast %add3A_1212 : vector<16xf32> to vector<1x1x16xf32>
          tpu.vector_store %arg8[%swap3A_1214, %swap3A_1215, %swap3A_1216], %swap3A_1219 {strides = array<i32>} : memref<4x128x128xf32, #tpu.memory_space<vmem>>, vector<1x1x16xf32>,
          %mul3A_1220 = arith.mulf %broadcast_in_dim3A_1149, %get3A_42 : vector<16xf32>
          %mul3A_1221 = arith.mulf %broadcast_in_dim3A_1153, %get3A_82 : vector<16xf32>
          %add3A_1222 = arith.addf %mul3A_1220, %mul3A_1221 : vector<16xf32>
          %mul3A_1223 = arith.mulf %broadcast_in_dim3A_1159, %get3A_122 : vector<16xf32>
          %add3A_1224 = arith.addf %add3A_1222, %mul3A_1223 : vector<16xf32>
          %swap3A_1225 = arith.constant 1 : i32
          %swap3A_1226 = arith.index_cast %swap3A_1225 : i32 to index
          %swap3A_1227 = arith.index_cast %add3A_1138 : i32 to index
          %swap3A_1228 = arith.constant 80 : index
          %swap3A_1229 = tpu.vector_load %arg8[%swap3A_1226, %swap3A_1227, %swap3A_1228] {strides = array<i32>} : memref<4x128x128xf32, #tpu.memory_space<vmem>>, vector<1x1x16xf32>,
          %swap3A_1230 = vector.shape_cast %swap3A_1229 : vector<1x1x16xf32> to vector<16xf32>
          %swap3A_1231 = vector.shape_cast %add3A_1224 : vector<16xf32> to vector<1x1x16xf32>
          tpu.vector_store %arg8[%swap3A_1226, %swap3A_1227, %swap3A_1228], %swap3A_1231 {strides = array<i32>} : memref<4x128x128xf32, #tpu.memory_space<vmem>>, vector<1x1x16xf32>,
          %mul3A_1232 = arith.mulf %broadcast_in_dim3A_1149, %get3A_47 : vector<16xf32>
          %mul3A_1233 = arith.mulf %broadcast_in_dim3A_1153, %get3A_87 : vector<16xf32>
          %add3A_1234 = arith.addf %mul3A_1232, %mul3A_1233 : vector<16xf32>
          %mul3A_1235 = arith.mulf %broadcast_in_dim3A_1159, %get3A_127 : vector<16xf32>
          %add3A_1236 = arith.addf %add3A_1234, %mul3A_1235 : vector<16xf32>
          %swap3A_1237 = arith.constant 1 : i32
          %swap3A_1238 = arith.index_cast %swap3A_1237 : i32 to index
          %swap3A_1239 = arith.index_cast %add3A_1138 : i32 to index
          %swap3A_1240 = arith.constant 96 : index
          %swap3A_1241 = tpu.vector_load %arg8[%swap3A_1238, %swap3A_1239, %swap3A_1240] {strides = array<i32>} : memref<4x128x128xf32, #tpu.memory_space<vmem>>, vector<1x1x16xf32>,
          %swap3A_1242 = vector.shape_cast %swap3A_1241 : vector<1x1x16xf32> to vector<16xf32>
          %swap3A_1243 = vector.shape_cast %add3A_1236 : vector<16xf32> to vector<1x1x16xf32>
          tpu.vector_store %arg8[%swap3A_1238, %swap3A_1239, %swap3A_1240], %swap3A_1243 {strides = array<i32>} : memref<4x128x128xf32, #tpu.memory_space<vmem>>, vector<1x1x16xf32>,
          %mul3A_1244 = arith.mulf %broadcast_in_dim3A_1149, %get3A_52 : vector<16xf32>
          %mul3A_1245 = arith.mulf %broadcast_in_dim3A_1153, %get3A_92 : vector<16xf32>
          %add3A_1246 = arith.addf %mul3A_1244, %mul3A_1245 : vector<16xf32>
          %mul3A_1247 = arith.mulf %broadcast_in_dim3A_1159, %get3A_132 : vector<16xf32>
          %add3A_1248 = arith.addf %add3A_1246, %mul3A_1247 : vector<16xf32>
          %swap3A_1249 = arith.constant 1 : i32
          %swap3A_1250 = arith.index_cast %swap3A_1249 : i32 to index
          %swap3A_1251 = arith.index_cast %add3A_1138 : i32 to index
          %swap3A_1252 = arith.constant 112 : index
          %swap3A_1253 = tpu.vector_load %arg8[%swap3A_1250, %swap3A_1251, %swap3A_1252] {strides = array<i32>} : memref<4x128x128xf32, #tpu.memory_space<vmem>>, vector<1x1x16xf32>,
          %swap3A_1254 = vector.shape_cast %swap3A_1253 : vector<1x1x16xf32> to vector<16xf32>
          %swap3A_1255 = vector.shape_cast %add3A_1248 : vector<16xf32> to vector<1x1x16xf32>
          tpu.vector_store %arg8[%swap3A_1250, %swap3A_1251, %swap3A_1252], %swap3A_1255 {strides = array<i32>} : memref<4x128x128xf32, #tpu.memory_space<vmem>>, vector<1x1x16xf32>,
          %mul3A_1256 = arith.constant 16 : i32
          %mul3A_1257 = arith.muli %scan3A_407, %mul3A_1256 : i32
          %add3A_1258 = arith.constant 7 : i32
          %add3A_1259 = arith.addi %mul3A_1257, %add3A_1258 : i32
          %slice3A_1260 = vector.extract_strided_slice %get3A_413 {offsets = [7], sizes = [1], strides = [1]} : vector<16xi32> to vector<1xi32>
          %squeeze3A_1261 = vector.extract %slice3A_1260[0] : i32 from vector<1xi32>
          %convert_element_type3A_1262 = arith.sitofp %squeeze3A_1261 : i32 to f32
          %sub3A_1263 = arith.constant 1.000000e+00 : f32
          %sub3A_1264 = arith.subf %sub3A_1263, %convert_element_type3A_1262 : f32
          %sub3A_1265 = arith.constant 2.000000e+00 : f32
          %sub3A_1266 = arith.subf %sub3A_1265, %convert_element_type3A_1262 : f32
          %mul3A_1267 = arith.mulf %sub3A_1264, %sub3A_1266 : f32
          %mul3A_1268 = arith.constant 5.000000e-01 : f32
          %mul3A_1269 = arith.mulf %mul3A_1267, %mul3A_1268 : f32
          %broadcast_in_dim3A_1270 = vector.broadcast %mul3A_1269 : f32 to vector<16xf32>
          %sub3A_1271 = arith.constant 2.000000e+00 : f32
          %sub3A_1272 = arith.subf %sub3A_1271, %convert_element_type3A_1262 : f32
          %mul3A_1273 = arith.mulf %convert_element_type3A_1262, %sub3A_1272 : f32
          %broadcast_in_dim3A_1274 = vector.broadcast %mul3A_1273 : f32 to vector<16xf32>
          %sub3A_1275 = arith.constant 1.000000e+00 : f32
          %sub3A_1276 = arith.subf %convert_element_type3A_1262, %sub3A_1275 : f32
          %mul3A_1277 = arith.mulf %convert_element_type3A_1262, %sub3A_1276 : f32
          %mul3A_1278 = arith.constant 5.000000e-01 : f32
          %mul3A_1279 = arith.mulf %mul3A_1277, %mul3A_1278 : f32
          %broadcast_in_dim3A_1280 = vector.broadcast %mul3A_1279 : f32 to vector<16xf32>
          %mul3A_1281 = arith.mulf %broadcast_in_dim3A_1270, %get3A_17 : vector<16xf32>
          %mul3A_1282 = arith.mulf %broadcast_in_dim3A_1274, %get3A_57 : vector<16xf32>
          %add3A_1283 = arith.addf %mul3A_1281, %mul3A_1282 : vector<16xf32>
          %mul3A_1284 = arith.mulf %broadcast_in_dim3A_1280, %get3A_97 : vector<16xf32>
          %add3A_1285 = arith.addf %add3A_1283, %mul3A_1284 : vector<16xf32>
          %swap3A_1286 = arith.constant 1 : i32
          %swap3A_1287 = arith.index_cast %swap3A_1286 : i32 to index
          %swap3A_1288 = arith.index_cast %add3A_1259 : i32 to index
          %swap3A_1289 = arith.constant 0 : index
          %swap3A_1290 = tpu.vector_load %arg8[%swap3A_1287, %swap3A_1288, %swap3A_1289] {strides = array<i32>} : memref<4x128x128xf32, #tpu.memory_space<vmem>>, vector<1x1x16xf32>,
          %swap3A_1291 = vector.shape_cast %swap3A_1290 : vector<1x1x16xf32> to vector<16xf32>
          %swap3A_1292 = vector.shape_cast %add3A_1285 : vector<16xf32> to vector<1x1x16xf32>
          tpu.vector_store %arg8[%swap3A_1287, %swap3A_1288, %swap3A_1289], %swap3A_1292 {strides = array<i32>} : memref<4x128x128xf32, #tpu.memory_space<vmem>>, vector<1x1x16xf32>,
          %mul3A_1293 = arith.mulf %broadcast_in_dim3A_1270, %get3A_22 : vector<16xf32>
          %mul3A_1294 = arith.mulf %broadcast_in_dim3A_1274, %get3A_62 : vector<16xf32>
          %add3A_1295 = arith.addf %mul3A_1293, %mul3A_1294 : vector<16xf32>
          %mul3A_1296 = arith.mulf %broadcast_in_dim3A_1280, %get3A_102 : vector<16xf32>
          %add3A_1297 = arith.addf %add3A_1295, %mul3A_1296 : vector<16xf32>
          %swap3A_1298 = arith.constant 1 : i32
          %swap3A_1299 = arith.index_cast %swap3A_1298 : i32 to index
          %swap3A_1300 = arith.index_cast %add3A_1259 : i32 to index
          %swap3A_1301 = arith.constant 16 : index
          %swap3A_1302 = tpu.vector_load %arg8[%swap3A_1299, %swap3A_1300, %swap3A_1301] {strides = array<i32>} : memref<4x128x128xf32, #tpu.memory_space<vmem>>, vector<1x1x16xf32>,
          %swap3A_1303 = vector.shape_cast %swap3A_1302 : vector<1x1x16xf32> to vector<16xf32>
          %swap3A_1304 = vector.shape_cast %add3A_1297 : vector<16xf32> to vector<1x1x16xf32>
          tpu.vector_store %arg8[%swap3A_1299, %swap3A_1300, %swap3A_1301], %swap3A_1304 {strides = array<i32>} : memref<4x128x128xf32, #tpu.memory_space<vmem>>, vector<1x1x16xf32>,
          %mul3A_1305 = arith.mulf %broadcast_in_dim3A_1270, %get3A_27 : vector<16xf32>
          %mul3A_1306 = arith.mulf %broadcast_in_dim3A_1274, %get3A_67 : vector<16xf32>
          %add3A_1307 = arith.addf %mul3A_1305, %mul3A_1306 : vector<16xf32>
          %mul3A_1308 = arith.mulf %broadcast_in_dim3A_1280, %get3A_107 : vector<16xf32>
          %add3A_1309 = arith.addf %add3A_1307, %mul3A_1308 : vector<16xf32>
          %swap3A_1310 = arith.constant 1 : i32
          %swap3A_1311 = arith.index_cast %swap3A_1310 : i32 to index
          %swap3A_1312 = arith.index_cast %add3A_1259 : i32 to index
          %swap3A_1313 = arith.constant 32 : index
          %swap3A_1314 = tpu.vector_load %arg8[%swap3A_1311, %swap3A_1312, %swap3A_1313] {strides = array<i32>} : memref<4x128x128xf32, #tpu.memory_space<vmem>>, vector<1x1x16xf32>,
          %swap3A_1315 = vector.shape_cast %swap3A_1314 : vector<1x1x16xf32> to vector<16xf32>
          %swap3A_1316 = vector.shape_cast %add3A_1309 : vector<16xf32> to vector<1x1x16xf32>
          tpu.vector_store %arg8[%swap3A_1311, %swap3A_1312, %swap3A_1313], %swap3A_1316 {strides = array<i32>} : memref<4x128x128xf32, #tpu.memory_space<vmem>>, vector<1x1x16xf32>,
          %mul3A_1317 = arith.mulf %broadcast_in_dim3A_1270, %get3A_32 : vector<16xf32>
          %mul3A_1318 = arith.mulf %broadcast_in_dim3A_1274, %get3A_72 : vector<16xf32>
          %add3A_1319 = arith.addf %mul3A_1317, %mul3A_1318 : vector<16xf32>
          %mul3A_1320 = arith.mulf %broadcast_in_dim3A_1280, %get3A_112 : vector<16xf32>
          %add3A_1321 = arith.addf %add3A_1319, %mul3A_1320 : vector<16xf32>
          %swap3A_1322 = arith.constant 1 : i32
          %swap3A_1323 = arith.index_cast %swap3A_1322 : i32 to index
          %swap3A_1324 = arith.index_cast %add3A_1259 : i32 to index
          %swap3A_1325 = arith.constant 48 : index
          %swap3A_1326 = tpu.vector_load %arg8[%swap3A_1323, %swap3A_1324, %swap3A_1325] {strides = array<i32>} : memref<4x128x128xf32, #tpu.memory_space<vmem>>, vector<1x1x16xf32>,
          %swap3A_1327 = vector.shape_cast %swap3A_1326 : vector<1x1x16xf32> to vector<16xf32>
          %swap3A_1328 = vector.shape_cast %add3A_1321 : vector<16xf32> to vector<1x1x16xf32>
          tpu.vector_store %arg8[%swap3A_1323, %swap3A_1324, %swap3A_1325], %swap3A_1328 {strides = array<i32>} : memref<4x128x128xf32, #tpu.memory_space<vmem>>, vector<1x1x16xf32>,
          %mul3A_1329 = arith.mulf %broadcast_in_dim3A_1270, %get3A_37 : vector<16xf32>
          %mul3A_1330 = arith.mulf %broadcast_in_dim3A_1274, %get3A_77 : vector<16xf32>
          %add3A_1331 = arith.addf %mul3A_1329, %mul3A_1330 : vector<16xf32>
          %mul3A_1332 = arith.mulf %broadcast_in_dim3A_1280, %get3A_117 : vector<16xf32>
          %add3A_1333 = arith.addf %add3A_1331, %mul3A_1332 : vector<16xf32>
          %swap3A_1334 = arith.constant 1 : i32
          %swap3A_1335 = arith.index_cast %swap3A_1334 : i32 to index
          %swap3A_1336 = arith.index_cast %add3A_1259 : i32 to index
          %swap3A_1337 = arith.constant 64 : index
          %swap3A_1338 = tpu.vector_load %arg8[%swap3A_1335, %swap3A_1336, %swap3A_1337] {strides = array<i32>} : memref<4x128x128xf32, #tpu.memory_space<vmem>>, vector<1x1x16xf32>,
          %swap3A_1339 = vector.shape_cast %swap3A_1338 : vector<1x1x16xf32> to vector<16xf32>
          %swap3A_1340 = vector.shape_cast %add3A_1333 : vector<16xf32> to vector<1x1x16xf32>
          tpu.vector_store %arg8[%swap3A_1335, %swap3A_1336, %swap3A_1337], %swap3A_1340 {strides = array<i32>} : memref<4x128x128xf32, #tpu.memory_space<vmem>>, vector<1x1x16xf32>,
          %mul3A_1341 = arith.mulf %broadcast_in_dim3A_1270, %get3A_42 : vector<16xf32>
          %mul3A_1342 = arith.mulf %broadcast_in_dim3A_1274, %get3A_82 : vector<16xf32>
          %add3A_1343 = arith.addf %mul3A_1341, %mul3A_1342 : vector<16xf32>
          %mul3A_1344 = arith.mulf %broadcast_in_dim3A_1280, %get3A_122 : vector<16xf32>
          %add3A_1345 = arith.addf %add3A_1343, %mul3A_1344 : vector<16xf32>
          %swap3A_1346 = arith.constant 1 : i32
          %swap3A_1347 = arith.index_cast %swap3A_1346 : i32 to index
          %swap3A_1348 = arith.index_cast %add3A_1259 : i32 to index
          %swap3A_1349 = arith.constant 80 : index
          %swap3A_1350 = tpu.vector_load %arg8[%swap3A_1347, %swap3A_1348, %swap3A_1349] {strides = array<i32>} : memref<4x128x128xf32, #tpu.memory_space<vmem>>, vector<1x1x16xf32>,
          %swap3A_1351 = vector.shape_cast %swap3A_1350 : vector<1x1x16xf32> to vector<16xf32>
          %swap3A_1352 = vector.shape_cast %add3A_1345 : vector<16xf32> to vector<1x1x16xf32>
          tpu.vector_store %arg8[%swap3A_1347, %swap3A_1348, %swap3A_1349], %swap3A_1352 {strides = array<i32>} : memref<4x128x128xf32, #tpu.memory_space<vmem>>, vector<1x1x16xf32>,
          %mul3A_1353 = arith.mulf %broadcast_in_dim3A_1270, %get3A_47 : vector<16xf32>
          %mul3A_1354 = arith.mulf %broadcast_in_dim3A_1274, %get3A_87 : vector<16xf32>
          %add3A_1355 = arith.addf %mul3A_1353, %mul3A_1354 : vector<16xf32>
          %mul3A_1356 = arith.mulf %broadcast_in_dim3A_1280, %get3A_127 : vector<16xf32>
          %add3A_1357 = arith.addf %add3A_1355, %mul3A_1356 : vector<16xf32>
          %swap3A_1358 = arith.constant 1 : i32
          %swap3A_1359 = arith.index_cast %swap3A_1358 : i32 to index
          %swap3A_1360 = arith.index_cast %add3A_1259 : i32 to index
          %swap3A_1361 = arith.constant 96 : index
          %swap3A_1362 = tpu.vector_load %arg8[%swap3A_1359, %swap3A_1360, %swap3A_1361] {strides = array<i32>} : memref<4x128x128xf32, #tpu.memory_space<vmem>>, vector<1x1x16xf32>,
          %swap3A_1363 = vector.shape_cast %swap3A_1362 : vector<1x1x16xf32> to vector<16xf32>
          %swap3A_1364 = vector.shape_cast %add3A_1357 : vector<16xf32> to vector<1x1x16xf32>
          tpu.vector_store %arg8[%swap3A_1359, %swap3A_1360, %swap3A_1361], %swap3A_1364 {strides = array<i32>} : memref<4x128x128xf32, #tpu.memory_space<vmem>>, vector<1x1x16xf32>,
          %mul3A_1365 = arith.mulf %broadcast_in_dim3A_1270, %get3A_52 : vector<16xf32>
          %mul3A_1366 = arith.mulf %broadcast_in_dim3A_1274, %get3A_92 : vector<16xf32>
          %add3A_1367 = arith.addf %mul3A_1365, %mul3A_1366 : vector<16xf32>
          %mul3A_1368 = arith.mulf %broadcast_in_dim3A_1280, %get3A_132 : vector<16xf32>
          %add3A_1369 = arith.addf %add3A_1367, %mul3A_1368 : vector<16xf32>
          %swap3A_1370 = arith.constant 1 : i32
          %swap3A_1371 = arith.index_cast %swap3A_1370 : i32 to index
          %swap3A_1372 = arith.index_cast %add3A_1259 : i32 to index
          %swap3A_1373 = arith.constant 112 : index
          %swap3A_1374 = tpu.vector_load %arg8[%swap3A_1371, %swap3A_1372, %swap3A_1373] {strides = array<i32>} : memref<4x128x128xf32, #tpu.memory_space<vmem>>, vector<1x1x16xf32>,
          %swap3A_1375 = vector.shape_cast %swap3A_1374 : vector<1x1x16xf32> to vector<16xf32>
          %swap3A_1376 = vector.shape_cast %add3A_1369 : vector<16xf32> to vector<1x1x16xf32>
          tpu.vector_store %arg8[%swap3A_1371, %swap3A_1372, %swap3A_1373], %swap3A_1376 {strides = array<i32>} : memref<4x128x128xf32, #tpu.memory_space<vmem>>, vector<1x1x16xf32>,
          %mul3A_1377 = arith.constant 16 : i32
          %mul3A_1378 = arith.muli %scan3A_407, %mul3A_1377 : i32
          %add3A_1379 = arith.constant 8 : i32
          %add3A_1380 = arith.addi %mul3A_1378, %add3A_1379 : i32
          %slice3A_1381 = vector.extract_strided_slice %get3A_413 {offsets = [8], sizes = [1], strides = [1]} : vector<16xi32> to vector<1xi32>
          %squeeze3A_1382 = vector.extract %slice3A_1381[0] : i32 from vector<1xi32>
          %convert_element_type3A_1383 = arith.sitofp %squeeze3A_1382 : i32 to f32
          %sub3A_1384 = arith.constant 1.000000e+00 : f32
          %sub3A_1385 = arith.subf %sub3A_1384, %convert_element_type3A_1383 : f32
          %sub3A_1386 = arith.constant 2.000000e+00 : f32
          %sub3A_1387 = arith.subf %sub3A_1386, %convert_element_type3A_1383 : f32
          %mul3A_1388 = arith.mulf %sub3A_1385, %sub3A_1387 : f32
          %mul3A_1389 = arith.constant 5.000000e-01 : f32
          %mul3A_1390 = arith.mulf %mul3A_1388, %mul3A_1389 : f32
          %broadcast_in_dim3A_1391 = vector.broadcast %mul3A_1390 : f32 to vector<16xf32>
          %sub3A_1392 = arith.constant 2.000000e+00 : f32
          %sub3A_1393 = arith.subf %sub3A_1392, %convert_element_type3A_1383 : f32
          %mul3A_1394 = arith.mulf %convert_element_type3A_1383, %sub3A_1393 : f32
          %broadcast_in_dim3A_1395 = vector.broadcast %mul3A_1394 : f32 to vector<16xf32>
          %sub3A_1396 = arith.constant 1.000000e+00 : f32
          %sub3A_1397 = arith.subf %convert_element_type3A_1383, %sub3A_1396 : f32
          %mul3A_1398 = arith.mulf %convert_element_type3A_1383, %sub3A_1397 : f32
          %mul3A_1399 = arith.constant 5.000000e-01 : f32
          %mul3A_1400 = arith.mulf %mul3A_1398, %mul3A_1399 : f32
          %broadcast_in_dim3A_1401 = vector.broadcast %mul3A_1400 : f32 to vector<16xf32>
          %mul3A_1402 = arith.mulf %broadcast_in_dim3A_1391, %get3A_17 : vector<16xf32>
          %mul3A_1403 = arith.mulf %broadcast_in_dim3A_1395, %get3A_57 : vector<16xf32>
          %add3A_1404 = arith.addf %mul3A_1402, %mul3A_1403 : vector<16xf32>
          %mul3A_1405 = arith.mulf %broadcast_in_dim3A_1401, %get3A_97 : vector<16xf32>
          %add3A_1406 = arith.addf %add3A_1404, %mul3A_1405 : vector<16xf32>
          %swap3A_1407 = arith.constant 1 : i32
          %swap3A_1408 = arith.index_cast %swap3A_1407 : i32 to index
          %swap3A_1409 = arith.index_cast %add3A_1380 : i32 to index
          %swap3A_1410 = arith.constant 0 : index
          %swap3A_1411 = tpu.vector_load %arg8[%swap3A_1408, %swap3A_1409, %swap3A_1410] {strides = array<i32>} : memref<4x128x128xf32, #tpu.memory_space<vmem>>, vector<1x1x16xf32>,
          %swap3A_1412 = vector.shape_cast %swap3A_1411 : vector<1x1x16xf32> to vector<16xf32>
          %swap3A_1413 = vector.shape_cast %add3A_1406 : vector<16xf32> to vector<1x1x16xf32>
          tpu.vector_store %arg8[%swap3A_1408, %swap3A_1409, %swap3A_1410], %swap3A_1413 {strides = array<i32>} : memref<4x128x128xf32, #tpu.memory_space<vmem>>, vector<1x1x16xf32>,
          %mul3A_1414 = arith.mulf %broadcast_in_dim3A_1391, %get3A_22 : vector<16xf32>
          %mul3A_1415 = arith.mulf %broadcast_in_dim3A_1395, %get3A_62 : vector<16xf32>
          %add3A_1416 = arith.addf %mul3A_1414, %mul3A_1415 : vector<16xf32>
          %mul3A_1417 = arith.mulf %broadcast_in_dim3A_1401, %get3A_102 : vector<16xf32>
          %add3A_1418 = arith.addf %add3A_1416, %mul3A_1417 : vector<16xf32>
          %swap3A_1419 = arith.constant 1 : i32
          %swap3A_1420 = arith.index_cast %swap3A_1419 : i32 to index
          %swap3A_1421 = arith.index_cast %add3A_1380 : i32 to index
          %swap3A_1422 = arith.constant 16 : index
          %swap3A_1423 = tpu.vector_load %arg8[%swap3A_1420, %swap3A_1421, %swap3A_1422] {strides = array<i32>} : memref<4x128x128xf32, #tpu.memory_space<vmem>>, vector<1x1x16xf32>,
          %swap3A_1424 = vector.shape_cast %swap3A_1423 : vector<1x1x16xf32> to vector<16xf32>
          %swap3A_1425 = vector.shape_cast %add3A_1418 : vector<16xf32> to vector<1x1x16xf32>
          tpu.vector_store %arg8[%swap3A_1420, %swap3A_1421, %swap3A_1422], %swap3A_1425 {strides = array<i32>} : memref<4x128x128xf32, #tpu.memory_space<vmem>>, vector<1x1x16xf32>,
          %mul3A_1426 = arith.mulf %broadcast_in_dim3A_1391, %get3A_27 : vector<16xf32>
          %mul3A_1427 = arith.mulf %broadcast_in_dim3A_1395, %get3A_67 : vector<16xf32>
          %add3A_1428 = arith.addf %mul3A_1426, %mul3A_1427 : vector<16xf32>
          %mul3A_1429 = arith.mulf %broadcast_in_dim3A_1401, %get3A_107 : vector<16xf32>
          %add3A_1430 = arith.addf %add3A_1428, %mul3A_1429 : vector<16xf32>
          %swap3A_1431 = arith.constant 1 : i32
          %swap3A_1432 = arith.index_cast %swap3A_1431 : i32 to index
          %swap3A_1433 = arith.index_cast %add3A_1380 : i32 to index
          %swap3A_1434 = arith.constant 32 : index
          %swap3A_1435 = tpu.vector_load %arg8[%swap3A_1432, %swap3A_1433, %swap3A_1434] {strides = array<i32>} : memref<4x128x128xf32, #tpu.memory_space<vmem>>, vector<1x1x16xf32>,
          %swap3A_1436 = vector.shape_cast %swap3A_1435 : vector<1x1x16xf32> to vector<16xf32>
          %swap3A_1437 = vector.shape_cast %add3A_1430 : vector<16xf32> to vector<1x1x16xf32>
          tpu.vector_store %arg8[%swap3A_1432, %swap3A_1433, %swap3A_1434], %swap3A_1437 {strides = array<i32>} : memref<4x128x128xf32, #tpu.memory_space<vmem>>, vector<1x1x16xf32>,
          %mul3A_1438 = arith.mulf %broadcast_in_dim3A_1391, %get3A_32 : vector<16xf32>
          %mul3A_1439 = arith.mulf %broadcast_in_dim3A_1395, %get3A_72 : vector<16xf32>
          %add3A_1440 = arith.addf %mul3A_1438, %mul3A_1439 : vector<16xf32>
          %mul3A_1441 = arith.mulf %broadcast_in_dim3A_1401, %get3A_112 : vector<16xf32>
          %add3A_1442 = arith.addf %add3A_1440, %mul3A_1441 : vector<16xf32>
          %swap3A_1443 = arith.constant 1 : i32
          %swap3A_1444 = arith.index_cast %swap3A_1443 : i32 to index
          %swap3A_1445 = arith.index_cast %add3A_1380 : i32 to index
          %swap3A_1446 = arith.constant 48 : index
          %swap3A_1447 = tpu.vector_load %arg8[%swap3A_1444, %swap3A_1445, %swap3A_1446] {strides = array<i32>} : memref<4x128x128xf32, #tpu.memory_space<vmem>>, vector<1x1x16xf32>,
          %swap3A_1448 = vector.shape_cast %swap3A_1447 : vector<1x1x16xf32> to vector<16xf32>
          %swap3A_1449 = vector.shape_cast %add3A_1442 : vector<16xf32> to vector<1x1x16xf32>
          tpu.vector_store %arg8[%swap3A_1444, %swap3A_1445, %swap3A_1446], %swap3A_1449 {strides = array<i32>} : memref<4x128x128xf32, #tpu.memory_space<vmem>>, vector<1x1x16xf32>,
          %mul3A_1450 = arith.mulf %broadcast_in_dim3A_1391, %get3A_37 : vector<16xf32>
          %mul3A_1451 = arith.mulf %broadcast_in_dim3A_1395, %get3A_77 : vector<16xf32>
          %add3A_1452 = arith.addf %mul3A_1450, %mul3A_1451 : vector<16xf32>
          %mul3A_1453 = arith.mulf %broadcast_in_dim3A_1401, %get3A_117 : vector<16xf32>
          %add3A_1454 = arith.addf %add3A_1452, %mul3A_1453 : vector<16xf32>
          %swap3A_1455 = arith.constant 1 : i32
          %swap3A_1456 = arith.index_cast %swap3A_1455 : i32 to index
          %swap3A_1457 = arith.index_cast %add3A_1380 : i32 to index
          %swap3A_1458 = arith.constant 64 : index
          %swap3A_1459 = tpu.vector_load %arg8[%swap3A_1456, %swap3A_1457, %swap3A_1458] {strides = array<i32>} : memref<4x128x128xf32, #tpu.memory_space<vmem>>, vector<1x1x16xf32>,
          %swap3A_1460 = vector.shape_cast %swap3A_1459 : vector<1x1x16xf32> to vector<16xf32>
          %swap3A_1461 = vector.shape_cast %add3A_1454 : vector<16xf32> to vector<1x1x16xf32>
          tpu.vector_store %arg8[%swap3A_1456, %swap3A_1457, %swap3A_1458], %swap3A_1461 {strides = array<i32>} : memref<4x128x128xf32, #tpu.memory_space<vmem>>, vector<1x1x16xf32>,
          %mul3A_1462 = arith.mulf %broadcast_in_dim3A_1391, %get3A_42 : vector<16xf32>
          %mul3A_1463 = arith.mulf %broadcast_in_dim3A_1395, %get3A_82 : vector<16xf32>
          %add3A_1464 = arith.addf %mul3A_1462, %mul3A_1463 : vector<16xf32>
          %mul3A_1465 = arith.mulf %broadcast_in_dim3A_1401, %get3A_122 : vector<16xf32>
          %add3A_1466 = arith.addf %add3A_1464, %mul3A_1465 : vector<16xf32>
          %swap3A_1467 = arith.constant 1 : i32
          %swap3A_1468 = arith.index_cast %swap3A_1467 : i32 to index
          %swap3A_1469 = arith.index_cast %add3A_1380 : i32 to index
          %swap3A_1470 = arith.constant 80 : index
          %swap3A_1471 = tpu.vector_load %arg8[%swap3A_1468, %swap3A_1469, %swap3A_1470] {strides = array<i32>} : memref<4x128x128xf32, #tpu.memory_space<vmem>>, vector<1x1x16xf32>,
          %swap3A_1472 = vector.shape_cast %swap3A_1471 : vector<1x1x16xf32> to vector<16xf32>
          %swap3A_1473 = vector.shape_cast %add3A_1466 : vector<16xf32> to vector<1x1x16xf32>
          tpu.vector_store %arg8[%swap3A_1468, %swap3A_1469, %swap3A_1470], %swap3A_1473 {strides = array<i32>} : memref<4x128x128xf32, #tpu.memory_space<vmem>>, vector<1x1x16xf32>,
          %mul3A_1474 = arith.mulf %broadcast_in_dim3A_1391, %get3A_47 : vector<16xf32>
          %mul3A_1475 = arith.mulf %broadcast_in_dim3A_1395, %get3A_87 : vector<16xf32>
          %add3A_1476 = arith.addf %mul3A_1474, %mul3A_1475 : vector<16xf32>
          %mul3A_1477 = arith.mulf %broadcast_in_dim3A_1401, %get3A_127 : vector<16xf32>
          %add3A_1478 = arith.addf %add3A_1476, %mul3A_1477 : vector<16xf32>
          %swap3A_1479 = arith.constant 1 : i32
          %swap3A_1480 = arith.index_cast %swap3A_1479 : i32 to index
          %swap3A_1481 = arith.index_cast %add3A_1380 : i32 to index
          %swap3A_1482 = arith.constant 96 : index
          %swap3A_1483 = tpu.vector_load %arg8[%swap3A_1480, %swap3A_1481, %swap3A_1482] {strides = array<i32>} : memref<4x128x128xf32, #tpu.memory_space<vmem>>, vector<1x1x16xf32>,
          %swap3A_1484 = vector.shape_cast %swap3A_1483 : vector<1x1x16xf32> to vector<16xf32>
          %swap3A_1485 = vector.shape_cast %add3A_1478 : vector<16xf32> to vector<1x1x16xf32>
          tpu.vector_store %arg8[%swap3A_1480, %swap3A_1481, %swap3A_1482], %swap3A_1485 {strides = array<i32>} : memref<4x128x128xf32, #tpu.memory_space<vmem>>, vector<1x1x16xf32>,
          %mul3A_1486 = arith.mulf %broadcast_in_dim3A_1391, %get3A_52 : vector<16xf32>
          %mul3A_1487 = arith.mulf %broadcast_in_dim3A_1395, %get3A_92 : vector<16xf32>
          %add3A_1488 = arith.addf %mul3A_1486, %mul3A_1487 : vector<16xf32>
          %mul3A_1489 = arith.mulf %broadcast_in_dim3A_1401, %get3A_132 : vector<16xf32>
          %add3A_1490 = arith.addf %add3A_1488, %mul3A_1489 : vector<16xf32>
          %swap3A_1491 = arith.constant 1 : i32
          %swap3A_1492 = arith.index_cast %swap3A_1491 : i32 to index
          %swap3A_1493 = arith.index_cast %add3A_1380 : i32 to index
          %swap3A_1494 = arith.constant 112 : index
          %swap3A_1495 = tpu.vector_load %arg8[%swap3A_1492, %swap3A_1493, %swap3A_1494] {strides = array<i32>} : memref<4x128x128xf32, #tpu.memory_space<vmem>>, vector<1x1x16xf32>,
          %swap3A_1496 = vector.shape_cast %swap3A_1495 : vector<1x1x16xf32> to vector<16xf32>
          %swap3A_1497 = vector.shape_cast %add3A_1490 : vector<16xf32> to vector<1x1x16xf32>
          tpu.vector_store %arg8[%swap3A_1492, %swap3A_1493, %swap3A_1494], %swap3A_1497 {strides = array<i32>} : memref<4x128x128xf32, #tpu.memory_space<vmem>>, vector<1x1x16xf32>,
          %mul3A_1498 = arith.constant 16 : i32
          %mul3A_1499 = arith.muli %scan3A_407, %mul3A_1498 : i32
          %add3A_1500 = arith.constant 9 : i32
          %add3A_1501 = arith.addi %mul3A_1499, %add3A_1500 : i32
          %slice3A_1502 = vector.extract_strided_slice %get3A_413 {offsets = [9], sizes = [1], strides = [1]} : vector<16xi32> to vector<1xi32>
          %squeeze3A_1503 = vector.extract %slice3A_1502[0] : i32 from vector<1xi32>
          %convert_element_type3A_1504 = arith.sitofp %squeeze3A_1503 : i32 to f32
          %sub3A_1505 = arith.constant 1.000000e+00 : f32
          %sub3A_1506 = arith.subf %sub3A_1505, %convert_element_type3A_1504 : f32
          %sub3A_1507 = arith.constant 2.000000e+00 : f32
          %sub3A_1508 = arith.subf %sub3A_1507, %convert_element_type3A_1504 : f32
          %mul3A_1509 = arith.mulf %sub3A_1506, %sub3A_1508 : f32
          %mul3A_1510 = arith.constant 5.000000e-01 : f32
          %mul3A_1511 = arith.mulf %mul3A_1509, %mul3A_1510 : f32
          %broadcast_in_dim3A_1512 = vector.broadcast %mul3A_1511 : f32 to vector<16xf32>
          %sub3A_1513 = arith.constant 2.000000e+00 : f32
          %sub3A_1514 = arith.subf %sub3A_1513, %convert_element_type3A_1504 : f32
          %mul3A_1515 = arith.mulf %convert_element_type3A_1504, %sub3A_1514 : f32
          %broadcast_in_dim3A_1516 = vector.broadcast %mul3A_1515 : f32 to vector<16xf32>
          %sub3A_1517 = arith.constant 1.000000e+00 : f32
          %sub3A_1518 = arith.subf %convert_element_type3A_1504, %sub3A_1517 : f32
          %mul3A_1519 = arith.mulf %convert_element_type3A_1504, %sub3A_1518 : f32
          %mul3A_1520 = arith.constant 5.000000e-01 : f32
          %mul3A_1521 = arith.mulf %mul3A_1519, %mul3A_1520 : f32
          %broadcast_in_dim3A_1522 = vector.broadcast %mul3A_1521 : f32 to vector<16xf32>
          %mul3A_1523 = arith.mulf %broadcast_in_dim3A_1512, %get3A_17 : vector<16xf32>
          %mul3A_1524 = arith.mulf %broadcast_in_dim3A_1516, %get3A_57 : vector<16xf32>
          %add3A_1525 = arith.addf %mul3A_1523, %mul3A_1524 : vector<16xf32>
          %mul3A_1526 = arith.mulf %broadcast_in_dim3A_1522, %get3A_97 : vector<16xf32>
          %add3A_1527 = arith.addf %add3A_1525, %mul3A_1526 : vector<16xf32>
          %swap3A_1528 = arith.constant 1 : i32
          %swap3A_1529 = arith.index_cast %swap3A_1528 : i32 to index
          %swap3A_1530 = arith.index_cast %add3A_1501 : i32 to index
          %swap3A_1531 = arith.constant 0 : index
          %swap3A_1532 = tpu.vector_load %arg8[%swap3A_1529, %swap3A_1530, %swap3A_1531] {strides = array<i32>} : memref<4x128x128xf32, #tpu.memory_space<vmem>>, vector<1x1x16xf32>,
          %swap3A_1533 = vector.shape_cast %swap3A_1532 : vector<1x1x16xf32> to vector<16xf32>
          %swap3A_1534 = vector.shape_cast %add3A_1527 : vector<16xf32> to vector<1x1x16xf32>
          tpu.vector_store %arg8[%swap3A_1529, %swap3A_1530, %swap3A_1531], %swap3A_1534 {strides = array<i32>} : memref<4x128x128xf32, #tpu.memory_space<vmem>>, vector<1x1x16xf32>,
          %mul3A_1535 = arith.mulf %broadcast_in_dim3A_1512, %get3A_22 : vector<16xf32>
          %mul3A_1536 = arith.mulf %broadcast_in_dim3A_1516, %get3A_62 : vector<16xf32>
          %add3A_1537 = arith.addf %mul3A_1535, %mul3A_1536 : vector<16xf32>
          %mul3A_1538 = arith.mulf %broadcast_in_dim3A_1522, %get3A_102 : vector<16xf32>
          %add3A_1539 = arith.addf %add3A_1537, %mul3A_1538 : vector<16xf32>
          %swap3A_1540 = arith.constant 1 : i32
          %swap3A_1541 = arith.index_cast %swap3A_1540 : i32 to index
          %swap3A_1542 = arith.index_cast %add3A_1501 : i32 to index
          %swap3A_1543 = arith.constant 16 : index
          %swap3A_1544 = tpu.vector_load %arg8[%swap3A_1541, %swap3A_1542, %swap3A_1543] {strides = array<i32>} : memref<4x128x128xf32, #tpu.memory_space<vmem>>, vector<1x1x16xf32>,
          %swap3A_1545 = vector.shape_cast %swap3A_1544 : vector<1x1x16xf32> to vector<16xf32>
          %swap3A_1546 = vector.shape_cast %add3A_1539 : vector<16xf32> to vector<1x1x16xf32>
          tpu.vector_store %arg8[%swap3A_1541, %swap3A_1542, %swap3A_1543], %swap3A_1546 {strides = array<i32>} : memref<4x128x128xf32, #tpu.memory_space<vmem>>, vector<1x1x16xf32>,
          %mul3A_1547 = arith.mulf %broadcast_in_dim3A_1512, %get3A_27 : vector<16xf32>
          %mul3A_1548 = arith.mulf %broadcast_in_dim3A_1516, %get3A_67 : vector<16xf32>
          %add3A_1549 = arith.addf %mul3A_1547, %mul3A_1548 : vector<16xf32>
          %mul3A_1550 = arith.mulf %broadcast_in_dim3A_1522, %get3A_107 : vector<16xf32>
          %add3A_1551 = arith.addf %add3A_1549, %mul3A_1550 : vector<16xf32>
          %swap3A_1552 = arith.constant 1 : i32
          %swap3A_1553 = arith.index_cast %swap3A_1552 : i32 to index
          %swap3A_1554 = arith.index_cast %add3A_1501 : i32 to index
          %swap3A_1555 = arith.constant 32 : index
          %swap3A_1556 = tpu.vector_load %arg8[%swap3A_1553, %swap3A_1554, %swap3A_1555] {strides = array<i32>} : memref<4x128x128xf32, #tpu.memory_space<vmem>>, vector<1x1x16xf32>,
          %swap3A_1557 = vector.shape_cast %swap3A_1556 : vector<1x1x16xf32> to vector<16xf32>
          %swap3A_1558 = vector.shape_cast %add3A_1551 : vector<16xf32> to vector<1x1x16xf32>
          tpu.vector_store %arg8[%swap3A_1553, %swap3A_1554, %swap3A_1555], %swap3A_1558 {strides = array<i32>} : memref<4x128x128xf32, #tpu.memory_space<vmem>>, vector<1x1x16xf32>,
          %mul3A_1559 = arith.mulf %broadcast_in_dim3A_1512, %get3A_32 : vector<16xf32>
          %mul3A_1560 = arith.mulf %broadcast_in_dim3A_1516, %get3A_72 : vector<16xf32>
          %add3A_1561 = arith.addf %mul3A_1559, %mul3A_1560 : vector<16xf32>
          %mul3A_1562 = arith.mulf %broadcast_in_dim3A_1522, %get3A_112 : vector<16xf32>
          %add3A_1563 = arith.addf %add3A_1561, %mul3A_1562 : vector<16xf32>
          %swap3A_1564 = arith.constant 1 : i32
          %swap3A_1565 = arith.index_cast %swap3A_1564 : i32 to index
          %swap3A_1566 = arith.index_cast %add3A_1501 : i32 to index
          %swap3A_1567 = arith.constant 48 : index
          %swap3A_1568 = tpu.vector_load %arg8[%swap3A_1565, %swap3A_1566, %swap3A_1567] {strides = array<i32>} : memref<4x128x128xf32, #tpu.memory_space<vmem>>, vector<1x1x16xf32>,
          %swap3A_1569 = vector.shape_cast %swap3A_1568 : vector<1x1x16xf32> to vector<16xf32>
          %swap3A_1570 = vector.shape_cast %add3A_1563 : vector<16xf32> to vector<1x1x16xf32>
          tpu.vector_store %arg8[%swap3A_1565, %swap3A_1566, %swap3A_1567], %swap3A_1570 {strides = array<i32>} : memref<4x128x128xf32, #tpu.memory_space<vmem>>, vector<1x1x16xf32>,
          %mul3A_1571 = arith.mulf %broadcast_in_dim3A_1512, %get3A_37 : vector<16xf32>
          %mul3A_1572 = arith.mulf %broadcast_in_dim3A_1516, %get3A_77 : vector<16xf32>
          %add3A_1573 = arith.addf %mul3A_1571, %mul3A_1572 : vector<16xf32>
          %mul3A_1574 = arith.mulf %broadcast_in_dim3A_1522, %get3A_117 : vector<16xf32>
          %add3A_1575 = arith.addf %add3A_1573, %mul3A_1574 : vector<16xf32>
          %swap3A_1576 = arith.constant 1 : i32
          %swap3A_1577 = arith.index_cast %swap3A_1576 : i32 to index
          %swap3A_1578 = arith.index_cast %add3A_1501 : i32 to index
          %swap3A_1579 = arith.constant 64 : index
          %swap3A_1580 = tpu.vector_load %arg8[%swap3A_1577, %swap3A_1578, %swap3A_1579] {strides = array<i32>} : memref<4x128x128xf32, #tpu.memory_space<vmem>>, vector<1x1x16xf32>,
          %swap3A_1581 = vector.shape_cast %swap3A_1580 : vector<1x1x16xf32> to vector<16xf32>
          %swap3A_1582 = vector.shape_cast %add3A_1575 : vector<16xf32> to vector<1x1x16xf32>
          tpu.vector_store %arg8[%swap3A_1577, %swap3A_1578, %swap3A_1579], %swap3A_1582 {strides = array<i32>} : memref<4x128x128xf32, #tpu.memory_space<vmem>>, vector<1x1x16xf32>,
          %mul3A_1583 = arith.mulf %broadcast_in_dim3A_1512, %get3A_42 : vector<16xf32>
          %mul3A_1584 = arith.mulf %broadcast_in_dim3A_1516, %get3A_82 : vector<16xf32>
          %add3A_1585 = arith.addf %mul3A_1583, %mul3A_1584 : vector<16xf32>
          %mul3A_1586 = arith.mulf %broadcast_in_dim3A_1522, %get3A_122 : vector<16xf32>
          %add3A_1587 = arith.addf %add3A_1585, %mul3A_1586 : vector<16xf32>
          %swap3A_1588 = arith.constant 1 : i32
          %swap3A_1589 = arith.index_cast %swap3A_1588 : i32 to index
          %swap3A_1590 = arith.index_cast %add3A_1501 : i32 to index
          %swap3A_1591 = arith.constant 80 : index
          %swap3A_1592 = tpu.vector_load %arg8[%swap3A_1589, %swap3A_1590, %swap3A_1591] {strides = array<i32>} : memref<4x128x128xf32, #tpu.memory_space<vmem>>, vector<1x1x16xf32>,
          %swap3A_1593 = vector.shape_cast %swap3A_1592 : vector<1x1x16xf32> to vector<16xf32>
          %swap3A_1594 = vector.shape_cast %add3A_1587 : vector<16xf32> to vector<1x1x16xf32>
          tpu.vector_store %arg8[%swap3A_1589, %swap3A_1590, %swap3A_1591], %swap3A_1594 {strides = array<i32>} : memref<4x128x128xf32, #tpu.memory_space<vmem>>, vector<1x1x16xf32>,
          %mul3A_1595 = arith.mulf %broadcast_in_dim3A_1512, %get3A_47 : vector<16xf32>
          %mul3A_1596 = arith.mulf %broadcast_in_dim3A_1516, %get3A_87 : vector<16xf32>
          %add3A_1597 = arith.addf %mul3A_1595, %mul3A_1596 : vector<16xf32>
          %mul3A_1598 = arith.mulf %broadcast_in_dim3A_1522, %get3A_127 : vector<16xf32>
          %add3A_1599 = arith.addf %add3A_1597, %mul3A_1598 : vector<16xf32>
          %swap3A_1600 = arith.constant 1 : i32
          %swap3A_1601 = arith.index_cast %swap3A_1600 : i32 to index
          %swap3A_1602 = arith.index_cast %add3A_1501 : i32 to index
          %swap3A_1603 = arith.constant 96 : index
          %swap3A_1604 = tpu.vector_load %arg8[%swap3A_1601, %swap3A_1602, %swap3A_1603] {strides = array<i32>} : memref<4x128x128xf32, #tpu.memory_space<vmem>>, vector<1x1x16xf32>,
          %swap3A_1605 = vector.shape_cast %swap3A_1604 : vector<1x1x16xf32> to vector<16xf32>
          %swap3A_1606 = vector.shape_cast %add3A_1599 : vector<16xf32> to vector<1x1x16xf32>
          tpu.vector_store %arg8[%swap3A_1601, %swap3A_1602, %swap3A_1603], %swap3A_1606 {strides = array<i32>} : memref<4x128x128xf32, #tpu.memory_space<vmem>>, vector<1x1x16xf32>,
          %mul3A_1607 = arith.mulf %broadcast_in_dim3A_1512, %get3A_52 : vector<16xf32>
          %mul3A_1608 = arith.mulf %broadcast_in_dim3A_1516, %get3A_92 : vector<16xf32>
          %add3A_1609 = arith.addf %mul3A_1607, %mul3A_1608 : vector<16xf32>
          %mul3A_1610 = arith.mulf %broadcast_in_dim3A_1522, %get3A_132 : vector<16xf32>
          %add3A_1611 = arith.addf %add3A_1609, %mul3A_1610 : vector<16xf32>
          %swap3A_1612 = arith.constant 1 : i32
          %swap3A_1613 = arith.index_cast %swap3A_1612 : i32 to index
          %swap3A_1614 = arith.index_cast %add3A_1501 : i32 to index
          %swap3A_1615 = arith.constant 112 : index
          %swap3A_1616 = tpu.vector_load %arg8[%swap3A_1613, %swap3A_1614, %swap3A_1615] {strides = array<i32>} : memref<4x128x128xf32, #tpu.memory_space<vmem>>, vector<1x1x16xf32>,
          %swap3A_1617 = vector.shape_cast %swap3A_1616 : vector<1x1x16xf32> to vector<16xf32>
          %swap3A_1618 = vector.shape_cast %add3A_1611 : vector<16xf32> to vector<1x1x16xf32>
          tpu.vector_store %arg8[%swap3A_1613, %swap3A_1614, %swap3A_1615], %swap3A_1618 {strides = array<i32>} : memref<4x128x128xf32, #tpu.memory_space<vmem>>, vector<1x1x16xf32>,
          %mul3A_1619 = arith.constant 16 : i32
          %mul3A_1620 = arith.muli %scan3A_407, %mul3A_1619 : i32
          %add3A_1621 = arith.constant 10 : i32
          %add3A_1622 = arith.addi %mul3A_1620, %add3A_1621 : i32
          %slice3A_1623 = vector.extract_strided_slice %get3A_413 {offsets = [10], sizes = [1], strides = [1]} : vector<16xi32> to vector<1xi32>
          %squeeze3A_1624 = vector.extract %slice3A_1623[0] : i32 from vector<1xi32>
          %convert_element_type3A_1625 = arith.sitofp %squeeze3A_1624 : i32 to f32
          %sub3A_1626 = arith.constant 1.000000e+00 : f32
          %sub3A_1627 = arith.subf %sub3A_1626, %convert_element_type3A_1625 : f32
          %sub3A_1628 = arith.constant 2.000000e+00 : f32
          %sub3A_1629 = arith.subf %sub3A_1628, %convert_element_type3A_1625 : f32
          %mul3A_1630 = arith.mulf %sub3A_1627, %sub3A_1629 : f32
          %mul3A_1631 = arith.constant 5.000000e-01 : f32
          %mul3A_1632 = arith.mulf %mul3A_1630, %mul3A_1631 : f32
          %broadcast_in_dim3A_1633 = vector.broadcast %mul3A_1632 : f32 to vector<16xf32>
          %sub3A_1634 = arith.constant 2.000000e+00 : f32
          %sub3A_1635 = arith.subf %sub3A_1634, %convert_element_type3A_1625 : f32
          %mul3A_1636 = arith.mulf %convert_element_type3A_1625, %sub3A_1635 : f32
          %broadcast_in_dim3A_1637 = vector.broadcast %mul3A_1636 : f32 to vector<16xf32>
          %sub3A_1638 = arith.constant 1.000000e+00 : f32
          %sub3A_1639 = arith.subf %convert_element_type3A_1625, %sub3A_1638 : f32
          %mul3A_1640 = arith.mulf %convert_element_type3A_1625, %sub3A_1639 : f32
          %mul3A_1641 = arith.constant 5.000000e-01 : f32
          %mul3A_1642 = arith.mulf %mul3A_1640, %mul3A_1641 : f32
          %broadcast_in_dim3A_1643 = vector.broadcast %mul3A_1642 : f32 to vector<16xf32>
          %mul3A_1644 = arith.mulf %broadcast_in_dim3A_1633, %get3A_17 : vector<16xf32>
          %mul3A_1645 = arith.mulf %broadcast_in_dim3A_1637, %get3A_57 : vector<16xf32>
          %add3A_1646 = arith.addf %mul3A_1644, %mul3A_1645 : vector<16xf32>
          %mul3A_1647 = arith.mulf %broadcast_in_dim3A_1643, %get3A_97 : vector<16xf32>
          %add3A_1648 = arith.addf %add3A_1646, %mul3A_1647 : vector<16xf32>
          %swap3A_1649 = arith.constant 1 : i32
          %swap3A_1650 = arith.index_cast %swap3A_1649 : i32 to index
          %swap3A_1651 = arith.index_cast %add3A_1622 : i32 to index
          %swap3A_1652 = arith.constant 0 : index
          %swap3A_1653 = tpu.vector_load %arg8[%swap3A_1650, %swap3A_1651, %swap3A_1652] {strides = array<i32>} : memref<4x128x128xf32, #tpu.memory_space<vmem>>, vector<1x1x16xf32>,
          %swap3A_1654 = vector.shape_cast %swap3A_1653 : vector<1x1x16xf32> to vector<16xf32>
          %swap3A_1655 = vector.shape_cast %add3A_1648 : vector<16xf32> to vector<1x1x16xf32>
          tpu.vector_store %arg8[%swap3A_1650, %swap3A_1651, %swap3A_1652], %swap3A_1655 {strides = array<i32>} : memref<4x128x128xf32, #tpu.memory_space<vmem>>, vector<1x1x16xf32>,
          %mul3A_1656 = arith.mulf %broadcast_in_dim3A_1633, %get3A_22 : vector<16xf32>
          %mul3A_1657 = arith.mulf %broadcast_in_dim3A_1637, %get3A_62 : vector<16xf32>
          %add3A_1658 = arith.addf %mul3A_1656, %mul3A_1657 : vector<16xf32>
          %mul3A_1659 = arith.mulf %broadcast_in_dim3A_1643, %get3A_102 : vector<16xf32>
          %add3A_1660 = arith.addf %add3A_1658, %mul3A_1659 : vector<16xf32>
          %swap3A_1661 = arith.constant 1 : i32
          %swap3A_1662 = arith.index_cast %swap3A_1661 : i32 to index
          %swap3A_1663 = arith.index_cast %add3A_1622 : i32 to index
          %swap3A_1664 = arith.constant 16 : index
          %swap3A_1665 = tpu.vector_load %arg8[%swap3A_1662, %swap3A_1663, %swap3A_1664] {strides = array<i32>} : memref<4x128x128xf32, #tpu.memory_space<vmem>>, vector<1x1x16xf32>,
          %swap3A_1666 = vector.shape_cast %swap3A_1665 : vector<1x1x16xf32> to vector<16xf32>
          %swap3A_1667 = vector.shape_cast %add3A_1660 : vector<16xf32> to vector<1x1x16xf32>
          tpu.vector_store %arg8[%swap3A_1662, %swap3A_1663, %swap3A_1664], %swap3A_1667 {strides = array<i32>} : memref<4x128x128xf32, #tpu.memory_space<vmem>>, vector<1x1x16xf32>,
          %mul3A_1668 = arith.mulf %broadcast_in_dim3A_1633, %get3A_27 : vector<16xf32>
          %mul3A_1669 = arith.mulf %broadcast_in_dim3A_1637, %get3A_67 : vector<16xf32>
          %add3A_1670 = arith.addf %mul3A_1668, %mul3A_1669 : vector<16xf32>
          %mul3A_1671 = arith.mulf %broadcast_in_dim3A_1643, %get3A_107 : vector<16xf32>
          %add3A_1672 = arith.addf %add3A_1670, %mul3A_1671 : vector<16xf32>
          %swap3A_1673 = arith.constant 1 : i32
          %swap3A_1674 = arith.index_cast %swap3A_1673 : i32 to index
          %swap3A_1675 = arith.index_cast %add3A_1622 : i32 to index
          %swap3A_1676 = arith.constant 32 : index
          %swap3A_1677 = tpu.vector_load %arg8[%swap3A_1674, %swap3A_1675, %swap3A_1676] {strides = array<i32>} : memref<4x128x128xf32, #tpu.memory_space<vmem>>, vector<1x1x16xf32>,
          %swap3A_1678 = vector.shape_cast %swap3A_1677 : vector<1x1x16xf32> to vector<16xf32>
          %swap3A_1679 = vector.shape_cast %add3A_1672 : vector<16xf32> to vector<1x1x16xf32>
          tpu.vector_store %arg8[%swap3A_1674, %swap3A_1675, %swap3A_1676], %swap3A_1679 {strides = array<i32>} : memref<4x128x128xf32, #tpu.memory_space<vmem>>, vector<1x1x16xf32>,
          %mul3A_1680 = arith.mulf %broadcast_in_dim3A_1633, %get3A_32 : vector<16xf32>
          %mul3A_1681 = arith.mulf %broadcast_in_dim3A_1637, %get3A_72 : vector<16xf32>
          %add3A_1682 = arith.addf %mul3A_1680, %mul3A_1681 : vector<16xf32>
          %mul3A_1683 = arith.mulf %broadcast_in_dim3A_1643, %get3A_112 : vector<16xf32>
          %add3A_1684 = arith.addf %add3A_1682, %mul3A_1683 : vector<16xf32>
          %swap3A_1685 = arith.constant 1 : i32
          %swap3A_1686 = arith.index_cast %swap3A_1685 : i32 to index
          %swap3A_1687 = arith.index_cast %add3A_1622 : i32 to index
          %swap3A_1688 = arith.constant 48 : index
          %swap3A_1689 = tpu.vector_load %arg8[%swap3A_1686, %swap3A_1687, %swap3A_1688] {strides = array<i32>} : memref<4x128x128xf32, #tpu.memory_space<vmem>>, vector<1x1x16xf32>,
          %swap3A_1690 = vector.shape_cast %swap3A_1689 : vector<1x1x16xf32> to vector<16xf32>
          %swap3A_1691 = vector.shape_cast %add3A_1684 : vector<16xf32> to vector<1x1x16xf32>
          tpu.vector_store %arg8[%swap3A_1686, %swap3A_1687, %swap3A_1688], %swap3A_1691 {strides = array<i32>} : memref<4x128x128xf32, #tpu.memory_space<vmem>>, vector<1x1x16xf32>,
          %mul3A_1692 = arith.mulf %broadcast_in_dim3A_1633, %get3A_37 : vector<16xf32>
          %mul3A_1693 = arith.mulf %broadcast_in_dim3A_1637, %get3A_77 : vector<16xf32>
          %add3A_1694 = arith.addf %mul3A_1692, %mul3A_1693 : vector<16xf32>
          %mul3A_1695 = arith.mulf %broadcast_in_dim3A_1643, %get3A_117 : vector<16xf32>
          %add3A_1696 = arith.addf %add3A_1694, %mul3A_1695 : vector<16xf32>
          %swap3A_1697 = arith.constant 1 : i32
          %swap3A_1698 = arith.index_cast %swap3A_1697 : i32 to index
          %swap3A_1699 = arith.index_cast %add3A_1622 : i32 to index
          %swap3A_1700 = arith.constant 64 : index
          %swap3A_1701 = tpu.vector_load %arg8[%swap3A_1698, %swap3A_1699, %swap3A_1700] {strides = array<i32>} : memref<4x128x128xf32, #tpu.memory_space<vmem>>, vector<1x1x16xf32>,
          %swap3A_1702 = vector.shape_cast %swap3A_1701 : vector<1x1x16xf32> to vector<16xf32>
          %swap3A_1703 = vector.shape_cast %add3A_1696 : vector<16xf32> to vector<1x1x16xf32>
          tpu.vector_store %arg8[%swap3A_1698, %swap3A_1699, %swap3A_1700], %swap3A_1703 {strides = array<i32>} : memref<4x128x128xf32, #tpu.memory_space<vmem>>, vector<1x1x16xf32>,
          %mul3A_1704 = arith.mulf %broadcast_in_dim3A_1633, %get3A_42 : vector<16xf32>
          %mul3A_1705 = arith.mulf %broadcast_in_dim3A_1637, %get3A_82 : vector<16xf32>
          %add3A_1706 = arith.addf %mul3A_1704, %mul3A_1705 : vector<16xf32>
          %mul3A_1707 = arith.mulf %broadcast_in_dim3A_1643, %get3A_122 : vector<16xf32>
          %add3A_1708 = arith.addf %add3A_1706, %mul3A_1707 : vector<16xf32>
          %swap3A_1709 = arith.constant 1 : i32
          %swap3A_1710 = arith.index_cast %swap3A_1709 : i32 to index
          %swap3A_1711 = arith.index_cast %add3A_1622 : i32 to index
          %swap3A_1712 = arith.constant 80 : index
          %swap3A_1713 = tpu.vector_load %arg8[%swap3A_1710, %swap3A_1711, %swap3A_1712] {strides = array<i32>} : memref<4x128x128xf32, #tpu.memory_space<vmem>>, vector<1x1x16xf32>,
          %swap3A_1714 = vector.shape_cast %swap3A_1713 : vector<1x1x16xf32> to vector<16xf32>
          %swap3A_1715 = vector.shape_cast %add3A_1708 : vector<16xf32> to vector<1x1x16xf32>
          tpu.vector_store %arg8[%swap3A_1710, %swap3A_1711, %swap3A_1712], %swap3A_1715 {strides = array<i32>} : memref<4x128x128xf32, #tpu.memory_space<vmem>>, vector<1x1x16xf32>,
          %mul3A_1716 = arith.mulf %broadcast_in_dim3A_1633, %get3A_47 : vector<16xf32>
          %mul3A_1717 = arith.mulf %broadcast_in_dim3A_1637, %get3A_87 : vector<16xf32>
          %add3A_1718 = arith.addf %mul3A_1716, %mul3A_1717 : vector<16xf32>
          %mul3A_1719 = arith.mulf %broadcast_in_dim3A_1643, %get3A_127 : vector<16xf32>
          %add3A_1720 = arith.addf %add3A_1718, %mul3A_1719 : vector<16xf32>
          %swap3A_1721 = arith.constant 1 : i32
          %swap3A_1722 = arith.index_cast %swap3A_1721 : i32 to index
          %swap3A_1723 = arith.index_cast %add3A_1622 : i32 to index
          %swap3A_1724 = arith.constant 96 : index
          %swap3A_1725 = tpu.vector_load %arg8[%swap3A_1722, %swap3A_1723, %swap3A_1724] {strides = array<i32>} : memref<4x128x128xf32, #tpu.memory_space<vmem>>, vector<1x1x16xf32>,
          %swap3A_1726 = vector.shape_cast %swap3A_1725 : vector<1x1x16xf32> to vector<16xf32>
          %swap3A_1727 = vector.shape_cast %add3A_1720 : vector<16xf32> to vector<1x1x16xf32>
          tpu.vector_store %arg8[%swap3A_1722, %swap3A_1723, %swap3A_1724], %swap3A_1727 {strides = array<i32>} : memref<4x128x128xf32, #tpu.memory_space<vmem>>, vector<1x1x16xf32>,
          %mul3A_1728 = arith.mulf %broadcast_in_dim3A_1633, %get3A_52 : vector<16xf32>
          %mul3A_1729 = arith.mulf %broadcast_in_dim3A_1637, %get3A_92 : vector<16xf32>
          %add3A_1730 = arith.addf %mul3A_1728, %mul3A_1729 : vector<16xf32>
          %mul3A_1731 = arith.mulf %broadcast_in_dim3A_1643, %get3A_132 : vector<16xf32>
          %add3A_1732 = arith.addf %add3A_1730, %mul3A_1731 : vector<16xf32>
          %swap3A_1733 = arith.constant 1 : i32
          %swap3A_1734 = arith.index_cast %swap3A_1733 : i32 to index
          %swap3A_1735 = arith.index_cast %add3A_1622 : i32 to index
          %swap3A_1736 = arith.constant 112 : index
          %swap3A_1737 = tpu.vector_load %arg8[%swap3A_1734, %swap3A_1735, %swap3A_1736] {strides = array<i32>} : memref<4x128x128xf32, #tpu.memory_space<vmem>>, vector<1x1x16xf32>,
          %swap3A_1738 = vector.shape_cast %swap3A_1737 : vector<1x1x16xf32> to vector<16xf32>
          %swap3A_1739 = vector.shape_cast %add3A_1732 : vector<16xf32> to vector<1x1x16xf32>
          tpu.vector_store %arg8[%swap3A_1734, %swap3A_1735, %swap3A_1736], %swap3A_1739 {strides = array<i32>} : memref<4x128x128xf32, #tpu.memory_space<vmem>>, vector<1x1x16xf32>,
          %mul3A_1740 = arith.constant 16 : i32
          %mul3A_1741 = arith.muli %scan3A_407, %mul3A_1740 : i32
          %add3A_1742 = arith.constant 11 : i32
          %add3A_1743 = arith.addi %mul3A_1741, %add3A_1742 : i32
          %slice3A_1744 = vector.extract_strided_slice %get3A_413 {offsets = [11], sizes = [1], strides = [1]} : vector<16xi32> to vector<1xi32>
          %squeeze3A_1745 = vector.extract %slice3A_1744[0] : i32 from vector<1xi32>
          %convert_element_type3A_1746 = arith.sitofp %squeeze3A_1745 : i32 to f32
          %sub3A_1747 = arith.constant 1.000000e+00 : f32
          %sub3A_1748 = arith.subf %sub3A_1747, %convert_element_type3A_1746 : f32
          %sub3A_1749 = arith.constant 2.000000e+00 : f32
          %sub3A_1750 = arith.subf %sub3A_1749, %convert_element_type3A_1746 : f32
          %mul3A_1751 = arith.mulf %sub3A_1748, %sub3A_1750 : f32
          %mul3A_1752 = arith.constant 5.000000e-01 : f32
          %mul3A_1753 = arith.mulf %mul3A_1751, %mul3A_1752 : f32
          %broadcast_in_dim3A_1754 = vector.broadcast %mul3A_1753 : f32 to vector<16xf32>
          %sub3A_1755 = arith.constant 2.000000e+00 : f32
          %sub3A_1756 = arith.subf %sub3A_1755, %convert_element_type3A_1746 : f32
          %mul3A_1757 = arith.mulf %convert_element_type3A_1746, %sub3A_1756 : f32
          %broadcast_in_dim3A_1758 = vector.broadcast %mul3A_1757 : f32 to vector<16xf32>
          %sub3A_1759 = arith.constant 1.000000e+00 : f32
          %sub3A_1760 = arith.subf %convert_element_type3A_1746, %sub3A_1759 : f32
          %mul3A_1761 = arith.mulf %convert_element_type3A_1746, %sub3A_1760 : f32
          %mul3A_1762 = arith.constant 5.000000e-01 : f32
          %mul3A_1763 = arith.mulf %mul3A_1761, %mul3A_1762 : f32
          %broadcast_in_dim3A_1764 = vector.broadcast %mul3A_1763 : f32 to vector<16xf32>
          %mul3A_1765 = arith.mulf %broadcast_in_dim3A_1754, %get3A_17 : vector<16xf32>
          %mul3A_1766 = arith.mulf %broadcast_in_dim3A_1758, %get3A_57 : vector<16xf32>
          %add3A_1767 = arith.addf %mul3A_1765, %mul3A_1766 : vector<16xf32>
          %mul3A_1768 = arith.mulf %broadcast_in_dim3A_1764, %get3A_97 : vector<16xf32>
          %add3A_1769 = arith.addf %add3A_1767, %mul3A_1768 : vector<16xf32>
          %swap3A_1770 = arith.constant 1 : i32
          %swap3A_1771 = arith.index_cast %swap3A_1770 : i32 to index
          %swap3A_1772 = arith.index_cast %add3A_1743 : i32 to index
          %swap3A_1773 = arith.constant 0 : index
          %swap3A_1774 = tpu.vector_load %arg8[%swap3A_1771, %swap3A_1772, %swap3A_1773] {strides = array<i32>} : memref<4x128x128xf32, #tpu.memory_space<vmem>>, vector<1x1x16xf32>,
          %swap3A_1775 = vector.shape_cast %swap3A_1774 : vector<1x1x16xf32> to vector<16xf32>
          %swap3A_1776 = vector.shape_cast %add3A_1769 : vector<16xf32> to vector<1x1x16xf32>
          tpu.vector_store %arg8[%swap3A_1771, %swap3A_1772, %swap3A_1773], %swap3A_1776 {strides = array<i32>} : memref<4x128x128xf32, #tpu.memory_space<vmem>>, vector<1x1x16xf32>,
          %mul3A_1777 = arith.mulf %broadcast_in_dim3A_1754, %get3A_22 : vector<16xf32>
          %mul3A_1778 = arith.mulf %broadcast_in_dim3A_1758, %get3A_62 : vector<16xf32>
          %add3A_1779 = arith.addf %mul3A_1777, %mul3A_1778 : vector<16xf32>
          %mul3A_1780 = arith.mulf %broadcast_in_dim3A_1764, %get3A_102 : vector<16xf32>
          %add3A_1781 = arith.addf %add3A_1779, %mul3A_1780 : vector<16xf32>
          %swap3A_1782 = arith.constant 1 : i32
          %swap3A_1783 = arith.index_cast %swap3A_1782 : i32 to index
          %swap3A_1784 = arith.index_cast %add3A_1743 : i32 to index
          %swap3A_1785 = arith.constant 16 : index
          %swap3A_1786 = tpu.vector_load %arg8[%swap3A_1783, %swap3A_1784, %swap3A_1785] {strides = array<i32>} : memref<4x128x128xf32, #tpu.memory_space<vmem>>, vector<1x1x16xf32>,
          %swap3A_1787 = vector.shape_cast %swap3A_1786 : vector<1x1x16xf32> to vector<16xf32>
          %swap3A_1788 = vector.shape_cast %add3A_1781 : vector<16xf32> to vector<1x1x16xf32>
          tpu.vector_store %arg8[%swap3A_1783, %swap3A_1784, %swap3A_1785], %swap3A_1788 {strides = array<i32>} : memref<4x128x128xf32, #tpu.memory_space<vmem>>, vector<1x1x16xf32>,
          %mul3A_1789 = arith.mulf %broadcast_in_dim3A_1754, %get3A_27 : vector<16xf32>
          %mul3A_1790 = arith.mulf %broadcast_in_dim3A_1758, %get3A_67 : vector<16xf32>
          %add3A_1791 = arith.addf %mul3A_1789, %mul3A_1790 : vector<16xf32>
          %mul3A_1792 = arith.mulf %broadcast_in_dim3A_1764, %get3A_107 : vector<16xf32>
          %add3A_1793 = arith.addf %add3A_1791, %mul3A_1792 : vector<16xf32>
          %swap3A_1794 = arith.constant 1 : i32
          %swap3A_1795 = arith.index_cast %swap3A_1794 : i32 to index
          %swap3A_1796 = arith.index_cast %add3A_1743 : i32 to index
          %swap3A_1797 = arith.constant 32 : index
          %swap3A_1798 = tpu.vector_load %arg8[%swap3A_1795, %swap3A_1796, %swap3A_1797] {strides = array<i32>} : memref<4x128x128xf32, #tpu.memory_space<vmem>>, vector<1x1x16xf32>,
          %swap3A_1799 = vector.shape_cast %swap3A_1798 : vector<1x1x16xf32> to vector<16xf32>
          %swap3A_1800 = vector.shape_cast %add3A_1793 : vector<16xf32> to vector<1x1x16xf32>
          tpu.vector_store %arg8[%swap3A_1795, %swap3A_1796, %swap3A_1797], %swap3A_1800 {strides = array<i32>} : memref<4x128x128xf32, #tpu.memory_space<vmem>>, vector<1x1x16xf32>,
          %mul3A_1801 = arith.mulf %broadcast_in_dim3A_1754, %get3A_32 : vector<16xf32>
          %mul3A_1802 = arith.mulf %broadcast_in_dim3A_1758, %get3A_72 : vector<16xf32>
          %add3A_1803 = arith.addf %mul3A_1801, %mul3A_1802 : vector<16xf32>
          %mul3A_1804 = arith.mulf %broadcast_in_dim3A_1764, %get3A_112 : vector<16xf32>
          %add3A_1805 = arith.addf %add3A_1803, %mul3A_1804 : vector<16xf32>
          %swap3A_1806 = arith.constant 1 : i32
          %swap3A_1807 = arith.index_cast %swap3A_1806 : i32 to index
          %swap3A_1808 = arith.index_cast %add3A_1743 : i32 to index
          %swap3A_1809 = arith.constant 48 : index
          %swap3A_1810 = tpu.vector_load %arg8[%swap3A_1807, %swap3A_1808, %swap3A_1809] {strides = array<i32>} : memref<4x128x128xf32, #tpu.memory_space<vmem>>, vector<1x1x16xf32>,
          %swap3A_1811 = vector.shape_cast %swap3A_1810 : vector<1x1x16xf32> to vector<16xf32>
          %swap3A_1812 = vector.shape_cast %add3A_1805 : vector<16xf32> to vector<1x1x16xf32>
          tpu.vector_store %arg8[%swap3A_1807, %swap3A_1808, %swap3A_1809], %swap3A_1812 {strides = array<i32>} : memref<4x128x128xf32, #tpu.memory_space<vmem>>, vector<1x1x16xf32>,
          %mul3A_1813 = arith.mulf %broadcast_in_dim3A_1754, %get3A_37 : vector<16xf32>
          %mul3A_1814 = arith.mulf %broadcast_in_dim3A_1758, %get3A_77 : vector<16xf32>
          %add3A_1815 = arith.addf %mul3A_1813, %mul3A_1814 : vector<16xf32>
          %mul3A_1816 = arith.mulf %broadcast_in_dim3A_1764, %get3A_117 : vector<16xf32>
          %add3A_1817 = arith.addf %add3A_1815, %mul3A_1816 : vector<16xf32>
          %swap3A_1818 = arith.constant 1 : i32
          %swap3A_1819 = arith.index_cast %swap3A_1818 : i32 to index
          %swap3A_1820 = arith.index_cast %add3A_1743 : i32 to index
          %swap3A_1821 = arith.constant 64 : index
          %swap3A_1822 = tpu.vector_load %arg8[%swap3A_1819, %swap3A_1820, %swap3A_1821] {strides = array<i32>} : memref<4x128x128xf32, #tpu.memory_space<vmem>>, vector<1x1x16xf32>,
          %swap3A_1823 = vector.shape_cast %swap3A_1822 : vector<1x1x16xf32> to vector<16xf32>
          %swap3A_1824 = vector.shape_cast %add3A_1817 : vector<16xf32> to vector<1x1x16xf32>
          tpu.vector_store %arg8[%swap3A_1819, %swap3A_1820, %swap3A_1821], %swap3A_1824 {strides = array<i32>} : memref<4x128x128xf32, #tpu.memory_space<vmem>>, vector<1x1x16xf32>,
          %mul3A_1825 = arith.mulf %broadcast_in_dim3A_1754, %get3A_42 : vector<16xf32>
          %mul3A_1826 = arith.mulf %broadcast_in_dim3A_1758, %get3A_82 : vector<16xf32>
          %add3A_1827 = arith.addf %mul3A_1825, %mul3A_1826 : vector<16xf32>
          %mul3A_1828 = arith.mulf %broadcast_in_dim3A_1764, %get3A_122 : vector<16xf32>
          %add3A_1829 = arith.addf %add3A_1827, %mul3A_1828 : vector<16xf32>
          %swap3A_1830 = arith.constant 1 : i32
          %swap3A_1831 = arith.index_cast %swap3A_1830 : i32 to index
          %swap3A_1832 = arith.index_cast %add3A_1743 : i32 to index
          %swap3A_1833 = arith.constant 80 : index
          %swap3A_1834 = tpu.vector_load %arg8[%swap3A_1831, %swap3A_1832, %swap3A_1833] {strides = array<i32>} : memref<4x128x128xf32, #tpu.memory_space<vmem>>, vector<1x1x16xf32>,
          %swap3A_1835 = vector.shape_cast %swap3A_1834 : vector<1x1x16xf32> to vector<16xf32>
          %swap3A_1836 = vector.shape_cast %add3A_1829 : vector<16xf32> to vector<1x1x16xf32>
          tpu.vector_store %arg8[%swap3A_1831, %swap3A_1832, %swap3A_1833], %swap3A_1836 {strides = array<i32>} : memref<4x128x128xf32, #tpu.memory_space<vmem>>, vector<1x1x16xf32>,
          %mul3A_1837 = arith.mulf %broadcast_in_dim3A_1754, %get3A_47 : vector<16xf32>
          %mul3A_1838 = arith.mulf %broadcast_in_dim3A_1758, %get3A_87 : vector<16xf32>
          %add3A_1839 = arith.addf %mul3A_1837, %mul3A_1838 : vector<16xf32>
          %mul3A_1840 = arith.mulf %broadcast_in_dim3A_1764, %get3A_127 : vector<16xf32>
          %add3A_1841 = arith.addf %add3A_1839, %mul3A_1840 : vector<16xf32>
          %swap3A_1842 = arith.constant 1 : i32
          %swap3A_1843 = arith.index_cast %swap3A_1842 : i32 to index
          %swap3A_1844 = arith.index_cast %add3A_1743 : i32 to index
          %swap3A_1845 = arith.constant 96 : index
          %swap3A_1846 = tpu.vector_load %arg8[%swap3A_1843, %swap3A_1844, %swap3A_1845] {strides = array<i32>} : memref<4x128x128xf32, #tpu.memory_space<vmem>>, vector<1x1x16xf32>,
          %swap3A_1847 = vector.shape_cast %swap3A_1846 : vector<1x1x16xf32> to vector<16xf32>
          %swap3A_1848 = vector.shape_cast %add3A_1841 : vector<16xf32> to vector<1x1x16xf32>
          tpu.vector_store %arg8[%swap3A_1843, %swap3A_1844, %swap3A_1845], %swap3A_1848 {strides = array<i32>} : memref<4x128x128xf32, #tpu.memory_space<vmem>>, vector<1x1x16xf32>,
          %mul3A_1849 = arith.mulf %broadcast_in_dim3A_1754, %get3A_52 : vector<16xf32>
          %mul3A_1850 = arith.mulf %broadcast_in_dim3A_1758, %get3A_92 : vector<16xf32>
          %add3A_1851 = arith.addf %mul3A_1849, %mul3A_1850 : vector<16xf32>
          %mul3A_1852 = arith.mulf %broadcast_in_dim3A_1764, %get3A_132 : vector<16xf32>
          %add3A_1853 = arith.addf %add3A_1851, %mul3A_1852 : vector<16xf32>
          %swap3A_1854 = arith.constant 1 : i32
          %swap3A_1855 = arith.index_cast %swap3A_1854 : i32 to index
          %swap3A_1856 = arith.index_cast %add3A_1743 : i32 to index
          %swap3A_1857 = arith.constant 112 : index
          %swap3A_1858 = tpu.vector_load %arg8[%swap3A_1855, %swap3A_1856, %swap3A_1857] {strides = array<i32>} : memref<4x128x128xf32, #tpu.memory_space<vmem>>, vector<1x1x16xf32>,
          %swap3A_1859 = vector.shape_cast %swap3A_1858 : vector<1x1x16xf32> to vector<16xf32>
          %swap3A_1860 = vector.shape_cast %add3A_1853 : vector<16xf32> to vector<1x1x16xf32>
          tpu.vector_store %arg8[%swap3A_1855, %swap3A_1856, %swap3A_1857], %swap3A_1860 {strides = array<i32>} : memref<4x128x128xf32, #tpu.memory_space<vmem>>, vector<1x1x16xf32>,
          %mul3A_1861 = arith.constant 16 : i32
          %mul3A_1862 = arith.muli %scan3A_407, %mul3A_1861 : i32
          %add3A_1863 = arith.constant 12 : i32
          %add3A_1864 = arith.addi %mul3A_1862, %add3A_1863 : i32
          %slice3A_1865 = vector.extract_strided_slice %get3A_413 {offsets = [12], sizes = [1], strides = [1]} : vector<16xi32> to vector<1xi32>
          %squeeze3A_1866 = vector.extract %slice3A_1865[0] : i32 from vector<1xi32>
          %convert_element_type3A_1867 = arith.sitofp %squeeze3A_1866 : i32 to f32
          %sub3A_1868 = arith.constant 1.000000e+00 : f32
          %sub3A_1869 = arith.subf %sub3A_1868, %convert_element_type3A_1867 : f32
          %sub3A_1870 = arith.constant 2.000000e+00 : f32
          %sub3A_1871 = arith.subf %sub3A_1870, %convert_element_type3A_1867 : f32
          %mul3A_1872 = arith.mulf %sub3A_1869, %sub3A_1871 : f32
          %mul3A_1873 = arith.constant 5.000000e-01 : f32
          %mul3A_1874 = arith.mulf %mul3A_1872, %mul3A_1873 : f32
          %broadcast_in_dim3A_1875 = vector.broadcast %mul3A_1874 : f32 to vector<16xf32>
          %sub3A_1876 = arith.constant 2.000000e+00 : f32
          %sub3A_1877 = arith.subf %sub3A_1876, %convert_element_type3A_1867 : f32
          %mul3A_1878 = arith.mulf %convert_element_type3A_1867, %sub3A_1877 : f32
          %broadcast_in_dim3A_1879 = vector.broadcast %mul3A_1878 : f32 to vector<16xf32>
          %sub3A_1880 = arith.constant 1.000000e+00 : f32
          %sub3A_1881 = arith.subf %convert_element_type3A_1867, %sub3A_1880 : f32
          %mul3A_1882 = arith.mulf %convert_element_type3A_1867, %sub3A_1881 : f32
          %mul3A_1883 = arith.constant 5.000000e-01 : f32
          %mul3A_1884 = arith.mulf %mul3A_1882, %mul3A_1883 : f32
          %broadcast_in_dim3A_1885 = vector.broadcast %mul3A_1884 : f32 to vector<16xf32>
          %mul3A_1886 = arith.mulf %broadcast_in_dim3A_1875, %get3A_17 : vector<16xf32>
          %mul3A_1887 = arith.mulf %broadcast_in_dim3A_1879, %get3A_57 : vector<16xf32>
          %add3A_1888 = arith.addf %mul3A_1886, %mul3A_1887 : vector<16xf32>
          %mul3A_1889 = arith.mulf %broadcast_in_dim3A_1885, %get3A_97 : vector<16xf32>
          %add3A_1890 = arith.addf %add3A_1888, %mul3A_1889 : vector<16xf32>
          %swap3A_1891 = arith.constant 1 : i32
          %swap3A_1892 = arith.index_cast %swap3A_1891 : i32 to index
          %swap3A_1893 = arith.index_cast %add3A_1864 : i32 to index
          %swap3A_1894 = arith.constant 0 : index
          %swap3A_1895 = tpu.vector_load %arg8[%swap3A_1892, %swap3A_1893, %swap3A_1894] {strides = array<i32>} : memref<4x128x128xf32, #tpu.memory_space<vmem>>, vector<1x1x16xf32>,
          %swap3A_1896 = vector.shape_cast %swap3A_1895 : vector<1x1x16xf32> to vector<16xf32>
          %swap3A_1897 = vector.shape_cast %add3A_1890 : vector<16xf32> to vector<1x1x16xf32>
          tpu.vector_store %arg8[%swap3A_1892, %swap3A_1893, %swap3A_1894], %swap3A_1897 {strides = array<i32>} : memref<4x128x128xf32, #tpu.memory_space<vmem>>, vector<1x1x16xf32>,
          %mul3A_1898 = arith.mulf %broadcast_in_dim3A_1875, %get3A_22 : vector<16xf32>
          %mul3A_1899 = arith.mulf %broadcast_in_dim3A_1879, %get3A_62 : vector<16xf32>
          %add3A_1900 = arith.addf %mul3A_1898, %mul3A_1899 : vector<16xf32>
          %mul3A_1901 = arith.mulf %broadcast_in_dim3A_1885, %get3A_102 : vector<16xf32>
          %add3A_1902 = arith.addf %add3A_1900, %mul3A_1901 : vector<16xf32>
          %swap3A_1903 = arith.constant 1 : i32
          %swap3A_1904 = arith.index_cast %swap3A_1903 : i32 to index
          %swap3A_1905 = arith.index_cast %add3A_1864 : i32 to index
          %swap3A_1906 = arith.constant 16 : index
          %swap3A_1907 = tpu.vector_load %arg8[%swap3A_1904, %swap3A_1905, %swap3A_1906] {strides = array<i32>} : memref<4x128x128xf32, #tpu.memory_space<vmem>>, vector<1x1x16xf32>,
          %swap3A_1908 = vector.shape_cast %swap3A_1907 : vector<1x1x16xf32> to vector<16xf32>
          %swap3A_1909 = vector.shape_cast %add3A_1902 : vector<16xf32> to vector<1x1x16xf32>
          tpu.vector_store %arg8[%swap3A_1904, %swap3A_1905, %swap3A_1906], %swap3A_1909 {strides = array<i32>} : memref<4x128x128xf32, #tpu.memory_space<vmem>>, vector<1x1x16xf32>,
          %mul3A_1910 = arith.mulf %broadcast_in_dim3A_1875, %get3A_27 : vector<16xf32>
          %mul3A_1911 = arith.mulf %broadcast_in_dim3A_1879, %get3A_67 : vector<16xf32>
          %add3A_1912 = arith.addf %mul3A_1910, %mul3A_1911 : vector<16xf32>
          %mul3A_1913 = arith.mulf %broadcast_in_dim3A_1885, %get3A_107 : vector<16xf32>
          %add3A_1914 = arith.addf %add3A_1912, %mul3A_1913 : vector<16xf32>
          %swap3A_1915 = arith.constant 1 : i32
          %swap3A_1916 = arith.index_cast %swap3A_1915 : i32 to index
          %swap3A_1917 = arith.index_cast %add3A_1864 : i32 to index
          %swap3A_1918 = arith.constant 32 : index
          %swap3A_1919 = tpu.vector_load %arg8[%swap3A_1916, %swap3A_1917, %swap3A_1918] {strides = array<i32>} : memref<4x128x128xf32, #tpu.memory_space<vmem>>, vector<1x1x16xf32>,
          %swap3A_1920 = vector.shape_cast %swap3A_1919 : vector<1x1x16xf32> to vector<16xf32>
          %swap3A_1921 = vector.shape_cast %add3A_1914 : vector<16xf32> to vector<1x1x16xf32>
          tpu.vector_store %arg8[%swap3A_1916, %swap3A_1917, %swap3A_1918], %swap3A_1921 {strides = array<i32>} : memref<4x128x128xf32, #tpu.memory_space<vmem>>, vector<1x1x16xf32>,
          %mul3A_1922 = arith.mulf %broadcast_in_dim3A_1875, %get3A_32 : vector<16xf32>
          %mul3A_1923 = arith.mulf %broadcast_in_dim3A_1879, %get3A_72 : vector<16xf32>
          %add3A_1924 = arith.addf %mul3A_1922, %mul3A_1923 : vector<16xf32>
          %mul3A_1925 = arith.mulf %broadcast_in_dim3A_1885, %get3A_112 : vector<16xf32>
          %add3A_1926 = arith.addf %add3A_1924, %mul3A_1925 : vector<16xf32>
          %swap3A_1927 = arith.constant 1 : i32
          %swap3A_1928 = arith.index_cast %swap3A_1927 : i32 to index
          %swap3A_1929 = arith.index_cast %add3A_1864 : i32 to index
          %swap3A_1930 = arith.constant 48 : index
          %swap3A_1931 = tpu.vector_load %arg8[%swap3A_1928, %swap3A_1929, %swap3A_1930] {strides = array<i32>} : memref<4x128x128xf32, #tpu.memory_space<vmem>>, vector<1x1x16xf32>,
          %swap3A_1932 = vector.shape_cast %swap3A_1931 : vector<1x1x16xf32> to vector<16xf32>
          %swap3A_1933 = vector.shape_cast %add3A_1926 : vector<16xf32> to vector<1x1x16xf32>
          tpu.vector_store %arg8[%swap3A_1928, %swap3A_1929, %swap3A_1930], %swap3A_1933 {strides = array<i32>} : memref<4x128x128xf32, #tpu.memory_space<vmem>>, vector<1x1x16xf32>,
          %mul3A_1934 = arith.mulf %broadcast_in_dim3A_1875, %get3A_37 : vector<16xf32>
          %mul3A_1935 = arith.mulf %broadcast_in_dim3A_1879, %get3A_77 : vector<16xf32>
          %add3A_1936 = arith.addf %mul3A_1934, %mul3A_1935 : vector<16xf32>
          %mul3A_1937 = arith.mulf %broadcast_in_dim3A_1885, %get3A_117 : vector<16xf32>
          %add3A_1938 = arith.addf %add3A_1936, %mul3A_1937 : vector<16xf32>
          %swap3A_1939 = arith.constant 1 : i32
          %swap3A_1940 = arith.index_cast %swap3A_1939 : i32 to index
          %swap3A_1941 = arith.index_cast %add3A_1864 : i32 to index
          %swap3A_1942 = arith.constant 64 : index
          %swap3A_1943 = tpu.vector_load %arg8[%swap3A_1940, %swap3A_1941, %swap3A_1942] {strides = array<i32>} : memref<4x128x128xf32, #tpu.memory_space<vmem>>, vector<1x1x16xf32>,
          %swap3A_1944 = vector.shape_cast %swap3A_1943 : vector<1x1x16xf32> to vector<16xf32>
          %swap3A_1945 = vector.shape_cast %add3A_1938 : vector<16xf32> to vector<1x1x16xf32>
          tpu.vector_store %arg8[%swap3A_1940, %swap3A_1941, %swap3A_1942], %swap3A_1945 {strides = array<i32>} : memref<4x128x128xf32, #tpu.memory_space<vmem>>, vector<1x1x16xf32>,
          %mul3A_1946 = arith.mulf %broadcast_in_dim3A_1875, %get3A_42 : vector<16xf32>
          %mul3A_1947 = arith.mulf %broadcast_in_dim3A_1879, %get3A_82 : vector<16xf32>
          %add3A_1948 = arith.addf %mul3A_1946, %mul3A_1947 : vector<16xf32>
          %mul3A_1949 = arith.mulf %broadcast_in_dim3A_1885, %get3A_122 : vector<16xf32>
          %add3A_1950 = arith.addf %add3A_1948, %mul3A_1949 : vector<16xf32>
          %swap3A_1951 = arith.constant 1 : i32
          %swap3A_1952 = arith.index_cast %swap3A_1951 : i32 to index
          %swap3A_1953 = arith.index_cast %add3A_1864 : i32 to index
          %swap3A_1954 = arith.constant 80 : index
          %swap3A_1955 = tpu.vector_load %arg8[%swap3A_1952, %swap3A_1953, %swap3A_1954] {strides = array<i32>} : memref<4x128x128xf32, #tpu.memory_space<vmem>>, vector<1x1x16xf32>,
          %swap3A_1956 = vector.shape_cast %swap3A_1955 : vector<1x1x16xf32> to vector<16xf32>
          %swap3A_1957 = vector.shape_cast %add3A_1950 : vector<16xf32> to vector<1x1x16xf32>
          tpu.vector_store %arg8[%swap3A_1952, %swap3A_1953, %swap3A_1954], %swap3A_1957 {strides = array<i32>} : memref<4x128x128xf32, #tpu.memory_space<vmem>>, vector<1x1x16xf32>,
          %mul3A_1958 = arith.mulf %broadcast_in_dim3A_1875, %get3A_47 : vector<16xf32>
          %mul3A_1959 = arith.mulf %broadcast_in_dim3A_1879, %get3A_87 : vector<16xf32>
          %add3A_1960 = arith.addf %mul3A_1958, %mul3A_1959 : vector<16xf32>
          %mul3A_1961 = arith.mulf %broadcast_in_dim3A_1885, %get3A_127 : vector<16xf32>
          %add3A_1962 = arith.addf %add3A_1960, %mul3A_1961 : vector<16xf32>
          %swap3A_1963 = arith.constant 1 : i32
          %swap3A_1964 = arith.index_cast %swap3A_1963 : i32 to index
          %swap3A_1965 = arith.index_cast %add3A_1864 : i32 to index
          %swap3A_1966 = arith.constant 96 : index
          %swap3A_1967 = tpu.vector_load %arg8[%swap3A_1964, %swap3A_1965, %swap3A_1966] {strides = array<i32>} : memref<4x128x128xf32, #tpu.memory_space<vmem>>, vector<1x1x16xf32>,
          %swap3A_1968 = vector.shape_cast %swap3A_1967 : vector<1x1x16xf32> to vector<16xf32>
          %swap3A_1969 = vector.shape_cast %add3A_1962 : vector<16xf32> to vector<1x1x16xf32>
          tpu.vector_store %arg8[%swap3A_1964, %swap3A_1965, %swap3A_1966], %swap3A_1969 {strides = array<i32>} : memref<4x128x128xf32, #tpu.memory_space<vmem>>, vector<1x1x16xf32>,
          %mul3A_1970 = arith.mulf %broadcast_in_dim3A_1875, %get3A_52 : vector<16xf32>
          %mul3A_1971 = arith.mulf %broadcast_in_dim3A_1879, %get3A_92 : vector<16xf32>
          %add3A_1972 = arith.addf %mul3A_1970, %mul3A_1971 : vector<16xf32>
          %mul3A_1973 = arith.mulf %broadcast_in_dim3A_1885, %get3A_132 : vector<16xf32>
          %add3A_1974 = arith.addf %add3A_1972, %mul3A_1973 : vector<16xf32>
          %swap3A_1975 = arith.constant 1 : i32
          %swap3A_1976 = arith.index_cast %swap3A_1975 : i32 to index
          %swap3A_1977 = arith.index_cast %add3A_1864 : i32 to index
          %swap3A_1978 = arith.constant 112 : index
          %swap3A_1979 = tpu.vector_load %arg8[%swap3A_1976, %swap3A_1977, %swap3A_1978] {strides = array<i32>} : memref<4x128x128xf32, #tpu.memory_space<vmem>>, vector<1x1x16xf32>,
          %swap3A_1980 = vector.shape_cast %swap3A_1979 : vector<1x1x16xf32> to vector<16xf32>
          %swap3A_1981 = vector.shape_cast %add3A_1974 : vector<16xf32> to vector<1x1x16xf32>
          tpu.vector_store %arg8[%swap3A_1976, %swap3A_1977, %swap3A_1978], %swap3A_1981 {strides = array<i32>} : memref<4x128x128xf32, #tpu.memory_space<vmem>>, vector<1x1x16xf32>,
          %mul3A_1982 = arith.constant 16 : i32
          %mul3A_1983 = arith.muli %scan3A_407, %mul3A_1982 : i32
          %add3A_1984 = arith.constant 13 : i32
          %add3A_1985 = arith.addi %mul3A_1983, %add3A_1984 : i32
          %slice3A_1986 = vector.extract_strided_slice %get3A_413 {offsets = [13], sizes = [1], strides = [1]} : vector<16xi32> to vector<1xi32>
          %squeeze3A_1987 = vector.extract %slice3A_1986[0] : i32 from vector<1xi32>
          %convert_element_type3A_1988 = arith.sitofp %squeeze3A_1987 : i32 to f32
          %sub3A_1989 = arith.constant 1.000000e+00 : f32
          %sub3A_1990 = arith.subf %sub3A_1989, %convert_element_type3A_1988 : f32
          %sub3A_1991 = arith.constant 2.000000e+00 : f32
          %sub3A_1992 = arith.subf %sub3A_1991, %convert_element_type3A_1988 : f32
          %mul3A_1993 = arith.mulf %sub3A_1990, %sub3A_1992 : f32
          %mul3A_1994 = arith.constant 5.000000e-01 : f32
          %mul3A_1995 = arith.mulf %mul3A_1993, %mul3A_1994 : f32
          %broadcast_in_dim3A_1996 = vector.broadcast %mul3A_1995 : f32 to vector<16xf32>
          %sub3A_1997 = arith.constant 2.000000e+00 : f32
          %sub3A_1998 = arith.subf %sub3A_1997, %convert_element_type3A_1988 : f32
          %mul3A_1999 = arith.mulf %convert_element_type3A_1988, %sub3A_1998 : f32
          %broadcast_in_dim3A_2000 = vector.broadcast %mul3A_1999 : f32 to vector<16xf32>
          %sub3A_2001 = arith.constant 1.000000e+00 : f32
          %sub3A_2002 = arith.subf %convert_element_type3A_1988, %sub3A_2001 : f32
          %mul3A_2003 = arith.mulf %convert_element_type3A_1988, %sub3A_2002 : f32
          %mul3A_2004 = arith.constant 5.000000e-01 : f32
          %mul3A_2005 = arith.mulf %mul3A_2003, %mul3A_2004 : f32
          %broadcast_in_dim3A_2006 = vector.broadcast %mul3A_2005 : f32 to vector<16xf32>
          %mul3A_2007 = arith.mulf %broadcast_in_dim3A_1996, %get3A_17 : vector<16xf32>
          %mul3A_2008 = arith.mulf %broadcast_in_dim3A_2000, %get3A_57 : vector<16xf32>
          %add3A_2009 = arith.addf %mul3A_2007, %mul3A_2008 : vector<16xf32>
          %mul3A_2010 = arith.mulf %broadcast_in_dim3A_2006, %get3A_97 : vector<16xf32>
          %add3A_2011 = arith.addf %add3A_2009, %mul3A_2010 : vector<16xf32>
          %swap3A_2012 = arith.constant 1 : i32
          %swap3A_2013 = arith.index_cast %swap3A_2012 : i32 to index
          %swap3A_2014 = arith.index_cast %add3A_1985 : i32 to index
          %swap3A_2015 = arith.constant 0 : index
          %swap3A_2016 = tpu.vector_load %arg8[%swap3A_2013, %swap3A_2014, %swap3A_2015] {strides = array<i32>} : memref<4x128x128xf32, #tpu.memory_space<vmem>>, vector<1x1x16xf32>,
          %swap3A_2017 = vector.shape_cast %swap3A_2016 : vector<1x1x16xf32> to vector<16xf32>
          %swap3A_2018 = vector.shape_cast %add3A_2011 : vector<16xf32> to vector<1x1x16xf32>
          tpu.vector_store %arg8[%swap3A_2013, %swap3A_2014, %swap3A_2015], %swap3A_2018 {strides = array<i32>} : memref<4x128x128xf32, #tpu.memory_space<vmem>>, vector<1x1x16xf32>,
          %mul3A_2019 = arith.mulf %broadcast_in_dim3A_1996, %get3A_22 : vector<16xf32>
          %mul3A_2020 = arith.mulf %broadcast_in_dim3A_2000, %get3A_62 : vector<16xf32>
          %add3A_2021 = arith.addf %mul3A_2019, %mul3A_2020 : vector<16xf32>
          %mul3A_2022 = arith.mulf %broadcast_in_dim3A_2006, %get3A_102 : vector<16xf32>
          %add3A_2023 = arith.addf %add3A_2021, %mul3A_2022 : vector<16xf32>
          %swap3A_2024 = arith.constant 1 : i32
          %swap3A_2025 = arith.index_cast %swap3A_2024 : i32 to index
          %swap3A_2026 = arith.index_cast %add3A_1985 : i32 to index
          %swap3A_2027 = arith.constant 16 : index
          %swap3A_2028 = tpu.vector_load %arg8[%swap3A_2025, %swap3A_2026, %swap3A_2027] {strides = array<i32>} : memref<4x128x128xf32, #tpu.memory_space<vmem>>, vector<1x1x16xf32>,
          %swap3A_2029 = vector.shape_cast %swap3A_2028 : vector<1x1x16xf32> to vector<16xf32>
          %swap3A_2030 = vector.shape_cast %add3A_2023 : vector<16xf32> to vector<1x1x16xf32>
          tpu.vector_store %arg8[%swap3A_2025, %swap3A_2026, %swap3A_2027], %swap3A_2030 {strides = array<i32>} : memref<4x128x128xf32, #tpu.memory_space<vmem>>, vector<1x1x16xf32>,
          %mul3A_2031 = arith.mulf %broadcast_in_dim3A_1996, %get3A_27 : vector<16xf32>
          %mul3A_2032 = arith.mulf %broadcast_in_dim3A_2000, %get3A_67 : vector<16xf32>
          %add3A_2033 = arith.addf %mul3A_2031, %mul3A_2032 : vector<16xf32>
          %mul3A_2034 = arith.mulf %broadcast_in_dim3A_2006, %get3A_107 : vector<16xf32>
          %add3A_2035 = arith.addf %add3A_2033, %mul3A_2034 : vector<16xf32>
          %swap3A_2036 = arith.constant 1 : i32
          %swap3A_2037 = arith.index_cast %swap3A_2036 : i32 to index
          %swap3A_2038 = arith.index_cast %add3A_1985 : i32 to index
          %swap3A_2039 = arith.constant 32 : index
          %swap3A_2040 = tpu.vector_load %arg8[%swap3A_2037, %swap3A_2038, %swap3A_2039] {strides = array<i32>} : memref<4x128x128xf32, #tpu.memory_space<vmem>>, vector<1x1x16xf32>,
          %swap3A_2041 = vector.shape_cast %swap3A_2040 : vector<1x1x16xf32> to vector<16xf32>
          %swap3A_2042 = vector.shape_cast %add3A_2035 : vector<16xf32> to vector<1x1x16xf32>
          tpu.vector_store %arg8[%swap3A_2037, %swap3A_2038, %swap3A_2039], %swap3A_2042 {strides = array<i32>} : memref<4x128x128xf32, #tpu.memory_space<vmem>>, vector<1x1x16xf32>,
          %mul3A_2043 = arith.mulf %broadcast_in_dim3A_1996, %get3A_32 : vector<16xf32>
          %mul3A_2044 = arith.mulf %broadcast_in_dim3A_2000, %get3A_72 : vector<16xf32>
          %add3A_2045 = arith.addf %mul3A_2043, %mul3A_2044 : vector<16xf32>
          %mul3A_2046 = arith.mulf %broadcast_in_dim3A_2006, %get3A_112 : vector<16xf32>
          %add3A_2047 = arith.addf %add3A_2045, %mul3A_2046 : vector<16xf32>
          %swap3A_2048 = arith.constant 1 : i32
          %swap3A_2049 = arith.index_cast %swap3A_2048 : i32 to index
          %swap3A_2050 = arith.index_cast %add3A_1985 : i32 to index
          %swap3A_2051 = arith.constant 48 : index
          %swap3A_2052 = tpu.vector_load %arg8[%swap3A_2049, %swap3A_2050, %swap3A_2051] {strides = array<i32>} : memref<4x128x128xf32, #tpu.memory_space<vmem>>, vector<1x1x16xf32>,
          %swap3A_2053 = vector.shape_cast %swap3A_2052 : vector<1x1x16xf32> to vector<16xf32>
          %swap3A_2054 = vector.shape_cast %add3A_2047 : vector<16xf32> to vector<1x1x16xf32>
          tpu.vector_store %arg8[%swap3A_2049, %swap3A_2050, %swap3A_2051], %swap3A_2054 {strides = array<i32>} : memref<4x128x128xf32, #tpu.memory_space<vmem>>, vector<1x1x16xf32>,
          %mul3A_2055 = arith.mulf %broadcast_in_dim3A_1996, %get3A_37 : vector<16xf32>
          %mul3A_2056 = arith.mulf %broadcast_in_dim3A_2000, %get3A_77 : vector<16xf32>
          %add3A_2057 = arith.addf %mul3A_2055, %mul3A_2056 : vector<16xf32>
          %mul3A_2058 = arith.mulf %broadcast_in_dim3A_2006, %get3A_117 : vector<16xf32>
          %add3A_2059 = arith.addf %add3A_2057, %mul3A_2058 : vector<16xf32>
          %swap3A_2060 = arith.constant 1 : i32
          %swap3A_2061 = arith.index_cast %swap3A_2060 : i32 to index
          %swap3A_2062 = arith.index_cast %add3A_1985 : i32 to index
          %swap3A_2063 = arith.constant 64 : index
          %swap3A_2064 = tpu.vector_load %arg8[%swap3A_2061, %swap3A_2062, %swap3A_2063] {strides = array<i32>} : memref<4x128x128xf32, #tpu.memory_space<vmem>>, vector<1x1x16xf32>,
          %swap3A_2065 = vector.shape_cast %swap3A_2064 : vector<1x1x16xf32> to vector<16xf32>
          %swap3A_2066 = vector.shape_cast %add3A_2059 : vector<16xf32> to vector<1x1x16xf32>
          tpu.vector_store %arg8[%swap3A_2061, %swap3A_2062, %swap3A_2063], %swap3A_2066 {strides = array<i32>} : memref<4x128x128xf32, #tpu.memory_space<vmem>>, vector<1x1x16xf32>,
          %mul3A_2067 = arith.mulf %broadcast_in_dim3A_1996, %get3A_42 : vector<16xf32>
          %mul3A_2068 = arith.mulf %broadcast_in_dim3A_2000, %get3A_82 : vector<16xf32>
          %add3A_2069 = arith.addf %mul3A_2067, %mul3A_2068 : vector<16xf32>
          %mul3A_2070 = arith.mulf %broadcast_in_dim3A_2006, %get3A_122 : vector<16xf32>
          %add3A_2071 = arith.addf %add3A_2069, %mul3A_2070 : vector<16xf32>
          %swap3A_2072 = arith.constant 1 : i32
          %swap3A_2073 = arith.index_cast %swap3A_2072 : i32 to index
          %swap3A_2074 = arith.index_cast %add3A_1985 : i32 to index
          %swap3A_2075 = arith.constant 80 : index
          %swap3A_2076 = tpu.vector_load %arg8[%swap3A_2073, %swap3A_2074, %swap3A_2075] {strides = array<i32>} : memref<4x128x128xf32, #tpu.memory_space<vmem>>, vector<1x1x16xf32>,
          %swap3A_2077 = vector.shape_cast %swap3A_2076 : vector<1x1x16xf32> to vector<16xf32>
          %swap3A_2078 = vector.shape_cast %add3A_2071 : vector<16xf32> to vector<1x1x16xf32>
          tpu.vector_store %arg8[%swap3A_2073, %swap3A_2074, %swap3A_2075], %swap3A_2078 {strides = array<i32>} : memref<4x128x128xf32, #tpu.memory_space<vmem>>, vector<1x1x16xf32>,
          %mul3A_2079 = arith.mulf %broadcast_in_dim3A_1996, %get3A_47 : vector<16xf32>
          %mul3A_2080 = arith.mulf %broadcast_in_dim3A_2000, %get3A_87 : vector<16xf32>
          %add3A_2081 = arith.addf %mul3A_2079, %mul3A_2080 : vector<16xf32>
          %mul3A_2082 = arith.mulf %broadcast_in_dim3A_2006, %get3A_127 : vector<16xf32>
          %add3A_2083 = arith.addf %add3A_2081, %mul3A_2082 : vector<16xf32>
          %swap3A_2084 = arith.constant 1 : i32
          %swap3A_2085 = arith.index_cast %swap3A_2084 : i32 to index
          %swap3A_2086 = arith.index_cast %add3A_1985 : i32 to index
          %swap3A_2087 = arith.constant 96 : index
          %swap3A_2088 = tpu.vector_load %arg8[%swap3A_2085, %swap3A_2086, %swap3A_2087] {strides = array<i32>} : memref<4x128x128xf32, #tpu.memory_space<vmem>>, vector<1x1x16xf32>,
          %swap3A_2089 = vector.shape_cast %swap3A_2088 : vector<1x1x16xf32> to vector<16xf32>
          %swap3A_2090 = vector.shape_cast %add3A_2083 : vector<16xf32> to vector<1x1x16xf32>
          tpu.vector_store %arg8[%swap3A_2085, %swap3A_2086, %swap3A_2087], %swap3A_2090 {strides = array<i32>} : memref<4x128x128xf32, #tpu.memory_space<vmem>>, vector<1x1x16xf32>,
          %mul3A_2091 = arith.mulf %broadcast_in_dim3A_1996, %get3A_52 : vector<16xf32>
          %mul3A_2092 = arith.mulf %broadcast_in_dim3A_2000, %get3A_92 : vector<16xf32>
          %add3A_2093 = arith.addf %mul3A_2091, %mul3A_2092 : vector<16xf32>
          %mul3A_2094 = arith.mulf %broadcast_in_dim3A_2006, %get3A_132 : vector<16xf32>
          %add3A_2095 = arith.addf %add3A_2093, %mul3A_2094 : vector<16xf32>
          %swap3A_2096 = arith.constant 1 : i32
          %swap3A_2097 = arith.index_cast %swap3A_2096 : i32 to index
          %swap3A_2098 = arith.index_cast %add3A_1985 : i32 to index
          %swap3A_2099 = arith.constant 112 : index
          %swap3A_2100 = tpu.vector_load %arg8[%swap3A_2097, %swap3A_2098, %swap3A_2099] {strides = array<i32>} : memref<4x128x128xf32, #tpu.memory_space<vmem>>, vector<1x1x16xf32>,
          %swap3A_2101 = vector.shape_cast %swap3A_2100 : vector<1x1x16xf32> to vector<16xf32>
          %swap3A_2102 = vector.shape_cast %add3A_2095 : vector<16xf32> to vector<1x1x16xf32>
          tpu.vector_store %arg8[%swap3A_2097, %swap3A_2098, %swap3A_2099], %swap3A_2102 {strides = array<i32>} : memref<4x128x128xf32, #tpu.memory_space<vmem>>, vector<1x1x16xf32>,
          %mul3A_2103 = arith.constant 16 : i32
          %mul3A_2104 = arith.muli %scan3A_407, %mul3A_2103 : i32
          %add3A_2105 = arith.constant 14 : i32
          %add3A_2106 = arith.addi %mul3A_2104, %add3A_2105 : i32
          %slice3A_2107 = vector.extract_strided_slice %get3A_413 {offsets = [14], sizes = [1], strides = [1]} : vector<16xi32> to vector<1xi32>
          %squeeze3A_2108 = vector.extract %slice3A_2107[0] : i32 from vector<1xi32>
          %convert_element_type3A_2109 = arith.sitofp %squeeze3A_2108 : i32 to f32
          %sub3A_2110 = arith.constant 1.000000e+00 : f32
          %sub3A_2111 = arith.subf %sub3A_2110, %convert_element_type3A_2109 : f32
          %sub3A_2112 = arith.constant 2.000000e+00 : f32
          %sub3A_2113 = arith.subf %sub3A_2112, %convert_element_type3A_2109 : f32
          %mul3A_2114 = arith.mulf %sub3A_2111, %sub3A_2113 : f32
          %mul3A_2115 = arith.constant 5.000000e-01 : f32
          %mul3A_2116 = arith.mulf %mul3A_2114, %mul3A_2115 : f32
          %broadcast_in_dim3A_2117 = vector.broadcast %mul3A_2116 : f32 to vector<16xf32>
          %sub3A_2118 = arith.constant 2.000000e+00 : f32
          %sub3A_2119 = arith.subf %sub3A_2118, %convert_element_type3A_2109 : f32
          %mul3A_2120 = arith.mulf %convert_element_type3A_2109, %sub3A_2119 : f32
          %broadcast_in_dim3A_2121 = vector.broadcast %mul3A_2120 : f32 to vector<16xf32>
          %sub3A_2122 = arith.constant 1.000000e+00 : f32
          %sub3A_2123 = arith.subf %convert_element_type3A_2109, %sub3A_2122 : f32
          %mul3A_2124 = arith.mulf %convert_element_type3A_2109, %sub3A_2123 : f32
          %mul3A_2125 = arith.constant 5.000000e-01 : f32
          %mul3A_2126 = arith.mulf %mul3A_2124, %mul3A_2125 : f32
          %broadcast_in_dim3A_2127 = vector.broadcast %mul3A_2126 : f32 to vector<16xf32>
          %mul3A_2128 = arith.mulf %broadcast_in_dim3A_2117, %get3A_17 : vector<16xf32>
          %mul3A_2129 = arith.mulf %broadcast_in_dim3A_2121, %get3A_57 : vector<16xf32>
          %add3A_2130 = arith.addf %mul3A_2128, %mul3A_2129 : vector<16xf32>
          %mul3A_2131 = arith.mulf %broadcast_in_dim3A_2127, %get3A_97 : vector<16xf32>
          %add3A_2132 = arith.addf %add3A_2130, %mul3A_2131 : vector<16xf32>
          %swap3A_2133 = arith.constant 1 : i32
          %swap3A_2134 = arith.index_cast %swap3A_2133 : i32 to index
          %swap3A_2135 = arith.index_cast %add3A_2106 : i32 to index
          %swap3A_2136 = arith.constant 0 : index
          %swap3A_2137 = tpu.vector_load %arg8[%swap3A_2134, %swap3A_2135, %swap3A_2136] {strides = array<i32>} : memref<4x128x128xf32, #tpu.memory_space<vmem>>, vector<1x1x16xf32>,
          %swap3A_2138 = vector.shape_cast %swap3A_2137 : vector<1x1x16xf32> to vector<16xf32>
          %swap3A_2139 = vector.shape_cast %add3A_2132 : vector<16xf32> to vector<1x1x16xf32>
          tpu.vector_store %arg8[%swap3A_2134, %swap3A_2135, %swap3A_2136], %swap3A_2139 {strides = array<i32>} : memref<4x128x128xf32, #tpu.memory_space<vmem>>, vector<1x1x16xf32>,
          %mul3A_2140 = arith.mulf %broadcast_in_dim3A_2117, %get3A_22 : vector<16xf32>
          %mul3A_2141 = arith.mulf %broadcast_in_dim3A_2121, %get3A_62 : vector<16xf32>
          %add3A_2142 = arith.addf %mul3A_2140, %mul3A_2141 : vector<16xf32>
          %mul3A_2143 = arith.mulf %broadcast_in_dim3A_2127, %get3A_102 : vector<16xf32>
          %add3A_2144 = arith.addf %add3A_2142, %mul3A_2143 : vector<16xf32>
          %swap3A_2145 = arith.constant 1 : i32
          %swap3A_2146 = arith.index_cast %swap3A_2145 : i32 to index
          %swap3A_2147 = arith.index_cast %add3A_2106 : i32 to index
          %swap3A_2148 = arith.constant 16 : index
          %swap3A_2149 = tpu.vector_load %arg8[%swap3A_2146, %swap3A_2147, %swap3A_2148] {strides = array<i32>} : memref<4x128x128xf32, #tpu.memory_space<vmem>>, vector<1x1x16xf32>,
          %swap3A_2150 = vector.shape_cast %swap3A_2149 : vector<1x1x16xf32> to vector<16xf32>
          %swap3A_2151 = vector.shape_cast %add3A_2144 : vector<16xf32> to vector<1x1x16xf32>
          tpu.vector_store %arg8[%swap3A_2146, %swap3A_2147, %swap3A_2148], %swap3A_2151 {strides = array<i32>} : memref<4x128x128xf32, #tpu.memory_space<vmem>>, vector<1x1x16xf32>,
          %mul3A_2152 = arith.mulf %broadcast_in_dim3A_2117, %get3A_27 : vector<16xf32>
          %mul3A_2153 = arith.mulf %broadcast_in_dim3A_2121, %get3A_67 : vector<16xf32>
          %add3A_2154 = arith.addf %mul3A_2152, %mul3A_2153 : vector<16xf32>
          %mul3A_2155 = arith.mulf %broadcast_in_dim3A_2127, %get3A_107 : vector<16xf32>
          %add3A_2156 = arith.addf %add3A_2154, %mul3A_2155 : vector<16xf32>
          %swap3A_2157 = arith.constant 1 : i32
          %swap3A_2158 = arith.index_cast %swap3A_2157 : i32 to index
          %swap3A_2159 = arith.index_cast %add3A_2106 : i32 to index
          %swap3A_2160 = arith.constant 32 : index
          %swap3A_2161 = tpu.vector_load %arg8[%swap3A_2158, %swap3A_2159, %swap3A_2160] {strides = array<i32>} : memref<4x128x128xf32, #tpu.memory_space<vmem>>, vector<1x1x16xf32>,
          %swap3A_2162 = vector.shape_cast %swap3A_2161 : vector<1x1x16xf32> to vector<16xf32>
          %swap3A_2163 = vector.shape_cast %add3A_2156 : vector<16xf32> to vector<1x1x16xf32>
          tpu.vector_store %arg8[%swap3A_2158, %swap3A_2159, %swap3A_2160], %swap3A_2163 {strides = array<i32>} : memref<4x128x128xf32, #tpu.memory_space<vmem>>, vector<1x1x16xf32>,
          %mul3A_2164 = arith.mulf %broadcast_in_dim3A_2117, %get3A_32 : vector<16xf32>
          %mul3A_2165 = arith.mulf %broadcast_in_dim3A_2121, %get3A_72 : vector<16xf32>
          %add3A_2166 = arith.addf %mul3A_2164, %mul3A_2165 : vector<16xf32>
          %mul3A_2167 = arith.mulf %broadcast_in_dim3A_2127, %get3A_112 : vector<16xf32>
          %add3A_2168 = arith.addf %add3A_2166, %mul3A_2167 : vector<16xf32>
          %swap3A_2169 = arith.constant 1 : i32
          %swap3A_2170 = arith.index_cast %swap3A_2169 : i32 to index
          %swap3A_2171 = arith.index_cast %add3A_2106 : i32 to index
          %swap3A_2172 = arith.constant 48 : index
          %swap3A_2173 = tpu.vector_load %arg8[%swap3A_2170, %swap3A_2171, %swap3A_2172] {strides = array<i32>} : memref<4x128x128xf32, #tpu.memory_space<vmem>>, vector<1x1x16xf32>,
          %swap3A_2174 = vector.shape_cast %swap3A_2173 : vector<1x1x16xf32> to vector<16xf32>
          %swap3A_2175 = vector.shape_cast %add3A_2168 : vector<16xf32> to vector<1x1x16xf32>
          tpu.vector_store %arg8[%swap3A_2170, %swap3A_2171, %swap3A_2172], %swap3A_2175 {strides = array<i32>} : memref<4x128x128xf32, #tpu.memory_space<vmem>>, vector<1x1x16xf32>,
          %mul3A_2176 = arith.mulf %broadcast_in_dim3A_2117, %get3A_37 : vector<16xf32>
          %mul3A_2177 = arith.mulf %broadcast_in_dim3A_2121, %get3A_77 : vector<16xf32>
          %add3A_2178 = arith.addf %mul3A_2176, %mul3A_2177 : vector<16xf32>
          %mul3A_2179 = arith.mulf %broadcast_in_dim3A_2127, %get3A_117 : vector<16xf32>
          %add3A_2180 = arith.addf %add3A_2178, %mul3A_2179 : vector<16xf32>
          %swap3A_2181 = arith.constant 1 : i32
          %swap3A_2182 = arith.index_cast %swap3A_2181 : i32 to index
          %swap3A_2183 = arith.index_cast %add3A_2106 : i32 to index
          %swap3A_2184 = arith.constant 64 : index
          %swap3A_2185 = tpu.vector_load %arg8[%swap3A_2182, %swap3A_2183, %swap3A_2184] {strides = array<i32>} : memref<4x128x128xf32, #tpu.memory_space<vmem>>, vector<1x1x16xf32>,
          %swap3A_2186 = vector.shape_cast %swap3A_2185 : vector<1x1x16xf32> to vector<16xf32>
          %swap3A_2187 = vector.shape_cast %add3A_2180 : vector<16xf32> to vector<1x1x16xf32>
          tpu.vector_store %arg8[%swap3A_2182, %swap3A_2183, %swap3A_2184], %swap3A_2187 {strides = array<i32>} : memref<4x128x128xf32, #tpu.memory_space<vmem>>, vector<1x1x16xf32>,
          %mul3A_2188 = arith.mulf %broadcast_in_dim3A_2117, %get3A_42 : vector<16xf32>
          %mul3A_2189 = arith.mulf %broadcast_in_dim3A_2121, %get3A_82 : vector<16xf32>
          %add3A_2190 = arith.addf %mul3A_2188, %mul3A_2189 : vector<16xf32>
          %mul3A_2191 = arith.mulf %broadcast_in_dim3A_2127, %get3A_122 : vector<16xf32>
          %add3A_2192 = arith.addf %add3A_2190, %mul3A_2191 : vector<16xf32>
          %swap3A_2193 = arith.constant 1 : i32
          %swap3A_2194 = arith.index_cast %swap3A_2193 : i32 to index
          %swap3A_2195 = arith.index_cast %add3A_2106 : i32 to index
          %swap3A_2196 = arith.constant 80 : index
          %swap3A_2197 = tpu.vector_load %arg8[%swap3A_2194, %swap3A_2195, %swap3A_2196] {strides = array<i32>} : memref<4x128x128xf32, #tpu.memory_space<vmem>>, vector<1x1x16xf32>,
          %swap3A_2198 = vector.shape_cast %swap3A_2197 : vector<1x1x16xf32> to vector<16xf32>
          %swap3A_2199 = vector.shape_cast %add3A_2192 : vector<16xf32> to vector<1x1x16xf32>
          tpu.vector_store %arg8[%swap3A_2194, %swap3A_2195, %swap3A_2196], %swap3A_2199 {strides = array<i32>} : memref<4x128x128xf32, #tpu.memory_space<vmem>>, vector<1x1x16xf32>,
          %mul3A_2200 = arith.mulf %broadcast_in_dim3A_2117, %get3A_47 : vector<16xf32>
          %mul3A_2201 = arith.mulf %broadcast_in_dim3A_2121, %get3A_87 : vector<16xf32>
          %add3A_2202 = arith.addf %mul3A_2200, %mul3A_2201 : vector<16xf32>
          %mul3A_2203 = arith.mulf %broadcast_in_dim3A_2127, %get3A_127 : vector<16xf32>
          %add3A_2204 = arith.addf %add3A_2202, %mul3A_2203 : vector<16xf32>
          %swap3A_2205 = arith.constant 1 : i32
          %swap3A_2206 = arith.index_cast %swap3A_2205 : i32 to index
          %swap3A_2207 = arith.index_cast %add3A_2106 : i32 to index
          %swap3A_2208 = arith.constant 96 : index
          %swap3A_2209 = tpu.vector_load %arg8[%swap3A_2206, %swap3A_2207, %swap3A_2208] {strides = array<i32>} : memref<4x128x128xf32, #tpu.memory_space<vmem>>, vector<1x1x16xf32>,
          %swap3A_2210 = vector.shape_cast %swap3A_2209 : vector<1x1x16xf32> to vector<16xf32>
          %swap3A_2211 = vector.shape_cast %add3A_2204 : vector<16xf32> to vector<1x1x16xf32>
          tpu.vector_store %arg8[%swap3A_2206, %swap3A_2207, %swap3A_2208], %swap3A_2211 {strides = array<i32>} : memref<4x128x128xf32, #tpu.memory_space<vmem>>, vector<1x1x16xf32>,
          %mul3A_2212 = arith.mulf %broadcast_in_dim3A_2117, %get3A_52 : vector<16xf32>
          %mul3A_2213 = arith.mulf %broadcast_in_dim3A_2121, %get3A_92 : vector<16xf32>
          %add3A_2214 = arith.addf %mul3A_2212, %mul3A_2213 : vector<16xf32>
          %mul3A_2215 = arith.mulf %broadcast_in_dim3A_2127, %get3A_132 : vector<16xf32>
          %add3A_2216 = arith.addf %add3A_2214, %mul3A_2215 : vector<16xf32>
          %swap3A_2217 = arith.constant 1 : i32
          %swap3A_2218 = arith.index_cast %swap3A_2217 : i32 to index
          %swap3A_2219 = arith.index_cast %add3A_2106 : i32 to index
          %swap3A_2220 = arith.constant 112 : index
          %swap3A_2221 = tpu.vector_load %arg8[%swap3A_2218, %swap3A_2219, %swap3A_2220] {strides = array<i32>} : memref<4x128x128xf32, #tpu.memory_space<vmem>>, vector<1x1x16xf32>,
          %swap3A_2222 = vector.shape_cast %swap3A_2221 : vector<1x1x16xf32> to vector<16xf32>
          %swap3A_2223 = vector.shape_cast %add3A_2216 : vector<16xf32> to vector<1x1x16xf32>
          tpu.vector_store %arg8[%swap3A_2218, %swap3A_2219, %swap3A_2220], %swap3A_2223 {strides = array<i32>} : memref<4x128x128xf32, #tpu.memory_space<vmem>>, vector<1x1x16xf32>,
          %mul3A_2224 = arith.constant 16 : i32
          %mul3A_2225 = arith.muli %scan3A_407, %mul3A_2224 : i32
          %add3A_2226 = arith.constant 15 : i32
          %add3A_2227 = arith.addi %mul3A_2225, %add3A_2226 : i32
          %slice3A_2228 = vector.extract_strided_slice %get3A_413 {offsets = [15], sizes = [1], strides = [1]} : vector<16xi32> to vector<1xi32>
          %squeeze3A_2229 = vector.extract %slice3A_2228[0] : i32 from vector<1xi32>
          %convert_element_type3A_2230 = arith.sitofp %squeeze3A_2229 : i32 to f32
          %sub3A_2231 = arith.constant 1.000000e+00 : f32
          %sub3A_2232 = arith.subf %sub3A_2231, %convert_element_type3A_2230 : f32
          %sub3A_2233 = arith.constant 2.000000e+00 : f32
          %sub3A_2234 = arith.subf %sub3A_2233, %convert_element_type3A_2230 : f32
          %mul3A_2235 = arith.mulf %sub3A_2232, %sub3A_2234 : f32
          %mul3A_2236 = arith.constant 5.000000e-01 : f32
          %mul3A_2237 = arith.mulf %mul3A_2235, %mul3A_2236 : f32
          %broadcast_in_dim3A_2238 = vector.broadcast %mul3A_2237 : f32 to vector<16xf32>
          %sub3A_2239 = arith.constant 2.000000e+00 : f32
          %sub3A_2240 = arith.subf %sub3A_2239, %convert_element_type3A_2230 : f32
          %mul3A_2241 = arith.mulf %convert_element_type3A_2230, %sub3A_2240 : f32
          %broadcast_in_dim3A_2242 = vector.broadcast %mul3A_2241 : f32 to vector<16xf32>
          %sub3A_2243 = arith.constant 1.000000e+00 : f32
          %sub3A_2244 = arith.subf %convert_element_type3A_2230, %sub3A_2243 : f32
          %mul3A_2245 = arith.mulf %convert_element_type3A_2230, %sub3A_2244 : f32
          %mul3A_2246 = arith.constant 5.000000e-01 : f32
          %mul3A_2247 = arith.mulf %mul3A_2245, %mul3A_2246 : f32
          %broadcast_in_dim3A_2248 = vector.broadcast %mul3A_2247 : f32 to vector<16xf32>
          %mul3A_2249 = arith.mulf %broadcast_in_dim3A_2238, %get3A_17 : vector<16xf32>
          %mul3A_2250 = arith.mulf %broadcast_in_dim3A_2242, %get3A_57 : vector<16xf32>
          %add3A_2251 = arith.addf %mul3A_2249, %mul3A_2250 : vector<16xf32>
          %mul3A_2252 = arith.mulf %broadcast_in_dim3A_2248, %get3A_97 : vector<16xf32>
          %add3A_2253 = arith.addf %add3A_2251, %mul3A_2252 : vector<16xf32>
          %swap3A_2254 = arith.constant 1 : i32
          %swap3A_2255 = arith.index_cast %swap3A_2254 : i32 to index
          %swap3A_2256 = arith.index_cast %add3A_2227 : i32 to index
          %swap3A_2257 = arith.constant 0 : index
          %swap3A_2258 = tpu.vector_load %arg8[%swap3A_2255, %swap3A_2256, %swap3A_2257] {strides = array<i32>} : memref<4x128x128xf32, #tpu.memory_space<vmem>>, vector<1x1x16xf32>,
          %swap3A_2259 = vector.shape_cast %swap3A_2258 : vector<1x1x16xf32> to vector<16xf32>
          %swap3A_2260 = vector.shape_cast %add3A_2253 : vector<16xf32> to vector<1x1x16xf32>
          tpu.vector_store %arg8[%swap3A_2255, %swap3A_2256, %swap3A_2257], %swap3A_2260 {strides = array<i32>} : memref<4x128x128xf32, #tpu.memory_space<vmem>>, vector<1x1x16xf32>,
          %mul3A_2261 = arith.mulf %broadcast_in_dim3A_2238, %get3A_22 : vector<16xf32>
          %mul3A_2262 = arith.mulf %broadcast_in_dim3A_2242, %get3A_62 : vector<16xf32>
          %add3A_2263 = arith.addf %mul3A_2261, %mul3A_2262 : vector<16xf32>
          %mul3A_2264 = arith.mulf %broadcast_in_dim3A_2248, %get3A_102 : vector<16xf32>
          %add3A_2265 = arith.addf %add3A_2263, %mul3A_2264 : vector<16xf32>
          %swap3A_2266 = arith.constant 1 : i32
          %swap3A_2267 = arith.index_cast %swap3A_2266 : i32 to index
          %swap3A_2268 = arith.index_cast %add3A_2227 : i32 to index
          %swap3A_2269 = arith.constant 16 : index
          %swap3A_2270 = tpu.vector_load %arg8[%swap3A_2267, %swap3A_2268, %swap3A_2269] {strides = array<i32>} : memref<4x128x128xf32, #tpu.memory_space<vmem>>, vector<1x1x16xf32>,
          %swap3A_2271 = vector.shape_cast %swap3A_2270 : vector<1x1x16xf32> to vector<16xf32>
          %swap3A_2272 = vector.shape_cast %add3A_2265 : vector<16xf32> to vector<1x1x16xf32>
          tpu.vector_store %arg8[%swap3A_2267, %swap3A_2268, %swap3A_2269], %swap3A_2272 {strides = array<i32>} : memref<4x128x128xf32, #tpu.memory_space<vmem>>, vector<1x1x16xf32>,
          %mul3A_2273 = arith.mulf %broadcast_in_dim3A_2238, %get3A_27 : vector<16xf32>
          %mul3A_2274 = arith.mulf %broadcast_in_dim3A_2242, %get3A_67 : vector<16xf32>
          %add3A_2275 = arith.addf %mul3A_2273, %mul3A_2274 : vector<16xf32>
          %mul3A_2276 = arith.mulf %broadcast_in_dim3A_2248, %get3A_107 : vector<16xf32>
          %add3A_2277 = arith.addf %add3A_2275, %mul3A_2276 : vector<16xf32>
          %swap3A_2278 = arith.constant 1 : i32
          %swap3A_2279 = arith.index_cast %swap3A_2278 : i32 to index
          %swap3A_2280 = arith.index_cast %add3A_2227 : i32 to index
          %swap3A_2281 = arith.constant 32 : index
          %swap3A_2282 = tpu.vector_load %arg8[%swap3A_2279, %swap3A_2280, %swap3A_2281] {strides = array<i32>} : memref<4x128x128xf32, #tpu.memory_space<vmem>>, vector<1x1x16xf32>,
          %swap3A_2283 = vector.shape_cast %swap3A_2282 : vector<1x1x16xf32> to vector<16xf32>
          %swap3A_2284 = vector.shape_cast %add3A_2277 : vector<16xf32> to vector<1x1x16xf32>
          tpu.vector_store %arg8[%swap3A_2279, %swap3A_2280, %swap3A_2281], %swap3A_2284 {strides = array<i32>} : memref<4x128x128xf32, #tpu.memory_space<vmem>>, vector<1x1x16xf32>,
          %mul3A_2285 = arith.mulf %broadcast_in_dim3A_2238, %get3A_32 : vector<16xf32>
          %mul3A_2286 = arith.mulf %broadcast_in_dim3A_2242, %get3A_72 : vector<16xf32>
          %add3A_2287 = arith.addf %mul3A_2285, %mul3A_2286 : vector<16xf32>
          %mul3A_2288 = arith.mulf %broadcast_in_dim3A_2248, %get3A_112 : vector<16xf32>
          %add3A_2289 = arith.addf %add3A_2287, %mul3A_2288 : vector<16xf32>
          %swap3A_2290 = arith.constant 1 : i32
          %swap3A_2291 = arith.index_cast %swap3A_2290 : i32 to index
          %swap3A_2292 = arith.index_cast %add3A_2227 : i32 to index
          %swap3A_2293 = arith.constant 48 : index
          %swap3A_2294 = tpu.vector_load %arg8[%swap3A_2291, %swap3A_2292, %swap3A_2293] {strides = array<i32>} : memref<4x128x128xf32, #tpu.memory_space<vmem>>, vector<1x1x16xf32>,
          %swap3A_2295 = vector.shape_cast %swap3A_2294 : vector<1x1x16xf32> to vector<16xf32>
          %swap3A_2296 = vector.shape_cast %add3A_2289 : vector<16xf32> to vector<1x1x16xf32>
          tpu.vector_store %arg8[%swap3A_2291, %swap3A_2292, %swap3A_2293], %swap3A_2296 {strides = array<i32>} : memref<4x128x128xf32, #tpu.memory_space<vmem>>, vector<1x1x16xf32>,
          %mul3A_2297 = arith.mulf %broadcast_in_dim3A_2238, %get3A_37 : vector<16xf32>
          %mul3A_2298 = arith.mulf %broadcast_in_dim3A_2242, %get3A_77 : vector<16xf32>
          %add3A_2299 = arith.addf %mul3A_2297, %mul3A_2298 : vector<16xf32>
          %mul3A_2300 = arith.mulf %broadcast_in_dim3A_2248, %get3A_117 : vector<16xf32>
          %add3A_2301 = arith.addf %add3A_2299, %mul3A_2300 : vector<16xf32>
          %swap3A_2302 = arith.constant 1 : i32
          %swap3A_2303 = arith.index_cast %swap3A_2302 : i32 to index
          %swap3A_2304 = arith.index_cast %add3A_2227 : i32 to index
          %swap3A_2305 = arith.constant 64 : index
          %swap3A_2306 = tpu.vector_load %arg8[%swap3A_2303, %swap3A_2304, %swap3A_2305] {strides = array<i32>} : memref<4x128x128xf32, #tpu.memory_space<vmem>>, vector<1x1x16xf32>,
          %swap3A_2307 = vector.shape_cast %swap3A_2306 : vector<1x1x16xf32> to vector<16xf32>
          %swap3A_2308 = vector.shape_cast %add3A_2301 : vector<16xf32> to vector<1x1x16xf32>
          tpu.vector_store %arg8[%swap3A_2303, %swap3A_2304, %swap3A_2305], %swap3A_2308 {strides = array<i32>} : memref<4x128x128xf32, #tpu.memory_space<vmem>>, vector<1x1x16xf32>,
          %mul3A_2309 = arith.mulf %broadcast_in_dim3A_2238, %get3A_42 : vector<16xf32>
          %mul3A_2310 = arith.mulf %broadcast_in_dim3A_2242, %get3A_82 : vector<16xf32>
          %add3A_2311 = arith.addf %mul3A_2309, %mul3A_2310 : vector<16xf32>
          %mul3A_2312 = arith.mulf %broadcast_in_dim3A_2248, %get3A_122 : vector<16xf32>
          %add3A_2313 = arith.addf %add3A_2311, %mul3A_2312 : vector<16xf32>
          %swap3A_2314 = arith.constant 1 : i32
          %swap3A_2315 = arith.index_cast %swap3A_2314 : i32 to index
          %swap3A_2316 = arith.index_cast %add3A_2227 : i32 to index
          %swap3A_2317 = arith.constant 80 : index
          %swap3A_2318 = tpu.vector_load %arg8[%swap3A_2315, %swap3A_2316, %swap3A_2317] {strides = array<i32>} : memref<4x128x128xf32, #tpu.memory_space<vmem>>, vector<1x1x16xf32>,
          %swap3A_2319 = vector.shape_cast %swap3A_2318 : vector<1x1x16xf32> to vector<16xf32>
          %swap3A_2320 = vector.shape_cast %add3A_2313 : vector<16xf32> to vector<1x1x16xf32>
          tpu.vector_store %arg8[%swap3A_2315, %swap3A_2316, %swap3A_2317], %swap3A_2320 {strides = array<i32>} : memref<4x128x128xf32, #tpu.memory_space<vmem>>, vector<1x1x16xf32>,
          %mul3A_2321 = arith.mulf %broadcast_in_dim3A_2238, %get3A_47 : vector<16xf32>
          %mul3A_2322 = arith.mulf %broadcast_in_dim3A_2242, %get3A_87 : vector<16xf32>
          %add3A_2323 = arith.addf %mul3A_2321, %mul3A_2322 : vector<16xf32>
          %mul3A_2324 = arith.mulf %broadcast_in_dim3A_2248, %get3A_127 : vector<16xf32>
          %add3A_2325 = arith.addf %add3A_2323, %mul3A_2324 : vector<16xf32>
          %swap3A_2326 = arith.constant 1 : i32
          %swap3A_2327 = arith.index_cast %swap3A_2326 : i32 to index
          %swap3A_2328 = arith.index_cast %add3A_2227 : i32 to index
          %swap3A_2329 = arith.constant 96 : index
          %swap3A_2330 = tpu.vector_load %arg8[%swap3A_2327, %swap3A_2328, %swap3A_2329] {strides = array<i32>} : memref<4x128x128xf32, #tpu.memory_space<vmem>>, vector<1x1x16xf32>,
          %swap3A_2331 = vector.shape_cast %swap3A_2330 : vector<1x1x16xf32> to vector<16xf32>
          %swap3A_2332 = vector.shape_cast %add3A_2325 : vector<16xf32> to vector<1x1x16xf32>
          tpu.vector_store %arg8[%swap3A_2327, %swap3A_2328, %swap3A_2329], %swap3A_2332 {strides = array<i32>} : memref<4x128x128xf32, #tpu.memory_space<vmem>>, vector<1x1x16xf32>,
          %mul3A_2333 = arith.mulf %broadcast_in_dim3A_2238, %get3A_52 : vector<16xf32>
          %mul3A_2334 = arith.mulf %broadcast_in_dim3A_2242, %get3A_92 : vector<16xf32>
          %add3A_2335 = arith.addf %mul3A_2333, %mul3A_2334 : vector<16xf32>
          %mul3A_2336 = arith.mulf %broadcast_in_dim3A_2248, %get3A_132 : vector<16xf32>
          %add3A_2337 = arith.addf %add3A_2335, %mul3A_2336 : vector<16xf32>
          %swap3A_2338 = arith.constant 1 : i32
          %swap3A_2339 = arith.index_cast %swap3A_2338 : i32 to index
          %swap3A_2340 = arith.index_cast %add3A_2227 : i32 to index
          %swap3A_2341 = arith.constant 112 : index
          %swap3A_2342 = tpu.vector_load %arg8[%swap3A_2339, %swap3A_2340, %swap3A_2341] {strides = array<i32>} : memref<4x128x128xf32, #tpu.memory_space<vmem>>, vector<1x1x16xf32>,
          %swap3A_2343 = vector.shape_cast %swap3A_2342 : vector<1x1x16xf32> to vector<16xf32>
          %swap3A_2344 = vector.shape_cast %add3A_2337 : vector<16xf32> to vector<1x1x16xf32>
          tpu.vector_store %arg8[%swap3A_2339, %swap3A_2340, %swap3A_2341], %swap3A_2344 {strides = array<i32>} : memref<4x128x128xf32, #tpu.memory_space<vmem>>, vector<1x1x16xf32>,
        }
        %scan3A_312 = arith.constant 8 : i32
        %add3A_313 = arith.addi %add3A_13, %add3A_244 : i32
        %dma_start3A_314 = arith.constant 1 : i32
        %dma_start3A_315 = arith.constant 1 : i32
        %dma_start3A_316 = arith.constant 0 : i32
        %dma_start3A_317 = arith.constant 0 : i32
        %dma_start3A_318 = tpu.memref_slice %arg8[%dma_start3A_314, %dma_start3A_316, %dma_start3A_317] : memref<4x128x128xf32, #tpu.memory_space<vmem>> -> memref<1x128x128xf32, #tpu.memory_space<vmem>>
        %dma_start3A_319 = tpu.memref_squeeze %dma_start3A_318 : memref<1x128x128xf32, #tpu.memory_space<vmem>> -> memref<128x128xf32, #tpu.memory_space<vmem>>
        %dma_start3A_320 = arith.constant 0 : i32
        %dma_start3A_321 = arith.constant 0 : i32
        %dma_start3A_322 = tpu.memref_slice %arg4[%add3A_313, %dma_start3A_320, %dma_start3A_321] : memref<25600x128x128xf32, #tpu.memory_space<hbm>> -> memref<1x128x128xf32, #tpu.memory_space<hbm>>
        %dma_start3A_323 = tpu.memref_squeeze %dma_start3A_322 : memref<1x128x128xf32, #tpu.memory_space<hbm>> -> memref<128x128xf32, #tpu.memory_space<hbm>>
        %dma_start3A_324 = tpu.memref_slice %arg10[%dma_start3A_315] : memref<4x!tpu.dma_semaphore, #tpu.memory_space<semaphore_mem>> -> memref<1x!tpu.dma_semaphore, #tpu.memory_space<semaphore_mem>>
        %dma_start3A_325 = tpu.memref_squeeze %dma_start3A_324 : memref<1x!tpu.dma_semaphore, #tpu.memory_space<semaphore_mem>> -> memref<!tpu.dma_semaphore, #tpu.memory_space<semaphore_mem>>
        %dma_start3A_326 = arith.constant 0 : i32
        %dma_start3A_327 = arith.constant 0 : i32
        %dma_start3A_328 = tpu.memref_slice %arg4[%add3A_313, %dma_start3A_326, %dma_start3A_327] : memref<25600x128x128xf32, #tpu.memory_space<hbm>> -> memref<1x128x128xf32, #tpu.memory_space<hbm>>
        %dma_start3A_329 = tpu.memref_squeeze %dma_start3A_328 : memref<1x128x128xf32, #tpu.memory_space<hbm>> -> memref<128x128xf32, #tpu.memory_space<hbm>>
        %dma_start3A_330 = arith.constant 0 : i32
        %dma_start3A_331 = arith.constant 0 : i32
        %dma_start3A_332 = tpu.memref_slice %arg8[%dma_start3A_314, %dma_start3A_330, %dma_start3A_331] : memref<4x128x128xf32, #tpu.memory_space<vmem>> -> memref<1x128x128xf32, #tpu.memory_space<vmem>>
        %dma_start3A_333 = tpu.memref_squeeze %dma_start3A_332 : memref<1x128x128xf32, #tpu.memory_space<vmem>> -> memref<128x128xf32, #tpu.memory_space<vmem>>
        tpu.enqueue_dma source(%dma_start3A_333 : memref<128x128xf32, #tpu.memory_space<vmem>>) target(%dma_start3A_329 : memref<128x128xf32, #tpu.memory_space<hbm>>) target_semaphore(%dma_start3A_325 : memref<!tpu.dma_semaphore, #tpu.memory_space<semaphore_mem>>)
        %dma_wait3A_334 = arith.constant 2 : i32
        %dma_wait3A_335 = arith.constant 2 : i32
        %dma_wait3A_336 = arith.constant 0 : i32
        %dma_wait3A_337 = arith.constant 0 : i32
        %dma_wait3A_338 = tpu.memref_slice %arg8[%dma_wait3A_334, %dma_wait3A_336, %dma_wait3A_337] : memref<4x128x128xf32, #tpu.memory_space<vmem>> -> memref<1x128x128xf32, #tpu.memory_space<vmem>>
        %dma_wait3A_339 = tpu.memref_squeeze %dma_wait3A_338 : memref<1x128x128xf32, #tpu.memory_space<vmem>> -> memref<128x128xf32, #tpu.memory_space<vmem>>
        %dma_wait3A_340 = arith.constant 0 : i32
        %dma_wait3A_341 = tpu.memref_slice %arg7[%add3A_246, %dma_wait3A_340] : memref<400x128xi32, #tpu.memory_space<vmem>> -> memref<1x128xi32, #tpu.memory_space<vmem>>
        %dma_wait3A_342 = tpu.memref_squeeze %dma_wait3A_341 : memref<1x128xi32, #tpu.memory_space<vmem>> -> memref<128xi32, #tpu.memory_space<vmem>>
        %dma_wait3A_343 = arith.constant 0 : i32
        %dma_wait3A_344 = arith.constant 0 : i32
        %dma_wait3A_345 = tpu.memref_slice %arg5[%dma_wait3A_343, %dma_wait3A_344] : memref<3x128xf32, #tpu.memory_space<vmem_shared>> -> memref<3x128xf32, #tpu.memory_space<vmem_shared>>
        %dma_wait3A_346 = tpu.memref_slice %arg9[%dma_wait3A_335] : memref<4x!tpu.dma_semaphore, #tpu.memory_space<semaphore_mem>> -> memref<1x!tpu.dma_semaphore, #tpu.memory_space<semaphore_mem>>
        %dma_wait3A_347 = tpu.memref_squeeze %dma_wait3A_346 : memref<1x!tpu.dma_semaphore, #tpu.memory_space<semaphore_mem>> -> memref<!tpu.dma_semaphore, #tpu.memory_space<semaphore_mem>>
        tpu.wait_indirect_dma semaphore(%dma_wait3A_347 : memref<!tpu.dma_semaphore, #tpu.memory_space<semaphore_mem>>) src(%dma_wait3A_345 : memref<3x128xf32, #tpu.memory_space<vmem_shared>>) dst(%dma_wait3A_339 : memref<128x128xf32, #tpu.memory_space<vmem>>)
        %add3A_348 = arith.addi %add3A_13, %add3A_246 : i32
        %dma_start3A_349 = arith.constant 2 : i32
        %dma_start3A_350 = arith.constant 2 : i32
        %dma_start3A_351 = arith.constant 0 : i32
        %dma_start3A_352 = arith.constant 0 : i32
        %dma_start3A_353 = tpu.memref_slice %arg8[%dma_start3A_349, %dma_start3A_351, %dma_start3A_352] : memref<4x128x128xf32, #tpu.memory_space<vmem>> -> memref<1x128x128xf32, #tpu.memory_space<vmem>>
        %dma_start3A_354 = tpu.memref_squeeze %dma_start3A_353 : memref<1x128x128xf32, #tpu.memory_space<vmem>> -> memref<128x128xf32, #tpu.memory_space<vmem>>
        %dma_start3A_355 = arith.constant 0 : i32
        %dma_start3A_356 = arith.constant 0 : i32
        %dma_start3A_357 = tpu.memref_slice %arg4[%add3A_348, %dma_start3A_355, %dma_start3A_356] : memref<25600x128x128xf32, #tpu.memory_space<hbm>> -> memref<1x128x128xf32, #tpu.memory_space<hbm>>
        %dma_start3A_358 = tpu.memref_squeeze %dma_start3A_357 : memref<1x128x128xf32, #tpu.memory_space<hbm>> -> memref<128x128xf32, #tpu.memory_space<hbm>>
        %dma_start3A_359 = tpu.memref_slice %arg10[%dma_start3A_350] : memref<4x!tpu.dma_semaphore, #tpu.memory_space<semaphore_mem>> -> memref<1x!tpu.dma_semaphore, #tpu.memory_space<semaphore_mem>>
        %dma_start3A_360 = tpu.memref_squeeze %dma_start3A_359 : memref<1x!tpu.dma_semaphore, #tpu.memory_space<semaphore_mem>> -> memref<!tpu.dma_semaphore, #tpu.memory_space<semaphore_mem>>
        %dma_start3A_361 = arith.constant 0 : i32
        %dma_start3A_362 = arith.constant 0 : i32
        %dma_start3A_363 = tpu.memref_slice %arg4[%add3A_348, %dma_start3A_361, %dma_start3A_362] : memref<25600x128x128xf32, #tpu.memory_space<hbm>> -> memref<1x128x128xf32, #tpu.memory_space<hbm>>
        %dma_start3A_364 = tpu.memref_squeeze %dma_start3A_363 : memref<1x128x128xf32, #tpu.memory_space<hbm>> -> memref<128x128xf32, #tpu.memory_space<hbm>>
        %dma_start3A_365 = arith.constant 0 : i32
        %dma_start3A_366 = arith.constant 0 : i32
        %dma_start3A_367 = tpu.memref_slice %arg8[%dma_start3A_349, %dma_start3A_365, %dma_start3A_366] : memref<4x128x128xf32, #tpu.memory_space<vmem>> -> memref<1x128x128xf32, #tpu.memory_space<vmem>>
        %dma_start3A_368 = tpu.memref_squeeze %dma_start3A_367 : memref<1x128x128xf32, #tpu.memory_space<vmem>> -> memref<128x128xf32, #tpu.memory_space<vmem>>
        tpu.enqueue_dma source(%dma_start3A_368 : memref<128x128xf32, #tpu.memory_space<vmem>>) target(%dma_start3A_364 : memref<128x128xf32, #tpu.memory_space<hbm>>) target_semaphore(%dma_start3A_360 : memref<!tpu.dma_semaphore, #tpu.memory_space<semaphore_mem>>)
        %add3A_369 = arith.constant 4 : i32
        %add3A_370 = arith.addi %mul3A_242, %add3A_369 : i32
        %lt3A = arith.constant 400 : i32
        %lt3A_371 = arith.cmpi slt, %add3A_370, %lt3A : i32
        %convert_element_type3A_372 = arith.extui %lt3A_371 : i1 to i32
        %cond3A_373 = arith.constant 0 : i32
        %cond3A_374 = arith.cmpi ne, %convert_element_type3A_372, %cond3A_373 : i32
        scf.if %cond3A_374 {
          %add3A_407 = arith.addi %add3A_13, %mul3A_242 : i32
          %dma_wait3A_408 = arith.constant 0 : i32
          %dma_wait3A_409 = arith.constant 0 : i32
          %dma_wait3A_410 = arith.constant 0 : i32
          %dma_wait3A_411 = arith.constant 0 : i32
          %dma_wait3A_412 = tpu.memref_slice %arg8[%dma_wait3A_408, %dma_wait3A_410, %dma_wait3A_411] : memref<4x128x128xf32, #tpu.memory_space<vmem>> -> memref<1x128x128xf32, #tpu.memory_space<vmem>>
          %dma_wait3A_413 = tpu.memref_squeeze %dma_wait3A_412 : memref<1x128x128xf32, #tpu.memory_space<vmem>> -> memref<128x128xf32, #tpu.memory_space<vmem>>
          %dma_wait3A_414 = arith.constant 0 : i32
          %dma_wait3A_415 = arith.constant 0 : i32
          %dma_wait3A_416 = tpu.memref_slice %arg4[%add3A_407, %dma_wait3A_414, %dma_wait3A_415] : memref<25600x128x128xf32, #tpu.memory_space<hbm>> -> memref<1x128x128xf32, #tpu.memory_space<hbm>>
          %dma_wait3A_417 = tpu.memref_squeeze %dma_wait3A_416 : memref<1x128x128xf32, #tpu.memory_space<hbm>> -> memref<128x128xf32, #tpu.memory_space<hbm>>
          %dma_wait3A_418 = tpu.memref_slice %arg10[%dma_wait3A_409] : memref<4x!tpu.dma_semaphore, #tpu.memory_space<semaphore_mem>> -> memref<1x!tpu.dma_semaphore, #tpu.memory_space<semaphore_mem>>
          %dma_wait3A_419 = tpu.memref_squeeze %dma_wait3A_418 : memref<1x!tpu.dma_semaphore, #tpu.memory_space<semaphore_mem>> -> memref<!tpu.dma_semaphore, #tpu.memory_space<semaphore_mem>>
          %dma_wait3A_420 = arith.constant 0 : i32
          %dma_wait3A_421 = arith.constant 0 : i32
          %dma_wait3A_422 = tpu.memref_slice %arg4[%add3A_407, %dma_wait3A_420, %dma_wait3A_421] : memref<25600x128x128xf32, #tpu.memory_space<hbm>> -> memref<1x128x128xf32, #tpu.memory_space<hbm>>
          %dma_wait3A_423 = tpu.memref_squeeze %dma_wait3A_422 : memref<1x128x128xf32, #tpu.memory_space<hbm>> -> memref<128x128xf32, #tpu.memory_space<hbm>>
          %dma_wait3A_424 = arith.constant 0 : i32
          %dma_wait3A_425 = arith.constant 0 : i32
          %dma_wait3A_426 = tpu.memref_slice %arg8[%dma_wait3A_408, %dma_wait3A_424, %dma_wait3A_425] : memref<4x128x128xf32, #tpu.memory_space<vmem>> -> memref<1x128x128xf32, #tpu.memory_space<vmem>>
          %dma_wait3A_427 = tpu.memref_squeeze %dma_wait3A_426 : memref<1x128x128xf32, #tpu.memory_space<vmem>> -> memref<128x128xf32, #tpu.memory_space<vmem>>
          tpu.wait_dma2 semaphore(%dma_wait3A_419 : memref<!tpu.dma_semaphore, #tpu.memory_space<semaphore_mem>>) src(%dma_wait3A_427 : memref<128x128xf32, #tpu.memory_space<vmem>>) dst(%dma_wait3A_423 : memref<128x128xf32, #tpu.memory_space<hbm>>)
          %add3A_428 = arith.constant 4 : i32
          %add3A_429 = arith.addi %mul3A_242, %add3A_428 : i32
          %dma_start3A_430 = arith.constant 0 : i32
          %dma_start3A_431 = arith.constant 0 : i32
          %dma_start3A_432 = arith.constant 0 : i32
          %dma_start3A_433 = arith.constant 0 : i32
          %dma_start3A_434 = tpu.memref_slice %arg8[%dma_start3A_430, %dma_start3A_432, %dma_start3A_433] : memref<4x128x128xf32, #tpu.memory_space<vmem>> -> memref<1x128x128xf32, #tpu.memory_space<vmem>>
          %dma_start3A_435 = tpu.memref_squeeze %dma_start3A_434 : memref<1x128x128xf32, #tpu.memory_space<vmem>> -> memref<128x128xf32, #tpu.memory_space<vmem>>
          %dma_start3A_436 = arith.constant 0 : i32
          %dma_start3A_437 = tpu.memref_slice %arg7[%add3A_429, %dma_start3A_436] : memref<400x128xi32, #tpu.memory_space<vmem>> -> memref<1x128xi32, #tpu.memory_space<vmem>>
          %dma_start3A_438 = tpu.memref_squeeze %dma_start3A_437 : memref<1x128xi32, #tpu.memory_space<vmem>> -> memref<128xi32, #tpu.memory_space<vmem>>
          %dma_start3A_439 = arith.constant 0 : i32
          %dma_start3A_440 = arith.constant 0 : i32
          %dma_start3A_441 = tpu.memref_slice %arg5[%dma_start3A_439, %dma_start3A_440] : memref<3x128xf32, #tpu.memory_space<vmem_shared>> -> memref<3x128xf32, #tpu.memory_space<vmem_shared>>
          %dma_start3A_442 = tpu.memref_slice %arg9[%dma_start3A_431] : memref<4x!tpu.dma_semaphore, #tpu.memory_space<semaphore_mem>> -> memref<1x!tpu.dma_semaphore, #tpu.memory_space<semaphore_mem>>
          %dma_start3A_443 = tpu.memref_squeeze %dma_start3A_442 : memref<1x!tpu.dma_semaphore, #tpu.memory_space<semaphore_mem>> -> memref<!tpu.dma_semaphore, #tpu.memory_space<semaphore_mem>>
          tpu.enqueue_indirect_dma source(%dma_start3A_441 : memref<3x128xf32, #tpu.memory_space<vmem_shared>>) target(%dma_start3A_435 : memref<128x128xf32, #tpu.memory_space<vmem>>) offsets(%dma_start3A_438 : memref<128xi32, #tpu.memory_space<vmem>>) semaphore(%dma_start3A_443 : memref<!tpu.dma_semaphore, #tpu.memory_space<semaphore_mem>>)
        } else {
        }
        %ge3A_375 = arith.constant 1 : i32
        %ge3A_376 = arith.cmpi sge, %scan3A_240, %ge3A_375 : i32
        %convert_element_type3A_377 = arith.extui %ge3A_376 : i1 to i32
        %cond3A_378 = arith.constant 0 : i32
        %cond3A_379 = arith.cmpi ne, %convert_element_type3A_377, %cond3A_378 : i32
        scf.if %cond3A_379 {
          %sub3A = arith.constant 4 : i32
          %sub3A_407 = arith.subi %add3A_248, %sub3A : i32
          %add3A_408 = arith.addi %add3A_13, %sub3A_407 : i32
          %dma_wait3A_409 = arith.constant 3 : i32
          %dma_wait3A_410 = arith.constant 3 : i32
          %dma_wait3A_411 = arith.constant 0 : i32
          %dma_wait3A_412 = arith.constant 0 : i32
          %dma_wait3A_413 = tpu.memref_slice %arg8[%dma_wait3A_409, %dma_wait3A_411, %dma_wait3A_412] : memref<4x128x128xf32, #tpu.memory_space<vmem>> -> memref<1x128x128xf32, #tpu.memory_space<vmem>>
          %dma_wait3A_414 = tpu.memref_squeeze %dma_wait3A_413 : memref<1x128x128xf32, #tpu.memory_space<vmem>> -> memref<128x128xf32, #tpu.memory_space<vmem>>
          %dma_wait3A_415 = arith.constant 0 : i32
          %dma_wait3A_416 = arith.constant 0 : i32
          %dma_wait3A_417 = tpu.memref_slice %arg4[%add3A_408, %dma_wait3A_415, %dma_wait3A_416] : memref<25600x128x128xf32, #tpu.memory_space<hbm>> -> memref<1x128x128xf32, #tpu.memory_space<hbm>>
          %dma_wait3A_418 = tpu.memref_squeeze %dma_wait3A_417 : memref<1x128x128xf32, #tpu.memory_space<hbm>> -> memref<128x128xf32, #tpu.memory_space<hbm>>
          %dma_wait3A_419 = tpu.memref_slice %arg10[%dma_wait3A_410] : memref<4x!tpu.dma_semaphore, #tpu.memory_space<semaphore_mem>> -> memref<1x!tpu.dma_semaphore, #tpu.memory_space<semaphore_mem>>
          %dma_wait3A_420 = tpu.memref_squeeze %dma_wait3A_419 : memref<1x!tpu.dma_semaphore, #tpu.memory_space<semaphore_mem>> -> memref<!tpu.dma_semaphore, #tpu.memory_space<semaphore_mem>>
          %dma_wait3A_421 = arith.constant 0 : i32
          %dma_wait3A_422 = arith.constant 0 : i32
          %dma_wait3A_423 = tpu.memref_slice %arg4[%add3A_408, %dma_wait3A_421, %dma_wait3A_422] : memref<25600x128x128xf32, #tpu.memory_space<hbm>> -> memref<1x128x128xf32, #tpu.memory_space<hbm>>
          %dma_wait3A_424 = tpu.memref_squeeze %dma_wait3A_423 : memref<1x128x128xf32, #tpu.memory_space<hbm>> -> memref<128x128xf32, #tpu.memory_space<hbm>>
          %dma_wait3A_425 = arith.constant 0 : i32
          %dma_wait3A_426 = arith.constant 0 : i32
          %dma_wait3A_427 = tpu.memref_slice %arg8[%dma_wait3A_409, %dma_wait3A_425, %dma_wait3A_426] : memref<4x128x128xf32, #tpu.memory_space<vmem>> -> memref<1x128x128xf32, #tpu.memory_space<vmem>>
          %dma_wait3A_428 = tpu.memref_squeeze %dma_wait3A_427 : memref<1x128x128xf32, #tpu.memory_space<vmem>> -> memref<128x128xf32, #tpu.memory_space<vmem>>
          tpu.wait_dma2 semaphore(%dma_wait3A_420 : memref<!tpu.dma_semaphore, #tpu.memory_space<semaphore_mem>>) src(%dma_wait3A_428 : memref<128x128xf32, #tpu.memory_space<vmem>>) dst(%dma_wait3A_424 : memref<128x128xf32, #tpu.memory_space<hbm>>)
        } else {
        }
        %scan3A_380 = arith.constant 0 : i32
        %scan3A_381 = arith.constant 0 : i32
        %scan3A_382 = arith.constant 8 : i32
        %scan3A_383 = arith.addi %scan3A_381, %scan3A_382 : i32
        %scan3A_384 = arith.constant 1 : i32
        scf.for %scan3A_407 = %scan3A_381 to %scan3A_383 step %scan3A_384  : i32 {
          %mul3A_408 = arith.constant 16 : i32
          %mul3A_409 = arith.muli %scan3A_407, %mul3A_408 : i32
          %get3A_410 = arith.index_cast %add3A_248 : i32 to index
          %get3A_411 = arith.index_cast %mul3A_409 : i32 to index
          %get3A_412 = tpu.vector_load %arg7[%get3A_410, %get3A_411] {strides = array<i32>} : memref<400x128xi32, #tpu.memory_space<vmem>>, vector<1x16xi32>,
          %get3A_413 = vector.shape_cast %get3A_412 : vector<1x16xi32> to vector<16xi32>
          %mul3A_414 = arith.constant 16 : i32
          %mul3A_415 = arith.muli %scan3A_407, %mul3A_414 : i32
          %add3A_416 = arith.constant 0 : i32
          %add3A_417 = arith.addi %mul3A_415, %add3A_416 : i32
          %slice3A = vector.extract_strided_slice %get3A_413 {offsets = [0], sizes = [1], strides = [1]} : vector<16xi32> to vector<1xi32>
          %squeeze3A = vector.extract %slice3A[0] : i32 from vector<1xi32>
          %convert_element_type3A_418 = arith.sitofp %squeeze3A : i32 to f32
          %sub3A = arith.constant 1.000000e+00 : f32
          %sub3A_419 = arith.subf %sub3A, %convert_element_type3A_418 : f32
          %sub3A_420 = arith.constant 2.000000e+00 : f32
          %sub3A_421 = arith.subf %sub3A_420, %convert_element_type3A_418 : f32
          %mul3A_422 = arith.mulf %sub3A_419, %sub3A_421 : f32
          %mul3A_423 = arith.constant 5.000000e-01 : f32
          %mul3A_424 = arith.mulf %mul3A_422, %mul3A_423 : f32
          %broadcast_in_dim3A = vector.broadcast %mul3A_424 : f32 to vector<16xf32>
          %sub3A_425 = arith.constant 2.000000e+00 : f32
          %sub3A_426 = arith.subf %sub3A_425, %convert_element_type3A_418 : f32
          %mul3A_427 = arith.mulf %convert_element_type3A_418, %sub3A_426 : f32
          %broadcast_in_dim3A_428 = vector.broadcast %mul3A_427 : f32 to vector<16xf32>
          %sub3A_429 = arith.constant 1.000000e+00 : f32
          %sub3A_430 = arith.subf %convert_element_type3A_418, %sub3A_429 : f32
          %mul3A_431 = arith.mulf %convert_element_type3A_418, %sub3A_430 : f32
          %mul3A_432 = arith.constant 5.000000e-01 : f32
          %mul3A_433 = arith.mulf %mul3A_431, %mul3A_432 : f32
          %broadcast_in_dim3A_434 = vector.broadcast %mul3A_433 : f32 to vector<16xf32>
          %mul3A_435 = arith.mulf %broadcast_in_dim3A, %get3A_17 : vector<16xf32>
          %mul3A_436 = arith.mulf %broadcast_in_dim3A_428, %get3A_57 : vector<16xf32>
          %add3A_437 = arith.addf %mul3A_435, %mul3A_436 : vector<16xf32>
          %mul3A_438 = arith.mulf %broadcast_in_dim3A_434, %get3A_97 : vector<16xf32>
          %add3A_439 = arith.addf %add3A_437, %mul3A_438 : vector<16xf32>
          %swap3A = arith.constant 3 : i32
          %swap3A_440 = arith.index_cast %swap3A : i32 to index
          %swap3A_441 = arith.index_cast %add3A_417 : i32 to index
          %swap3A_442 = arith.constant 0 : index
          %swap3A_443 = tpu.vector_load %arg8[%swap3A_440, %swap3A_441, %swap3A_442] {strides = array<i32>} : memref<4x128x128xf32, #tpu.memory_space<vmem>>, vector<1x1x16xf32>,
          %swap3A_444 = vector.shape_cast %swap3A_443 : vector<1x1x16xf32> to vector<16xf32>
          %swap3A_445 = vector.shape_cast %add3A_439 : vector<16xf32> to vector<1x1x16xf32>
          tpu.vector_store %arg8[%swap3A_440, %swap3A_441, %swap3A_442], %swap3A_445 {strides = array<i32>} : memref<4x128x128xf32, #tpu.memory_space<vmem>>, vector<1x1x16xf32>,
          %mul3A_446 = arith.mulf %broadcast_in_dim3A, %get3A_22 : vector<16xf32>
          %mul3A_447 = arith.mulf %broadcast_in_dim3A_428, %get3A_62 : vector<16xf32>
          %add3A_448 = arith.addf %mul3A_446, %mul3A_447 : vector<16xf32>
          %mul3A_449 = arith.mulf %broadcast_in_dim3A_434, %get3A_102 : vector<16xf32>
          %add3A_450 = arith.addf %add3A_448, %mul3A_449 : vector<16xf32>
          %swap3A_451 = arith.constant 3 : i32
          %swap3A_452 = arith.index_cast %swap3A_451 : i32 to index
          %swap3A_453 = arith.index_cast %add3A_417 : i32 to index
          %swap3A_454 = arith.constant 16 : index
          %swap3A_455 = tpu.vector_load %arg8[%swap3A_452, %swap3A_453, %swap3A_454] {strides = array<i32>} : memref<4x128x128xf32, #tpu.memory_space<vmem>>, vector<1x1x16xf32>,
          %swap3A_456 = vector.shape_cast %swap3A_455 : vector<1x1x16xf32> to vector<16xf32>
          %swap3A_457 = vector.shape_cast %add3A_450 : vector<16xf32> to vector<1x1x16xf32>
          tpu.vector_store %arg8[%swap3A_452, %swap3A_453, %swap3A_454], %swap3A_457 {strides = array<i32>} : memref<4x128x128xf32, #tpu.memory_space<vmem>>, vector<1x1x16xf32>,
          %mul3A_458 = arith.mulf %broadcast_in_dim3A, %get3A_27 : vector<16xf32>
          %mul3A_459 = arith.mulf %broadcast_in_dim3A_428, %get3A_67 : vector<16xf32>
          %add3A_460 = arith.addf %mul3A_458, %mul3A_459 : vector<16xf32>
          %mul3A_461 = arith.mulf %broadcast_in_dim3A_434, %get3A_107 : vector<16xf32>
          %add3A_462 = arith.addf %add3A_460, %mul3A_461 : vector<16xf32>
          %swap3A_463 = arith.constant 3 : i32
          %swap3A_464 = arith.index_cast %swap3A_463 : i32 to index
          %swap3A_465 = arith.index_cast %add3A_417 : i32 to index
          %swap3A_466 = arith.constant 32 : index
          %swap3A_467 = tpu.vector_load %arg8[%swap3A_464, %swap3A_465, %swap3A_466] {strides = array<i32>} : memref<4x128x128xf32, #tpu.memory_space<vmem>>, vector<1x1x16xf32>,
          %swap3A_468 = vector.shape_cast %swap3A_467 : vector<1x1x16xf32> to vector<16xf32>
          %swap3A_469 = vector.shape_cast %add3A_462 : vector<16xf32> to vector<1x1x16xf32>
          tpu.vector_store %arg8[%swap3A_464, %swap3A_465, %swap3A_466], %swap3A_469 {strides = array<i32>} : memref<4x128x128xf32, #tpu.memory_space<vmem>>, vector<1x1x16xf32>,
          %mul3A_470 = arith.mulf %broadcast_in_dim3A, %get3A_32 : vector<16xf32>
          %mul3A_471 = arith.mulf %broadcast_in_dim3A_428, %get3A_72 : vector<16xf32>
          %add3A_472 = arith.addf %mul3A_470, %mul3A_471 : vector<16xf32>
          %mul3A_473 = arith.mulf %broadcast_in_dim3A_434, %get3A_112 : vector<16xf32>
          %add3A_474 = arith.addf %add3A_472, %mul3A_473 : vector<16xf32>
          %swap3A_475 = arith.constant 3 : i32
          %swap3A_476 = arith.index_cast %swap3A_475 : i32 to index
          %swap3A_477 = arith.index_cast %add3A_417 : i32 to index
          %swap3A_478 = arith.constant 48 : index
          %swap3A_479 = tpu.vector_load %arg8[%swap3A_476, %swap3A_477, %swap3A_478] {strides = array<i32>} : memref<4x128x128xf32, #tpu.memory_space<vmem>>, vector<1x1x16xf32>,
          %swap3A_480 = vector.shape_cast %swap3A_479 : vector<1x1x16xf32> to vector<16xf32>
          %swap3A_481 = vector.shape_cast %add3A_474 : vector<16xf32> to vector<1x1x16xf32>
          tpu.vector_store %arg8[%swap3A_476, %swap3A_477, %swap3A_478], %swap3A_481 {strides = array<i32>} : memref<4x128x128xf32, #tpu.memory_space<vmem>>, vector<1x1x16xf32>,
          %mul3A_482 = arith.mulf %broadcast_in_dim3A, %get3A_37 : vector<16xf32>
          %mul3A_483 = arith.mulf %broadcast_in_dim3A_428, %get3A_77 : vector<16xf32>
          %add3A_484 = arith.addf %mul3A_482, %mul3A_483 : vector<16xf32>
          %mul3A_485 = arith.mulf %broadcast_in_dim3A_434, %get3A_117 : vector<16xf32>
          %add3A_486 = arith.addf %add3A_484, %mul3A_485 : vector<16xf32>
          %swap3A_487 = arith.constant 3 : i32
          %swap3A_488 = arith.index_cast %swap3A_487 : i32 to index
          %swap3A_489 = arith.index_cast %add3A_417 : i32 to index
          %swap3A_490 = arith.constant 64 : index
          %swap3A_491 = tpu.vector_load %arg8[%swap3A_488, %swap3A_489, %swap3A_490] {strides = array<i32>} : memref<4x128x128xf32, #tpu.memory_space<vmem>>, vector<1x1x16xf32>,
          %swap3A_492 = vector.shape_cast %swap3A_491 : vector<1x1x16xf32> to vector<16xf32>
          %swap3A_493 = vector.shape_cast %add3A_486 : vector<16xf32> to vector<1x1x16xf32>
          tpu.vector_store %arg8[%swap3A_488, %swap3A_489, %swap3A_490], %swap3A_493 {strides = array<i32>} : memref<4x128x128xf32, #tpu.memory_space<vmem>>, vector<1x1x16xf32>,
          %mul3A_494 = arith.mulf %broadcast_in_dim3A, %get3A_42 : vector<16xf32>
          %mul3A_495 = arith.mulf %broadcast_in_dim3A_428, %get3A_82 : vector<16xf32>
          %add3A_496 = arith.addf %mul3A_494, %mul3A_495 : vector<16xf32>
          %mul3A_497 = arith.mulf %broadcast_in_dim3A_434, %get3A_122 : vector<16xf32>
          %add3A_498 = arith.addf %add3A_496, %mul3A_497 : vector<16xf32>
          %swap3A_499 = arith.constant 3 : i32
          %swap3A_500 = arith.index_cast %swap3A_499 : i32 to index
          %swap3A_501 = arith.index_cast %add3A_417 : i32 to index
          %swap3A_502 = arith.constant 80 : index
          %swap3A_503 = tpu.vector_load %arg8[%swap3A_500, %swap3A_501, %swap3A_502] {strides = array<i32>} : memref<4x128x128xf32, #tpu.memory_space<vmem>>, vector<1x1x16xf32>,
          %swap3A_504 = vector.shape_cast %swap3A_503 : vector<1x1x16xf32> to vector<16xf32>
          %swap3A_505 = vector.shape_cast %add3A_498 : vector<16xf32> to vector<1x1x16xf32>
          tpu.vector_store %arg8[%swap3A_500, %swap3A_501, %swap3A_502], %swap3A_505 {strides = array<i32>} : memref<4x128x128xf32, #tpu.memory_space<vmem>>, vector<1x1x16xf32>,
          %mul3A_506 = arith.mulf %broadcast_in_dim3A, %get3A_47 : vector<16xf32>
          %mul3A_507 = arith.mulf %broadcast_in_dim3A_428, %get3A_87 : vector<16xf32>
          %add3A_508 = arith.addf %mul3A_506, %mul3A_507 : vector<16xf32>
          %mul3A_509 = arith.mulf %broadcast_in_dim3A_434, %get3A_127 : vector<16xf32>
          %add3A_510 = arith.addf %add3A_508, %mul3A_509 : vector<16xf32>
          %swap3A_511 = arith.constant 3 : i32
          %swap3A_512 = arith.index_cast %swap3A_511 : i32 to index
          %swap3A_513 = arith.index_cast %add3A_417 : i32 to index
          %swap3A_514 = arith.constant 96 : index
          %swap3A_515 = tpu.vector_load %arg8[%swap3A_512, %swap3A_513, %swap3A_514] {strides = array<i32>} : memref<4x128x128xf32, #tpu.memory_space<vmem>>, vector<1x1x16xf32>,
          %swap3A_516 = vector.shape_cast %swap3A_515 : vector<1x1x16xf32> to vector<16xf32>
          %swap3A_517 = vector.shape_cast %add3A_510 : vector<16xf32> to vector<1x1x16xf32>
          tpu.vector_store %arg8[%swap3A_512, %swap3A_513, %swap3A_514], %swap3A_517 {strides = array<i32>} : memref<4x128x128xf32, #tpu.memory_space<vmem>>, vector<1x1x16xf32>,
          %mul3A_518 = arith.mulf %broadcast_in_dim3A, %get3A_52 : vector<16xf32>
          %mul3A_519 = arith.mulf %broadcast_in_dim3A_428, %get3A_92 : vector<16xf32>
          %add3A_520 = arith.addf %mul3A_518, %mul3A_519 : vector<16xf32>
          %mul3A_521 = arith.mulf %broadcast_in_dim3A_434, %get3A_132 : vector<16xf32>
          %add3A_522 = arith.addf %add3A_520, %mul3A_521 : vector<16xf32>
          %swap3A_523 = arith.constant 3 : i32
          %swap3A_524 = arith.index_cast %swap3A_523 : i32 to index
          %swap3A_525 = arith.index_cast %add3A_417 : i32 to index
          %swap3A_526 = arith.constant 112 : index
          %swap3A_527 = tpu.vector_load %arg8[%swap3A_524, %swap3A_525, %swap3A_526] {strides = array<i32>} : memref<4x128x128xf32, #tpu.memory_space<vmem>>, vector<1x1x16xf32>,
          %swap3A_528 = vector.shape_cast %swap3A_527 : vector<1x1x16xf32> to vector<16xf32>
          %swap3A_529 = vector.shape_cast %add3A_522 : vector<16xf32> to vector<1x1x16xf32>
          tpu.vector_store %arg8[%swap3A_524, %swap3A_525, %swap3A_526], %swap3A_529 {strides = array<i32>} : memref<4x128x128xf32, #tpu.memory_space<vmem>>, vector<1x1x16xf32>,
          %mul3A_530 = arith.constant 16 : i32
          %mul3A_531 = arith.muli %scan3A_407, %mul3A_530 : i32
          %add3A_532 = arith.constant 1 : i32
          %add3A_533 = arith.addi %mul3A_531, %add3A_532 : i32
          %slice3A_534 = vector.extract_strided_slice %get3A_413 {offsets = [1], sizes = [1], strides = [1]} : vector<16xi32> to vector<1xi32>
          %squeeze3A_535 = vector.extract %slice3A_534[0] : i32 from vector<1xi32>
          %convert_element_type3A_536 = arith.sitofp %squeeze3A_535 : i32 to f32
          %sub3A_537 = arith.constant 1.000000e+00 : f32
          %sub3A_538 = arith.subf %sub3A_537, %convert_element_type3A_536 : f32
          %sub3A_539 = arith.constant 2.000000e+00 : f32
          %sub3A_540 = arith.subf %sub3A_539, %convert_element_type3A_536 : f32
          %mul3A_541 = arith.mulf %sub3A_538, %sub3A_540 : f32
          %mul3A_542 = arith.constant 5.000000e-01 : f32
          %mul3A_543 = arith.mulf %mul3A_541, %mul3A_542 : f32
          %broadcast_in_dim3A_544 = vector.broadcast %mul3A_543 : f32 to vector<16xf32>
          %sub3A_545 = arith.constant 2.000000e+00 : f32
          %sub3A_546 = arith.subf %sub3A_545, %convert_element_type3A_536 : f32
          %mul3A_547 = arith.mulf %convert_element_type3A_536, %sub3A_546 : f32
          %broadcast_in_dim3A_548 = vector.broadcast %mul3A_547 : f32 to vector<16xf32>
          %sub3A_549 = arith.constant 1.000000e+00 : f32
          %sub3A_550 = arith.subf %convert_element_type3A_536, %sub3A_549 : f32
          %mul3A_551 = arith.mulf %convert_element_type3A_536, %sub3A_550 : f32
          %mul3A_552 = arith.constant 5.000000e-01 : f32
          %mul3A_553 = arith.mulf %mul3A_551, %mul3A_552 : f32
          %broadcast_in_dim3A_554 = vector.broadcast %mul3A_553 : f32 to vector<16xf32>
          %mul3A_555 = arith.mulf %broadcast_in_dim3A_544, %get3A_17 : vector<16xf32>
          %mul3A_556 = arith.mulf %broadcast_in_dim3A_548, %get3A_57 : vector<16xf32>
          %add3A_557 = arith.addf %mul3A_555, %mul3A_556 : vector<16xf32>
          %mul3A_558 = arith.mulf %broadcast_in_dim3A_554, %get3A_97 : vector<16xf32>
          %add3A_559 = arith.addf %add3A_557, %mul3A_558 : vector<16xf32>
          %swap3A_560 = arith.constant 3 : i32
          %swap3A_561 = arith.index_cast %swap3A_560 : i32 to index
          %swap3A_562 = arith.index_cast %add3A_533 : i32 to index
          %swap3A_563 = arith.constant 0 : index
          %swap3A_564 = tpu.vector_load %arg8[%swap3A_561, %swap3A_562, %swap3A_563] {strides = array<i32>} : memref<4x128x128xf32, #tpu.memory_space<vmem>>, vector<1x1x16xf32>,
          %swap3A_565 = vector.shape_cast %swap3A_564 : vector<1x1x16xf32> to vector<16xf32>
          %swap3A_566 = vector.shape_cast %add3A_559 : vector<16xf32> to vector<1x1x16xf32>
          tpu.vector_store %arg8[%swap3A_561, %swap3A_562, %swap3A_563], %swap3A_566 {strides = array<i32>} : memref<4x128x128xf32, #tpu.memory_space<vmem>>, vector<1x1x16xf32>,
          %mul3A_567 = arith.mulf %broadcast_in_dim3A_544, %get3A_22 : vector<16xf32>
          %mul3A_568 = arith.mulf %broadcast_in_dim3A_548, %get3A_62 : vector<16xf32>
          %add3A_569 = arith.addf %mul3A_567, %mul3A_568 : vector<16xf32>
          %mul3A_570 = arith.mulf %broadcast_in_dim3A_554, %get3A_102 : vector<16xf32>
          %add3A_571 = arith.addf %add3A_569, %mul3A_570 : vector<16xf32>
          %swap3A_572 = arith.constant 3 : i32
          %swap3A_573 = arith.index_cast %swap3A_572 : i32 to index
          %swap3A_574 = arith.index_cast %add3A_533 : i32 to index
          %swap3A_575 = arith.constant 16 : index
          %swap3A_576 = tpu.vector_load %arg8[%swap3A_573, %swap3A_574, %swap3A_575] {strides = array<i32>} : memref<4x128x128xf32, #tpu.memory_space<vmem>>, vector<1x1x16xf32>,
          %swap3A_577 = vector.shape_cast %swap3A_576 : vector<1x1x16xf32> to vector<16xf32>
          %swap3A_578 = vector.shape_cast %add3A_571 : vector<16xf32> to vector<1x1x16xf32>
          tpu.vector_store %arg8[%swap3A_573, %swap3A_574, %swap3A_575], %swap3A_578 {strides = array<i32>} : memref<4x128x128xf32, #tpu.memory_space<vmem>>, vector<1x1x16xf32>,
          %mul3A_579 = arith.mulf %broadcast_in_dim3A_544, %get3A_27 : vector<16xf32>
          %mul3A_580 = arith.mulf %broadcast_in_dim3A_548, %get3A_67 : vector<16xf32>
          %add3A_581 = arith.addf %mul3A_579, %mul3A_580 : vector<16xf32>
          %mul3A_582 = arith.mulf %broadcast_in_dim3A_554, %get3A_107 : vector<16xf32>
          %add3A_583 = arith.addf %add3A_581, %mul3A_582 : vector<16xf32>
          %swap3A_584 = arith.constant 3 : i32
          %swap3A_585 = arith.index_cast %swap3A_584 : i32 to index
          %swap3A_586 = arith.index_cast %add3A_533 : i32 to index
          %swap3A_587 = arith.constant 32 : index
          %swap3A_588 = tpu.vector_load %arg8[%swap3A_585, %swap3A_586, %swap3A_587] {strides = array<i32>} : memref<4x128x128xf32, #tpu.memory_space<vmem>>, vector<1x1x16xf32>,
          %swap3A_589 = vector.shape_cast %swap3A_588 : vector<1x1x16xf32> to vector<16xf32>
          %swap3A_590 = vector.shape_cast %add3A_583 : vector<16xf32> to vector<1x1x16xf32>
          tpu.vector_store %arg8[%swap3A_585, %swap3A_586, %swap3A_587], %swap3A_590 {strides = array<i32>} : memref<4x128x128xf32, #tpu.memory_space<vmem>>, vector<1x1x16xf32>,
          %mul3A_591 = arith.mulf %broadcast_in_dim3A_544, %get3A_32 : vector<16xf32>
          %mul3A_592 = arith.mulf %broadcast_in_dim3A_548, %get3A_72 : vector<16xf32>
          %add3A_593 = arith.addf %mul3A_591, %mul3A_592 : vector<16xf32>
          %mul3A_594 = arith.mulf %broadcast_in_dim3A_554, %get3A_112 : vector<16xf32>
          %add3A_595 = arith.addf %add3A_593, %mul3A_594 : vector<16xf32>
          %swap3A_596 = arith.constant 3 : i32
          %swap3A_597 = arith.index_cast %swap3A_596 : i32 to index
          %swap3A_598 = arith.index_cast %add3A_533 : i32 to index
          %swap3A_599 = arith.constant 48 : index
          %swap3A_600 = tpu.vector_load %arg8[%swap3A_597, %swap3A_598, %swap3A_599] {strides = array<i32>} : memref<4x128x128xf32, #tpu.memory_space<vmem>>, vector<1x1x16xf32>,
          %swap3A_601 = vector.shape_cast %swap3A_600 : vector<1x1x16xf32> to vector<16xf32>
          %swap3A_602 = vector.shape_cast %add3A_595 : vector<16xf32> to vector<1x1x16xf32>
          tpu.vector_store %arg8[%swap3A_597, %swap3A_598, %swap3A_599], %swap3A_602 {strides = array<i32>} : memref<4x128x128xf32, #tpu.memory_space<vmem>>, vector<1x1x16xf32>,
          %mul3A_603 = arith.mulf %broadcast_in_dim3A_544, %get3A_37 : vector<16xf32>
          %mul3A_604 = arith.mulf %broadcast_in_dim3A_548, %get3A_77 : vector<16xf32>
          %add3A_605 = arith.addf %mul3A_603, %mul3A_604 : vector<16xf32>
          %mul3A_606 = arith.mulf %broadcast_in_dim3A_554, %get3A_117 : vector<16xf32>
          %add3A_607 = arith.addf %add3A_605, %mul3A_606 : vector<16xf32>
          %swap3A_608 = arith.constant 3 : i32
          %swap3A_609 = arith.index_cast %swap3A_608 : i32 to index
          %swap3A_610 = arith.index_cast %add3A_533 : i32 to index
          %swap3A_611 = arith.constant 64 : index
          %swap3A_612 = tpu.vector_load %arg8[%swap3A_609, %swap3A_610, %swap3A_611] {strides = array<i32>} : memref<4x128x128xf32, #tpu.memory_space<vmem>>, vector<1x1x16xf32>,
          %swap3A_613 = vector.shape_cast %swap3A_612 : vector<1x1x16xf32> to vector<16xf32>
          %swap3A_614 = vector.shape_cast %add3A_607 : vector<16xf32> to vector<1x1x16xf32>
          tpu.vector_store %arg8[%swap3A_609, %swap3A_610, %swap3A_611], %swap3A_614 {strides = array<i32>} : memref<4x128x128xf32, #tpu.memory_space<vmem>>, vector<1x1x16xf32>,
          %mul3A_615 = arith.mulf %broadcast_in_dim3A_544, %get3A_42 : vector<16xf32>
          %mul3A_616 = arith.mulf %broadcast_in_dim3A_548, %get3A_82 : vector<16xf32>
          %add3A_617 = arith.addf %mul3A_615, %mul3A_616 : vector<16xf32>
          %mul3A_618 = arith.mulf %broadcast_in_dim3A_554, %get3A_122 : vector<16xf32>
          %add3A_619 = arith.addf %add3A_617, %mul3A_618 : vector<16xf32>
          %swap3A_620 = arith.constant 3 : i32
          %swap3A_621 = arith.index_cast %swap3A_620 : i32 to index
          %swap3A_622 = arith.index_cast %add3A_533 : i32 to index
          %swap3A_623 = arith.constant 80 : index
          %swap3A_624 = tpu.vector_load %arg8[%swap3A_621, %swap3A_622, %swap3A_623] {strides = array<i32>} : memref<4x128x128xf32, #tpu.memory_space<vmem>>, vector<1x1x16xf32>,
          %swap3A_625 = vector.shape_cast %swap3A_624 : vector<1x1x16xf32> to vector<16xf32>
          %swap3A_626 = vector.shape_cast %add3A_619 : vector<16xf32> to vector<1x1x16xf32>
          tpu.vector_store %arg8[%swap3A_621, %swap3A_622, %swap3A_623], %swap3A_626 {strides = array<i32>} : memref<4x128x128xf32, #tpu.memory_space<vmem>>, vector<1x1x16xf32>,
          %mul3A_627 = arith.mulf %broadcast_in_dim3A_544, %get3A_47 : vector<16xf32>
          %mul3A_628 = arith.mulf %broadcast_in_dim3A_548, %get3A_87 : vector<16xf32>
          %add3A_629 = arith.addf %mul3A_627, %mul3A_628 : vector<16xf32>
          %mul3A_630 = arith.mulf %broadcast_in_dim3A_554, %get3A_127 : vector<16xf32>
          %add3A_631 = arith.addf %add3A_629, %mul3A_630 : vector<16xf32>
          %swap3A_632 = arith.constant 3 : i32
          %swap3A_633 = arith.index_cast %swap3A_632 : i32 to index
          %swap3A_634 = arith.index_cast %add3A_533 : i32 to index
          %swap3A_635 = arith.constant 96 : index
          %swap3A_636 = tpu.vector_load %arg8[%swap3A_633, %swap3A_634, %swap3A_635] {strides = array<i32>} : memref<4x128x128xf32, #tpu.memory_space<vmem>>, vector<1x1x16xf32>,
          %swap3A_637 = vector.shape_cast %swap3A_636 : vector<1x1x16xf32> to vector<16xf32>
          %swap3A_638 = vector.shape_cast %add3A_631 : vector<16xf32> to vector<1x1x16xf32>
          tpu.vector_store %arg8[%swap3A_633, %swap3A_634, %swap3A_635], %swap3A_638 {strides = array<i32>} : memref<4x128x128xf32, #tpu.memory_space<vmem>>, vector<1x1x16xf32>,
          %mul3A_639 = arith.mulf %broadcast_in_dim3A_544, %get3A_52 : vector<16xf32>
          %mul3A_640 = arith.mulf %broadcast_in_dim3A_548, %get3A_92 : vector<16xf32>
          %add3A_641 = arith.addf %mul3A_639, %mul3A_640 : vector<16xf32>
          %mul3A_642 = arith.mulf %broadcast_in_dim3A_554, %get3A_132 : vector<16xf32>
          %add3A_643 = arith.addf %add3A_641, %mul3A_642 : vector<16xf32>
          %swap3A_644 = arith.constant 3 : i32
          %swap3A_645 = arith.index_cast %swap3A_644 : i32 to index
          %swap3A_646 = arith.index_cast %add3A_533 : i32 to index
          %swap3A_647 = arith.constant 112 : index
          %swap3A_648 = tpu.vector_load %arg8[%swap3A_645, %swap3A_646, %swap3A_647] {strides = array<i32>} : memref<4x128x128xf32, #tpu.memory_space<vmem>>, vector<1x1x16xf32>,
          %swap3A_649 = vector.shape_cast %swap3A_648 : vector<1x1x16xf32> to vector<16xf32>
          %swap3A_650 = vector.shape_cast %add3A_643 : vector<16xf32> to vector<1x1x16xf32>
          tpu.vector_store %arg8[%swap3A_645, %swap3A_646, %swap3A_647], %swap3A_650 {strides = array<i32>} : memref<4x128x128xf32, #tpu.memory_space<vmem>>, vector<1x1x16xf32>,
          %mul3A_651 = arith.constant 16 : i32
          %mul3A_652 = arith.muli %scan3A_407, %mul3A_651 : i32
          %add3A_653 = arith.constant 2 : i32
          %add3A_654 = arith.addi %mul3A_652, %add3A_653 : i32
          %slice3A_655 = vector.extract_strided_slice %get3A_413 {offsets = [2], sizes = [1], strides = [1]} : vector<16xi32> to vector<1xi32>
          %squeeze3A_656 = vector.extract %slice3A_655[0] : i32 from vector<1xi32>
          %convert_element_type3A_657 = arith.sitofp %squeeze3A_656 : i32 to f32
          %sub3A_658 = arith.constant 1.000000e+00 : f32
          %sub3A_659 = arith.subf %sub3A_658, %convert_element_type3A_657 : f32
          %sub3A_660 = arith.constant 2.000000e+00 : f32
          %sub3A_661 = arith.subf %sub3A_660, %convert_element_type3A_657 : f32
          %mul3A_662 = arith.mulf %sub3A_659, %sub3A_661 : f32
          %mul3A_663 = arith.constant 5.000000e-01 : f32
          %mul3A_664 = arith.mulf %mul3A_662, %mul3A_663 : f32
          %broadcast_in_dim3A_665 = vector.broadcast %mul3A_664 : f32 to vector<16xf32>
          %sub3A_666 = arith.constant 2.000000e+00 : f32
          %sub3A_667 = arith.subf %sub3A_666, %convert_element_type3A_657 : f32
          %mul3A_668 = arith.mulf %convert_element_type3A_657, %sub3A_667 : f32
          %broadcast_in_dim3A_669 = vector.broadcast %mul3A_668 : f32 to vector<16xf32>
          %sub3A_670 = arith.constant 1.000000e+00 : f32
          %sub3A_671 = arith.subf %convert_element_type3A_657, %sub3A_670 : f32
          %mul3A_672 = arith.mulf %convert_element_type3A_657, %sub3A_671 : f32
          %mul3A_673 = arith.constant 5.000000e-01 : f32
          %mul3A_674 = arith.mulf %mul3A_672, %mul3A_673 : f32
          %broadcast_in_dim3A_675 = vector.broadcast %mul3A_674 : f32 to vector<16xf32>
          %mul3A_676 = arith.mulf %broadcast_in_dim3A_665, %get3A_17 : vector<16xf32>
          %mul3A_677 = arith.mulf %broadcast_in_dim3A_669, %get3A_57 : vector<16xf32>
          %add3A_678 = arith.addf %mul3A_676, %mul3A_677 : vector<16xf32>
          %mul3A_679 = arith.mulf %broadcast_in_dim3A_675, %get3A_97 : vector<16xf32>
          %add3A_680 = arith.addf %add3A_678, %mul3A_679 : vector<16xf32>
          %swap3A_681 = arith.constant 3 : i32
          %swap3A_682 = arith.index_cast %swap3A_681 : i32 to index
          %swap3A_683 = arith.index_cast %add3A_654 : i32 to index
          %swap3A_684 = arith.constant 0 : index
          %swap3A_685 = tpu.vector_load %arg8[%swap3A_682, %swap3A_683, %swap3A_684] {strides = array<i32>} : memref<4x128x128xf32, #tpu.memory_space<vmem>>, vector<1x1x16xf32>,
          %swap3A_686 = vector.shape_cast %swap3A_685 : vector<1x1x16xf32> to vector<16xf32>
          %swap3A_687 = vector.shape_cast %add3A_680 : vector<16xf32> to vector<1x1x16xf32>
          tpu.vector_store %arg8[%swap3A_682, %swap3A_683, %swap3A_684], %swap3A_687 {strides = array<i32>} : memref<4x128x128xf32, #tpu.memory_space<vmem>>, vector<1x1x16xf32>,
          %mul3A_688 = arith.mulf %broadcast_in_dim3A_665, %get3A_22 : vector<16xf32>
          %mul3A_689 = arith.mulf %broadcast_in_dim3A_669, %get3A_62 : vector<16xf32>
          %add3A_690 = arith.addf %mul3A_688, %mul3A_689 : vector<16xf32>
          %mul3A_691 = arith.mulf %broadcast_in_dim3A_675, %get3A_102 : vector<16xf32>
          %add3A_692 = arith.addf %add3A_690, %mul3A_691 : vector<16xf32>
          %swap3A_693 = arith.constant 3 : i32
          %swap3A_694 = arith.index_cast %swap3A_693 : i32 to index
          %swap3A_695 = arith.index_cast %add3A_654 : i32 to index
          %swap3A_696 = arith.constant 16 : index
          %swap3A_697 = tpu.vector_load %arg8[%swap3A_694, %swap3A_695, %swap3A_696] {strides = array<i32>} : memref<4x128x128xf32, #tpu.memory_space<vmem>>, vector<1x1x16xf32>,
          %swap3A_698 = vector.shape_cast %swap3A_697 : vector<1x1x16xf32> to vector<16xf32>
          %swap3A_699 = vector.shape_cast %add3A_692 : vector<16xf32> to vector<1x1x16xf32>
          tpu.vector_store %arg8[%swap3A_694, %swap3A_695, %swap3A_696], %swap3A_699 {strides = array<i32>} : memref<4x128x128xf32, #tpu.memory_space<vmem>>, vector<1x1x16xf32>,
          %mul3A_700 = arith.mulf %broadcast_in_dim3A_665, %get3A_27 : vector<16xf32>
          %mul3A_701 = arith.mulf %broadcast_in_dim3A_669, %get3A_67 : vector<16xf32>
          %add3A_702 = arith.addf %mul3A_700, %mul3A_701 : vector<16xf32>
          %mul3A_703 = arith.mulf %broadcast_in_dim3A_675, %get3A_107 : vector<16xf32>
          %add3A_704 = arith.addf %add3A_702, %mul3A_703 : vector<16xf32>
          %swap3A_705 = arith.constant 3 : i32
          %swap3A_706 = arith.index_cast %swap3A_705 : i32 to index
          %swap3A_707 = arith.index_cast %add3A_654 : i32 to index
          %swap3A_708 = arith.constant 32 : index
          %swap3A_709 = tpu.vector_load %arg8[%swap3A_706, %swap3A_707, %swap3A_708] {strides = array<i32>} : memref<4x128x128xf32, #tpu.memory_space<vmem>>, vector<1x1x16xf32>,
          %swap3A_710 = vector.shape_cast %swap3A_709 : vector<1x1x16xf32> to vector<16xf32>
          %swap3A_711 = vector.shape_cast %add3A_704 : vector<16xf32> to vector<1x1x16xf32>
          tpu.vector_store %arg8[%swap3A_706, %swap3A_707, %swap3A_708], %swap3A_711 {strides = array<i32>} : memref<4x128x128xf32, #tpu.memory_space<vmem>>, vector<1x1x16xf32>,
          %mul3A_712 = arith.mulf %broadcast_in_dim3A_665, %get3A_32 : vector<16xf32>
          %mul3A_713 = arith.mulf %broadcast_in_dim3A_669, %get3A_72 : vector<16xf32>
          %add3A_714 = arith.addf %mul3A_712, %mul3A_713 : vector<16xf32>
          %mul3A_715 = arith.mulf %broadcast_in_dim3A_675, %get3A_112 : vector<16xf32>
          %add3A_716 = arith.addf %add3A_714, %mul3A_715 : vector<16xf32>
          %swap3A_717 = arith.constant 3 : i32
          %swap3A_718 = arith.index_cast %swap3A_717 : i32 to index
          %swap3A_719 = arith.index_cast %add3A_654 : i32 to index
          %swap3A_720 = arith.constant 48 : index
          %swap3A_721 = tpu.vector_load %arg8[%swap3A_718, %swap3A_719, %swap3A_720] {strides = array<i32>} : memref<4x128x128xf32, #tpu.memory_space<vmem>>, vector<1x1x16xf32>,
          %swap3A_722 = vector.shape_cast %swap3A_721 : vector<1x1x16xf32> to vector<16xf32>
          %swap3A_723 = vector.shape_cast %add3A_716 : vector<16xf32> to vector<1x1x16xf32>
          tpu.vector_store %arg8[%swap3A_718, %swap3A_719, %swap3A_720], %swap3A_723 {strides = array<i32>} : memref<4x128x128xf32, #tpu.memory_space<vmem>>, vector<1x1x16xf32>,
          %mul3A_724 = arith.mulf %broadcast_in_dim3A_665, %get3A_37 : vector<16xf32>
          %mul3A_725 = arith.mulf %broadcast_in_dim3A_669, %get3A_77 : vector<16xf32>
          %add3A_726 = arith.addf %mul3A_724, %mul3A_725 : vector<16xf32>
          %mul3A_727 = arith.mulf %broadcast_in_dim3A_675, %get3A_117 : vector<16xf32>
          %add3A_728 = arith.addf %add3A_726, %mul3A_727 : vector<16xf32>
          %swap3A_729 = arith.constant 3 : i32
          %swap3A_730 = arith.index_cast %swap3A_729 : i32 to index
          %swap3A_731 = arith.index_cast %add3A_654 : i32 to index
          %swap3A_732 = arith.constant 64 : index
          %swap3A_733 = tpu.vector_load %arg8[%swap3A_730, %swap3A_731, %swap3A_732] {strides = array<i32>} : memref<4x128x128xf32, #tpu.memory_space<vmem>>, vector<1x1x16xf32>,
          %swap3A_734 = vector.shape_cast %swap3A_733 : vector<1x1x16xf32> to vector<16xf32>
          %swap3A_735 = vector.shape_cast %add3A_728 : vector<16xf32> to vector<1x1x16xf32>
          tpu.vector_store %arg8[%swap3A_730, %swap3A_731, %swap3A_732], %swap3A_735 {strides = array<i32>} : memref<4x128x128xf32, #tpu.memory_space<vmem>>, vector<1x1x16xf32>,
          %mul3A_736 = arith.mulf %broadcast_in_dim3A_665, %get3A_42 : vector<16xf32>
          %mul3A_737 = arith.mulf %broadcast_in_dim3A_669, %get3A_82 : vector<16xf32>
          %add3A_738 = arith.addf %mul3A_736, %mul3A_737 : vector<16xf32>
          %mul3A_739 = arith.mulf %broadcast_in_dim3A_675, %get3A_122 : vector<16xf32>
          %add3A_740 = arith.addf %add3A_738, %mul3A_739 : vector<16xf32>
          %swap3A_741 = arith.constant 3 : i32
          %swap3A_742 = arith.index_cast %swap3A_741 : i32 to index
          %swap3A_743 = arith.index_cast %add3A_654 : i32 to index
          %swap3A_744 = arith.constant 80 : index
          %swap3A_745 = tpu.vector_load %arg8[%swap3A_742, %swap3A_743, %swap3A_744] {strides = array<i32>} : memref<4x128x128xf32, #tpu.memory_space<vmem>>, vector<1x1x16xf32>,
          %swap3A_746 = vector.shape_cast %swap3A_745 : vector<1x1x16xf32> to vector<16xf32>
          %swap3A_747 = vector.shape_cast %add3A_740 : vector<16xf32> to vector<1x1x16xf32>
          tpu.vector_store %arg8[%swap3A_742, %swap3A_743, %swap3A_744], %swap3A_747 {strides = array<i32>} : memref<4x128x128xf32, #tpu.memory_space<vmem>>, vector<1x1x16xf32>,
          %mul3A_748 = arith.mulf %broadcast_in_dim3A_665, %get3A_47 : vector<16xf32>
          %mul3A_749 = arith.mulf %broadcast_in_dim3A_669, %get3A_87 : vector<16xf32>
          %add3A_750 = arith.addf %mul3A_748, %mul3A_749 : vector<16xf32>
          %mul3A_751 = arith.mulf %broadcast_in_dim3A_675, %get3A_127 : vector<16xf32>
          %add3A_752 = arith.addf %add3A_750, %mul3A_751 : vector<16xf32>
          %swap3A_753 = arith.constant 3 : i32
          %swap3A_754 = arith.index_cast %swap3A_753 : i32 to index
          %swap3A_755 = arith.index_cast %add3A_654 : i32 to index
          %swap3A_756 = arith.constant 96 : index
          %swap3A_757 = tpu.vector_load %arg8[%swap3A_754, %swap3A_755, %swap3A_756] {strides = array<i32>} : memref<4x128x128xf32, #tpu.memory_space<vmem>>, vector<1x1x16xf32>,
          %swap3A_758 = vector.shape_cast %swap3A_757 : vector<1x1x16xf32> to vector<16xf32>
          %swap3A_759 = vector.shape_cast %add3A_752 : vector<16xf32> to vector<1x1x16xf32>
          tpu.vector_store %arg8[%swap3A_754, %swap3A_755, %swap3A_756], %swap3A_759 {strides = array<i32>} : memref<4x128x128xf32, #tpu.memory_space<vmem>>, vector<1x1x16xf32>,
          %mul3A_760 = arith.mulf %broadcast_in_dim3A_665, %get3A_52 : vector<16xf32>
          %mul3A_761 = arith.mulf %broadcast_in_dim3A_669, %get3A_92 : vector<16xf32>
          %add3A_762 = arith.addf %mul3A_760, %mul3A_761 : vector<16xf32>
          %mul3A_763 = arith.mulf %broadcast_in_dim3A_675, %get3A_132 : vector<16xf32>
          %add3A_764 = arith.addf %add3A_762, %mul3A_763 : vector<16xf32>
          %swap3A_765 = arith.constant 3 : i32
          %swap3A_766 = arith.index_cast %swap3A_765 : i32 to index
          %swap3A_767 = arith.index_cast %add3A_654 : i32 to index
          %swap3A_768 = arith.constant 112 : index
          %swap3A_769 = tpu.vector_load %arg8[%swap3A_766, %swap3A_767, %swap3A_768] {strides = array<i32>} : memref<4x128x128xf32, #tpu.memory_space<vmem>>, vector<1x1x16xf32>,
          %swap3A_770 = vector.shape_cast %swap3A_769 : vector<1x1x16xf32> to vector<16xf32>
          %swap3A_771 = vector.shape_cast %add3A_764 : vector<16xf32> to vector<1x1x16xf32>
          tpu.vector_store %arg8[%swap3A_766, %swap3A_767, %swap3A_768], %swap3A_771 {strides = array<i32>} : memref<4x128x128xf32, #tpu.memory_space<vmem>>, vector<1x1x16xf32>,
          %mul3A_772 = arith.constant 16 : i32
          %mul3A_773 = arith.muli %scan3A_407, %mul3A_772 : i32
          %add3A_774 = arith.constant 3 : i32
          %add3A_775 = arith.addi %mul3A_773, %add3A_774 : i32
          %slice3A_776 = vector.extract_strided_slice %get3A_413 {offsets = [3], sizes = [1], strides = [1]} : vector<16xi32> to vector<1xi32>
          %squeeze3A_777 = vector.extract %slice3A_776[0] : i32 from vector<1xi32>
          %convert_element_type3A_778 = arith.sitofp %squeeze3A_777 : i32 to f32
          %sub3A_779 = arith.constant 1.000000e+00 : f32
          %sub3A_780 = arith.subf %sub3A_779, %convert_element_type3A_778 : f32
          %sub3A_781 = arith.constant 2.000000e+00 : f32
          %sub3A_782 = arith.subf %sub3A_781, %convert_element_type3A_778 : f32
          %mul3A_783 = arith.mulf %sub3A_780, %sub3A_782 : f32
          %mul3A_784 = arith.constant 5.000000e-01 : f32
          %mul3A_785 = arith.mulf %mul3A_783, %mul3A_784 : f32
          %broadcast_in_dim3A_786 = vector.broadcast %mul3A_785 : f32 to vector<16xf32>
          %sub3A_787 = arith.constant 2.000000e+00 : f32
          %sub3A_788 = arith.subf %sub3A_787, %convert_element_type3A_778 : f32
          %mul3A_789 = arith.mulf %convert_element_type3A_778, %sub3A_788 : f32
          %broadcast_in_dim3A_790 = vector.broadcast %mul3A_789 : f32 to vector<16xf32>
          %sub3A_791 = arith.constant 1.000000e+00 : f32
          %sub3A_792 = arith.subf %convert_element_type3A_778, %sub3A_791 : f32
          %mul3A_793 = arith.mulf %convert_element_type3A_778, %sub3A_792 : f32
          %mul3A_794 = arith.constant 5.000000e-01 : f32
          %mul3A_795 = arith.mulf %mul3A_793, %mul3A_794 : f32
          %broadcast_in_dim3A_796 = vector.broadcast %mul3A_795 : f32 to vector<16xf32>
          %mul3A_797 = arith.mulf %broadcast_in_dim3A_786, %get3A_17 : vector<16xf32>
          %mul3A_798 = arith.mulf %broadcast_in_dim3A_790, %get3A_57 : vector<16xf32>
          %add3A_799 = arith.addf %mul3A_797, %mul3A_798 : vector<16xf32>
          %mul3A_800 = arith.mulf %broadcast_in_dim3A_796, %get3A_97 : vector<16xf32>
          %add3A_801 = arith.addf %add3A_799, %mul3A_800 : vector<16xf32>
          %swap3A_802 = arith.constant 3 : i32
          %swap3A_803 = arith.index_cast %swap3A_802 : i32 to index
          %swap3A_804 = arith.index_cast %add3A_775 : i32 to index
          %swap3A_805 = arith.constant 0 : index
          %swap3A_806 = tpu.vector_load %arg8[%swap3A_803, %swap3A_804, %swap3A_805] {strides = array<i32>} : memref<4x128x128xf32, #tpu.memory_space<vmem>>, vector<1x1x16xf32>,
          %swap3A_807 = vector.shape_cast %swap3A_806 : vector<1x1x16xf32> to vector<16xf32>
          %swap3A_808 = vector.shape_cast %add3A_801 : vector<16xf32> to vector<1x1x16xf32>
          tpu.vector_store %arg8[%swap3A_803, %swap3A_804, %swap3A_805], %swap3A_808 {strides = array<i32>} : memref<4x128x128xf32, #tpu.memory_space<vmem>>, vector<1x1x16xf32>,
          %mul3A_809 = arith.mulf %broadcast_in_dim3A_786, %get3A_22 : vector<16xf32>
          %mul3A_810 = arith.mulf %broadcast_in_dim3A_790, %get3A_62 : vector<16xf32>
          %add3A_811 = arith.addf %mul3A_809, %mul3A_810 : vector<16xf32>
          %mul3A_812 = arith.mulf %broadcast_in_dim3A_796, %get3A_102 : vector<16xf32>
          %add3A_813 = arith.addf %add3A_811, %mul3A_812 : vector<16xf32>
          %swap3A_814 = arith.constant 3 : i32
          %swap3A_815 = arith.index_cast %swap3A_814 : i32 to index
          %swap3A_816 = arith.index_cast %add3A_775 : i32 to index
          %swap3A_817 = arith.constant 16 : index
          %swap3A_818 = tpu.vector_load %arg8[%swap3A_815, %swap3A_816, %swap3A_817] {strides = array<i32>} : memref<4x128x128xf32, #tpu.memory_space<vmem>>, vector<1x1x16xf32>,
          %swap3A_819 = vector.shape_cast %swap3A_818 : vector<1x1x16xf32> to vector<16xf32>
          %swap3A_820 = vector.shape_cast %add3A_813 : vector<16xf32> to vector<1x1x16xf32>
          tpu.vector_store %arg8[%swap3A_815, %swap3A_816, %swap3A_817], %swap3A_820 {strides = array<i32>} : memref<4x128x128xf32, #tpu.memory_space<vmem>>, vector<1x1x16xf32>,
          %mul3A_821 = arith.mulf %broadcast_in_dim3A_786, %get3A_27 : vector<16xf32>
          %mul3A_822 = arith.mulf %broadcast_in_dim3A_790, %get3A_67 : vector<16xf32>
          %add3A_823 = arith.addf %mul3A_821, %mul3A_822 : vector<16xf32>
          %mul3A_824 = arith.mulf %broadcast_in_dim3A_796, %get3A_107 : vector<16xf32>
          %add3A_825 = arith.addf %add3A_823, %mul3A_824 : vector<16xf32>
          %swap3A_826 = arith.constant 3 : i32
          %swap3A_827 = arith.index_cast %swap3A_826 : i32 to index
          %swap3A_828 = arith.index_cast %add3A_775 : i32 to index
          %swap3A_829 = arith.constant 32 : index
          %swap3A_830 = tpu.vector_load %arg8[%swap3A_827, %swap3A_828, %swap3A_829] {strides = array<i32>} : memref<4x128x128xf32, #tpu.memory_space<vmem>>, vector<1x1x16xf32>,
          %swap3A_831 = vector.shape_cast %swap3A_830 : vector<1x1x16xf32> to vector<16xf32>
          %swap3A_832 = vector.shape_cast %add3A_825 : vector<16xf32> to vector<1x1x16xf32>
          tpu.vector_store %arg8[%swap3A_827, %swap3A_828, %swap3A_829], %swap3A_832 {strides = array<i32>} : memref<4x128x128xf32, #tpu.memory_space<vmem>>, vector<1x1x16xf32>,
          %mul3A_833 = arith.mulf %broadcast_in_dim3A_786, %get3A_32 : vector<16xf32>
          %mul3A_834 = arith.mulf %broadcast_in_dim3A_790, %get3A_72 : vector<16xf32>
          %add3A_835 = arith.addf %mul3A_833, %mul3A_834 : vector<16xf32>
          %mul3A_836 = arith.mulf %broadcast_in_dim3A_796, %get3A_112 : vector<16xf32>
          %add3A_837 = arith.addf %add3A_835, %mul3A_836 : vector<16xf32>
          %swap3A_838 = arith.constant 3 : i32
          %swap3A_839 = arith.index_cast %swap3A_838 : i32 to index
          %swap3A_840 = arith.index_cast %add3A_775 : i32 to index
          %swap3A_841 = arith.constant 48 : index
          %swap3A_842 = tpu.vector_load %arg8[%swap3A_839, %swap3A_840, %swap3A_841] {strides = array<i32>} : memref<4x128x128xf32, #tpu.memory_space<vmem>>, vector<1x1x16xf32>,
          %swap3A_843 = vector.shape_cast %swap3A_842 : vector<1x1x16xf32> to vector<16xf32>
          %swap3A_844 = vector.shape_cast %add3A_837 : vector<16xf32> to vector<1x1x16xf32>
          tpu.vector_store %arg8[%swap3A_839, %swap3A_840, %swap3A_841], %swap3A_844 {strides = array<i32>} : memref<4x128x128xf32, #tpu.memory_space<vmem>>, vector<1x1x16xf32>,
          %mul3A_845 = arith.mulf %broadcast_in_dim3A_786, %get3A_37 : vector<16xf32>
          %mul3A_846 = arith.mulf %broadcast_in_dim3A_790, %get3A_77 : vector<16xf32>
          %add3A_847 = arith.addf %mul3A_845, %mul3A_846 : vector<16xf32>
          %mul3A_848 = arith.mulf %broadcast_in_dim3A_796, %get3A_117 : vector<16xf32>
          %add3A_849 = arith.addf %add3A_847, %mul3A_848 : vector<16xf32>
          %swap3A_850 = arith.constant 3 : i32
          %swap3A_851 = arith.index_cast %swap3A_850 : i32 to index
          %swap3A_852 = arith.index_cast %add3A_775 : i32 to index
          %swap3A_853 = arith.constant 64 : index
          %swap3A_854 = tpu.vector_load %arg8[%swap3A_851, %swap3A_852, %swap3A_853] {strides = array<i32>} : memref<4x128x128xf32, #tpu.memory_space<vmem>>, vector<1x1x16xf32>,
          %swap3A_855 = vector.shape_cast %swap3A_854 : vector<1x1x16xf32> to vector<16xf32>
          %swap3A_856 = vector.shape_cast %add3A_849 : vector<16xf32> to vector<1x1x16xf32>
          tpu.vector_store %arg8[%swap3A_851, %swap3A_852, %swap3A_853], %swap3A_856 {strides = array<i32>} : memref<4x128x128xf32, #tpu.memory_space<vmem>>, vector<1x1x16xf32>,
          %mul3A_857 = arith.mulf %broadcast_in_dim3A_786, %get3A_42 : vector<16xf32>
          %mul3A_858 = arith.mulf %broadcast_in_dim3A_790, %get3A_82 : vector<16xf32>
          %add3A_859 = arith.addf %mul3A_857, %mul3A_858 : vector<16xf32>
          %mul3A_860 = arith.mulf %broadcast_in_dim3A_796, %get3A_122 : vector<16xf32>
          %add3A_861 = arith.addf %add3A_859, %mul3A_860 : vector<16xf32>
          %swap3A_862 = arith.constant 3 : i32
          %swap3A_863 = arith.index_cast %swap3A_862 : i32 to index
          %swap3A_864 = arith.index_cast %add3A_775 : i32 to index
          %swap3A_865 = arith.constant 80 : index
          %swap3A_866 = tpu.vector_load %arg8[%swap3A_863, %swap3A_864, %swap3A_865] {strides = array<i32>} : memref<4x128x128xf32, #tpu.memory_space<vmem>>, vector<1x1x16xf32>,
          %swap3A_867 = vector.shape_cast %swap3A_866 : vector<1x1x16xf32> to vector<16xf32>
          %swap3A_868 = vector.shape_cast %add3A_861 : vector<16xf32> to vector<1x1x16xf32>
          tpu.vector_store %arg8[%swap3A_863, %swap3A_864, %swap3A_865], %swap3A_868 {strides = array<i32>} : memref<4x128x128xf32, #tpu.memory_space<vmem>>, vector<1x1x16xf32>,
          %mul3A_869 = arith.mulf %broadcast_in_dim3A_786, %get3A_47 : vector<16xf32>
          %mul3A_870 = arith.mulf %broadcast_in_dim3A_790, %get3A_87 : vector<16xf32>
          %add3A_871 = arith.addf %mul3A_869, %mul3A_870 : vector<16xf32>
          %mul3A_872 = arith.mulf %broadcast_in_dim3A_796, %get3A_127 : vector<16xf32>
          %add3A_873 = arith.addf %add3A_871, %mul3A_872 : vector<16xf32>
          %swap3A_874 = arith.constant 3 : i32
          %swap3A_875 = arith.index_cast %swap3A_874 : i32 to index
          %swap3A_876 = arith.index_cast %add3A_775 : i32 to index
          %swap3A_877 = arith.constant 96 : index
          %swap3A_878 = tpu.vector_load %arg8[%swap3A_875, %swap3A_876, %swap3A_877] {strides = array<i32>} : memref<4x128x128xf32, #tpu.memory_space<vmem>>, vector<1x1x16xf32>,
          %swap3A_879 = vector.shape_cast %swap3A_878 : vector<1x1x16xf32> to vector<16xf32>
          %swap3A_880 = vector.shape_cast %add3A_873 : vector<16xf32> to vector<1x1x16xf32>
          tpu.vector_store %arg8[%swap3A_875, %swap3A_876, %swap3A_877], %swap3A_880 {strides = array<i32>} : memref<4x128x128xf32, #tpu.memory_space<vmem>>, vector<1x1x16xf32>,
          %mul3A_881 = arith.mulf %broadcast_in_dim3A_786, %get3A_52 : vector<16xf32>
          %mul3A_882 = arith.mulf %broadcast_in_dim3A_790, %get3A_92 : vector<16xf32>
          %add3A_883 = arith.addf %mul3A_881, %mul3A_882 : vector<16xf32>
          %mul3A_884 = arith.mulf %broadcast_in_dim3A_796, %get3A_132 : vector<16xf32>
          %add3A_885 = arith.addf %add3A_883, %mul3A_884 : vector<16xf32>
          %swap3A_886 = arith.constant 3 : i32
          %swap3A_887 = arith.index_cast %swap3A_886 : i32 to index
          %swap3A_888 = arith.index_cast %add3A_775 : i32 to index
          %swap3A_889 = arith.constant 112 : index
          %swap3A_890 = tpu.vector_load %arg8[%swap3A_887, %swap3A_888, %swap3A_889] {strides = array<i32>} : memref<4x128x128xf32, #tpu.memory_space<vmem>>, vector<1x1x16xf32>,
          %swap3A_891 = vector.shape_cast %swap3A_890 : vector<1x1x16xf32> to vector<16xf32>
          %swap3A_892 = vector.shape_cast %add3A_885 : vector<16xf32> to vector<1x1x16xf32>
          tpu.vector_store %arg8[%swap3A_887, %swap3A_888, %swap3A_889], %swap3A_892 {strides = array<i32>} : memref<4x128x128xf32, #tpu.memory_space<vmem>>, vector<1x1x16xf32>,
          %mul3A_893 = arith.constant 16 : i32
          %mul3A_894 = arith.muli %scan3A_407, %mul3A_893 : i32
          %add3A_895 = arith.constant 4 : i32
          %add3A_896 = arith.addi %mul3A_894, %add3A_895 : i32
          %slice3A_897 = vector.extract_strided_slice %get3A_413 {offsets = [4], sizes = [1], strides = [1]} : vector<16xi32> to vector<1xi32>
          %squeeze3A_898 = vector.extract %slice3A_897[0] : i32 from vector<1xi32>
          %convert_element_type3A_899 = arith.sitofp %squeeze3A_898 : i32 to f32
          %sub3A_900 = arith.constant 1.000000e+00 : f32
          %sub3A_901 = arith.subf %sub3A_900, %convert_element_type3A_899 : f32
          %sub3A_902 = arith.constant 2.000000e+00 : f32
          %sub3A_903 = arith.subf %sub3A_902, %convert_element_type3A_899 : f32
          %mul3A_904 = arith.mulf %sub3A_901, %sub3A_903 : f32
          %mul3A_905 = arith.constant 5.000000e-01 : f32
          %mul3A_906 = arith.mulf %mul3A_904, %mul3A_905 : f32
          %broadcast_in_dim3A_907 = vector.broadcast %mul3A_906 : f32 to vector<16xf32>
          %sub3A_908 = arith.constant 2.000000e+00 : f32
          %sub3A_909 = arith.subf %sub3A_908, %convert_element_type3A_899 : f32
          %mul3A_910 = arith.mulf %convert_element_type3A_899, %sub3A_909 : f32
          %broadcast_in_dim3A_911 = vector.broadcast %mul3A_910 : f32 to vector<16xf32>
          %sub3A_912 = arith.constant 1.000000e+00 : f32
          %sub3A_913 = arith.subf %convert_element_type3A_899, %sub3A_912 : f32
          %mul3A_914 = arith.mulf %convert_element_type3A_899, %sub3A_913 : f32
          %mul3A_915 = arith.constant 5.000000e-01 : f32
          %mul3A_916 = arith.mulf %mul3A_914, %mul3A_915 : f32
          %broadcast_in_dim3A_917 = vector.broadcast %mul3A_916 : f32 to vector<16xf32>
          %mul3A_918 = arith.mulf %broadcast_in_dim3A_907, %get3A_17 : vector<16xf32>
          %mul3A_919 = arith.mulf %broadcast_in_dim3A_911, %get3A_57 : vector<16xf32>
          %add3A_920 = arith.addf %mul3A_918, %mul3A_919 : vector<16xf32>
          %mul3A_921 = arith.mulf %broadcast_in_dim3A_917, %get3A_97 : vector<16xf32>
          %add3A_922 = arith.addf %add3A_920, %mul3A_921 : vector<16xf32>
          %swap3A_923 = arith.constant 3 : i32
          %swap3A_924 = arith.index_cast %swap3A_923 : i32 to index
          %swap3A_925 = arith.index_cast %add3A_896 : i32 to index
          %swap3A_926 = arith.constant 0 : index
          %swap3A_927 = tpu.vector_load %arg8[%swap3A_924, %swap3A_925, %swap3A_926] {strides = array<i32>} : memref<4x128x128xf32, #tpu.memory_space<vmem>>, vector<1x1x16xf32>,
          %swap3A_928 = vector.shape_cast %swap3A_927 : vector<1x1x16xf32> to vector<16xf32>
          %swap3A_929 = vector.shape_cast %add3A_922 : vector<16xf32> to vector<1x1x16xf32>
          tpu.vector_store %arg8[%swap3A_924, %swap3A_925, %swap3A_926], %swap3A_929 {strides = array<i32>} : memref<4x128x128xf32, #tpu.memory_space<vmem>>, vector<1x1x16xf32>,
          %mul3A_930 = arith.mulf %broadcast_in_dim3A_907, %get3A_22 : vector<16xf32>
          %mul3A_931 = arith.mulf %broadcast_in_dim3A_911, %get3A_62 : vector<16xf32>
          %add3A_932 = arith.addf %mul3A_930, %mul3A_931 : vector<16xf32>
          %mul3A_933 = arith.mulf %broadcast_in_dim3A_917, %get3A_102 : vector<16xf32>
          %add3A_934 = arith.addf %add3A_932, %mul3A_933 : vector<16xf32>
          %swap3A_935 = arith.constant 3 : i32
          %swap3A_936 = arith.index_cast %swap3A_935 : i32 to index
          %swap3A_937 = arith.index_cast %add3A_896 : i32 to index
          %swap3A_938 = arith.constant 16 : index
          %swap3A_939 = tpu.vector_load %arg8[%swap3A_936, %swap3A_937, %swap3A_938] {strides = array<i32>} : memref<4x128x128xf32, #tpu.memory_space<vmem>>, vector<1x1x16xf32>,
          %swap3A_940 = vector.shape_cast %swap3A_939 : vector<1x1x16xf32> to vector<16xf32>
          %swap3A_941 = vector.shape_cast %add3A_934 : vector<16xf32> to vector<1x1x16xf32>
          tpu.vector_store %arg8[%swap3A_936, %swap3A_937, %swap3A_938], %swap3A_941 {strides = array<i32>} : memref<4x128x128xf32, #tpu.memory_space<vmem>>, vector<1x1x16xf32>,
          %mul3A_942 = arith.mulf %broadcast_in_dim3A_907, %get3A_27 : vector<16xf32>
          %mul3A_943 = arith.mulf %broadcast_in_dim3A_911, %get3A_67 : vector<16xf32>
          %add3A_944 = arith.addf %mul3A_942, %mul3A_943 : vector<16xf32>
          %mul3A_945 = arith.mulf %broadcast_in_dim3A_917, %get3A_107 : vector<16xf32>
          %add3A_946 = arith.addf %add3A_944, %mul3A_945 : vector<16xf32>
          %swap3A_947 = arith.constant 3 : i32
          %swap3A_948 = arith.index_cast %swap3A_947 : i32 to index
          %swap3A_949 = arith.index_cast %add3A_896 : i32 to index
          %swap3A_950 = arith.constant 32 : index
          %swap3A_951 = tpu.vector_load %arg8[%swap3A_948, %swap3A_949, %swap3A_950] {strides = array<i32>} : memref<4x128x128xf32, #tpu.memory_space<vmem>>, vector<1x1x16xf32>,
          %swap3A_952 = vector.shape_cast %swap3A_951 : vector<1x1x16xf32> to vector<16xf32>
          %swap3A_953 = vector.shape_cast %add3A_946 : vector<16xf32> to vector<1x1x16xf32>
          tpu.vector_store %arg8[%swap3A_948, %swap3A_949, %swap3A_950], %swap3A_953 {strides = array<i32>} : memref<4x128x128xf32, #tpu.memory_space<vmem>>, vector<1x1x16xf32>,
          %mul3A_954 = arith.mulf %broadcast_in_dim3A_907, %get3A_32 : vector<16xf32>
          %mul3A_955 = arith.mulf %broadcast_in_dim3A_911, %get3A_72 : vector<16xf32>
          %add3A_956 = arith.addf %mul3A_954, %mul3A_955 : vector<16xf32>
          %mul3A_957 = arith.mulf %broadcast_in_dim3A_917, %get3A_112 : vector<16xf32>
          %add3A_958 = arith.addf %add3A_956, %mul3A_957 : vector<16xf32>
          %swap3A_959 = arith.constant 3 : i32
          %swap3A_960 = arith.index_cast %swap3A_959 : i32 to index
          %swap3A_961 = arith.index_cast %add3A_896 : i32 to index
          %swap3A_962 = arith.constant 48 : index
          %swap3A_963 = tpu.vector_load %arg8[%swap3A_960, %swap3A_961, %swap3A_962] {strides = array<i32>} : memref<4x128x128xf32, #tpu.memory_space<vmem>>, vector<1x1x16xf32>,
          %swap3A_964 = vector.shape_cast %swap3A_963 : vector<1x1x16xf32> to vector<16xf32>
          %swap3A_965 = vector.shape_cast %add3A_958 : vector<16xf32> to vector<1x1x16xf32>
          tpu.vector_store %arg8[%swap3A_960, %swap3A_961, %swap3A_962], %swap3A_965 {strides = array<i32>} : memref<4x128x128xf32, #tpu.memory_space<vmem>>, vector<1x1x16xf32>,
          %mul3A_966 = arith.mulf %broadcast_in_dim3A_907, %get3A_37 : vector<16xf32>
          %mul3A_967 = arith.mulf %broadcast_in_dim3A_911, %get3A_77 : vector<16xf32>
          %add3A_968 = arith.addf %mul3A_966, %mul3A_967 : vector<16xf32>
          %mul3A_969 = arith.mulf %broadcast_in_dim3A_917, %get3A_117 : vector<16xf32>
          %add3A_970 = arith.addf %add3A_968, %mul3A_969 : vector<16xf32>
          %swap3A_971 = arith.constant 3 : i32
          %swap3A_972 = arith.index_cast %swap3A_971 : i32 to index
          %swap3A_973 = arith.index_cast %add3A_896 : i32 to index
          %swap3A_974 = arith.constant 64 : index
          %swap3A_975 = tpu.vector_load %arg8[%swap3A_972, %swap3A_973, %swap3A_974] {strides = array<i32>} : memref<4x128x128xf32, #tpu.memory_space<vmem>>, vector<1x1x16xf32>,
          %swap3A_976 = vector.shape_cast %swap3A_975 : vector<1x1x16xf32> to vector<16xf32>
          %swap3A_977 = vector.shape_cast %add3A_970 : vector<16xf32> to vector<1x1x16xf32>
          tpu.vector_store %arg8[%swap3A_972, %swap3A_973, %swap3A_974], %swap3A_977 {strides = array<i32>} : memref<4x128x128xf32, #tpu.memory_space<vmem>>, vector<1x1x16xf32>,
          %mul3A_978 = arith.mulf %broadcast_in_dim3A_907, %get3A_42 : vector<16xf32>
          %mul3A_979 = arith.mulf %broadcast_in_dim3A_911, %get3A_82 : vector<16xf32>
          %add3A_980 = arith.addf %mul3A_978, %mul3A_979 : vector<16xf32>
          %mul3A_981 = arith.mulf %broadcast_in_dim3A_917, %get3A_122 : vector<16xf32>
          %add3A_982 = arith.addf %add3A_980, %mul3A_981 : vector<16xf32>
          %swap3A_983 = arith.constant 3 : i32
          %swap3A_984 = arith.index_cast %swap3A_983 : i32 to index
          %swap3A_985 = arith.index_cast %add3A_896 : i32 to index
          %swap3A_986 = arith.constant 80 : index
          %swap3A_987 = tpu.vector_load %arg8[%swap3A_984, %swap3A_985, %swap3A_986] {strides = array<i32>} : memref<4x128x128xf32, #tpu.memory_space<vmem>>, vector<1x1x16xf32>,
          %swap3A_988 = vector.shape_cast %swap3A_987 : vector<1x1x16xf32> to vector<16xf32>
          %swap3A_989 = vector.shape_cast %add3A_982 : vector<16xf32> to vector<1x1x16xf32>
          tpu.vector_store %arg8[%swap3A_984, %swap3A_985, %swap3A_986], %swap3A_989 {strides = array<i32>} : memref<4x128x128xf32, #tpu.memory_space<vmem>>, vector<1x1x16xf32>,
          %mul3A_990 = arith.mulf %broadcast_in_dim3A_907, %get3A_47 : vector<16xf32>
          %mul3A_991 = arith.mulf %broadcast_in_dim3A_911, %get3A_87 : vector<16xf32>
          %add3A_992 = arith.addf %mul3A_990, %mul3A_991 : vector<16xf32>
          %mul3A_993 = arith.mulf %broadcast_in_dim3A_917, %get3A_127 : vector<16xf32>
          %add3A_994 = arith.addf %add3A_992, %mul3A_993 : vector<16xf32>
          %swap3A_995 = arith.constant 3 : i32
          %swap3A_996 = arith.index_cast %swap3A_995 : i32 to index
          %swap3A_997 = arith.index_cast %add3A_896 : i32 to index
          %swap3A_998 = arith.constant 96 : index
          %swap3A_999 = tpu.vector_load %arg8[%swap3A_996, %swap3A_997, %swap3A_998] {strides = array<i32>} : memref<4x128x128xf32, #tpu.memory_space<vmem>>, vector<1x1x16xf32>,
          %swap3A_1000 = vector.shape_cast %swap3A_999 : vector<1x1x16xf32> to vector<16xf32>
          %swap3A_1001 = vector.shape_cast %add3A_994 : vector<16xf32> to vector<1x1x16xf32>
          tpu.vector_store %arg8[%swap3A_996, %swap3A_997, %swap3A_998], %swap3A_1001 {strides = array<i32>} : memref<4x128x128xf32, #tpu.memory_space<vmem>>, vector<1x1x16xf32>,
          %mul3A_1002 = arith.mulf %broadcast_in_dim3A_907, %get3A_52 : vector<16xf32>
          %mul3A_1003 = arith.mulf %broadcast_in_dim3A_911, %get3A_92 : vector<16xf32>
          %add3A_1004 = arith.addf %mul3A_1002, %mul3A_1003 : vector<16xf32>
          %mul3A_1005 = arith.mulf %broadcast_in_dim3A_917, %get3A_132 : vector<16xf32>
          %add3A_1006 = arith.addf %add3A_1004, %mul3A_1005 : vector<16xf32>
          %swap3A_1007 = arith.constant 3 : i32
          %swap3A_1008 = arith.index_cast %swap3A_1007 : i32 to index
          %swap3A_1009 = arith.index_cast %add3A_896 : i32 to index
          %swap3A_1010 = arith.constant 112 : index
          %swap3A_1011 = tpu.vector_load %arg8[%swap3A_1008, %swap3A_1009, %swap3A_1010] {strides = array<i32>} : memref<4x128x128xf32, #tpu.memory_space<vmem>>, vector<1x1x16xf32>,
          %swap3A_1012 = vector.shape_cast %swap3A_1011 : vector<1x1x16xf32> to vector<16xf32>
          %swap3A_1013 = vector.shape_cast %add3A_1006 : vector<16xf32> to vector<1x1x16xf32>
          tpu.vector_store %arg8[%swap3A_1008, %swap3A_1009, %swap3A_1010], %swap3A_1013 {strides = array<i32>} : memref<4x128x128xf32, #tpu.memory_space<vmem>>, vector<1x1x16xf32>,
          %mul3A_1014 = arith.constant 16 : i32
          %mul3A_1015 = arith.muli %scan3A_407, %mul3A_1014 : i32
          %add3A_1016 = arith.constant 5 : i32
          %add3A_1017 = arith.addi %mul3A_1015, %add3A_1016 : i32
          %slice3A_1018 = vector.extract_strided_slice %get3A_413 {offsets = [5], sizes = [1], strides = [1]} : vector<16xi32> to vector<1xi32>
          %squeeze3A_1019 = vector.extract %slice3A_1018[0] : i32 from vector<1xi32>
          %convert_element_type3A_1020 = arith.sitofp %squeeze3A_1019 : i32 to f32
          %sub3A_1021 = arith.constant 1.000000e+00 : f32
          %sub3A_1022 = arith.subf %sub3A_1021, %convert_element_type3A_1020 : f32
          %sub3A_1023 = arith.constant 2.000000e+00 : f32
          %sub3A_1024 = arith.subf %sub3A_1023, %convert_element_type3A_1020 : f32
          %mul3A_1025 = arith.mulf %sub3A_1022, %sub3A_1024 : f32
          %mul3A_1026 = arith.constant 5.000000e-01 : f32
          %mul3A_1027 = arith.mulf %mul3A_1025, %mul3A_1026 : f32
          %broadcast_in_dim3A_1028 = vector.broadcast %mul3A_1027 : f32 to vector<16xf32>
          %sub3A_1029 = arith.constant 2.000000e+00 : f32
          %sub3A_1030 = arith.subf %sub3A_1029, %convert_element_type3A_1020 : f32
          %mul3A_1031 = arith.mulf %convert_element_type3A_1020, %sub3A_1030 : f32
          %broadcast_in_dim3A_1032 = vector.broadcast %mul3A_1031 : f32 to vector<16xf32>
          %sub3A_1033 = arith.constant 1.000000e+00 : f32
          %sub3A_1034 = arith.subf %convert_element_type3A_1020, %sub3A_1033 : f32
          %mul3A_1035 = arith.mulf %convert_element_type3A_1020, %sub3A_1034 : f32
          %mul3A_1036 = arith.constant 5.000000e-01 : f32
          %mul3A_1037 = arith.mulf %mul3A_1035, %mul3A_1036 : f32
          %broadcast_in_dim3A_1038 = vector.broadcast %mul3A_1037 : f32 to vector<16xf32>
          %mul3A_1039 = arith.mulf %broadcast_in_dim3A_1028, %get3A_17 : vector<16xf32>
          %mul3A_1040 = arith.mulf %broadcast_in_dim3A_1032, %get3A_57 : vector<16xf32>
          %add3A_1041 = arith.addf %mul3A_1039, %mul3A_1040 : vector<16xf32>
          %mul3A_1042 = arith.mulf %broadcast_in_dim3A_1038, %get3A_97 : vector<16xf32>
          %add3A_1043 = arith.addf %add3A_1041, %mul3A_1042 : vector<16xf32>
          %swap3A_1044 = arith.constant 3 : i32
          %swap3A_1045 = arith.index_cast %swap3A_1044 : i32 to index
          %swap3A_1046 = arith.index_cast %add3A_1017 : i32 to index
          %swap3A_1047 = arith.constant 0 : index
          %swap3A_1048 = tpu.vector_load %arg8[%swap3A_1045, %swap3A_1046, %swap3A_1047] {strides = array<i32>} : memref<4x128x128xf32, #tpu.memory_space<vmem>>, vector<1x1x16xf32>,
          %swap3A_1049 = vector.shape_cast %swap3A_1048 : vector<1x1x16xf32> to vector<16xf32>
          %swap3A_1050 = vector.shape_cast %add3A_1043 : vector<16xf32> to vector<1x1x16xf32>
          tpu.vector_store %arg8[%swap3A_1045, %swap3A_1046, %swap3A_1047], %swap3A_1050 {strides = array<i32>} : memref<4x128x128xf32, #tpu.memory_space<vmem>>, vector<1x1x16xf32>,
          %mul3A_1051 = arith.mulf %broadcast_in_dim3A_1028, %get3A_22 : vector<16xf32>
          %mul3A_1052 = arith.mulf %broadcast_in_dim3A_1032, %get3A_62 : vector<16xf32>
          %add3A_1053 = arith.addf %mul3A_1051, %mul3A_1052 : vector<16xf32>
          %mul3A_1054 = arith.mulf %broadcast_in_dim3A_1038, %get3A_102 : vector<16xf32>
          %add3A_1055 = arith.addf %add3A_1053, %mul3A_1054 : vector<16xf32>
          %swap3A_1056 = arith.constant 3 : i32
          %swap3A_1057 = arith.index_cast %swap3A_1056 : i32 to index
          %swap3A_1058 = arith.index_cast %add3A_1017 : i32 to index
          %swap3A_1059 = arith.constant 16 : index
          %swap3A_1060 = tpu.vector_load %arg8[%swap3A_1057, %swap3A_1058, %swap3A_1059] {strides = array<i32>} : memref<4x128x128xf32, #tpu.memory_space<vmem>>, vector<1x1x16xf32>,
          %swap3A_1061 = vector.shape_cast %swap3A_1060 : vector<1x1x16xf32> to vector<16xf32>
          %swap3A_1062 = vector.shape_cast %add3A_1055 : vector<16xf32> to vector<1x1x16xf32>
          tpu.vector_store %arg8[%swap3A_1057, %swap3A_1058, %swap3A_1059], %swap3A_1062 {strides = array<i32>} : memref<4x128x128xf32, #tpu.memory_space<vmem>>, vector<1x1x16xf32>,
          %mul3A_1063 = arith.mulf %broadcast_in_dim3A_1028, %get3A_27 : vector<16xf32>
          %mul3A_1064 = arith.mulf %broadcast_in_dim3A_1032, %get3A_67 : vector<16xf32>
          %add3A_1065 = arith.addf %mul3A_1063, %mul3A_1064 : vector<16xf32>
          %mul3A_1066 = arith.mulf %broadcast_in_dim3A_1038, %get3A_107 : vector<16xf32>
          %add3A_1067 = arith.addf %add3A_1065, %mul3A_1066 : vector<16xf32>
          %swap3A_1068 = arith.constant 3 : i32
          %swap3A_1069 = arith.index_cast %swap3A_1068 : i32 to index
          %swap3A_1070 = arith.index_cast %add3A_1017 : i32 to index
          %swap3A_1071 = arith.constant 32 : index
          %swap3A_1072 = tpu.vector_load %arg8[%swap3A_1069, %swap3A_1070, %swap3A_1071] {strides = array<i32>} : memref<4x128x128xf32, #tpu.memory_space<vmem>>, vector<1x1x16xf32>,
          %swap3A_1073 = vector.shape_cast %swap3A_1072 : vector<1x1x16xf32> to vector<16xf32>
          %swap3A_1074 = vector.shape_cast %add3A_1067 : vector<16xf32> to vector<1x1x16xf32>
          tpu.vector_store %arg8[%swap3A_1069, %swap3A_1070, %swap3A_1071], %swap3A_1074 {strides = array<i32>} : memref<4x128x128xf32, #tpu.memory_space<vmem>>, vector<1x1x16xf32>,
          %mul3A_1075 = arith.mulf %broadcast_in_dim3A_1028, %get3A_32 : vector<16xf32>
          %mul3A_1076 = arith.mulf %broadcast_in_dim3A_1032, %get3A_72 : vector<16xf32>
          %add3A_1077 = arith.addf %mul3A_1075, %mul3A_1076 : vector<16xf32>
          %mul3A_1078 = arith.mulf %broadcast_in_dim3A_1038, %get3A_112 : vector<16xf32>
          %add3A_1079 = arith.addf %add3A_1077, %mul3A_1078 : vector<16xf32>
          %swap3A_1080 = arith.constant 3 : i32
          %swap3A_1081 = arith.index_cast %swap3A_1080 : i32 to index
          %swap3A_1082 = arith.index_cast %add3A_1017 : i32 to index
          %swap3A_1083 = arith.constant 48 : index
          %swap3A_1084 = tpu.vector_load %arg8[%swap3A_1081, %swap3A_1082, %swap3A_1083] {strides = array<i32>} : memref<4x128x128xf32, #tpu.memory_space<vmem>>, vector<1x1x16xf32>,
          %swap3A_1085 = vector.shape_cast %swap3A_1084 : vector<1x1x16xf32> to vector<16xf32>
          %swap3A_1086 = vector.shape_cast %add3A_1079 : vector<16xf32> to vector<1x1x16xf32>
          tpu.vector_store %arg8[%swap3A_1081, %swap3A_1082, %swap3A_1083], %swap3A_1086 {strides = array<i32>} : memref<4x128x128xf32, #tpu.memory_space<vmem>>, vector<1x1x16xf32>,
          %mul3A_1087 = arith.mulf %broadcast_in_dim3A_1028, %get3A_37 : vector<16xf32>
          %mul3A_1088 = arith.mulf %broadcast_in_dim3A_1032, %get3A_77 : vector<16xf32>
          %add3A_1089 = arith.addf %mul3A_1087, %mul3A_1088 : vector<16xf32>
          %mul3A_1090 = arith.mulf %broadcast_in_dim3A_1038, %get3A_117 : vector<16xf32>
          %add3A_1091 = arith.addf %add3A_1089, %mul3A_1090 : vector<16xf32>
          %swap3A_1092 = arith.constant 3 : i32
          %swap3A_1093 = arith.index_cast %swap3A_1092 : i32 to index
          %swap3A_1094 = arith.index_cast %add3A_1017 : i32 to index
          %swap3A_1095 = arith.constant 64 : index
          %swap3A_1096 = tpu.vector_load %arg8[%swap3A_1093, %swap3A_1094, %swap3A_1095] {strides = array<i32>} : memref<4x128x128xf32, #tpu.memory_space<vmem>>, vector<1x1x16xf32>,
          %swap3A_1097 = vector.shape_cast %swap3A_1096 : vector<1x1x16xf32> to vector<16xf32>
          %swap3A_1098 = vector.shape_cast %add3A_1091 : vector<16xf32> to vector<1x1x16xf32>
          tpu.vector_store %arg8[%swap3A_1093, %swap3A_1094, %swap3A_1095], %swap3A_1098 {strides = array<i32>} : memref<4x128x128xf32, #tpu.memory_space<vmem>>, vector<1x1x16xf32>,
          %mul3A_1099 = arith.mulf %broadcast_in_dim3A_1028, %get3A_42 : vector<16xf32>
          %mul3A_1100 = arith.mulf %broadcast_in_dim3A_1032, %get3A_82 : vector<16xf32>
          %add3A_1101 = arith.addf %mul3A_1099, %mul3A_1100 : vector<16xf32>
          %mul3A_1102 = arith.mulf %broadcast_in_dim3A_1038, %get3A_122 : vector<16xf32>
          %add3A_1103 = arith.addf %add3A_1101, %mul3A_1102 : vector<16xf32>
          %swap3A_1104 = arith.constant 3 : i32
          %swap3A_1105 = arith.index_cast %swap3A_1104 : i32 to index
          %swap3A_1106 = arith.index_cast %add3A_1017 : i32 to index
          %swap3A_1107 = arith.constant 80 : index
          %swap3A_1108 = tpu.vector_load %arg8[%swap3A_1105, %swap3A_1106, %swap3A_1107] {strides = array<i32>} : memref<4x128x128xf32, #tpu.memory_space<vmem>>, vector<1x1x16xf32>,
          %swap3A_1109 = vector.shape_cast %swap3A_1108 : vector<1x1x16xf32> to vector<16xf32>
          %swap3A_1110 = vector.shape_cast %add3A_1103 : vector<16xf32> to vector<1x1x16xf32>
          tpu.vector_store %arg8[%swap3A_1105, %swap3A_1106, %swap3A_1107], %swap3A_1110 {strides = array<i32>} : memref<4x128x128xf32, #tpu.memory_space<vmem>>, vector<1x1x16xf32>,
          %mul3A_1111 = arith.mulf %broadcast_in_dim3A_1028, %get3A_47 : vector<16xf32>
          %mul3A_1112 = arith.mulf %broadcast_in_dim3A_1032, %get3A_87 : vector<16xf32>
          %add3A_1113 = arith.addf %mul3A_1111, %mul3A_1112 : vector<16xf32>
          %mul3A_1114 = arith.mulf %broadcast_in_dim3A_1038, %get3A_127 : vector<16xf32>
          %add3A_1115 = arith.addf %add3A_1113, %mul3A_1114 : vector<16xf32>
          %swap3A_1116 = arith.constant 3 : i32
          %swap3A_1117 = arith.index_cast %swap3A_1116 : i32 to index
          %swap3A_1118 = arith.index_cast %add3A_1017 : i32 to index
          %swap3A_1119 = arith.constant 96 : index
          %swap3A_1120 = tpu.vector_load %arg8[%swap3A_1117, %swap3A_1118, %swap3A_1119] {strides = array<i32>} : memref<4x128x128xf32, #tpu.memory_space<vmem>>, vector<1x1x16xf32>,
          %swap3A_1121 = vector.shape_cast %swap3A_1120 : vector<1x1x16xf32> to vector<16xf32>
          %swap3A_1122 = vector.shape_cast %add3A_1115 : vector<16xf32> to vector<1x1x16xf32>
          tpu.vector_store %arg8[%swap3A_1117, %swap3A_1118, %swap3A_1119], %swap3A_1122 {strides = array<i32>} : memref<4x128x128xf32, #tpu.memory_space<vmem>>, vector<1x1x16xf32>,
          %mul3A_1123 = arith.mulf %broadcast_in_dim3A_1028, %get3A_52 : vector<16xf32>
          %mul3A_1124 = arith.mulf %broadcast_in_dim3A_1032, %get3A_92 : vector<16xf32>
          %add3A_1125 = arith.addf %mul3A_1123, %mul3A_1124 : vector<16xf32>
          %mul3A_1126 = arith.mulf %broadcast_in_dim3A_1038, %get3A_132 : vector<16xf32>
          %add3A_1127 = arith.addf %add3A_1125, %mul3A_1126 : vector<16xf32>
          %swap3A_1128 = arith.constant 3 : i32
          %swap3A_1129 = arith.index_cast %swap3A_1128 : i32 to index
          %swap3A_1130 = arith.index_cast %add3A_1017 : i32 to index
          %swap3A_1131 = arith.constant 112 : index
          %swap3A_1132 = tpu.vector_load %arg8[%swap3A_1129, %swap3A_1130, %swap3A_1131] {strides = array<i32>} : memref<4x128x128xf32, #tpu.memory_space<vmem>>, vector<1x1x16xf32>,
          %swap3A_1133 = vector.shape_cast %swap3A_1132 : vector<1x1x16xf32> to vector<16xf32>
          %swap3A_1134 = vector.shape_cast %add3A_1127 : vector<16xf32> to vector<1x1x16xf32>
          tpu.vector_store %arg8[%swap3A_1129, %swap3A_1130, %swap3A_1131], %swap3A_1134 {strides = array<i32>} : memref<4x128x128xf32, #tpu.memory_space<vmem>>, vector<1x1x16xf32>,
          %mul3A_1135 = arith.constant 16 : i32
          %mul3A_1136 = arith.muli %scan3A_407, %mul3A_1135 : i32
          %add3A_1137 = arith.constant 6 : i32
          %add3A_1138 = arith.addi %mul3A_1136, %add3A_1137 : i32
          %slice3A_1139 = vector.extract_strided_slice %get3A_413 {offsets = [6], sizes = [1], strides = [1]} : vector<16xi32> to vector<1xi32>
          %squeeze3A_1140 = vector.extract %slice3A_1139[0] : i32 from vector<1xi32>
          %convert_element_type3A_1141 = arith.sitofp %squeeze3A_1140 : i32 to f32
          %sub3A_1142 = arith.constant 1.000000e+00 : f32
          %sub3A_1143 = arith.subf %sub3A_1142, %convert_element_type3A_1141 : f32
          %sub3A_1144 = arith.constant 2.000000e+00 : f32
          %sub3A_1145 = arith.subf %sub3A_1144, %convert_element_type3A_1141 : f32
          %mul3A_1146 = arith.mulf %sub3A_1143, %sub3A_1145 : f32
          %mul3A_1147 = arith.constant 5.000000e-01 : f32
          %mul3A_1148 = arith.mulf %mul3A_1146, %mul3A_1147 : f32
          %broadcast_in_dim3A_1149 = vector.broadcast %mul3A_1148 : f32 to vector<16xf32>
          %sub3A_1150 = arith.constant 2.000000e+00 : f32
          %sub3A_1151 = arith.subf %sub3A_1150, %convert_element_type3A_1141 : f32
          %mul3A_1152 = arith.mulf %convert_element_type3A_1141, %sub3A_1151 : f32
          %broadcast_in_dim3A_1153 = vector.broadcast %mul3A_1152 : f32 to vector<16xf32>
          %sub3A_1154 = arith.constant 1.000000e+00 : f32
          %sub3A_1155 = arith.subf %convert_element_type3A_1141, %sub3A_1154 : f32
          %mul3A_1156 = arith.mulf %convert_element_type3A_1141, %sub3A_1155 : f32
          %mul3A_1157 = arith.constant 5.000000e-01 : f32
          %mul3A_1158 = arith.mulf %mul3A_1156, %mul3A_1157 : f32
          %broadcast_in_dim3A_1159 = vector.broadcast %mul3A_1158 : f32 to vector<16xf32>
          %mul3A_1160 = arith.mulf %broadcast_in_dim3A_1149, %get3A_17 : vector<16xf32>
          %mul3A_1161 = arith.mulf %broadcast_in_dim3A_1153, %get3A_57 : vector<16xf32>
          %add3A_1162 = arith.addf %mul3A_1160, %mul3A_1161 : vector<16xf32>
          %mul3A_1163 = arith.mulf %broadcast_in_dim3A_1159, %get3A_97 : vector<16xf32>
          %add3A_1164 = arith.addf %add3A_1162, %mul3A_1163 : vector<16xf32>
          %swap3A_1165 = arith.constant 3 : i32
          %swap3A_1166 = arith.index_cast %swap3A_1165 : i32 to index
          %swap3A_1167 = arith.index_cast %add3A_1138 : i32 to index
          %swap3A_1168 = arith.constant 0 : index
          %swap3A_1169 = tpu.vector_load %arg8[%swap3A_1166, %swap3A_1167, %swap3A_1168] {strides = array<i32>} : memref<4x128x128xf32, #tpu.memory_space<vmem>>, vector<1x1x16xf32>,
          %swap3A_1170 = vector.shape_cast %swap3A_1169 : vector<1x1x16xf32> to vector<16xf32>
          %swap3A_1171 = vector.shape_cast %add3A_1164 : vector<16xf32> to vector<1x1x16xf32>
          tpu.vector_store %arg8[%swap3A_1166, %swap3A_1167, %swap3A_1168], %swap3A_1171 {strides = array<i32>} : memref<4x128x128xf32, #tpu.memory_space<vmem>>, vector<1x1x16xf32>,
          %mul3A_1172 = arith.mulf %broadcast_in_dim3A_1149, %get3A_22 : vector<16xf32>
          %mul3A_1173 = arith.mulf %broadcast_in_dim3A_1153, %get3A_62 : vector<16xf32>
          %add3A_1174 = arith.addf %mul3A_1172, %mul3A_1173 : vector<16xf32>
          %mul3A_1175 = arith.mulf %broadcast_in_dim3A_1159, %get3A_102 : vector<16xf32>
          %add3A_1176 = arith.addf %add3A_1174, %mul3A_1175 : vector<16xf32>
          %swap3A_1177 = arith.constant 3 : i32
          %swap3A_1178 = arith.index_cast %swap3A_1177 : i32 to index
          %swap3A_1179 = arith.index_cast %add3A_1138 : i32 to index
          %swap3A_1180 = arith.constant 16 : index
          %swap3A_1181 = tpu.vector_load %arg8[%swap3A_1178, %swap3A_1179, %swap3A_1180] {strides = array<i32>} : memref<4x128x128xf32, #tpu.memory_space<vmem>>, vector<1x1x16xf32>,
          %swap3A_1182 = vector.shape_cast %swap3A_1181 : vector<1x1x16xf32> to vector<16xf32>
          %swap3A_1183 = vector.shape_cast %add3A_1176 : vector<16xf32> to vector<1x1x16xf32>
          tpu.vector_store %arg8[%swap3A_1178, %swap3A_1179, %swap3A_1180], %swap3A_1183 {strides = array<i32>} : memref<4x128x128xf32, #tpu.memory_space<vmem>>, vector<1x1x16xf32>,
          %mul3A_1184 = arith.mulf %broadcast_in_dim3A_1149, %get3A_27 : vector<16xf32>
          %mul3A_1185 = arith.mulf %broadcast_in_dim3A_1153, %get3A_67 : vector<16xf32>
          %add3A_1186 = arith.addf %mul3A_1184, %mul3A_1185 : vector<16xf32>
          %mul3A_1187 = arith.mulf %broadcast_in_dim3A_1159, %get3A_107 : vector<16xf32>
          %add3A_1188 = arith.addf %add3A_1186, %mul3A_1187 : vector<16xf32>
          %swap3A_1189 = arith.constant 3 : i32
          %swap3A_1190 = arith.index_cast %swap3A_1189 : i32 to index
          %swap3A_1191 = arith.index_cast %add3A_1138 : i32 to index
          %swap3A_1192 = arith.constant 32 : index
          %swap3A_1193 = tpu.vector_load %arg8[%swap3A_1190, %swap3A_1191, %swap3A_1192] {strides = array<i32>} : memref<4x128x128xf32, #tpu.memory_space<vmem>>, vector<1x1x16xf32>,
          %swap3A_1194 = vector.shape_cast %swap3A_1193 : vector<1x1x16xf32> to vector<16xf32>
          %swap3A_1195 = vector.shape_cast %add3A_1188 : vector<16xf32> to vector<1x1x16xf32>
          tpu.vector_store %arg8[%swap3A_1190, %swap3A_1191, %swap3A_1192], %swap3A_1195 {strides = array<i32>} : memref<4x128x128xf32, #tpu.memory_space<vmem>>, vector<1x1x16xf32>,
          %mul3A_1196 = arith.mulf %broadcast_in_dim3A_1149, %get3A_32 : vector<16xf32>
          %mul3A_1197 = arith.mulf %broadcast_in_dim3A_1153, %get3A_72 : vector<16xf32>
          %add3A_1198 = arith.addf %mul3A_1196, %mul3A_1197 : vector<16xf32>
          %mul3A_1199 = arith.mulf %broadcast_in_dim3A_1159, %get3A_112 : vector<16xf32>
          %add3A_1200 = arith.addf %add3A_1198, %mul3A_1199 : vector<16xf32>
          %swap3A_1201 = arith.constant 3 : i32
          %swap3A_1202 = arith.index_cast %swap3A_1201 : i32 to index
          %swap3A_1203 = arith.index_cast %add3A_1138 : i32 to index
          %swap3A_1204 = arith.constant 48 : index
          %swap3A_1205 = tpu.vector_load %arg8[%swap3A_1202, %swap3A_1203, %swap3A_1204] {strides = array<i32>} : memref<4x128x128xf32, #tpu.memory_space<vmem>>, vector<1x1x16xf32>,
          %swap3A_1206 = vector.shape_cast %swap3A_1205 : vector<1x1x16xf32> to vector<16xf32>
          %swap3A_1207 = vector.shape_cast %add3A_1200 : vector<16xf32> to vector<1x1x16xf32>
          tpu.vector_store %arg8[%swap3A_1202, %swap3A_1203, %swap3A_1204], %swap3A_1207 {strides = array<i32>} : memref<4x128x128xf32, #tpu.memory_space<vmem>>, vector<1x1x16xf32>,
          %mul3A_1208 = arith.mulf %broadcast_in_dim3A_1149, %get3A_37 : vector<16xf32>
          %mul3A_1209 = arith.mulf %broadcast_in_dim3A_1153, %get3A_77 : vector<16xf32>
          %add3A_1210 = arith.addf %mul3A_1208, %mul3A_1209 : vector<16xf32>
          %mul3A_1211 = arith.mulf %broadcast_in_dim3A_1159, %get3A_117 : vector<16xf32>
          %add3A_1212 = arith.addf %add3A_1210, %mul3A_1211 : vector<16xf32>
          %swap3A_1213 = arith.constant 3 : i32
          %swap3A_1214 = arith.index_cast %swap3A_1213 : i32 to index
          %swap3A_1215 = arith.index_cast %add3A_1138 : i32 to index
          %swap3A_1216 = arith.constant 64 : index
          %swap3A_1217 = tpu.vector_load %arg8[%swap3A_1214, %swap3A_1215, %swap3A_1216] {strides = array<i32>} : memref<4x128x128xf32, #tpu.memory_space<vmem>>, vector<1x1x16xf32>,
          %swap3A_1218 = vector.shape_cast %swap3A_1217 : vector<1x1x16xf32> to vector<16xf32>
          %swap3A_1219 = vector.shape_cast %add3A_1212 : vector<16xf32> to vector<1x1x16xf32>
          tpu.vector_store %arg8[%swap3A_1214, %swap3A_1215, %swap3A_1216], %swap3A_1219 {strides = array<i32>} : memref<4x128x128xf32, #tpu.memory_space<vmem>>, vector<1x1x16xf32>,
          %mul3A_1220 = arith.mulf %broadcast_in_dim3A_1149, %get3A_42 : vector<16xf32>
          %mul3A_1221 = arith.mulf %broadcast_in_dim3A_1153, %get3A_82 : vector<16xf32>
          %add3A_1222 = arith.addf %mul3A_1220, %mul3A_1221 : vector<16xf32>
          %mul3A_1223 = arith.mulf %broadcast_in_dim3A_1159, %get3A_122 : vector<16xf32>
          %add3A_1224 = arith.addf %add3A_1222, %mul3A_1223 : vector<16xf32>
          %swap3A_1225 = arith.constant 3 : i32
          %swap3A_1226 = arith.index_cast %swap3A_1225 : i32 to index
          %swap3A_1227 = arith.index_cast %add3A_1138 : i32 to index
          %swap3A_1228 = arith.constant 80 : index
          %swap3A_1229 = tpu.vector_load %arg8[%swap3A_1226, %swap3A_1227, %swap3A_1228] {strides = array<i32>} : memref<4x128x128xf32, #tpu.memory_space<vmem>>, vector<1x1x16xf32>,
          %swap3A_1230 = vector.shape_cast %swap3A_1229 : vector<1x1x16xf32> to vector<16xf32>
          %swap3A_1231 = vector.shape_cast %add3A_1224 : vector<16xf32> to vector<1x1x16xf32>
          tpu.vector_store %arg8[%swap3A_1226, %swap3A_1227, %swap3A_1228], %swap3A_1231 {strides = array<i32>} : memref<4x128x128xf32, #tpu.memory_space<vmem>>, vector<1x1x16xf32>,
          %mul3A_1232 = arith.mulf %broadcast_in_dim3A_1149, %get3A_47 : vector<16xf32>
          %mul3A_1233 = arith.mulf %broadcast_in_dim3A_1153, %get3A_87 : vector<16xf32>
          %add3A_1234 = arith.addf %mul3A_1232, %mul3A_1233 : vector<16xf32>
          %mul3A_1235 = arith.mulf %broadcast_in_dim3A_1159, %get3A_127 : vector<16xf32>
          %add3A_1236 = arith.addf %add3A_1234, %mul3A_1235 : vector<16xf32>
          %swap3A_1237 = arith.constant 3 : i32
          %swap3A_1238 = arith.index_cast %swap3A_1237 : i32 to index
          %swap3A_1239 = arith.index_cast %add3A_1138 : i32 to index
          %swap3A_1240 = arith.constant 96 : index
          %swap3A_1241 = tpu.vector_load %arg8[%swap3A_1238, %swap3A_1239, %swap3A_1240] {strides = array<i32>} : memref<4x128x128xf32, #tpu.memory_space<vmem>>, vector<1x1x16xf32>,
          %swap3A_1242 = vector.shape_cast %swap3A_1241 : vector<1x1x16xf32> to vector<16xf32>
          %swap3A_1243 = vector.shape_cast %add3A_1236 : vector<16xf32> to vector<1x1x16xf32>
          tpu.vector_store %arg8[%swap3A_1238, %swap3A_1239, %swap3A_1240], %swap3A_1243 {strides = array<i32>} : memref<4x128x128xf32, #tpu.memory_space<vmem>>, vector<1x1x16xf32>,
          %mul3A_1244 = arith.mulf %broadcast_in_dim3A_1149, %get3A_52 : vector<16xf32>
          %mul3A_1245 = arith.mulf %broadcast_in_dim3A_1153, %get3A_92 : vector<16xf32>
          %add3A_1246 = arith.addf %mul3A_1244, %mul3A_1245 : vector<16xf32>
          %mul3A_1247 = arith.mulf %broadcast_in_dim3A_1159, %get3A_132 : vector<16xf32>
          %add3A_1248 = arith.addf %add3A_1246, %mul3A_1247 : vector<16xf32>
          %swap3A_1249 = arith.constant 3 : i32
          %swap3A_1250 = arith.index_cast %swap3A_1249 : i32 to index
          %swap3A_1251 = arith.index_cast %add3A_1138 : i32 to index
          %swap3A_1252 = arith.constant 112 : index
          %swap3A_1253 = tpu.vector_load %arg8[%swap3A_1250, %swap3A_1251, %swap3A_1252] {strides = array<i32>} : memref<4x128x128xf32, #tpu.memory_space<vmem>>, vector<1x1x16xf32>,
          %swap3A_1254 = vector.shape_cast %swap3A_1253 : vector<1x1x16xf32> to vector<16xf32>
          %swap3A_1255 = vector.shape_cast %add3A_1248 : vector<16xf32> to vector<1x1x16xf32>
          tpu.vector_store %arg8[%swap3A_1250, %swap3A_1251, %swap3A_1252], %swap3A_1255 {strides = array<i32>} : memref<4x128x128xf32, #tpu.memory_space<vmem>>, vector<1x1x16xf32>,
          %mul3A_1256 = arith.constant 16 : i32
          %mul3A_1257 = arith.muli %scan3A_407, %mul3A_1256 : i32
          %add3A_1258 = arith.constant 7 : i32
          %add3A_1259 = arith.addi %mul3A_1257, %add3A_1258 : i32
          %slice3A_1260 = vector.extract_strided_slice %get3A_413 {offsets = [7], sizes = [1], strides = [1]} : vector<16xi32> to vector<1xi32>
          %squeeze3A_1261 = vector.extract %slice3A_1260[0] : i32 from vector<1xi32>
          %convert_element_type3A_1262 = arith.sitofp %squeeze3A_1261 : i32 to f32
          %sub3A_1263 = arith.constant 1.000000e+00 : f32
          %sub3A_1264 = arith.subf %sub3A_1263, %convert_element_type3A_1262 : f32
          %sub3A_1265 = arith.constant 2.000000e+00 : f32
          %sub3A_1266 = arith.subf %sub3A_1265, %convert_element_type3A_1262 : f32
          %mul3A_1267 = arith.mulf %sub3A_1264, %sub3A_1266 : f32
          %mul3A_1268 = arith.constant 5.000000e-01 : f32
          %mul3A_1269 = arith.mulf %mul3A_1267, %mul3A_1268 : f32
          %broadcast_in_dim3A_1270 = vector.broadcast %mul3A_1269 : f32 to vector<16xf32>
          %sub3A_1271 = arith.constant 2.000000e+00 : f32
          %sub3A_1272 = arith.subf %sub3A_1271, %convert_element_type3A_1262 : f32
          %mul3A_1273 = arith.mulf %convert_element_type3A_1262, %sub3A_1272 : f32
          %broadcast_in_dim3A_1274 = vector.broadcast %mul3A_1273 : f32 to vector<16xf32>
          %sub3A_1275 = arith.constant 1.000000e+00 : f32
          %sub3A_1276 = arith.subf %convert_element_type3A_1262, %sub3A_1275 : f32
          %mul3A_1277 = arith.mulf %convert_element_type3A_1262, %sub3A_1276 : f32
          %mul3A_1278 = arith.constant 5.000000e-01 : f32
          %mul3A_1279 = arith.mulf %mul3A_1277, %mul3A_1278 : f32
          %broadcast_in_dim3A_1280 = vector.broadcast %mul3A_1279 : f32 to vector<16xf32>
          %mul3A_1281 = arith.mulf %broadcast_in_dim3A_1270, %get3A_17 : vector<16xf32>
          %mul3A_1282 = arith.mulf %broadcast_in_dim3A_1274, %get3A_57 : vector<16xf32>
          %add3A_1283 = arith.addf %mul3A_1281, %mul3A_1282 : vector<16xf32>
          %mul3A_1284 = arith.mulf %broadcast_in_dim3A_1280, %get3A_97 : vector<16xf32>
          %add3A_1285 = arith.addf %add3A_1283, %mul3A_1284 : vector<16xf32>
          %swap3A_1286 = arith.constant 3 : i32
          %swap3A_1287 = arith.index_cast %swap3A_1286 : i32 to index
          %swap3A_1288 = arith.index_cast %add3A_1259 : i32 to index
          %swap3A_1289 = arith.constant 0 : index
          %swap3A_1290 = tpu.vector_load %arg8[%swap3A_1287, %swap3A_1288, %swap3A_1289] {strides = array<i32>} : memref<4x128x128xf32, #tpu.memory_space<vmem>>, vector<1x1x16xf32>,
          %swap3A_1291 = vector.shape_cast %swap3A_1290 : vector<1x1x16xf32> to vector<16xf32>
          %swap3A_1292 = vector.shape_cast %add3A_1285 : vector<16xf32> to vector<1x1x16xf32>
          tpu.vector_store %arg8[%swap3A_1287, %swap3A_1288, %swap3A_1289], %swap3A_1292 {strides = array<i32>} : memref<4x128x128xf32, #tpu.memory_space<vmem>>, vector<1x1x16xf32>,
          %mul3A_1293 = arith.mulf %broadcast_in_dim3A_1270, %get3A_22 : vector<16xf32>
          %mul3A_1294 = arith.mulf %broadcast_in_dim3A_1274, %get3A_62 : vector<16xf32>
          %add3A_1295 = arith.addf %mul3A_1293, %mul3A_1294 : vector<16xf32>
          %mul3A_1296 = arith.mulf %broadcast_in_dim3A_1280, %get3A_102 : vector<16xf32>
          %add3A_1297 = arith.addf %add3A_1295, %mul3A_1296 : vector<16xf32>
          %swap3A_1298 = arith.constant 3 : i32
          %swap3A_1299 = arith.index_cast %swap3A_1298 : i32 to index
          %swap3A_1300 = arith.index_cast %add3A_1259 : i32 to index
          %swap3A_1301 = arith.constant 16 : index
          %swap3A_1302 = tpu.vector_load %arg8[%swap3A_1299, %swap3A_1300, %swap3A_1301] {strides = array<i32>} : memref<4x128x128xf32, #tpu.memory_space<vmem>>, vector<1x1x16xf32>,
          %swap3A_1303 = vector.shape_cast %swap3A_1302 : vector<1x1x16xf32> to vector<16xf32>
          %swap3A_1304 = vector.shape_cast %add3A_1297 : vector<16xf32> to vector<1x1x16xf32>
          tpu.vector_store %arg8[%swap3A_1299, %swap3A_1300, %swap3A_1301], %swap3A_1304 {strides = array<i32>} : memref<4x128x128xf32, #tpu.memory_space<vmem>>, vector<1x1x16xf32>,
          %mul3A_1305 = arith.mulf %broadcast_in_dim3A_1270, %get3A_27 : vector<16xf32>
          %mul3A_1306 = arith.mulf %broadcast_in_dim3A_1274, %get3A_67 : vector<16xf32>
          %add3A_1307 = arith.addf %mul3A_1305, %mul3A_1306 : vector<16xf32>
          %mul3A_1308 = arith.mulf %broadcast_in_dim3A_1280, %get3A_107 : vector<16xf32>
          %add3A_1309 = arith.addf %add3A_1307, %mul3A_1308 : vector<16xf32>
          %swap3A_1310 = arith.constant 3 : i32
          %swap3A_1311 = arith.index_cast %swap3A_1310 : i32 to index
          %swap3A_1312 = arith.index_cast %add3A_1259 : i32 to index
          %swap3A_1313 = arith.constant 32 : index
          %swap3A_1314 = tpu.vector_load %arg8[%swap3A_1311, %swap3A_1312, %swap3A_1313] {strides = array<i32>} : memref<4x128x128xf32, #tpu.memory_space<vmem>>, vector<1x1x16xf32>,
          %swap3A_1315 = vector.shape_cast %swap3A_1314 : vector<1x1x16xf32> to vector<16xf32>
          %swap3A_1316 = vector.shape_cast %add3A_1309 : vector<16xf32> to vector<1x1x16xf32>
          tpu.vector_store %arg8[%swap3A_1311, %swap3A_1312, %swap3A_1313], %swap3A_1316 {strides = array<i32>} : memref<4x128x128xf32, #tpu.memory_space<vmem>>, vector<1x1x16xf32>,
          %mul3A_1317 = arith.mulf %broadcast_in_dim3A_1270, %get3A_32 : vector<16xf32>
          %mul3A_1318 = arith.mulf %broadcast_in_dim3A_1274, %get3A_72 : vector<16xf32>
          %add3A_1319 = arith.addf %mul3A_1317, %mul3A_1318 : vector<16xf32>
          %mul3A_1320 = arith.mulf %broadcast_in_dim3A_1280, %get3A_112 : vector<16xf32>
          %add3A_1321 = arith.addf %add3A_1319, %mul3A_1320 : vector<16xf32>
          %swap3A_1322 = arith.constant 3 : i32
          %swap3A_1323 = arith.index_cast %swap3A_1322 : i32 to index
          %swap3A_1324 = arith.index_cast %add3A_1259 : i32 to index
          %swap3A_1325 = arith.constant 48 : index
          %swap3A_1326 = tpu.vector_load %arg8[%swap3A_1323, %swap3A_1324, %swap3A_1325] {strides = array<i32>} : memref<4x128x128xf32, #tpu.memory_space<vmem>>, vector<1x1x16xf32>,
          %swap3A_1327 = vector.shape_cast %swap3A_1326 : vector<1x1x16xf32> to vector<16xf32>
          %swap3A_1328 = vector.shape_cast %add3A_1321 : vector<16xf32> to vector<1x1x16xf32>
          tpu.vector_store %arg8[%swap3A_1323, %swap3A_1324, %swap3A_1325], %swap3A_1328 {strides = array<i32>} : memref<4x128x128xf32, #tpu.memory_space<vmem>>, vector<1x1x16xf32>,
          %mul3A_1329 = arith.mulf %broadcast_in_dim3A_1270, %get3A_37 : vector<16xf32>
          %mul3A_1330 = arith.mulf %broadcast_in_dim3A_1274, %get3A_77 : vector<16xf32>
          %add3A_1331 = arith.addf %mul3A_1329, %mul3A_1330 : vector<16xf32>
          %mul3A_1332 = arith.mulf %broadcast_in_dim3A_1280, %get3A_117 : vector<16xf32>
          %add3A_1333 = arith.addf %add3A_1331, %mul3A_1332 : vector<16xf32>
          %swap3A_1334 = arith.constant 3 : i32
          %swap3A_1335 = arith.index_cast %swap3A_1334 : i32 to index
          %swap3A_1336 = arith.index_cast %add3A_1259 : i32 to index
          %swap3A_1337 = arith.constant 64 : index
          %swap3A_1338 = tpu.vector_load %arg8[%swap3A_1335, %swap3A_1336, %swap3A_1337] {strides = array<i32>} : memref<4x128x128xf32, #tpu.memory_space<vmem>>, vector<1x1x16xf32>,
          %swap3A_1339 = vector.shape_cast %swap3A_1338 : vector<1x1x16xf32> to vector<16xf32>
          %swap3A_1340 = vector.shape_cast %add3A_1333 : vector<16xf32> to vector<1x1x16xf32>
          tpu.vector_store %arg8[%swap3A_1335, %swap3A_1336, %swap3A_1337], %swap3A_1340 {strides = array<i32>} : memref<4x128x128xf32, #tpu.memory_space<vmem>>, vector<1x1x16xf32>,
          %mul3A_1341 = arith.mulf %broadcast_in_dim3A_1270, %get3A_42 : vector<16xf32>
          %mul3A_1342 = arith.mulf %broadcast_in_dim3A_1274, %get3A_82 : vector<16xf32>
          %add3A_1343 = arith.addf %mul3A_1341, %mul3A_1342 : vector<16xf32>
          %mul3A_1344 = arith.mulf %broadcast_in_dim3A_1280, %get3A_122 : vector<16xf32>
          %add3A_1345 = arith.addf %add3A_1343, %mul3A_1344 : vector<16xf32>
          %swap3A_1346 = arith.constant 3 : i32
          %swap3A_1347 = arith.index_cast %swap3A_1346 : i32 to index
          %swap3A_1348 = arith.index_cast %add3A_1259 : i32 to index
          %swap3A_1349 = arith.constant 80 : index
          %swap3A_1350 = tpu.vector_load %arg8[%swap3A_1347, %swap3A_1348, %swap3A_1349] {strides = array<i32>} : memref<4x128x128xf32, #tpu.memory_space<vmem>>, vector<1x1x16xf32>,
          %swap3A_1351 = vector.shape_cast %swap3A_1350 : vector<1x1x16xf32> to vector<16xf32>
          %swap3A_1352 = vector.shape_cast %add3A_1345 : vector<16xf32> to vector<1x1x16xf32>
          tpu.vector_store %arg8[%swap3A_1347, %swap3A_1348, %swap3A_1349], %swap3A_1352 {strides = array<i32>} : memref<4x128x128xf32, #tpu.memory_space<vmem>>, vector<1x1x16xf32>,
          %mul3A_1353 = arith.mulf %broadcast_in_dim3A_1270, %get3A_47 : vector<16xf32>
          %mul3A_1354 = arith.mulf %broadcast_in_dim3A_1274, %get3A_87 : vector<16xf32>
          %add3A_1355 = arith.addf %mul3A_1353, %mul3A_1354 : vector<16xf32>
          %mul3A_1356 = arith.mulf %broadcast_in_dim3A_1280, %get3A_127 : vector<16xf32>
          %add3A_1357 = arith.addf %add3A_1355, %mul3A_1356 : vector<16xf32>
          %swap3A_1358 = arith.constant 3 : i32
          %swap3A_1359 = arith.index_cast %swap3A_1358 : i32 to index
          %swap3A_1360 = arith.index_cast %add3A_1259 : i32 to index
          %swap3A_1361 = arith.constant 96 : index
          %swap3A_1362 = tpu.vector_load %arg8[%swap3A_1359, %swap3A_1360, %swap3A_1361] {strides = array<i32>} : memref<4x128x128xf32, #tpu.memory_space<vmem>>, vector<1x1x16xf32>,
          %swap3A_1363 = vector.shape_cast %swap3A_1362 : vector<1x1x16xf32> to vector<16xf32>
          %swap3A_1364 = vector.shape_cast %add3A_1357 : vector<16xf32> to vector<1x1x16xf32>
          tpu.vector_store %arg8[%swap3A_1359, %swap3A_1360, %swap3A_1361], %swap3A_1364 {strides = array<i32>} : memref<4x128x128xf32, #tpu.memory_space<vmem>>, vector<1x1x16xf32>,
          %mul3A_1365 = arith.mulf %broadcast_in_dim3A_1270, %get3A_52 : vector<16xf32>
          %mul3A_1366 = arith.mulf %broadcast_in_dim3A_1274, %get3A_92 : vector<16xf32>
          %add3A_1367 = arith.addf %mul3A_1365, %mul3A_1366 : vector<16xf32>
          %mul3A_1368 = arith.mulf %broadcast_in_dim3A_1280, %get3A_132 : vector<16xf32>
          %add3A_1369 = arith.addf %add3A_1367, %mul3A_1368 : vector<16xf32>
          %swap3A_1370 = arith.constant 3 : i32
          %swap3A_1371 = arith.index_cast %swap3A_1370 : i32 to index
          %swap3A_1372 = arith.index_cast %add3A_1259 : i32 to index
          %swap3A_1373 = arith.constant 112 : index
          %swap3A_1374 = tpu.vector_load %arg8[%swap3A_1371, %swap3A_1372, %swap3A_1373] {strides = array<i32>} : memref<4x128x128xf32, #tpu.memory_space<vmem>>, vector<1x1x16xf32>,
          %swap3A_1375 = vector.shape_cast %swap3A_1374 : vector<1x1x16xf32> to vector<16xf32>
          %swap3A_1376 = vector.shape_cast %add3A_1369 : vector<16xf32> to vector<1x1x16xf32>
          tpu.vector_store %arg8[%swap3A_1371, %swap3A_1372, %swap3A_1373], %swap3A_1376 {strides = array<i32>} : memref<4x128x128xf32, #tpu.memory_space<vmem>>, vector<1x1x16xf32>,
          %mul3A_1377 = arith.constant 16 : i32
          %mul3A_1378 = arith.muli %scan3A_407, %mul3A_1377 : i32
          %add3A_1379 = arith.constant 8 : i32
          %add3A_1380 = arith.addi %mul3A_1378, %add3A_1379 : i32
          %slice3A_1381 = vector.extract_strided_slice %get3A_413 {offsets = [8], sizes = [1], strides = [1]} : vector<16xi32> to vector<1xi32>
          %squeeze3A_1382 = vector.extract %slice3A_1381[0] : i32 from vector<1xi32>
          %convert_element_type3A_1383 = arith.sitofp %squeeze3A_1382 : i32 to f32
          %sub3A_1384 = arith.constant 1.000000e+00 : f32
          %sub3A_1385 = arith.subf %sub3A_1384, %convert_element_type3A_1383 : f32
          %sub3A_1386 = arith.constant 2.000000e+00 : f32
          %sub3A_1387 = arith.subf %sub3A_1386, %convert_element_type3A_1383 : f32
          %mul3A_1388 = arith.mulf %sub3A_1385, %sub3A_1387 : f32
          %mul3A_1389 = arith.constant 5.000000e-01 : f32
          %mul3A_1390 = arith.mulf %mul3A_1388, %mul3A_1389 : f32
          %broadcast_in_dim3A_1391 = vector.broadcast %mul3A_1390 : f32 to vector<16xf32>
          %sub3A_1392 = arith.constant 2.000000e+00 : f32
          %sub3A_1393 = arith.subf %sub3A_1392, %convert_element_type3A_1383 : f32
          %mul3A_1394 = arith.mulf %convert_element_type3A_1383, %sub3A_1393 : f32
          %broadcast_in_dim3A_1395 = vector.broadcast %mul3A_1394 : f32 to vector<16xf32>
          %sub3A_1396 = arith.constant 1.000000e+00 : f32
          %sub3A_1397 = arith.subf %convert_element_type3A_1383, %sub3A_1396 : f32
          %mul3A_1398 = arith.mulf %convert_element_type3A_1383, %sub3A_1397 : f32
          %mul3A_1399 = arith.constant 5.000000e-01 : f32
          %mul3A_1400 = arith.mulf %mul3A_1398, %mul3A_1399 : f32
          %broadcast_in_dim3A_1401 = vector.broadcast %mul3A_1400 : f32 to vector<16xf32>
          %mul3A_1402 = arith.mulf %broadcast_in_dim3A_1391, %get3A_17 : vector<16xf32>
          %mul3A_1403 = arith.mulf %broadcast_in_dim3A_1395, %get3A_57 : vector<16xf32>
          %add3A_1404 = arith.addf %mul3A_1402, %mul3A_1403 : vector<16xf32>
          %mul3A_1405 = arith.mulf %broadcast_in_dim3A_1401, %get3A_97 : vector<16xf32>
          %add3A_1406 = arith.addf %add3A_1404, %mul3A_1405 : vector<16xf32>
          %swap3A_1407 = arith.constant 3 : i32
          %swap3A_1408 = arith.index_cast %swap3A_1407 : i32 to index
          %swap3A_1409 = arith.index_cast %add3A_1380 : i32 to index
          %swap3A_1410 = arith.constant 0 : index
          %swap3A_1411 = tpu.vector_load %arg8[%swap3A_1408, %swap3A_1409, %swap3A_1410] {strides = array<i32>} : memref<4x128x128xf32, #tpu.memory_space<vmem>>, vector<1x1x16xf32>,
          %swap3A_1412 = vector.shape_cast %swap3A_1411 : vector<1x1x16xf32> to vector<16xf32>
          %swap3A_1413 = vector.shape_cast %add3A_1406 : vector<16xf32> to vector<1x1x16xf32>
          tpu.vector_store %arg8[%swap3A_1408, %swap3A_1409, %swap3A_1410], %swap3A_1413 {strides = array<i32>} : memref<4x128x128xf32, #tpu.memory_space<vmem>>, vector<1x1x16xf32>,
          %mul3A_1414 = arith.mulf %broadcast_in_dim3A_1391, %get3A_22 : vector<16xf32>
          %mul3A_1415 = arith.mulf %broadcast_in_dim3A_1395, %get3A_62 : vector<16xf32>
          %add3A_1416 = arith.addf %mul3A_1414, %mul3A_1415 : vector<16xf32>
          %mul3A_1417 = arith.mulf %broadcast_in_dim3A_1401, %get3A_102 : vector<16xf32>
          %add3A_1418 = arith.addf %add3A_1416, %mul3A_1417 : vector<16xf32>
          %swap3A_1419 = arith.constant 3 : i32
          %swap3A_1420 = arith.index_cast %swap3A_1419 : i32 to index
          %swap3A_1421 = arith.index_cast %add3A_1380 : i32 to index
          %swap3A_1422 = arith.constant 16 : index
          %swap3A_1423 = tpu.vector_load %arg8[%swap3A_1420, %swap3A_1421, %swap3A_1422] {strides = array<i32>} : memref<4x128x128xf32, #tpu.memory_space<vmem>>, vector<1x1x16xf32>,
          %swap3A_1424 = vector.shape_cast %swap3A_1423 : vector<1x1x16xf32> to vector<16xf32>
          %swap3A_1425 = vector.shape_cast %add3A_1418 : vector<16xf32> to vector<1x1x16xf32>
          tpu.vector_store %arg8[%swap3A_1420, %swap3A_1421, %swap3A_1422], %swap3A_1425 {strides = array<i32>} : memref<4x128x128xf32, #tpu.memory_space<vmem>>, vector<1x1x16xf32>,
          %mul3A_1426 = arith.mulf %broadcast_in_dim3A_1391, %get3A_27 : vector<16xf32>
          %mul3A_1427 = arith.mulf %broadcast_in_dim3A_1395, %get3A_67 : vector<16xf32>
          %add3A_1428 = arith.addf %mul3A_1426, %mul3A_1427 : vector<16xf32>
          %mul3A_1429 = arith.mulf %broadcast_in_dim3A_1401, %get3A_107 : vector<16xf32>
          %add3A_1430 = arith.addf %add3A_1428, %mul3A_1429 : vector<16xf32>
          %swap3A_1431 = arith.constant 3 : i32
          %swap3A_1432 = arith.index_cast %swap3A_1431 : i32 to index
          %swap3A_1433 = arith.index_cast %add3A_1380 : i32 to index
          %swap3A_1434 = arith.constant 32 : index
          %swap3A_1435 = tpu.vector_load %arg8[%swap3A_1432, %swap3A_1433, %swap3A_1434] {strides = array<i32>} : memref<4x128x128xf32, #tpu.memory_space<vmem>>, vector<1x1x16xf32>,
          %swap3A_1436 = vector.shape_cast %swap3A_1435 : vector<1x1x16xf32> to vector<16xf32>
          %swap3A_1437 = vector.shape_cast %add3A_1430 : vector<16xf32> to vector<1x1x16xf32>
          tpu.vector_store %arg8[%swap3A_1432, %swap3A_1433, %swap3A_1434], %swap3A_1437 {strides = array<i32>} : memref<4x128x128xf32, #tpu.memory_space<vmem>>, vector<1x1x16xf32>,
          %mul3A_1438 = arith.mulf %broadcast_in_dim3A_1391, %get3A_32 : vector<16xf32>
          %mul3A_1439 = arith.mulf %broadcast_in_dim3A_1395, %get3A_72 : vector<16xf32>
          %add3A_1440 = arith.addf %mul3A_1438, %mul3A_1439 : vector<16xf32>
          %mul3A_1441 = arith.mulf %broadcast_in_dim3A_1401, %get3A_112 : vector<16xf32>
          %add3A_1442 = arith.addf %add3A_1440, %mul3A_1441 : vector<16xf32>
          %swap3A_1443 = arith.constant 3 : i32
          %swap3A_1444 = arith.index_cast %swap3A_1443 : i32 to index
          %swap3A_1445 = arith.index_cast %add3A_1380 : i32 to index
          %swap3A_1446 = arith.constant 48 : index
          %swap3A_1447 = tpu.vector_load %arg8[%swap3A_1444, %swap3A_1445, %swap3A_1446] {strides = array<i32>} : memref<4x128x128xf32, #tpu.memory_space<vmem>>, vector<1x1x16xf32>,
          %swap3A_1448 = vector.shape_cast %swap3A_1447 : vector<1x1x16xf32> to vector<16xf32>
          %swap3A_1449 = vector.shape_cast %add3A_1442 : vector<16xf32> to vector<1x1x16xf32>
          tpu.vector_store %arg8[%swap3A_1444, %swap3A_1445, %swap3A_1446], %swap3A_1449 {strides = array<i32>} : memref<4x128x128xf32, #tpu.memory_space<vmem>>, vector<1x1x16xf32>,
          %mul3A_1450 = arith.mulf %broadcast_in_dim3A_1391, %get3A_37 : vector<16xf32>
          %mul3A_1451 = arith.mulf %broadcast_in_dim3A_1395, %get3A_77 : vector<16xf32>
          %add3A_1452 = arith.addf %mul3A_1450, %mul3A_1451 : vector<16xf32>
          %mul3A_1453 = arith.mulf %broadcast_in_dim3A_1401, %get3A_117 : vector<16xf32>
          %add3A_1454 = arith.addf %add3A_1452, %mul3A_1453 : vector<16xf32>
          %swap3A_1455 = arith.constant 3 : i32
          %swap3A_1456 = arith.index_cast %swap3A_1455 : i32 to index
          %swap3A_1457 = arith.index_cast %add3A_1380 : i32 to index
          %swap3A_1458 = arith.constant 64 : index
          %swap3A_1459 = tpu.vector_load %arg8[%swap3A_1456, %swap3A_1457, %swap3A_1458] {strides = array<i32>} : memref<4x128x128xf32, #tpu.memory_space<vmem>>, vector<1x1x16xf32>,
          %swap3A_1460 = vector.shape_cast %swap3A_1459 : vector<1x1x16xf32> to vector<16xf32>
          %swap3A_1461 = vector.shape_cast %add3A_1454 : vector<16xf32> to vector<1x1x16xf32>
          tpu.vector_store %arg8[%swap3A_1456, %swap3A_1457, %swap3A_1458], %swap3A_1461 {strides = array<i32>} : memref<4x128x128xf32, #tpu.memory_space<vmem>>, vector<1x1x16xf32>,
          %mul3A_1462 = arith.mulf %broadcast_in_dim3A_1391, %get3A_42 : vector<16xf32>
          %mul3A_1463 = arith.mulf %broadcast_in_dim3A_1395, %get3A_82 : vector<16xf32>
          %add3A_1464 = arith.addf %mul3A_1462, %mul3A_1463 : vector<16xf32>
          %mul3A_1465 = arith.mulf %broadcast_in_dim3A_1401, %get3A_122 : vector<16xf32>
          %add3A_1466 = arith.addf %add3A_1464, %mul3A_1465 : vector<16xf32>
          %swap3A_1467 = arith.constant 3 : i32
          %swap3A_1468 = arith.index_cast %swap3A_1467 : i32 to index
          %swap3A_1469 = arith.index_cast %add3A_1380 : i32 to index
          %swap3A_1470 = arith.constant 80 : index
          %swap3A_1471 = tpu.vector_load %arg8[%swap3A_1468, %swap3A_1469, %swap3A_1470] {strides = array<i32>} : memref<4x128x128xf32, #tpu.memory_space<vmem>>, vector<1x1x16xf32>,
          %swap3A_1472 = vector.shape_cast %swap3A_1471 : vector<1x1x16xf32> to vector<16xf32>
          %swap3A_1473 = vector.shape_cast %add3A_1466 : vector<16xf32> to vector<1x1x16xf32>
          tpu.vector_store %arg8[%swap3A_1468, %swap3A_1469, %swap3A_1470], %swap3A_1473 {strides = array<i32>} : memref<4x128x128xf32, #tpu.memory_space<vmem>>, vector<1x1x16xf32>,
          %mul3A_1474 = arith.mulf %broadcast_in_dim3A_1391, %get3A_47 : vector<16xf32>
          %mul3A_1475 = arith.mulf %broadcast_in_dim3A_1395, %get3A_87 : vector<16xf32>
          %add3A_1476 = arith.addf %mul3A_1474, %mul3A_1475 : vector<16xf32>
          %mul3A_1477 = arith.mulf %broadcast_in_dim3A_1401, %get3A_127 : vector<16xf32>
          %add3A_1478 = arith.addf %add3A_1476, %mul3A_1477 : vector<16xf32>
          %swap3A_1479 = arith.constant 3 : i32
          %swap3A_1480 = arith.index_cast %swap3A_1479 : i32 to index
          %swap3A_1481 = arith.index_cast %add3A_1380 : i32 to index
          %swap3A_1482 = arith.constant 96 : index
          %swap3A_1483 = tpu.vector_load %arg8[%swap3A_1480, %swap3A_1481, %swap3A_1482] {strides = array<i32>} : memref<4x128x128xf32, #tpu.memory_space<vmem>>, vector<1x1x16xf32>,
          %swap3A_1484 = vector.shape_cast %swap3A_1483 : vector<1x1x16xf32> to vector<16xf32>
          %swap3A_1485 = vector.shape_cast %add3A_1478 : vector<16xf32> to vector<1x1x16xf32>
          tpu.vector_store %arg8[%swap3A_1480, %swap3A_1481, %swap3A_1482], %swap3A_1485 {strides = array<i32>} : memref<4x128x128xf32, #tpu.memory_space<vmem>>, vector<1x1x16xf32>,
          %mul3A_1486 = arith.mulf %broadcast_in_dim3A_1391, %get3A_52 : vector<16xf32>
          %mul3A_1487 = arith.mulf %broadcast_in_dim3A_1395, %get3A_92 : vector<16xf32>
          %add3A_1488 = arith.addf %mul3A_1486, %mul3A_1487 : vector<16xf32>
          %mul3A_1489 = arith.mulf %broadcast_in_dim3A_1401, %get3A_132 : vector<16xf32>
          %add3A_1490 = arith.addf %add3A_1488, %mul3A_1489 : vector<16xf32>
          %swap3A_1491 = arith.constant 3 : i32
          %swap3A_1492 = arith.index_cast %swap3A_1491 : i32 to index
          %swap3A_1493 = arith.index_cast %add3A_1380 : i32 to index
          %swap3A_1494 = arith.constant 112 : index
          %swap3A_1495 = tpu.vector_load %arg8[%swap3A_1492, %swap3A_1493, %swap3A_1494] {strides = array<i32>} : memref<4x128x128xf32, #tpu.memory_space<vmem>>, vector<1x1x16xf32>,
          %swap3A_1496 = vector.shape_cast %swap3A_1495 : vector<1x1x16xf32> to vector<16xf32>
          %swap3A_1497 = vector.shape_cast %add3A_1490 : vector<16xf32> to vector<1x1x16xf32>
          tpu.vector_store %arg8[%swap3A_1492, %swap3A_1493, %swap3A_1494], %swap3A_1497 {strides = array<i32>} : memref<4x128x128xf32, #tpu.memory_space<vmem>>, vector<1x1x16xf32>,
          %mul3A_1498 = arith.constant 16 : i32
          %mul3A_1499 = arith.muli %scan3A_407, %mul3A_1498 : i32
          %add3A_1500 = arith.constant 9 : i32
          %add3A_1501 = arith.addi %mul3A_1499, %add3A_1500 : i32
          %slice3A_1502 = vector.extract_strided_slice %get3A_413 {offsets = [9], sizes = [1], strides = [1]} : vector<16xi32> to vector<1xi32>
          %squeeze3A_1503 = vector.extract %slice3A_1502[0] : i32 from vector<1xi32>
          %convert_element_type3A_1504 = arith.sitofp %squeeze3A_1503 : i32 to f32
          %sub3A_1505 = arith.constant 1.000000e+00 : f32
          %sub3A_1506 = arith.subf %sub3A_1505, %convert_element_type3A_1504 : f32
          %sub3A_1507 = arith.constant 2.000000e+00 : f32
          %sub3A_1508 = arith.subf %sub3A_1507, %convert_element_type3A_1504 : f32
          %mul3A_1509 = arith.mulf %sub3A_1506, %sub3A_1508 : f32
          %mul3A_1510 = arith.constant 5.000000e-01 : f32
          %mul3A_1511 = arith.mulf %mul3A_1509, %mul3A_1510 : f32
          %broadcast_in_dim3A_1512 = vector.broadcast %mul3A_1511 : f32 to vector<16xf32>
          %sub3A_1513 = arith.constant 2.000000e+00 : f32
          %sub3A_1514 = arith.subf %sub3A_1513, %convert_element_type3A_1504 : f32
          %mul3A_1515 = arith.mulf %convert_element_type3A_1504, %sub3A_1514 : f32
          %broadcast_in_dim3A_1516 = vector.broadcast %mul3A_1515 : f32 to vector<16xf32>
          %sub3A_1517 = arith.constant 1.000000e+00 : f32
          %sub3A_1518 = arith.subf %convert_element_type3A_1504, %sub3A_1517 : f32
          %mul3A_1519 = arith.mulf %convert_element_type3A_1504, %sub3A_1518 : f32
          %mul3A_1520 = arith.constant 5.000000e-01 : f32
          %mul3A_1521 = arith.mulf %mul3A_1519, %mul3A_1520 : f32
          %broadcast_in_dim3A_1522 = vector.broadcast %mul3A_1521 : f32 to vector<16xf32>
          %mul3A_1523 = arith.mulf %broadcast_in_dim3A_1512, %get3A_17 : vector<16xf32>
          %mul3A_1524 = arith.mulf %broadcast_in_dim3A_1516, %get3A_57 : vector<16xf32>
          %add3A_1525 = arith.addf %mul3A_1523, %mul3A_1524 : vector<16xf32>
          %mul3A_1526 = arith.mulf %broadcast_in_dim3A_1522, %get3A_97 : vector<16xf32>
          %add3A_1527 = arith.addf %add3A_1525, %mul3A_1526 : vector<16xf32>
          %swap3A_1528 = arith.constant 3 : i32
          %swap3A_1529 = arith.index_cast %swap3A_1528 : i32 to index
          %swap3A_1530 = arith.index_cast %add3A_1501 : i32 to index
          %swap3A_1531 = arith.constant 0 : index
          %swap3A_1532 = tpu.vector_load %arg8[%swap3A_1529, %swap3A_1530, %swap3A_1531] {strides = array<i32>} : memref<4x128x128xf32, #tpu.memory_space<vmem>>, vector<1x1x16xf32>,
          %swap3A_1533 = vector.shape_cast %swap3A_1532 : vector<1x1x16xf32> to vector<16xf32>
          %swap3A_1534 = vector.shape_cast %add3A_1527 : vector<16xf32> to vector<1x1x16xf32>
          tpu.vector_store %arg8[%swap3A_1529, %swap3A_1530, %swap3A_1531], %swap3A_1534 {strides = array<i32>} : memref<4x128x128xf32, #tpu.memory_space<vmem>>, vector<1x1x16xf32>,
          %mul3A_1535 = arith.mulf %broadcast_in_dim3A_1512, %get3A_22 : vector<16xf32>
          %mul3A_1536 = arith.mulf %broadcast_in_dim3A_1516, %get3A_62 : vector<16xf32>
          %add3A_1537 = arith.addf %mul3A_1535, %mul3A_1536 : vector<16xf32>
          %mul3A_1538 = arith.mulf %broadcast_in_dim3A_1522, %get3A_102 : vector<16xf32>
          %add3A_1539 = arith.addf %add3A_1537, %mul3A_1538 : vector<16xf32>
          %swap3A_1540 = arith.constant 3 : i32
          %swap3A_1541 = arith.index_cast %swap3A_1540 : i32 to index
          %swap3A_1542 = arith.index_cast %add3A_1501 : i32 to index
          %swap3A_1543 = arith.constant 16 : index
          %swap3A_1544 = tpu.vector_load %arg8[%swap3A_1541, %swap3A_1542, %swap3A_1543] {strides = array<i32>} : memref<4x128x128xf32, #tpu.memory_space<vmem>>, vector<1x1x16xf32>,
          %swap3A_1545 = vector.shape_cast %swap3A_1544 : vector<1x1x16xf32> to vector<16xf32>
          %swap3A_1546 = vector.shape_cast %add3A_1539 : vector<16xf32> to vector<1x1x16xf32>
          tpu.vector_store %arg8[%swap3A_1541, %swap3A_1542, %swap3A_1543], %swap3A_1546 {strides = array<i32>} : memref<4x128x128xf32, #tpu.memory_space<vmem>>, vector<1x1x16xf32>,
          %mul3A_1547 = arith.mulf %broadcast_in_dim3A_1512, %get3A_27 : vector<16xf32>
          %mul3A_1548 = arith.mulf %broadcast_in_dim3A_1516, %get3A_67 : vector<16xf32>
          %add3A_1549 = arith.addf %mul3A_1547, %mul3A_1548 : vector<16xf32>
          %mul3A_1550 = arith.mulf %broadcast_in_dim3A_1522, %get3A_107 : vector<16xf32>
          %add3A_1551 = arith.addf %add3A_1549, %mul3A_1550 : vector<16xf32>
          %swap3A_1552 = arith.constant 3 : i32
          %swap3A_1553 = arith.index_cast %swap3A_1552 : i32 to index
          %swap3A_1554 = arith.index_cast %add3A_1501 : i32 to index
          %swap3A_1555 = arith.constant 32 : index
          %swap3A_1556 = tpu.vector_load %arg8[%swap3A_1553, %swap3A_1554, %swap3A_1555] {strides = array<i32>} : memref<4x128x128xf32, #tpu.memory_space<vmem>>, vector<1x1x16xf32>,
          %swap3A_1557 = vector.shape_cast %swap3A_1556 : vector<1x1x16xf32> to vector<16xf32>
          %swap3A_1558 = vector.shape_cast %add3A_1551 : vector<16xf32> to vector<1x1x16xf32>
          tpu.vector_store %arg8[%swap3A_1553, %swap3A_1554, %swap3A_1555], %swap3A_1558 {strides = array<i32>} : memref<4x128x128xf32, #tpu.memory_space<vmem>>, vector<1x1x16xf32>,
          %mul3A_1559 = arith.mulf %broadcast_in_dim3A_1512, %get3A_32 : vector<16xf32>
          %mul3A_1560 = arith.mulf %broadcast_in_dim3A_1516, %get3A_72 : vector<16xf32>
          %add3A_1561 = arith.addf %mul3A_1559, %mul3A_1560 : vector<16xf32>
          %mul3A_1562 = arith.mulf %broadcast_in_dim3A_1522, %get3A_112 : vector<16xf32>
          %add3A_1563 = arith.addf %add3A_1561, %mul3A_1562 : vector<16xf32>
          %swap3A_1564 = arith.constant 3 : i32
          %swap3A_1565 = arith.index_cast %swap3A_1564 : i32 to index
          %swap3A_1566 = arith.index_cast %add3A_1501 : i32 to index
          %swap3A_1567 = arith.constant 48 : index
          %swap3A_1568 = tpu.vector_load %arg8[%swap3A_1565, %swap3A_1566, %swap3A_1567] {strides = array<i32>} : memref<4x128x128xf32, #tpu.memory_space<vmem>>, vector<1x1x16xf32>,
          %swap3A_1569 = vector.shape_cast %swap3A_1568 : vector<1x1x16xf32> to vector<16xf32>
          %swap3A_1570 = vector.shape_cast %add3A_1563 : vector<16xf32> to vector<1x1x16xf32>
          tpu.vector_store %arg8[%swap3A_1565, %swap3A_1566, %swap3A_1567], %swap3A_1570 {strides = array<i32>} : memref<4x128x128xf32, #tpu.memory_space<vmem>>, vector<1x1x16xf32>,
          %mul3A_1571 = arith.mulf %broadcast_in_dim3A_1512, %get3A_37 : vector<16xf32>
          %mul3A_1572 = arith.mulf %broadcast_in_dim3A_1516, %get3A_77 : vector<16xf32>
          %add3A_1573 = arith.addf %mul3A_1571, %mul3A_1572 : vector<16xf32>
          %mul3A_1574 = arith.mulf %broadcast_in_dim3A_1522, %get3A_117 : vector<16xf32>
          %add3A_1575 = arith.addf %add3A_1573, %mul3A_1574 : vector<16xf32>
          %swap3A_1576 = arith.constant 3 : i32
          %swap3A_1577 = arith.index_cast %swap3A_1576 : i32 to index
          %swap3A_1578 = arith.index_cast %add3A_1501 : i32 to index
          %swap3A_1579 = arith.constant 64 : index
          %swap3A_1580 = tpu.vector_load %arg8[%swap3A_1577, %swap3A_1578, %swap3A_1579] {strides = array<i32>} : memref<4x128x128xf32, #tpu.memory_space<vmem>>, vector<1x1x16xf32>,
          %swap3A_1581 = vector.shape_cast %swap3A_1580 : vector<1x1x16xf32> to vector<16xf32>
          %swap3A_1582 = vector.shape_cast %add3A_1575 : vector<16xf32> to vector<1x1x16xf32>
          tpu.vector_store %arg8[%swap3A_1577, %swap3A_1578, %swap3A_1579], %swap3A_1582 {strides = array<i32>} : memref<4x128x128xf32, #tpu.memory_space<vmem>>, vector<1x1x16xf32>,
          %mul3A_1583 = arith.mulf %broadcast_in_dim3A_1512, %get3A_42 : vector<16xf32>
          %mul3A_1584 = arith.mulf %broadcast_in_dim3A_1516, %get3A_82 : vector<16xf32>
          %add3A_1585 = arith.addf %mul3A_1583, %mul3A_1584 : vector<16xf32>
          %mul3A_1586 = arith.mulf %broadcast_in_dim3A_1522, %get3A_122 : vector<16xf32>
          %add3A_1587 = arith.addf %add3A_1585, %mul3A_1586 : vector<16xf32>
          %swap3A_1588 = arith.constant 3 : i32
          %swap3A_1589 = arith.index_cast %swap3A_1588 : i32 to index
          %swap3A_1590 = arith.index_cast %add3A_1501 : i32 to index
          %swap3A_1591 = arith.constant 80 : index
          %swap3A_1592 = tpu.vector_load %arg8[%swap3A_1589, %swap3A_1590, %swap3A_1591] {strides = array<i32>} : memref<4x128x128xf32, #tpu.memory_space<vmem>>, vector<1x1x16xf32>,
          %swap3A_1593 = vector.shape_cast %swap3A_1592 : vector<1x1x16xf32> to vector<16xf32>
          %swap3A_1594 = vector.shape_cast %add3A_1587 : vector<16xf32> to vector<1x1x16xf32>
          tpu.vector_store %arg8[%swap3A_1589, %swap3A_1590, %swap3A_1591], %swap3A_1594 {strides = array<i32>} : memref<4x128x128xf32, #tpu.memory_space<vmem>>, vector<1x1x16xf32>,
          %mul3A_1595 = arith.mulf %broadcast_in_dim3A_1512, %get3A_47 : vector<16xf32>
          %mul3A_1596 = arith.mulf %broadcast_in_dim3A_1516, %get3A_87 : vector<16xf32>
          %add3A_1597 = arith.addf %mul3A_1595, %mul3A_1596 : vector<16xf32>
          %mul3A_1598 = arith.mulf %broadcast_in_dim3A_1522, %get3A_127 : vector<16xf32>
          %add3A_1599 = arith.addf %add3A_1597, %mul3A_1598 : vector<16xf32>
          %swap3A_1600 = arith.constant 3 : i32
          %swap3A_1601 = arith.index_cast %swap3A_1600 : i32 to index
          %swap3A_1602 = arith.index_cast %add3A_1501 : i32 to index
          %swap3A_1603 = arith.constant 96 : index
          %swap3A_1604 = tpu.vector_load %arg8[%swap3A_1601, %swap3A_1602, %swap3A_1603] {strides = array<i32>} : memref<4x128x128xf32, #tpu.memory_space<vmem>>, vector<1x1x16xf32>,
          %swap3A_1605 = vector.shape_cast %swap3A_1604 : vector<1x1x16xf32> to vector<16xf32>
          %swap3A_1606 = vector.shape_cast %add3A_1599 : vector<16xf32> to vector<1x1x16xf32>
          tpu.vector_store %arg8[%swap3A_1601, %swap3A_1602, %swap3A_1603], %swap3A_1606 {strides = array<i32>} : memref<4x128x128xf32, #tpu.memory_space<vmem>>, vector<1x1x16xf32>,
          %mul3A_1607 = arith.mulf %broadcast_in_dim3A_1512, %get3A_52 : vector<16xf32>
          %mul3A_1608 = arith.mulf %broadcast_in_dim3A_1516, %get3A_92 : vector<16xf32>
          %add3A_1609 = arith.addf %mul3A_1607, %mul3A_1608 : vector<16xf32>
          %mul3A_1610 = arith.mulf %broadcast_in_dim3A_1522, %get3A_132 : vector<16xf32>
          %add3A_1611 = arith.addf %add3A_1609, %mul3A_1610 : vector<16xf32>
          %swap3A_1612 = arith.constant 3 : i32
          %swap3A_1613 = arith.index_cast %swap3A_1612 : i32 to index
          %swap3A_1614 = arith.index_cast %add3A_1501 : i32 to index
          %swap3A_1615 = arith.constant 112 : index
          %swap3A_1616 = tpu.vector_load %arg8[%swap3A_1613, %swap3A_1614, %swap3A_1615] {strides = array<i32>} : memref<4x128x128xf32, #tpu.memory_space<vmem>>, vector<1x1x16xf32>,
          %swap3A_1617 = vector.shape_cast %swap3A_1616 : vector<1x1x16xf32> to vector<16xf32>
          %swap3A_1618 = vector.shape_cast %add3A_1611 : vector<16xf32> to vector<1x1x16xf32>
          tpu.vector_store %arg8[%swap3A_1613, %swap3A_1614, %swap3A_1615], %swap3A_1618 {strides = array<i32>} : memref<4x128x128xf32, #tpu.memory_space<vmem>>, vector<1x1x16xf32>,
          %mul3A_1619 = arith.constant 16 : i32
          %mul3A_1620 = arith.muli %scan3A_407, %mul3A_1619 : i32
          %add3A_1621 = arith.constant 10 : i32
          %add3A_1622 = arith.addi %mul3A_1620, %add3A_1621 : i32
          %slice3A_1623 = vector.extract_strided_slice %get3A_413 {offsets = [10], sizes = [1], strides = [1]} : vector<16xi32> to vector<1xi32>
          %squeeze3A_1624 = vector.extract %slice3A_1623[0] : i32 from vector<1xi32>
          %convert_element_type3A_1625 = arith.sitofp %squeeze3A_1624 : i32 to f32
          %sub3A_1626 = arith.constant 1.000000e+00 : f32
          %sub3A_1627 = arith.subf %sub3A_1626, %convert_element_type3A_1625 : f32
          %sub3A_1628 = arith.constant 2.000000e+00 : f32
          %sub3A_1629 = arith.subf %sub3A_1628, %convert_element_type3A_1625 : f32
          %mul3A_1630 = arith.mulf %sub3A_1627, %sub3A_1629 : f32
          %mul3A_1631 = arith.constant 5.000000e-01 : f32
          %mul3A_1632 = arith.mulf %mul3A_1630, %mul3A_1631 : f32
          %broadcast_in_dim3A_1633 = vector.broadcast %mul3A_1632 : f32 to vector<16xf32>
          %sub3A_1634 = arith.constant 2.000000e+00 : f32
          %sub3A_1635 = arith.subf %sub3A_1634, %convert_element_type3A_1625 : f32
          %mul3A_1636 = arith.mulf %convert_element_type3A_1625, %sub3A_1635 : f32
          %broadcast_in_dim3A_1637 = vector.broadcast %mul3A_1636 : f32 to vector<16xf32>
          %sub3A_1638 = arith.constant 1.000000e+00 : f32
          %sub3A_1639 = arith.subf %convert_element_type3A_1625, %sub3A_1638 : f32
          %mul3A_1640 = arith.mulf %convert_element_type3A_1625, %sub3A_1639 : f32
          %mul3A_1641 = arith.constant 5.000000e-01 : f32
          %mul3A_1642 = arith.mulf %mul3A_1640, %mul3A_1641 : f32
          %broadcast_in_dim3A_1643 = vector.broadcast %mul3A_1642 : f32 to vector<16xf32>
          %mul3A_1644 = arith.mulf %broadcast_in_dim3A_1633, %get3A_17 : vector<16xf32>
          %mul3A_1645 = arith.mulf %broadcast_in_dim3A_1637, %get3A_57 : vector<16xf32>
          %add3A_1646 = arith.addf %mul3A_1644, %mul3A_1645 : vector<16xf32>
          %mul3A_1647 = arith.mulf %broadcast_in_dim3A_1643, %get3A_97 : vector<16xf32>
          %add3A_1648 = arith.addf %add3A_1646, %mul3A_1647 : vector<16xf32>
          %swap3A_1649 = arith.constant 3 : i32
          %swap3A_1650 = arith.index_cast %swap3A_1649 : i32 to index
          %swap3A_1651 = arith.index_cast %add3A_1622 : i32 to index
          %swap3A_1652 = arith.constant 0 : index
          %swap3A_1653 = tpu.vector_load %arg8[%swap3A_1650, %swap3A_1651, %swap3A_1652] {strides = array<i32>} : memref<4x128x128xf32, #tpu.memory_space<vmem>>, vector<1x1x16xf32>,
          %swap3A_1654 = vector.shape_cast %swap3A_1653 : vector<1x1x16xf32> to vector<16xf32>
          %swap3A_1655 = vector.shape_cast %add3A_1648 : vector<16xf32> to vector<1x1x16xf32>
          tpu.vector_store %arg8[%swap3A_1650, %swap3A_1651, %swap3A_1652], %swap3A_1655 {strides = array<i32>} : memref<4x128x128xf32, #tpu.memory_space<vmem>>, vector<1x1x16xf32>,
          %mul3A_1656 = arith.mulf %broadcast_in_dim3A_1633, %get3A_22 : vector<16xf32>
          %mul3A_1657 = arith.mulf %broadcast_in_dim3A_1637, %get3A_62 : vector<16xf32>
          %add3A_1658 = arith.addf %mul3A_1656, %mul3A_1657 : vector<16xf32>
          %mul3A_1659 = arith.mulf %broadcast_in_dim3A_1643, %get3A_102 : vector<16xf32>
          %add3A_1660 = arith.addf %add3A_1658, %mul3A_1659 : vector<16xf32>
          %swap3A_1661 = arith.constant 3 : i32
          %swap3A_1662 = arith.index_cast %swap3A_1661 : i32 to index
          %swap3A_1663 = arith.index_cast %add3A_1622 : i32 to index
          %swap3A_1664 = arith.constant 16 : index
          %swap3A_1665 = tpu.vector_load %arg8[%swap3A_1662, %swap3A_1663, %swap3A_1664] {strides = array<i32>} : memref<4x128x128xf32, #tpu.memory_space<vmem>>, vector<1x1x16xf32>,
          %swap3A_1666 = vector.shape_cast %swap3A_1665 : vector<1x1x16xf32> to vector<16xf32>
          %swap3A_1667 = vector.shape_cast %add3A_1660 : vector<16xf32> to vector<1x1x16xf32>
          tpu.vector_store %arg8[%swap3A_1662, %swap3A_1663, %swap3A_1664], %swap3A_1667 {strides = array<i32>} : memref<4x128x128xf32, #tpu.memory_space<vmem>>, vector<1x1x16xf32>,
          %mul3A_1668 = arith.mulf %broadcast_in_dim3A_1633, %get3A_27 : vector<16xf32>
          %mul3A_1669 = arith.mulf %broadcast_in_dim3A_1637, %get3A_67 : vector<16xf32>
          %add3A_1670 = arith.addf %mul3A_1668, %mul3A_1669 : vector<16xf32>
          %mul3A_1671 = arith.mulf %broadcast_in_dim3A_1643, %get3A_107 : vector<16xf32>
          %add3A_1672 = arith.addf %add3A_1670, %mul3A_1671 : vector<16xf32>
          %swap3A_1673 = arith.constant 3 : i32
          %swap3A_1674 = arith.index_cast %swap3A_1673 : i32 to index
          %swap3A_1675 = arith.index_cast %add3A_1622 : i32 to index
          %swap3A_1676 = arith.constant 32 : index
          %swap3A_1677 = tpu.vector_load %arg8[%swap3A_1674, %swap3A_1675, %swap3A_1676] {strides = array<i32>} : memref<4x128x128xf32, #tpu.memory_space<vmem>>, vector<1x1x16xf32>,
          %swap3A_1678 = vector.shape_cast %swap3A_1677 : vector<1x1x16xf32> to vector<16xf32>
          %swap3A_1679 = vector.shape_cast %add3A_1672 : vector<16xf32> to vector<1x1x16xf32>
          tpu.vector_store %arg8[%swap3A_1674, %swap3A_1675, %swap3A_1676], %swap3A_1679 {strides = array<i32>} : memref<4x128x128xf32, #tpu.memory_space<vmem>>, vector<1x1x16xf32>,
          %mul3A_1680 = arith.mulf %broadcast_in_dim3A_1633, %get3A_32 : vector<16xf32>
          %mul3A_1681 = arith.mulf %broadcast_in_dim3A_1637, %get3A_72 : vector<16xf32>
          %add3A_1682 = arith.addf %mul3A_1680, %mul3A_1681 : vector<16xf32>
          %mul3A_1683 = arith.mulf %broadcast_in_dim3A_1643, %get3A_112 : vector<16xf32>
          %add3A_1684 = arith.addf %add3A_1682, %mul3A_1683 : vector<16xf32>
          %swap3A_1685 = arith.constant 3 : i32
          %swap3A_1686 = arith.index_cast %swap3A_1685 : i32 to index
          %swap3A_1687 = arith.index_cast %add3A_1622 : i32 to index
          %swap3A_1688 = arith.constant 48 : index
          %swap3A_1689 = tpu.vector_load %arg8[%swap3A_1686, %swap3A_1687, %swap3A_1688] {strides = array<i32>} : memref<4x128x128xf32, #tpu.memory_space<vmem>>, vector<1x1x16xf32>,
          %swap3A_1690 = vector.shape_cast %swap3A_1689 : vector<1x1x16xf32> to vector<16xf32>
          %swap3A_1691 = vector.shape_cast %add3A_1684 : vector<16xf32> to vector<1x1x16xf32>
          tpu.vector_store %arg8[%swap3A_1686, %swap3A_1687, %swap3A_1688], %swap3A_1691 {strides = array<i32>} : memref<4x128x128xf32, #tpu.memory_space<vmem>>, vector<1x1x16xf32>,
          %mul3A_1692 = arith.mulf %broadcast_in_dim3A_1633, %get3A_37 : vector<16xf32>
          %mul3A_1693 = arith.mulf %broadcast_in_dim3A_1637, %get3A_77 : vector<16xf32>
          %add3A_1694 = arith.addf %mul3A_1692, %mul3A_1693 : vector<16xf32>
          %mul3A_1695 = arith.mulf %broadcast_in_dim3A_1643, %get3A_117 : vector<16xf32>
          %add3A_1696 = arith.addf %add3A_1694, %mul3A_1695 : vector<16xf32>
          %swap3A_1697 = arith.constant 3 : i32
          %swap3A_1698 = arith.index_cast %swap3A_1697 : i32 to index
          %swap3A_1699 = arith.index_cast %add3A_1622 : i32 to index
          %swap3A_1700 = arith.constant 64 : index
          %swap3A_1701 = tpu.vector_load %arg8[%swap3A_1698, %swap3A_1699, %swap3A_1700] {strides = array<i32>} : memref<4x128x128xf32, #tpu.memory_space<vmem>>, vector<1x1x16xf32>,
          %swap3A_1702 = vector.shape_cast %swap3A_1701 : vector<1x1x16xf32> to vector<16xf32>
          %swap3A_1703 = vector.shape_cast %add3A_1696 : vector<16xf32> to vector<1x1x16xf32>
          tpu.vector_store %arg8[%swap3A_1698, %swap3A_1699, %swap3A_1700], %swap3A_1703 {strides = array<i32>} : memref<4x128x128xf32, #tpu.memory_space<vmem>>, vector<1x1x16xf32>,
          %mul3A_1704 = arith.mulf %broadcast_in_dim3A_1633, %get3A_42 : vector<16xf32>
          %mul3A_1705 = arith.mulf %broadcast_in_dim3A_1637, %get3A_82 : vector<16xf32>
          %add3A_1706 = arith.addf %mul3A_1704, %mul3A_1705 : vector<16xf32>
          %mul3A_1707 = arith.mulf %broadcast_in_dim3A_1643, %get3A_122 : vector<16xf32>
          %add3A_1708 = arith.addf %add3A_1706, %mul3A_1707 : vector<16xf32>
          %swap3A_1709 = arith.constant 3 : i32
          %swap3A_1710 = arith.index_cast %swap3A_1709 : i32 to index
          %swap3A_1711 = arith.index_cast %add3A_1622 : i32 to index
          %swap3A_1712 = arith.constant 80 : index
          %swap3A_1713 = tpu.vector_load %arg8[%swap3A_1710, %swap3A_1711, %swap3A_1712] {strides = array<i32>} : memref<4x128x128xf32, #tpu.memory_space<vmem>>, vector<1x1x16xf32>,
          %swap3A_1714 = vector.shape_cast %swap3A_1713 : vector<1x1x16xf32> to vector<16xf32>
          %swap3A_1715 = vector.shape_cast %add3A_1708 : vector<16xf32> to vector<1x1x16xf32>
          tpu.vector_store %arg8[%swap3A_1710, %swap3A_1711, %swap3A_1712], %swap3A_1715 {strides = array<i32>} : memref<4x128x128xf32, #tpu.memory_space<vmem>>, vector<1x1x16xf32>,
          %mul3A_1716 = arith.mulf %broadcast_in_dim3A_1633, %get3A_47 : vector<16xf32>
          %mul3A_1717 = arith.mulf %broadcast_in_dim3A_1637, %get3A_87 : vector<16xf32>
          %add3A_1718 = arith.addf %mul3A_1716, %mul3A_1717 : vector<16xf32>
          %mul3A_1719 = arith.mulf %broadcast_in_dim3A_1643, %get3A_127 : vector<16xf32>
          %add3A_1720 = arith.addf %add3A_1718, %mul3A_1719 : vector<16xf32>
          %swap3A_1721 = arith.constant 3 : i32
          %swap3A_1722 = arith.index_cast %swap3A_1721 : i32 to index
          %swap3A_1723 = arith.index_cast %add3A_1622 : i32 to index
          %swap3A_1724 = arith.constant 96 : index
          %swap3A_1725 = tpu.vector_load %arg8[%swap3A_1722, %swap3A_1723, %swap3A_1724] {strides = array<i32>} : memref<4x128x128xf32, #tpu.memory_space<vmem>>, vector<1x1x16xf32>,
          %swap3A_1726 = vector.shape_cast %swap3A_1725 : vector<1x1x16xf32> to vector<16xf32>
          %swap3A_1727 = vector.shape_cast %add3A_1720 : vector<16xf32> to vector<1x1x16xf32>
          tpu.vector_store %arg8[%swap3A_1722, %swap3A_1723, %swap3A_1724], %swap3A_1727 {strides = array<i32>} : memref<4x128x128xf32, #tpu.memory_space<vmem>>, vector<1x1x16xf32>,
          %mul3A_1728 = arith.mulf %broadcast_in_dim3A_1633, %get3A_52 : vector<16xf32>
          %mul3A_1729 = arith.mulf %broadcast_in_dim3A_1637, %get3A_92 : vector<16xf32>
          %add3A_1730 = arith.addf %mul3A_1728, %mul3A_1729 : vector<16xf32>
          %mul3A_1731 = arith.mulf %broadcast_in_dim3A_1643, %get3A_132 : vector<16xf32>
          %add3A_1732 = arith.addf %add3A_1730, %mul3A_1731 : vector<16xf32>
          %swap3A_1733 = arith.constant 3 : i32
          %swap3A_1734 = arith.index_cast %swap3A_1733 : i32 to index
          %swap3A_1735 = arith.index_cast %add3A_1622 : i32 to index
          %swap3A_1736 = arith.constant 112 : index
          %swap3A_1737 = tpu.vector_load %arg8[%swap3A_1734, %swap3A_1735, %swap3A_1736] {strides = array<i32>} : memref<4x128x128xf32, #tpu.memory_space<vmem>>, vector<1x1x16xf32>,
          %swap3A_1738 = vector.shape_cast %swap3A_1737 : vector<1x1x16xf32> to vector<16xf32>
          %swap3A_1739 = vector.shape_cast %add3A_1732 : vector<16xf32> to vector<1x1x16xf32>
          tpu.vector_store %arg8[%swap3A_1734, %swap3A_1735, %swap3A_1736], %swap3A_1739 {strides = array<i32>} : memref<4x128x128xf32, #tpu.memory_space<vmem>>, vector<1x1x16xf32>,
          %mul3A_1740 = arith.constant 16 : i32
          %mul3A_1741 = arith.muli %scan3A_407, %mul3A_1740 : i32
          %add3A_1742 = arith.constant 11 : i32
          %add3A_1743 = arith.addi %mul3A_1741, %add3A_1742 : i32
          %slice3A_1744 = vector.extract_strided_slice %get3A_413 {offsets = [11], sizes = [1], strides = [1]} : vector<16xi32> to vector<1xi32>
          %squeeze3A_1745 = vector.extract %slice3A_1744[0] : i32 from vector<1xi32>
          %convert_element_type3A_1746 = arith.sitofp %squeeze3A_1745 : i32 to f32
          %sub3A_1747 = arith.constant 1.000000e+00 : f32
          %sub3A_1748 = arith.subf %sub3A_1747, %convert_element_type3A_1746 : f32
          %sub3A_1749 = arith.constant 2.000000e+00 : f32
          %sub3A_1750 = arith.subf %sub3A_1749, %convert_element_type3A_1746 : f32
          %mul3A_1751 = arith.mulf %sub3A_1748, %sub3A_1750 : f32
          %mul3A_1752 = arith.constant 5.000000e-01 : f32
          %mul3A_1753 = arith.mulf %mul3A_1751, %mul3A_1752 : f32
          %broadcast_in_dim3A_1754 = vector.broadcast %mul3A_1753 : f32 to vector<16xf32>
          %sub3A_1755 = arith.constant 2.000000e+00 : f32
          %sub3A_1756 = arith.subf %sub3A_1755, %convert_element_type3A_1746 : f32
          %mul3A_1757 = arith.mulf %convert_element_type3A_1746, %sub3A_1756 : f32
          %broadcast_in_dim3A_1758 = vector.broadcast %mul3A_1757 : f32 to vector<16xf32>
          %sub3A_1759 = arith.constant 1.000000e+00 : f32
          %sub3A_1760 = arith.subf %convert_element_type3A_1746, %sub3A_1759 : f32
          %mul3A_1761 = arith.mulf %convert_element_type3A_1746, %sub3A_1760 : f32
          %mul3A_1762 = arith.constant 5.000000e-01 : f32
          %mul3A_1763 = arith.mulf %mul3A_1761, %mul3A_1762 : f32
          %broadcast_in_dim3A_1764 = vector.broadcast %mul3A_1763 : f32 to vector<16xf32>
          %mul3A_1765 = arith.mulf %broadcast_in_dim3A_1754, %get3A_17 : vector<16xf32>
          %mul3A_1766 = arith.mulf %broadcast_in_dim3A_1758, %get3A_57 : vector<16xf32>
          %add3A_1767 = arith.addf %mul3A_1765, %mul3A_1766 : vector<16xf32>
          %mul3A_1768 = arith.mulf %broadcast_in_dim3A_1764, %get3A_97 : vector<16xf32>
          %add3A_1769 = arith.addf %add3A_1767, %mul3A_1768 : vector<16xf32>
          %swap3A_1770 = arith.constant 3 : i32
          %swap3A_1771 = arith.index_cast %swap3A_1770 : i32 to index
          %swap3A_1772 = arith.index_cast %add3A_1743 : i32 to index
          %swap3A_1773 = arith.constant 0 : index
          %swap3A_1774 = tpu.vector_load %arg8[%swap3A_1771, %swap3A_1772, %swap3A_1773] {strides = array<i32>} : memref<4x128x128xf32, #tpu.memory_space<vmem>>, vector<1x1x16xf32>,
          %swap3A_1775 = vector.shape_cast %swap3A_1774 : vector<1x1x16xf32> to vector<16xf32>
          %swap3A_1776 = vector.shape_cast %add3A_1769 : vector<16xf32> to vector<1x1x16xf32>
          tpu.vector_store %arg8[%swap3A_1771, %swap3A_1772, %swap3A_1773], %swap3A_1776 {strides = array<i32>} : memref<4x128x128xf32, #tpu.memory_space<vmem>>, vector<1x1x16xf32>,
          %mul3A_1777 = arith.mulf %broadcast_in_dim3A_1754, %get3A_22 : vector<16xf32>
          %mul3A_1778 = arith.mulf %broadcast_in_dim3A_1758, %get3A_62 : vector<16xf32>
          %add3A_1779 = arith.addf %mul3A_1777, %mul3A_1778 : vector<16xf32>
          %mul3A_1780 = arith.mulf %broadcast_in_dim3A_1764, %get3A_102 : vector<16xf32>
          %add3A_1781 = arith.addf %add3A_1779, %mul3A_1780 : vector<16xf32>
          %swap3A_1782 = arith.constant 3 : i32
          %swap3A_1783 = arith.index_cast %swap3A_1782 : i32 to index
          %swap3A_1784 = arith.index_cast %add3A_1743 : i32 to index
          %swap3A_1785 = arith.constant 16 : index
          %swap3A_1786 = tpu.vector_load %arg8[%swap3A_1783, %swap3A_1784, %swap3A_1785] {strides = array<i32>} : memref<4x128x128xf32, #tpu.memory_space<vmem>>, vector<1x1x16xf32>,
          %swap3A_1787 = vector.shape_cast %swap3A_1786 : vector<1x1x16xf32> to vector<16xf32>
          %swap3A_1788 = vector.shape_cast %add3A_1781 : vector<16xf32> to vector<1x1x16xf32>
          tpu.vector_store %arg8[%swap3A_1783, %swap3A_1784, %swap3A_1785], %swap3A_1788 {strides = array<i32>} : memref<4x128x128xf32, #tpu.memory_space<vmem>>, vector<1x1x16xf32>,
          %mul3A_1789 = arith.mulf %broadcast_in_dim3A_1754, %get3A_27 : vector<16xf32>
          %mul3A_1790 = arith.mulf %broadcast_in_dim3A_1758, %get3A_67 : vector<16xf32>
          %add3A_1791 = arith.addf %mul3A_1789, %mul3A_1790 : vector<16xf32>
          %mul3A_1792 = arith.mulf %broadcast_in_dim3A_1764, %get3A_107 : vector<16xf32>
          %add3A_1793 = arith.addf %add3A_1791, %mul3A_1792 : vector<16xf32>
          %swap3A_1794 = arith.constant 3 : i32
          %swap3A_1795 = arith.index_cast %swap3A_1794 : i32 to index
          %swap3A_1796 = arith.index_cast %add3A_1743 : i32 to index
          %swap3A_1797 = arith.constant 32 : index
          %swap3A_1798 = tpu.vector_load %arg8[%swap3A_1795, %swap3A_1796, %swap3A_1797] {strides = array<i32>} : memref<4x128x128xf32, #tpu.memory_space<vmem>>, vector<1x1x16xf32>,
          %swap3A_1799 = vector.shape_cast %swap3A_1798 : vector<1x1x16xf32> to vector<16xf32>
          %swap3A_1800 = vector.shape_cast %add3A_1793 : vector<16xf32> to vector<1x1x16xf32>
          tpu.vector_store %arg8[%swap3A_1795, %swap3A_1796, %swap3A_1797], %swap3A_1800 {strides = array<i32>} : memref<4x128x128xf32, #tpu.memory_space<vmem>>, vector<1x1x16xf32>,
          %mul3A_1801 = arith.mulf %broadcast_in_dim3A_1754, %get3A_32 : vector<16xf32>
          %mul3A_1802 = arith.mulf %broadcast_in_dim3A_1758, %get3A_72 : vector<16xf32>
          %add3A_1803 = arith.addf %mul3A_1801, %mul3A_1802 : vector<16xf32>
          %mul3A_1804 = arith.mulf %broadcast_in_dim3A_1764, %get3A_112 : vector<16xf32>
          %add3A_1805 = arith.addf %add3A_1803, %mul3A_1804 : vector<16xf32>
          %swap3A_1806 = arith.constant 3 : i32
          %swap3A_1807 = arith.index_cast %swap3A_1806 : i32 to index
          %swap3A_1808 = arith.index_cast %add3A_1743 : i32 to index
          %swap3A_1809 = arith.constant 48 : index
          %swap3A_1810 = tpu.vector_load %arg8[%swap3A_1807, %swap3A_1808, %swap3A_1809] {strides = array<i32>} : memref<4x128x128xf32, #tpu.memory_space<vmem>>, vector<1x1x16xf32>,
          %swap3A_1811 = vector.shape_cast %swap3A_1810 : vector<1x1x16xf32> to vector<16xf32>
          %swap3A_1812 = vector.shape_cast %add3A_1805 : vector<16xf32> to vector<1x1x16xf32>
          tpu.vector_store %arg8[%swap3A_1807, %swap3A_1808, %swap3A_1809], %swap3A_1812 {strides = array<i32>} : memref<4x128x128xf32, #tpu.memory_space<vmem>>, vector<1x1x16xf32>,
          %mul3A_1813 = arith.mulf %broadcast_in_dim3A_1754, %get3A_37 : vector<16xf32>
          %mul3A_1814 = arith.mulf %broadcast_in_dim3A_1758, %get3A_77 : vector<16xf32>
          %add3A_1815 = arith.addf %mul3A_1813, %mul3A_1814 : vector<16xf32>
          %mul3A_1816 = arith.mulf %broadcast_in_dim3A_1764, %get3A_117 : vector<16xf32>
          %add3A_1817 = arith.addf %add3A_1815, %mul3A_1816 : vector<16xf32>
          %swap3A_1818 = arith.constant 3 : i32
          %swap3A_1819 = arith.index_cast %swap3A_1818 : i32 to index
          %swap3A_1820 = arith.index_cast %add3A_1743 : i32 to index
          %swap3A_1821 = arith.constant 64 : index
          %swap3A_1822 = tpu.vector_load %arg8[%swap3A_1819, %swap3A_1820, %swap3A_1821] {strides = array<i32>} : memref<4x128x128xf32, #tpu.memory_space<vmem>>, vector<1x1x16xf32>,
          %swap3A_1823 = vector.shape_cast %swap3A_1822 : vector<1x1x16xf32> to vector<16xf32>
          %swap3A_1824 = vector.shape_cast %add3A_1817 : vector<16xf32> to vector<1x1x16xf32>
          tpu.vector_store %arg8[%swap3A_1819, %swap3A_1820, %swap3A_1821], %swap3A_1824 {strides = array<i32>} : memref<4x128x128xf32, #tpu.memory_space<vmem>>, vector<1x1x16xf32>,
          %mul3A_1825 = arith.mulf %broadcast_in_dim3A_1754, %get3A_42 : vector<16xf32>
          %mul3A_1826 = arith.mulf %broadcast_in_dim3A_1758, %get3A_82 : vector<16xf32>
          %add3A_1827 = arith.addf %mul3A_1825, %mul3A_1826 : vector<16xf32>
          %mul3A_1828 = arith.mulf %broadcast_in_dim3A_1764, %get3A_122 : vector<16xf32>
          %add3A_1829 = arith.addf %add3A_1827, %mul3A_1828 : vector<16xf32>
          %swap3A_1830 = arith.constant 3 : i32
          %swap3A_1831 = arith.index_cast %swap3A_1830 : i32 to index
          %swap3A_1832 = arith.index_cast %add3A_1743 : i32 to index
          %swap3A_1833 = arith.constant 80 : index
          %swap3A_1834 = tpu.vector_load %arg8[%swap3A_1831, %swap3A_1832, %swap3A_1833] {strides = array<i32>} : memref<4x128x128xf32, #tpu.memory_space<vmem>>, vector<1x1x16xf32>,
          %swap3A_1835 = vector.shape_cast %swap3A_1834 : vector<1x1x16xf32> to vector<16xf32>
          %swap3A_1836 = vector.shape_cast %add3A_1829 : vector<16xf32> to vector<1x1x16xf32>
          tpu.vector_store %arg8[%swap3A_1831, %swap3A_1832, %swap3A_1833], %swap3A_1836 {strides = array<i32>} : memref<4x128x128xf32, #tpu.memory_space<vmem>>, vector<1x1x16xf32>,
          %mul3A_1837 = arith.mulf %broadcast_in_dim3A_1754, %get3A_47 : vector<16xf32>
          %mul3A_1838 = arith.mulf %broadcast_in_dim3A_1758, %get3A_87 : vector<16xf32>
          %add3A_1839 = arith.addf %mul3A_1837, %mul3A_1838 : vector<16xf32>
          %mul3A_1840 = arith.mulf %broadcast_in_dim3A_1764, %get3A_127 : vector<16xf32>
          %add3A_1841 = arith.addf %add3A_1839, %mul3A_1840 : vector<16xf32>
          %swap3A_1842 = arith.constant 3 : i32
          %swap3A_1843 = arith.index_cast %swap3A_1842 : i32 to index
          %swap3A_1844 = arith.index_cast %add3A_1743 : i32 to index
          %swap3A_1845 = arith.constant 96 : index
          %swap3A_1846 = tpu.vector_load %arg8[%swap3A_1843, %swap3A_1844, %swap3A_1845] {strides = array<i32>} : memref<4x128x128xf32, #tpu.memory_space<vmem>>, vector<1x1x16xf32>,
          %swap3A_1847 = vector.shape_cast %swap3A_1846 : vector<1x1x16xf32> to vector<16xf32>
          %swap3A_1848 = vector.shape_cast %add3A_1841 : vector<16xf32> to vector<1x1x16xf32>
          tpu.vector_store %arg8[%swap3A_1843, %swap3A_1844, %swap3A_1845], %swap3A_1848 {strides = array<i32>} : memref<4x128x128xf32, #tpu.memory_space<vmem>>, vector<1x1x16xf32>,
          %mul3A_1849 = arith.mulf %broadcast_in_dim3A_1754, %get3A_52 : vector<16xf32>
          %mul3A_1850 = arith.mulf %broadcast_in_dim3A_1758, %get3A_92 : vector<16xf32>
          %add3A_1851 = arith.addf %mul3A_1849, %mul3A_1850 : vector<16xf32>
          %mul3A_1852 = arith.mulf %broadcast_in_dim3A_1764, %get3A_132 : vector<16xf32>
          %add3A_1853 = arith.addf %add3A_1851, %mul3A_1852 : vector<16xf32>
          %swap3A_1854 = arith.constant 3 : i32
          %swap3A_1855 = arith.index_cast %swap3A_1854 : i32 to index
          %swap3A_1856 = arith.index_cast %add3A_1743 : i32 to index
          %swap3A_1857 = arith.constant 112 : index
          %swap3A_1858 = tpu.vector_load %arg8[%swap3A_1855, %swap3A_1856, %swap3A_1857] {strides = array<i32>} : memref<4x128x128xf32, #tpu.memory_space<vmem>>, vector<1x1x16xf32>,
          %swap3A_1859 = vector.shape_cast %swap3A_1858 : vector<1x1x16xf32> to vector<16xf32>
          %swap3A_1860 = vector.shape_cast %add3A_1853 : vector<16xf32> to vector<1x1x16xf32>
          tpu.vector_store %arg8[%swap3A_1855, %swap3A_1856, %swap3A_1857], %swap3A_1860 {strides = array<i32>} : memref<4x128x128xf32, #tpu.memory_space<vmem>>, vector<1x1x16xf32>,
          %mul3A_1861 = arith.constant 16 : i32
          %mul3A_1862 = arith.muli %scan3A_407, %mul3A_1861 : i32
          %add3A_1863 = arith.constant 12 : i32
          %add3A_1864 = arith.addi %mul3A_1862, %add3A_1863 : i32
          %slice3A_1865 = vector.extract_strided_slice %get3A_413 {offsets = [12], sizes = [1], strides = [1]} : vector<16xi32> to vector<1xi32>
          %squeeze3A_1866 = vector.extract %slice3A_1865[0] : i32 from vector<1xi32>
          %convert_element_type3A_1867 = arith.sitofp %squeeze3A_1866 : i32 to f32
          %sub3A_1868 = arith.constant 1.000000e+00 : f32
          %sub3A_1869 = arith.subf %sub3A_1868, %convert_element_type3A_1867 : f32
          %sub3A_1870 = arith.constant 2.000000e+00 : f32
          %sub3A_1871 = arith.subf %sub3A_1870, %convert_element_type3A_1867 : f32
          %mul3A_1872 = arith.mulf %sub3A_1869, %sub3A_1871 : f32
          %mul3A_1873 = arith.constant 5.000000e-01 : f32
          %mul3A_1874 = arith.mulf %mul3A_1872, %mul3A_1873 : f32
          %broadcast_in_dim3A_1875 = vector.broadcast %mul3A_1874 : f32 to vector<16xf32>
          %sub3A_1876 = arith.constant 2.000000e+00 : f32
          %sub3A_1877 = arith.subf %sub3A_1876, %convert_element_type3A_1867 : f32
          %mul3A_1878 = arith.mulf %convert_element_type3A_1867, %sub3A_1877 : f32
          %broadcast_in_dim3A_1879 = vector.broadcast %mul3A_1878 : f32 to vector<16xf32>
          %sub3A_1880 = arith.constant 1.000000e+00 : f32
          %sub3A_1881 = arith.subf %convert_element_type3A_1867, %sub3A_1880 : f32
          %mul3A_1882 = arith.mulf %convert_element_type3A_1867, %sub3A_1881 : f32
          %mul3A_1883 = arith.constant 5.000000e-01 : f32
          %mul3A_1884 = arith.mulf %mul3A_1882, %mul3A_1883 : f32
          %broadcast_in_dim3A_1885 = vector.broadcast %mul3A_1884 : f32 to vector<16xf32>
          %mul3A_1886 = arith.mulf %broadcast_in_dim3A_1875, %get3A_17 : vector<16xf32>
          %mul3A_1887 = arith.mulf %broadcast_in_dim3A_1879, %get3A_57 : vector<16xf32>
          %add3A_1888 = arith.addf %mul3A_1886, %mul3A_1887 : vector<16xf32>
          %mul3A_1889 = arith.mulf %broadcast_in_dim3A_1885, %get3A_97 : vector<16xf32>
          %add3A_1890 = arith.addf %add3A_1888, %mul3A_1889 : vector<16xf32>
          %swap3A_1891 = arith.constant 3 : i32
          %swap3A_1892 = arith.index_cast %swap3A_1891 : i32 to index
          %swap3A_1893 = arith.index_cast %add3A_1864 : i32 to index
          %swap3A_1894 = arith.constant 0 : index
          %swap3A_1895 = tpu.vector_load %arg8[%swap3A_1892, %swap3A_1893, %swap3A_1894] {strides = array<i32>} : memref<4x128x128xf32, #tpu.memory_space<vmem>>, vector<1x1x16xf32>,
          %swap3A_1896 = vector.shape_cast %swap3A_1895 : vector<1x1x16xf32> to vector<16xf32>
          %swap3A_1897 = vector.shape_cast %add3A_1890 : vector<16xf32> to vector<1x1x16xf32>
          tpu.vector_store %arg8[%swap3A_1892, %swap3A_1893, %swap3A_1894], %swap3A_1897 {strides = array<i32>} : memref<4x128x128xf32, #tpu.memory_space<vmem>>, vector<1x1x16xf32>,
          %mul3A_1898 = arith.mulf %broadcast_in_dim3A_1875, %get3A_22 : vector<16xf32>
          %mul3A_1899 = arith.mulf %broadcast_in_dim3A_1879, %get3A_62 : vector<16xf32>
          %add3A_1900 = arith.addf %mul3A_1898, %mul3A_1899 : vector<16xf32>
          %mul3A_1901 = arith.mulf %broadcast_in_dim3A_1885, %get3A_102 : vector<16xf32>
          %add3A_1902 = arith.addf %add3A_1900, %mul3A_1901 : vector<16xf32>
          %swap3A_1903 = arith.constant 3 : i32
          %swap3A_1904 = arith.index_cast %swap3A_1903 : i32 to index
          %swap3A_1905 = arith.index_cast %add3A_1864 : i32 to index
          %swap3A_1906 = arith.constant 16 : index
          %swap3A_1907 = tpu.vector_load %arg8[%swap3A_1904, %swap3A_1905, %swap3A_1906] {strides = array<i32>} : memref<4x128x128xf32, #tpu.memory_space<vmem>>, vector<1x1x16xf32>,
          %swap3A_1908 = vector.shape_cast %swap3A_1907 : vector<1x1x16xf32> to vector<16xf32>
          %swap3A_1909 = vector.shape_cast %add3A_1902 : vector<16xf32> to vector<1x1x16xf32>
          tpu.vector_store %arg8[%swap3A_1904, %swap3A_1905, %swap3A_1906], %swap3A_1909 {strides = array<i32>} : memref<4x128x128xf32, #tpu.memory_space<vmem>>, vector<1x1x16xf32>,
          %mul3A_1910 = arith.mulf %broadcast_in_dim3A_1875, %get3A_27 : vector<16xf32>
          %mul3A_1911 = arith.mulf %broadcast_in_dim3A_1879, %get3A_67 : vector<16xf32>
          %add3A_1912 = arith.addf %mul3A_1910, %mul3A_1911 : vector<16xf32>
          %mul3A_1913 = arith.mulf %broadcast_in_dim3A_1885, %get3A_107 : vector<16xf32>
          %add3A_1914 = arith.addf %add3A_1912, %mul3A_1913 : vector<16xf32>
          %swap3A_1915 = arith.constant 3 : i32
          %swap3A_1916 = arith.index_cast %swap3A_1915 : i32 to index
          %swap3A_1917 = arith.index_cast %add3A_1864 : i32 to index
          %swap3A_1918 = arith.constant 32 : index
          %swap3A_1919 = tpu.vector_load %arg8[%swap3A_1916, %swap3A_1917, %swap3A_1918] {strides = array<i32>} : memref<4x128x128xf32, #tpu.memory_space<vmem>>, vector<1x1x16xf32>,
          %swap3A_1920 = vector.shape_cast %swap3A_1919 : vector<1x1x16xf32> to vector<16xf32>
          %swap3A_1921 = vector.shape_cast %add3A_1914 : vector<16xf32> to vector<1x1x16xf32>
          tpu.vector_store %arg8[%swap3A_1916, %swap3A_1917, %swap3A_1918], %swap3A_1921 {strides = array<i32>} : memref<4x128x128xf32, #tpu.memory_space<vmem>>, vector<1x1x16xf32>,
          %mul3A_1922 = arith.mulf %broadcast_in_dim3A_1875, %get3A_32 : vector<16xf32>
          %mul3A_1923 = arith.mulf %broadcast_in_dim3A_1879, %get3A_72 : vector<16xf32>
          %add3A_1924 = arith.addf %mul3A_1922, %mul3A_1923 : vector<16xf32>
          %mul3A_1925 = arith.mulf %broadcast_in_dim3A_1885, %get3A_112 : vector<16xf32>
          %add3A_1926 = arith.addf %add3A_1924, %mul3A_1925 : vector<16xf32>
          %swap3A_1927 = arith.constant 3 : i32
          %swap3A_1928 = arith.index_cast %swap3A_1927 : i32 to index
          %swap3A_1929 = arith.index_cast %add3A_1864 : i32 to index
          %swap3A_1930 = arith.constant 48 : index
          %swap3A_1931 = tpu.vector_load %arg8[%swap3A_1928, %swap3A_1929, %swap3A_1930] {strides = array<i32>} : memref<4x128x128xf32, #tpu.memory_space<vmem>>, vector<1x1x16xf32>,
          %swap3A_1932 = vector.shape_cast %swap3A_1931 : vector<1x1x16xf32> to vector<16xf32>
          %swap3A_1933 = vector.shape_cast %add3A_1926 : vector<16xf32> to vector<1x1x16xf32>
          tpu.vector_store %arg8[%swap3A_1928, %swap3A_1929, %swap3A_1930], %swap3A_1933 {strides = array<i32>} : memref<4x128x128xf32, #tpu.memory_space<vmem>>, vector<1x1x16xf32>,
          %mul3A_1934 = arith.mulf %broadcast_in_dim3A_1875, %get3A_37 : vector<16xf32>
          %mul3A_1935 = arith.mulf %broadcast_in_dim3A_1879, %get3A_77 : vector<16xf32>
          %add3A_1936 = arith.addf %mul3A_1934, %mul3A_1935 : vector<16xf32>
          %mul3A_1937 = arith.mulf %broadcast_in_dim3A_1885, %get3A_117 : vector<16xf32>
          %add3A_1938 = arith.addf %add3A_1936, %mul3A_1937 : vector<16xf32>
          %swap3A_1939 = arith.constant 3 : i32
          %swap3A_1940 = arith.index_cast %swap3A_1939 : i32 to index
          %swap3A_1941 = arith.index_cast %add3A_1864 : i32 to index
          %swap3A_1942 = arith.constant 64 : index
          %swap3A_1943 = tpu.vector_load %arg8[%swap3A_1940, %swap3A_1941, %swap3A_1942] {strides = array<i32>} : memref<4x128x128xf32, #tpu.memory_space<vmem>>, vector<1x1x16xf32>,
          %swap3A_1944 = vector.shape_cast %swap3A_1943 : vector<1x1x16xf32> to vector<16xf32>
          %swap3A_1945 = vector.shape_cast %add3A_1938 : vector<16xf32> to vector<1x1x16xf32>
          tpu.vector_store %arg8[%swap3A_1940, %swap3A_1941, %swap3A_1942], %swap3A_1945 {strides = array<i32>} : memref<4x128x128xf32, #tpu.memory_space<vmem>>, vector<1x1x16xf32>,
          %mul3A_1946 = arith.mulf %broadcast_in_dim3A_1875, %get3A_42 : vector<16xf32>
          %mul3A_1947 = arith.mulf %broadcast_in_dim3A_1879, %get3A_82 : vector<16xf32>
          %add3A_1948 = arith.addf %mul3A_1946, %mul3A_1947 : vector<16xf32>
          %mul3A_1949 = arith.mulf %broadcast_in_dim3A_1885, %get3A_122 : vector<16xf32>
          %add3A_1950 = arith.addf %add3A_1948, %mul3A_1949 : vector<16xf32>
          %swap3A_1951 = arith.constant 3 : i32
          %swap3A_1952 = arith.index_cast %swap3A_1951 : i32 to index
          %swap3A_1953 = arith.index_cast %add3A_1864 : i32 to index
          %swap3A_1954 = arith.constant 80 : index
          %swap3A_1955 = tpu.vector_load %arg8[%swap3A_1952, %swap3A_1953, %swap3A_1954] {strides = array<i32>} : memref<4x128x128xf32, #tpu.memory_space<vmem>>, vector<1x1x16xf32>,
          %swap3A_1956 = vector.shape_cast %swap3A_1955 : vector<1x1x16xf32> to vector<16xf32>
          %swap3A_1957 = vector.shape_cast %add3A_1950 : vector<16xf32> to vector<1x1x16xf32>
          tpu.vector_store %arg8[%swap3A_1952, %swap3A_1953, %swap3A_1954], %swap3A_1957 {strides = array<i32>} : memref<4x128x128xf32, #tpu.memory_space<vmem>>, vector<1x1x16xf32>,
          %mul3A_1958 = arith.mulf %broadcast_in_dim3A_1875, %get3A_47 : vector<16xf32>
          %mul3A_1959 = arith.mulf %broadcast_in_dim3A_1879, %get3A_87 : vector<16xf32>
          %add3A_1960 = arith.addf %mul3A_1958, %mul3A_1959 : vector<16xf32>
          %mul3A_1961 = arith.mulf %broadcast_in_dim3A_1885, %get3A_127 : vector<16xf32>
          %add3A_1962 = arith.addf %add3A_1960, %mul3A_1961 : vector<16xf32>
          %swap3A_1963 = arith.constant 3 : i32
          %swap3A_1964 = arith.index_cast %swap3A_1963 : i32 to index
          %swap3A_1965 = arith.index_cast %add3A_1864 : i32 to index
          %swap3A_1966 = arith.constant 96 : index
          %swap3A_1967 = tpu.vector_load %arg8[%swap3A_1964, %swap3A_1965, %swap3A_1966] {strides = array<i32>} : memref<4x128x128xf32, #tpu.memory_space<vmem>>, vector<1x1x16xf32>,
          %swap3A_1968 = vector.shape_cast %swap3A_1967 : vector<1x1x16xf32> to vector<16xf32>
          %swap3A_1969 = vector.shape_cast %add3A_1962 : vector<16xf32> to vector<1x1x16xf32>
          tpu.vector_store %arg8[%swap3A_1964, %swap3A_1965, %swap3A_1966], %swap3A_1969 {strides = array<i32>} : memref<4x128x128xf32, #tpu.memory_space<vmem>>, vector<1x1x16xf32>,
          %mul3A_1970 = arith.mulf %broadcast_in_dim3A_1875, %get3A_52 : vector<16xf32>
          %mul3A_1971 = arith.mulf %broadcast_in_dim3A_1879, %get3A_92 : vector<16xf32>
          %add3A_1972 = arith.addf %mul3A_1970, %mul3A_1971 : vector<16xf32>
          %mul3A_1973 = arith.mulf %broadcast_in_dim3A_1885, %get3A_132 : vector<16xf32>
          %add3A_1974 = arith.addf %add3A_1972, %mul3A_1973 : vector<16xf32>
          %swap3A_1975 = arith.constant 3 : i32
          %swap3A_1976 = arith.index_cast %swap3A_1975 : i32 to index
          %swap3A_1977 = arith.index_cast %add3A_1864 : i32 to index
          %swap3A_1978 = arith.constant 112 : index
          %swap3A_1979 = tpu.vector_load %arg8[%swap3A_1976, %swap3A_1977, %swap3A_1978] {strides = array<i32>} : memref<4x128x128xf32, #tpu.memory_space<vmem>>, vector<1x1x16xf32>,
          %swap3A_1980 = vector.shape_cast %swap3A_1979 : vector<1x1x16xf32> to vector<16xf32>
          %swap3A_1981 = vector.shape_cast %add3A_1974 : vector<16xf32> to vector<1x1x16xf32>
          tpu.vector_store %arg8[%swap3A_1976, %swap3A_1977, %swap3A_1978], %swap3A_1981 {strides = array<i32>} : memref<4x128x128xf32, #tpu.memory_space<vmem>>, vector<1x1x16xf32>,
          %mul3A_1982 = arith.constant 16 : i32
          %mul3A_1983 = arith.muli %scan3A_407, %mul3A_1982 : i32
          %add3A_1984 = arith.constant 13 : i32
          %add3A_1985 = arith.addi %mul3A_1983, %add3A_1984 : i32
          %slice3A_1986 = vector.extract_strided_slice %get3A_413 {offsets = [13], sizes = [1], strides = [1]} : vector<16xi32> to vector<1xi32>
          %squeeze3A_1987 = vector.extract %slice3A_1986[0] : i32 from vector<1xi32>
          %convert_element_type3A_1988 = arith.sitofp %squeeze3A_1987 : i32 to f32
          %sub3A_1989 = arith.constant 1.000000e+00 : f32
          %sub3A_1990 = arith.subf %sub3A_1989, %convert_element_type3A_1988 : f32
          %sub3A_1991 = arith.constant 2.000000e+00 : f32
          %sub3A_1992 = arith.subf %sub3A_1991, %convert_element_type3A_1988 : f32
          %mul3A_1993 = arith.mulf %sub3A_1990, %sub3A_1992 : f32
          %mul3A_1994 = arith.constant 5.000000e-01 : f32
          %mul3A_1995 = arith.mulf %mul3A_1993, %mul3A_1994 : f32
          %broadcast_in_dim3A_1996 = vector.broadcast %mul3A_1995 : f32 to vector<16xf32>
          %sub3A_1997 = arith.constant 2.000000e+00 : f32
          %sub3A_1998 = arith.subf %sub3A_1997, %convert_element_type3A_1988 : f32
          %mul3A_1999 = arith.mulf %convert_element_type3A_1988, %sub3A_1998 : f32
          %broadcast_in_dim3A_2000 = vector.broadcast %mul3A_1999 : f32 to vector<16xf32>
          %sub3A_2001 = arith.constant 1.000000e+00 : f32
          %sub3A_2002 = arith.subf %convert_element_type3A_1988, %sub3A_2001 : f32
          %mul3A_2003 = arith.mulf %convert_element_type3A_1988, %sub3A_2002 : f32
          %mul3A_2004 = arith.constant 5.000000e-01 : f32
          %mul3A_2005 = arith.mulf %mul3A_2003, %mul3A_2004 : f32
          %broadcast_in_dim3A_2006 = vector.broadcast %mul3A_2005 : f32 to vector<16xf32>
          %mul3A_2007 = arith.mulf %broadcast_in_dim3A_1996, %get3A_17 : vector<16xf32>
          %mul3A_2008 = arith.mulf %broadcast_in_dim3A_2000, %get3A_57 : vector<16xf32>
          %add3A_2009 = arith.addf %mul3A_2007, %mul3A_2008 : vector<16xf32>
          %mul3A_2010 = arith.mulf %broadcast_in_dim3A_2006, %get3A_97 : vector<16xf32>
          %add3A_2011 = arith.addf %add3A_2009, %mul3A_2010 : vector<16xf32>
          %swap3A_2012 = arith.constant 3 : i32
          %swap3A_2013 = arith.index_cast %swap3A_2012 : i32 to index
          %swap3A_2014 = arith.index_cast %add3A_1985 : i32 to index
          %swap3A_2015 = arith.constant 0 : index
          %swap3A_2016 = tpu.vector_load %arg8[%swap3A_2013, %swap3A_2014, %swap3A_2015] {strides = array<i32>} : memref<4x128x128xf32, #tpu.memory_space<vmem>>, vector<1x1x16xf32>,
          %swap3A_2017 = vector.shape_cast %swap3A_2016 : vector<1x1x16xf32> to vector<16xf32>
          %swap3A_2018 = vector.shape_cast %add3A_2011 : vector<16xf32> to vector<1x1x16xf32>
          tpu.vector_store %arg8[%swap3A_2013, %swap3A_2014, %swap3A_2015], %swap3A_2018 {strides = array<i32>} : memref<4x128x128xf32, #tpu.memory_space<vmem>>, vector<1x1x16xf32>,
          %mul3A_2019 = arith.mulf %broadcast_in_dim3A_1996, %get3A_22 : vector<16xf32>
          %mul3A_2020 = arith.mulf %broadcast_in_dim3A_2000, %get3A_62 : vector<16xf32>
          %add3A_2021 = arith.addf %mul3A_2019, %mul3A_2020 : vector<16xf32>
          %mul3A_2022 = arith.mulf %broadcast_in_dim3A_2006, %get3A_102 : vector<16xf32>
          %add3A_2023 = arith.addf %add3A_2021, %mul3A_2022 : vector<16xf32>
          %swap3A_2024 = arith.constant 3 : i32
          %swap3A_2025 = arith.index_cast %swap3A_2024 : i32 to index
          %swap3A_2026 = arith.index_cast %add3A_1985 : i32 to index
          %swap3A_2027 = arith.constant 16 : index
          %swap3A_2028 = tpu.vector_load %arg8[%swap3A_2025, %swap3A_2026, %swap3A_2027] {strides = array<i32>} : memref<4x128x128xf32, #tpu.memory_space<vmem>>, vector<1x1x16xf32>,
          %swap3A_2029 = vector.shape_cast %swap3A_2028 : vector<1x1x16xf32> to vector<16xf32>
          %swap3A_2030 = vector.shape_cast %add3A_2023 : vector<16xf32> to vector<1x1x16xf32>
          tpu.vector_store %arg8[%swap3A_2025, %swap3A_2026, %swap3A_2027], %swap3A_2030 {strides = array<i32>} : memref<4x128x128xf32, #tpu.memory_space<vmem>>, vector<1x1x16xf32>,
          %mul3A_2031 = arith.mulf %broadcast_in_dim3A_1996, %get3A_27 : vector<16xf32>
          %mul3A_2032 = arith.mulf %broadcast_in_dim3A_2000, %get3A_67 : vector<16xf32>
          %add3A_2033 = arith.addf %mul3A_2031, %mul3A_2032 : vector<16xf32>
          %mul3A_2034 = arith.mulf %broadcast_in_dim3A_2006, %get3A_107 : vector<16xf32>
          %add3A_2035 = arith.addf %add3A_2033, %mul3A_2034 : vector<16xf32>
          %swap3A_2036 = arith.constant 3 : i32
          %swap3A_2037 = arith.index_cast %swap3A_2036 : i32 to index
          %swap3A_2038 = arith.index_cast %add3A_1985 : i32 to index
          %swap3A_2039 = arith.constant 32 : index
          %swap3A_2040 = tpu.vector_load %arg8[%swap3A_2037, %swap3A_2038, %swap3A_2039] {strides = array<i32>} : memref<4x128x128xf32, #tpu.memory_space<vmem>>, vector<1x1x16xf32>,
          %swap3A_2041 = vector.shape_cast %swap3A_2040 : vector<1x1x16xf32> to vector<16xf32>
          %swap3A_2042 = vector.shape_cast %add3A_2035 : vector<16xf32> to vector<1x1x16xf32>
          tpu.vector_store %arg8[%swap3A_2037, %swap3A_2038, %swap3A_2039], %swap3A_2042 {strides = array<i32>} : memref<4x128x128xf32, #tpu.memory_space<vmem>>, vector<1x1x16xf32>,
          %mul3A_2043 = arith.mulf %broadcast_in_dim3A_1996, %get3A_32 : vector<16xf32>
          %mul3A_2044 = arith.mulf %broadcast_in_dim3A_2000, %get3A_72 : vector<16xf32>
          %add3A_2045 = arith.addf %mul3A_2043, %mul3A_2044 : vector<16xf32>
          %mul3A_2046 = arith.mulf %broadcast_in_dim3A_2006, %get3A_112 : vector<16xf32>
          %add3A_2047 = arith.addf %add3A_2045, %mul3A_2046 : vector<16xf32>
          %swap3A_2048 = arith.constant 3 : i32
          %swap3A_2049 = arith.index_cast %swap3A_2048 : i32 to index
          %swap3A_2050 = arith.index_cast %add3A_1985 : i32 to index
          %swap3A_2051 = arith.constant 48 : index
          %swap3A_2052 = tpu.vector_load %arg8[%swap3A_2049, %swap3A_2050, %swap3A_2051] {strides = array<i32>} : memref<4x128x128xf32, #tpu.memory_space<vmem>>, vector<1x1x16xf32>,
          %swap3A_2053 = vector.shape_cast %swap3A_2052 : vector<1x1x16xf32> to vector<16xf32>
          %swap3A_2054 = vector.shape_cast %add3A_2047 : vector<16xf32> to vector<1x1x16xf32>
          tpu.vector_store %arg8[%swap3A_2049, %swap3A_2050, %swap3A_2051], %swap3A_2054 {strides = array<i32>} : memref<4x128x128xf32, #tpu.memory_space<vmem>>, vector<1x1x16xf32>,
          %mul3A_2055 = arith.mulf %broadcast_in_dim3A_1996, %get3A_37 : vector<16xf32>
          %mul3A_2056 = arith.mulf %broadcast_in_dim3A_2000, %get3A_77 : vector<16xf32>
          %add3A_2057 = arith.addf %mul3A_2055, %mul3A_2056 : vector<16xf32>
          %mul3A_2058 = arith.mulf %broadcast_in_dim3A_2006, %get3A_117 : vector<16xf32>
          %add3A_2059 = arith.addf %add3A_2057, %mul3A_2058 : vector<16xf32>
          %swap3A_2060 = arith.constant 3 : i32
          %swap3A_2061 = arith.index_cast %swap3A_2060 : i32 to index
          %swap3A_2062 = arith.index_cast %add3A_1985 : i32 to index
          %swap3A_2063 = arith.constant 64 : index
          %swap3A_2064 = tpu.vector_load %arg8[%swap3A_2061, %swap3A_2062, %swap3A_2063] {strides = array<i32>} : memref<4x128x128xf32, #tpu.memory_space<vmem>>, vector<1x1x16xf32>,
          %swap3A_2065 = vector.shape_cast %swap3A_2064 : vector<1x1x16xf32> to vector<16xf32>
          %swap3A_2066 = vector.shape_cast %add3A_2059 : vector<16xf32> to vector<1x1x16xf32>
          tpu.vector_store %arg8[%swap3A_2061, %swap3A_2062, %swap3A_2063], %swap3A_2066 {strides = array<i32>} : memref<4x128x128xf32, #tpu.memory_space<vmem>>, vector<1x1x16xf32>,
          %mul3A_2067 = arith.mulf %broadcast_in_dim3A_1996, %get3A_42 : vector<16xf32>
          %mul3A_2068 = arith.mulf %broadcast_in_dim3A_2000, %get3A_82 : vector<16xf32>
          %add3A_2069 = arith.addf %mul3A_2067, %mul3A_2068 : vector<16xf32>
          %mul3A_2070 = arith.mulf %broadcast_in_dim3A_2006, %get3A_122 : vector<16xf32>
          %add3A_2071 = arith.addf %add3A_2069, %mul3A_2070 : vector<16xf32>
          %swap3A_2072 = arith.constant 3 : i32
          %swap3A_2073 = arith.index_cast %swap3A_2072 : i32 to index
          %swap3A_2074 = arith.index_cast %add3A_1985 : i32 to index
          %swap3A_2075 = arith.constant 80 : index
          %swap3A_2076 = tpu.vector_load %arg8[%swap3A_2073, %swap3A_2074, %swap3A_2075] {strides = array<i32>} : memref<4x128x128xf32, #tpu.memory_space<vmem>>, vector<1x1x16xf32>,
          %swap3A_2077 = vector.shape_cast %swap3A_2076 : vector<1x1x16xf32> to vector<16xf32>
          %swap3A_2078 = vector.shape_cast %add3A_2071 : vector<16xf32> to vector<1x1x16xf32>
          tpu.vector_store %arg8[%swap3A_2073, %swap3A_2074, %swap3A_2075], %swap3A_2078 {strides = array<i32>} : memref<4x128x128xf32, #tpu.memory_space<vmem>>, vector<1x1x16xf32>,
          %mul3A_2079 = arith.mulf %broadcast_in_dim3A_1996, %get3A_47 : vector<16xf32>
          %mul3A_2080 = arith.mulf %broadcast_in_dim3A_2000, %get3A_87 : vector<16xf32>
          %add3A_2081 = arith.addf %mul3A_2079, %mul3A_2080 : vector<16xf32>
          %mul3A_2082 = arith.mulf %broadcast_in_dim3A_2006, %get3A_127 : vector<16xf32>
          %add3A_2083 = arith.addf %add3A_2081, %mul3A_2082 : vector<16xf32>
          %swap3A_2084 = arith.constant 3 : i32
          %swap3A_2085 = arith.index_cast %swap3A_2084 : i32 to index
          %swap3A_2086 = arith.index_cast %add3A_1985 : i32 to index
          %swap3A_2087 = arith.constant 96 : index
          %swap3A_2088 = tpu.vector_load %arg8[%swap3A_2085, %swap3A_2086, %swap3A_2087] {strides = array<i32>} : memref<4x128x128xf32, #tpu.memory_space<vmem>>, vector<1x1x16xf32>,
          %swap3A_2089 = vector.shape_cast %swap3A_2088 : vector<1x1x16xf32> to vector<16xf32>
          %swap3A_2090 = vector.shape_cast %add3A_2083 : vector<16xf32> to vector<1x1x16xf32>
          tpu.vector_store %arg8[%swap3A_2085, %swap3A_2086, %swap3A_2087], %swap3A_2090 {strides = array<i32>} : memref<4x128x128xf32, #tpu.memory_space<vmem>>, vector<1x1x16xf32>,
          %mul3A_2091 = arith.mulf %broadcast_in_dim3A_1996, %get3A_52 : vector<16xf32>
          %mul3A_2092 = arith.mulf %broadcast_in_dim3A_2000, %get3A_92 : vector<16xf32>
          %add3A_2093 = arith.addf %mul3A_2091, %mul3A_2092 : vector<16xf32>
          %mul3A_2094 = arith.mulf %broadcast_in_dim3A_2006, %get3A_132 : vector<16xf32>
          %add3A_2095 = arith.addf %add3A_2093, %mul3A_2094 : vector<16xf32>
          %swap3A_2096 = arith.constant 3 : i32
          %swap3A_2097 = arith.index_cast %swap3A_2096 : i32 to index
          %swap3A_2098 = arith.index_cast %add3A_1985 : i32 to index
          %swap3A_2099 = arith.constant 112 : index
          %swap3A_2100 = tpu.vector_load %arg8[%swap3A_2097, %swap3A_2098, %swap3A_2099] {strides = array<i32>} : memref<4x128x128xf32, #tpu.memory_space<vmem>>, vector<1x1x16xf32>,
          %swap3A_2101 = vector.shape_cast %swap3A_2100 : vector<1x1x16xf32> to vector<16xf32>
          %swap3A_2102 = vector.shape_cast %add3A_2095 : vector<16xf32> to vector<1x1x16xf32>
          tpu.vector_store %arg8[%swap3A_2097, %swap3A_2098, %swap3A_2099], %swap3A_2102 {strides = array<i32>} : memref<4x128x128xf32, #tpu.memory_space<vmem>>, vector<1x1x16xf32>,
          %mul3A_2103 = arith.constant 16 : i32
          %mul3A_2104 = arith.muli %scan3A_407, %mul3A_2103 : i32
          %add3A_2105 = arith.constant 14 : i32
          %add3A_2106 = arith.addi %mul3A_2104, %add3A_2105 : i32
          %slice3A_2107 = vector.extract_strided_slice %get3A_413 {offsets = [14], sizes = [1], strides = [1]} : vector<16xi32> to vector<1xi32>
          %squeeze3A_2108 = vector.extract %slice3A_2107[0] : i32 from vector<1xi32>
          %convert_element_type3A_2109 = arith.sitofp %squeeze3A_2108 : i32 to f32
          %sub3A_2110 = arith.constant 1.000000e+00 : f32
          %sub3A_2111 = arith.subf %sub3A_2110, %convert_element_type3A_2109 : f32
          %sub3A_2112 = arith.constant 2.000000e+00 : f32
          %sub3A_2113 = arith.subf %sub3A_2112, %convert_element_type3A_2109 : f32
          %mul3A_2114 = arith.mulf %sub3A_2111, %sub3A_2113 : f32
          %mul3A_2115 = arith.constant 5.000000e-01 : f32
          %mul3A_2116 = arith.mulf %mul3A_2114, %mul3A_2115 : f32
          %broadcast_in_dim3A_2117 = vector.broadcast %mul3A_2116 : f32 to vector<16xf32>
          %sub3A_2118 = arith.constant 2.000000e+00 : f32
          %sub3A_2119 = arith.subf %sub3A_2118, %convert_element_type3A_2109 : f32
          %mul3A_2120 = arith.mulf %convert_element_type3A_2109, %sub3A_2119 : f32
          %broadcast_in_dim3A_2121 = vector.broadcast %mul3A_2120 : f32 to vector<16xf32>
          %sub3A_2122 = arith.constant 1.000000e+00 : f32
          %sub3A_2123 = arith.subf %convert_element_type3A_2109, %sub3A_2122 : f32
          %mul3A_2124 = arith.mulf %convert_element_type3A_2109, %sub3A_2123 : f32
          %mul3A_2125 = arith.constant 5.000000e-01 : f32
          %mul3A_2126 = arith.mulf %mul3A_2124, %mul3A_2125 : f32
          %broadcast_in_dim3A_2127 = vector.broadcast %mul3A_2126 : f32 to vector<16xf32>
          %mul3A_2128 = arith.mulf %broadcast_in_dim3A_2117, %get3A_17 : vector<16xf32>
          %mul3A_2129 = arith.mulf %broadcast_in_dim3A_2121, %get3A_57 : vector<16xf32>
          %add3A_2130 = arith.addf %mul3A_2128, %mul3A_2129 : vector<16xf32>
          %mul3A_2131 = arith.mulf %broadcast_in_dim3A_2127, %get3A_97 : vector<16xf32>
          %add3A_2132 = arith.addf %add3A_2130, %mul3A_2131 : vector<16xf32>
          %swap3A_2133 = arith.constant 3 : i32
          %swap3A_2134 = arith.index_cast %swap3A_2133 : i32 to index
          %swap3A_2135 = arith.index_cast %add3A_2106 : i32 to index
          %swap3A_2136 = arith.constant 0 : index
          %swap3A_2137 = tpu.vector_load %arg8[%swap3A_2134, %swap3A_2135, %swap3A_2136] {strides = array<i32>} : memref<4x128x128xf32, #tpu.memory_space<vmem>>, vector<1x1x16xf32>,
          %swap3A_2138 = vector.shape_cast %swap3A_2137 : vector<1x1x16xf32> to vector<16xf32>
          %swap3A_2139 = vector.shape_cast %add3A_2132 : vector<16xf32> to vector<1x1x16xf32>
          tpu.vector_store %arg8[%swap3A_2134, %swap3A_2135, %swap3A_2136], %swap3A_2139 {strides = array<i32>} : memref<4x128x128xf32, #tpu.memory_space<vmem>>, vector<1x1x16xf32>,
          %mul3A_2140 = arith.mulf %broadcast_in_dim3A_2117, %get3A_22 : vector<16xf32>
          %mul3A_2141 = arith.mulf %broadcast_in_dim3A_2121, %get3A_62 : vector<16xf32>
          %add3A_2142 = arith.addf %mul3A_2140, %mul3A_2141 : vector<16xf32>
          %mul3A_2143 = arith.mulf %broadcast_in_dim3A_2127, %get3A_102 : vector<16xf32>
          %add3A_2144 = arith.addf %add3A_2142, %mul3A_2143 : vector<16xf32>
          %swap3A_2145 = arith.constant 3 : i32
          %swap3A_2146 = arith.index_cast %swap3A_2145 : i32 to index
          %swap3A_2147 = arith.index_cast %add3A_2106 : i32 to index
          %swap3A_2148 = arith.constant 16 : index
          %swap3A_2149 = tpu.vector_load %arg8[%swap3A_2146, %swap3A_2147, %swap3A_2148] {strides = array<i32>} : memref<4x128x128xf32, #tpu.memory_space<vmem>>, vector<1x1x16xf32>,
          %swap3A_2150 = vector.shape_cast %swap3A_2149 : vector<1x1x16xf32> to vector<16xf32>
          %swap3A_2151 = vector.shape_cast %add3A_2144 : vector<16xf32> to vector<1x1x16xf32>
          tpu.vector_store %arg8[%swap3A_2146, %swap3A_2147, %swap3A_2148], %swap3A_2151 {strides = array<i32>} : memref<4x128x128xf32, #tpu.memory_space<vmem>>, vector<1x1x16xf32>,
          %mul3A_2152 = arith.mulf %broadcast_in_dim3A_2117, %get3A_27 : vector<16xf32>
          %mul3A_2153 = arith.mulf %broadcast_in_dim3A_2121, %get3A_67 : vector<16xf32>
          %add3A_2154 = arith.addf %mul3A_2152, %mul3A_2153 : vector<16xf32>
          %mul3A_2155 = arith.mulf %broadcast_in_dim3A_2127, %get3A_107 : vector<16xf32>
          %add3A_2156 = arith.addf %add3A_2154, %mul3A_2155 : vector<16xf32>
          %swap3A_2157 = arith.constant 3 : i32
          %swap3A_2158 = arith.index_cast %swap3A_2157 : i32 to index
          %swap3A_2159 = arith.index_cast %add3A_2106 : i32 to index
          %swap3A_2160 = arith.constant 32 : index
          %swap3A_2161 = tpu.vector_load %arg8[%swap3A_2158, %swap3A_2159, %swap3A_2160] {strides = array<i32>} : memref<4x128x128xf32, #tpu.memory_space<vmem>>, vector<1x1x16xf32>,
          %swap3A_2162 = vector.shape_cast %swap3A_2161 : vector<1x1x16xf32> to vector<16xf32>
          %swap3A_2163 = vector.shape_cast %add3A_2156 : vector<16xf32> to vector<1x1x16xf32>
          tpu.vector_store %arg8[%swap3A_2158, %swap3A_2159, %swap3A_2160], %swap3A_2163 {strides = array<i32>} : memref<4x128x128xf32, #tpu.memory_space<vmem>>, vector<1x1x16xf32>,
          %mul3A_2164 = arith.mulf %broadcast_in_dim3A_2117, %get3A_32 : vector<16xf32>
          %mul3A_2165 = arith.mulf %broadcast_in_dim3A_2121, %get3A_72 : vector<16xf32>
          %add3A_2166 = arith.addf %mul3A_2164, %mul3A_2165 : vector<16xf32>
          %mul3A_2167 = arith.mulf %broadcast_in_dim3A_2127, %get3A_112 : vector<16xf32>
          %add3A_2168 = arith.addf %add3A_2166, %mul3A_2167 : vector<16xf32>
          %swap3A_2169 = arith.constant 3 : i32
          %swap3A_2170 = arith.index_cast %swap3A_2169 : i32 to index
          %swap3A_2171 = arith.index_cast %add3A_2106 : i32 to index
          %swap3A_2172 = arith.constant 48 : index
          %swap3A_2173 = tpu.vector_load %arg8[%swap3A_2170, %swap3A_2171, %swap3A_2172] {strides = array<i32>} : memref<4x128x128xf32, #tpu.memory_space<vmem>>, vector<1x1x16xf32>,
          %swap3A_2174 = vector.shape_cast %swap3A_2173 : vector<1x1x16xf32> to vector<16xf32>
          %swap3A_2175 = vector.shape_cast %add3A_2168 : vector<16xf32> to vector<1x1x16xf32>
          tpu.vector_store %arg8[%swap3A_2170, %swap3A_2171, %swap3A_2172], %swap3A_2175 {strides = array<i32>} : memref<4x128x128xf32, #tpu.memory_space<vmem>>, vector<1x1x16xf32>,
          %mul3A_2176 = arith.mulf %broadcast_in_dim3A_2117, %get3A_37 : vector<16xf32>
          %mul3A_2177 = arith.mulf %broadcast_in_dim3A_2121, %get3A_77 : vector<16xf32>
          %add3A_2178 = arith.addf %mul3A_2176, %mul3A_2177 : vector<16xf32>
          %mul3A_2179 = arith.mulf %broadcast_in_dim3A_2127, %get3A_117 : vector<16xf32>
          %add3A_2180 = arith.addf %add3A_2178, %mul3A_2179 : vector<16xf32>
          %swap3A_2181 = arith.constant 3 : i32
          %swap3A_2182 = arith.index_cast %swap3A_2181 : i32 to index
          %swap3A_2183 = arith.index_cast %add3A_2106 : i32 to index
          %swap3A_2184 = arith.constant 64 : index
          %swap3A_2185 = tpu.vector_load %arg8[%swap3A_2182, %swap3A_2183, %swap3A_2184] {strides = array<i32>} : memref<4x128x128xf32, #tpu.memory_space<vmem>>, vector<1x1x16xf32>,
          %swap3A_2186 = vector.shape_cast %swap3A_2185 : vector<1x1x16xf32> to vector<16xf32>
          %swap3A_2187 = vector.shape_cast %add3A_2180 : vector<16xf32> to vector<1x1x16xf32>
          tpu.vector_store %arg8[%swap3A_2182, %swap3A_2183, %swap3A_2184], %swap3A_2187 {strides = array<i32>} : memref<4x128x128xf32, #tpu.memory_space<vmem>>, vector<1x1x16xf32>,
          %mul3A_2188 = arith.mulf %broadcast_in_dim3A_2117, %get3A_42 : vector<16xf32>
          %mul3A_2189 = arith.mulf %broadcast_in_dim3A_2121, %get3A_82 : vector<16xf32>
          %add3A_2190 = arith.addf %mul3A_2188, %mul3A_2189 : vector<16xf32>
          %mul3A_2191 = arith.mulf %broadcast_in_dim3A_2127, %get3A_122 : vector<16xf32>
          %add3A_2192 = arith.addf %add3A_2190, %mul3A_2191 : vector<16xf32>
          %swap3A_2193 = arith.constant 3 : i32
          %swap3A_2194 = arith.index_cast %swap3A_2193 : i32 to index
          %swap3A_2195 = arith.index_cast %add3A_2106 : i32 to index
          %swap3A_2196 = arith.constant 80 : index
          %swap3A_2197 = tpu.vector_load %arg8[%swap3A_2194, %swap3A_2195, %swap3A_2196] {strides = array<i32>} : memref<4x128x128xf32, #tpu.memory_space<vmem>>, vector<1x1x16xf32>,
          %swap3A_2198 = vector.shape_cast %swap3A_2197 : vector<1x1x16xf32> to vector<16xf32>
          %swap3A_2199 = vector.shape_cast %add3A_2192 : vector<16xf32> to vector<1x1x16xf32>
          tpu.vector_store %arg8[%swap3A_2194, %swap3A_2195, %swap3A_2196], %swap3A_2199 {strides = array<i32>} : memref<4x128x128xf32, #tpu.memory_space<vmem>>, vector<1x1x16xf32>,
          %mul3A_2200 = arith.mulf %broadcast_in_dim3A_2117, %get3A_47 : vector<16xf32>
          %mul3A_2201 = arith.mulf %broadcast_in_dim3A_2121, %get3A_87 : vector<16xf32>
          %add3A_2202 = arith.addf %mul3A_2200, %mul3A_2201 : vector<16xf32>
          %mul3A_2203 = arith.mulf %broadcast_in_dim3A_2127, %get3A_127 : vector<16xf32>
          %add3A_2204 = arith.addf %add3A_2202, %mul3A_2203 : vector<16xf32>
          %swap3A_2205 = arith.constant 3 : i32
          %swap3A_2206 = arith.index_cast %swap3A_2205 : i32 to index
          %swap3A_2207 = arith.index_cast %add3A_2106 : i32 to index
          %swap3A_2208 = arith.constant 96 : index
          %swap3A_2209 = tpu.vector_load %arg8[%swap3A_2206, %swap3A_2207, %swap3A_2208] {strides = array<i32>} : memref<4x128x128xf32, #tpu.memory_space<vmem>>, vector<1x1x16xf32>,
          %swap3A_2210 = vector.shape_cast %swap3A_2209 : vector<1x1x16xf32> to vector<16xf32>
          %swap3A_2211 = vector.shape_cast %add3A_2204 : vector<16xf32> to vector<1x1x16xf32>
          tpu.vector_store %arg8[%swap3A_2206, %swap3A_2207, %swap3A_2208], %swap3A_2211 {strides = array<i32>} : memref<4x128x128xf32, #tpu.memory_space<vmem>>, vector<1x1x16xf32>,
          %mul3A_2212 = arith.mulf %broadcast_in_dim3A_2117, %get3A_52 : vector<16xf32>
          %mul3A_2213 = arith.mulf %broadcast_in_dim3A_2121, %get3A_92 : vector<16xf32>
          %add3A_2214 = arith.addf %mul3A_2212, %mul3A_2213 : vector<16xf32>
          %mul3A_2215 = arith.mulf %broadcast_in_dim3A_2127, %get3A_132 : vector<16xf32>
          %add3A_2216 = arith.addf %add3A_2214, %mul3A_2215 : vector<16xf32>
          %swap3A_2217 = arith.constant 3 : i32
          %swap3A_2218 = arith.index_cast %swap3A_2217 : i32 to index
          %swap3A_2219 = arith.index_cast %add3A_2106 : i32 to index
          %swap3A_2220 = arith.constant 112 : index
          %swap3A_2221 = tpu.vector_load %arg8[%swap3A_2218, %swap3A_2219, %swap3A_2220] {strides = array<i32>} : memref<4x128x128xf32, #tpu.memory_space<vmem>>, vector<1x1x16xf32>,
          %swap3A_2222 = vector.shape_cast %swap3A_2221 : vector<1x1x16xf32> to vector<16xf32>
          %swap3A_2223 = vector.shape_cast %add3A_2216 : vector<16xf32> to vector<1x1x16xf32>
          tpu.vector_store %arg8[%swap3A_2218, %swap3A_2219, %swap3A_2220], %swap3A_2223 {strides = array<i32>} : memref<4x128x128xf32, #tpu.memory_space<vmem>>, vector<1x1x16xf32>,
          %mul3A_2224 = arith.constant 16 : i32
          %mul3A_2225 = arith.muli %scan3A_407, %mul3A_2224 : i32
          %add3A_2226 = arith.constant 15 : i32
          %add3A_2227 = arith.addi %mul3A_2225, %add3A_2226 : i32
          %slice3A_2228 = vector.extract_strided_slice %get3A_413 {offsets = [15], sizes = [1], strides = [1]} : vector<16xi32> to vector<1xi32>
          %squeeze3A_2229 = vector.extract %slice3A_2228[0] : i32 from vector<1xi32>
          %convert_element_type3A_2230 = arith.sitofp %squeeze3A_2229 : i32 to f32
          %sub3A_2231 = arith.constant 1.000000e+00 : f32
          %sub3A_2232 = arith.subf %sub3A_2231, %convert_element_type3A_2230 : f32
          %sub3A_2233 = arith.constant 2.000000e+00 : f32
          %sub3A_2234 = arith.subf %sub3A_2233, %convert_element_type3A_2230 : f32
          %mul3A_2235 = arith.mulf %sub3A_2232, %sub3A_2234 : f32
          %mul3A_2236 = arith.constant 5.000000e-01 : f32
          %mul3A_2237 = arith.mulf %mul3A_2235, %mul3A_2236 : f32
          %broadcast_in_dim3A_2238 = vector.broadcast %mul3A_2237 : f32 to vector<16xf32>
          %sub3A_2239 = arith.constant 2.000000e+00 : f32
          %sub3A_2240 = arith.subf %sub3A_2239, %convert_element_type3A_2230 : f32
          %mul3A_2241 = arith.mulf %convert_element_type3A_2230, %sub3A_2240 : f32
          %broadcast_in_dim3A_2242 = vector.broadcast %mul3A_2241 : f32 to vector<16xf32>
          %sub3A_2243 = arith.constant 1.000000e+00 : f32
          %sub3A_2244 = arith.subf %convert_element_type3A_2230, %sub3A_2243 : f32
          %mul3A_2245 = arith.mulf %convert_element_type3A_2230, %sub3A_2244 : f32
          %mul3A_2246 = arith.constant 5.000000e-01 : f32
          %mul3A_2247 = arith.mulf %mul3A_2245, %mul3A_2246 : f32
          %broadcast_in_dim3A_2248 = vector.broadcast %mul3A_2247 : f32 to vector<16xf32>
          %mul3A_2249 = arith.mulf %broadcast_in_dim3A_2238, %get3A_17 : vector<16xf32>
          %mul3A_2250 = arith.mulf %broadcast_in_dim3A_2242, %get3A_57 : vector<16xf32>
          %add3A_2251 = arith.addf %mul3A_2249, %mul3A_2250 : vector<16xf32>
          %mul3A_2252 = arith.mulf %broadcast_in_dim3A_2248, %get3A_97 : vector<16xf32>
          %add3A_2253 = arith.addf %add3A_2251, %mul3A_2252 : vector<16xf32>
          %swap3A_2254 = arith.constant 3 : i32
          %swap3A_2255 = arith.index_cast %swap3A_2254 : i32 to index
          %swap3A_2256 = arith.index_cast %add3A_2227 : i32 to index
          %swap3A_2257 = arith.constant 0 : index
          %swap3A_2258 = tpu.vector_load %arg8[%swap3A_2255, %swap3A_2256, %swap3A_2257] {strides = array<i32>} : memref<4x128x128xf32, #tpu.memory_space<vmem>>, vector<1x1x16xf32>,
          %swap3A_2259 = vector.shape_cast %swap3A_2258 : vector<1x1x16xf32> to vector<16xf32>
          %swap3A_2260 = vector.shape_cast %add3A_2253 : vector<16xf32> to vector<1x1x16xf32>
          tpu.vector_store %arg8[%swap3A_2255, %swap3A_2256, %swap3A_2257], %swap3A_2260 {strides = array<i32>} : memref<4x128x128xf32, #tpu.memory_space<vmem>>, vector<1x1x16xf32>,
          %mul3A_2261 = arith.mulf %broadcast_in_dim3A_2238, %get3A_22 : vector<16xf32>
          %mul3A_2262 = arith.mulf %broadcast_in_dim3A_2242, %get3A_62 : vector<16xf32>
          %add3A_2263 = arith.addf %mul3A_2261, %mul3A_2262 : vector<16xf32>
          %mul3A_2264 = arith.mulf %broadcast_in_dim3A_2248, %get3A_102 : vector<16xf32>
          %add3A_2265 = arith.addf %add3A_2263, %mul3A_2264 : vector<16xf32>
          %swap3A_2266 = arith.constant 3 : i32
          %swap3A_2267 = arith.index_cast %swap3A_2266 : i32 to index
          %swap3A_2268 = arith.index_cast %add3A_2227 : i32 to index
          %swap3A_2269 = arith.constant 16 : index
          %swap3A_2270 = tpu.vector_load %arg8[%swap3A_2267, %swap3A_2268, %swap3A_2269] {strides = array<i32>} : memref<4x128x128xf32, #tpu.memory_space<vmem>>, vector<1x1x16xf32>,
          %swap3A_2271 = vector.shape_cast %swap3A_2270 : vector<1x1x16xf32> to vector<16xf32>
          %swap3A_2272 = vector.shape_cast %add3A_2265 : vector<16xf32> to vector<1x1x16xf32>
          tpu.vector_store %arg8[%swap3A_2267, %swap3A_2268, %swap3A_2269], %swap3A_2272 {strides = array<i32>} : memref<4x128x128xf32, #tpu.memory_space<vmem>>, vector<1x1x16xf32>,
          %mul3A_2273 = arith.mulf %broadcast_in_dim3A_2238, %get3A_27 : vector<16xf32>
          %mul3A_2274 = arith.mulf %broadcast_in_dim3A_2242, %get3A_67 : vector<16xf32>
          %add3A_2275 = arith.addf %mul3A_2273, %mul3A_2274 : vector<16xf32>
          %mul3A_2276 = arith.mulf %broadcast_in_dim3A_2248, %get3A_107 : vector<16xf32>
          %add3A_2277 = arith.addf %add3A_2275, %mul3A_2276 : vector<16xf32>
          %swap3A_2278 = arith.constant 3 : i32
          %swap3A_2279 = arith.index_cast %swap3A_2278 : i32 to index
          %swap3A_2280 = arith.index_cast %add3A_2227 : i32 to index
          %swap3A_2281 = arith.constant 32 : index
          %swap3A_2282 = tpu.vector_load %arg8[%swap3A_2279, %swap3A_2280, %swap3A_2281] {strides = array<i32>} : memref<4x128x128xf32, #tpu.memory_space<vmem>>, vector<1x1x16xf32>,
          %swap3A_2283 = vector.shape_cast %swap3A_2282 : vector<1x1x16xf32> to vector<16xf32>
          %swap3A_2284 = vector.shape_cast %add3A_2277 : vector<16xf32> to vector<1x1x16xf32>
          tpu.vector_store %arg8[%swap3A_2279, %swap3A_2280, %swap3A_2281], %swap3A_2284 {strides = array<i32>} : memref<4x128x128xf32, #tpu.memory_space<vmem>>, vector<1x1x16xf32>,
          %mul3A_2285 = arith.mulf %broadcast_in_dim3A_2238, %get3A_32 : vector<16xf32>
          %mul3A_2286 = arith.mulf %broadcast_in_dim3A_2242, %get3A_72 : vector<16xf32>
          %add3A_2287 = arith.addf %mul3A_2285, %mul3A_2286 : vector<16xf32>
          %mul3A_2288 = arith.mulf %broadcast_in_dim3A_2248, %get3A_112 : vector<16xf32>
          %add3A_2289 = arith.addf %add3A_2287, %mul3A_2288 : vector<16xf32>
          %swap3A_2290 = arith.constant 3 : i32
          %swap3A_2291 = arith.index_cast %swap3A_2290 : i32 to index
          %swap3A_2292 = arith.index_cast %add3A_2227 : i32 to index
          %swap3A_2293 = arith.constant 48 : index
          %swap3A_2294 = tpu.vector_load %arg8[%swap3A_2291, %swap3A_2292, %swap3A_2293] {strides = array<i32>} : memref<4x128x128xf32, #tpu.memory_space<vmem>>, vector<1x1x16xf32>,
          %swap3A_2295 = vector.shape_cast %swap3A_2294 : vector<1x1x16xf32> to vector<16xf32>
          %swap3A_2296 = vector.shape_cast %add3A_2289 : vector<16xf32> to vector<1x1x16xf32>
          tpu.vector_store %arg8[%swap3A_2291, %swap3A_2292, %swap3A_2293], %swap3A_2296 {strides = array<i32>} : memref<4x128x128xf32, #tpu.memory_space<vmem>>, vector<1x1x16xf32>,
          %mul3A_2297 = arith.mulf %broadcast_in_dim3A_2238, %get3A_37 : vector<16xf32>
          %mul3A_2298 = arith.mulf %broadcast_in_dim3A_2242, %get3A_77 : vector<16xf32>
          %add3A_2299 = arith.addf %mul3A_2297, %mul3A_2298 : vector<16xf32>
          %mul3A_2300 = arith.mulf %broadcast_in_dim3A_2248, %get3A_117 : vector<16xf32>
          %add3A_2301 = arith.addf %add3A_2299, %mul3A_2300 : vector<16xf32>
          %swap3A_2302 = arith.constant 3 : i32
          %swap3A_2303 = arith.index_cast %swap3A_2302 : i32 to index
          %swap3A_2304 = arith.index_cast %add3A_2227 : i32 to index
          %swap3A_2305 = arith.constant 64 : index
          %swap3A_2306 = tpu.vector_load %arg8[%swap3A_2303, %swap3A_2304, %swap3A_2305] {strides = array<i32>} : memref<4x128x128xf32, #tpu.memory_space<vmem>>, vector<1x1x16xf32>,
          %swap3A_2307 = vector.shape_cast %swap3A_2306 : vector<1x1x16xf32> to vector<16xf32>
          %swap3A_2308 = vector.shape_cast %add3A_2301 : vector<16xf32> to vector<1x1x16xf32>
          tpu.vector_store %arg8[%swap3A_2303, %swap3A_2304, %swap3A_2305], %swap3A_2308 {strides = array<i32>} : memref<4x128x128xf32, #tpu.memory_space<vmem>>, vector<1x1x16xf32>,
          %mul3A_2309 = arith.mulf %broadcast_in_dim3A_2238, %get3A_42 : vector<16xf32>
          %mul3A_2310 = arith.mulf %broadcast_in_dim3A_2242, %get3A_82 : vector<16xf32>
          %add3A_2311 = arith.addf %mul3A_2309, %mul3A_2310 : vector<16xf32>
          %mul3A_2312 = arith.mulf %broadcast_in_dim3A_2248, %get3A_122 : vector<16xf32>
          %add3A_2313 = arith.addf %add3A_2311, %mul3A_2312 : vector<16xf32>
          %swap3A_2314 = arith.constant 3 : i32
          %swap3A_2315 = arith.index_cast %swap3A_2314 : i32 to index
          %swap3A_2316 = arith.index_cast %add3A_2227 : i32 to index
          %swap3A_2317 = arith.constant 80 : index
          %swap3A_2318 = tpu.vector_load %arg8[%swap3A_2315, %swap3A_2316, %swap3A_2317] {strides = array<i32>} : memref<4x128x128xf32, #tpu.memory_space<vmem>>, vector<1x1x16xf32>,
          %swap3A_2319 = vector.shape_cast %swap3A_2318 : vector<1x1x16xf32> to vector<16xf32>
          %swap3A_2320 = vector.shape_cast %add3A_2313 : vector<16xf32> to vector<1x1x16xf32>
          tpu.vector_store %arg8[%swap3A_2315, %swap3A_2316, %swap3A_2317], %swap3A_2320 {strides = array<i32>} : memref<4x128x128xf32, #tpu.memory_space<vmem>>, vector<1x1x16xf32>,
          %mul3A_2321 = arith.mulf %broadcast_in_dim3A_2238, %get3A_47 : vector<16xf32>
          %mul3A_2322 = arith.mulf %broadcast_in_dim3A_2242, %get3A_87 : vector<16xf32>
          %add3A_2323 = arith.addf %mul3A_2321, %mul3A_2322 : vector<16xf32>
          %mul3A_2324 = arith.mulf %broadcast_in_dim3A_2248, %get3A_127 : vector<16xf32>
          %add3A_2325 = arith.addf %add3A_2323, %mul3A_2324 : vector<16xf32>
          %swap3A_2326 = arith.constant 3 : i32
          %swap3A_2327 = arith.index_cast %swap3A_2326 : i32 to index
          %swap3A_2328 = arith.index_cast %add3A_2227 : i32 to index
          %swap3A_2329 = arith.constant 96 : index
          %swap3A_2330 = tpu.vector_load %arg8[%swap3A_2327, %swap3A_2328, %swap3A_2329] {strides = array<i32>} : memref<4x128x128xf32, #tpu.memory_space<vmem>>, vector<1x1x16xf32>,
          %swap3A_2331 = vector.shape_cast %swap3A_2330 : vector<1x1x16xf32> to vector<16xf32>
          %swap3A_2332 = vector.shape_cast %add3A_2325 : vector<16xf32> to vector<1x1x16xf32>
          tpu.vector_store %arg8[%swap3A_2327, %swap3A_2328, %swap3A_2329], %swap3A_2332 {strides = array<i32>} : memref<4x128x128xf32, #tpu.memory_space<vmem>>, vector<1x1x16xf32>,
          %mul3A_2333 = arith.mulf %broadcast_in_dim3A_2238, %get3A_52 : vector<16xf32>
          %mul3A_2334 = arith.mulf %broadcast_in_dim3A_2242, %get3A_92 : vector<16xf32>
          %add3A_2335 = arith.addf %mul3A_2333, %mul3A_2334 : vector<16xf32>
          %mul3A_2336 = arith.mulf %broadcast_in_dim3A_2248, %get3A_132 : vector<16xf32>
          %add3A_2337 = arith.addf %add3A_2335, %mul3A_2336 : vector<16xf32>
          %swap3A_2338 = arith.constant 3 : i32
          %swap3A_2339 = arith.index_cast %swap3A_2338 : i32 to index
          %swap3A_2340 = arith.index_cast %add3A_2227 : i32 to index
          %swap3A_2341 = arith.constant 112 : index
          %swap3A_2342 = tpu.vector_load %arg8[%swap3A_2339, %swap3A_2340, %swap3A_2341] {strides = array<i32>} : memref<4x128x128xf32, #tpu.memory_space<vmem>>, vector<1x1x16xf32>,
          %swap3A_2343 = vector.shape_cast %swap3A_2342 : vector<1x1x16xf32> to vector<16xf32>
          %swap3A_2344 = vector.shape_cast %add3A_2337 : vector<16xf32> to vector<1x1x16xf32>
          tpu.vector_store %arg8[%swap3A_2339, %swap3A_2340, %swap3A_2341], %swap3A_2344 {strides = array<i32>} : memref<4x128x128xf32, #tpu.memory_space<vmem>>, vector<1x1x16xf32>,
        }
        %scan3A_385 = arith.constant 8 : i32
        %add3A_386 = arith.addi %add3A_13, %add3A_248 : i32
        %dma_start3A_387 = arith.constant 3 : i32
        %dma_start3A_388 = arith.constant 3 : i32
        %dma_start3A_389 = arith.constant 0 : i32
        %dma_start3A_390 = arith.constant 0 : i32
        %dma_start3A_391 = tpu.memref_slice %arg8[%dma_start3A_387, %dma_start3A_389, %dma_start3A_390] : memref<4x128x128xf32, #tpu.memory_space<vmem>> -> memref<1x128x128xf32, #tpu.memory_space<vmem>>
        %dma_start3A_392 = tpu.memref_squeeze %dma_start3A_391 : memref<1x128x128xf32, #tpu.memory_space<vmem>> -> memref<128x128xf32, #tpu.memory_space<vmem>>
        %dma_start3A_393 = arith.constant 0 : i32
        %dma_start3A_394 = arith.constant 0 : i32
        %dma_start3A_395 = tpu.memref_slice %arg4[%add3A_386, %dma_start3A_393, %dma_start3A_394] : memref<25600x128x128xf32, #tpu.memory_space<hbm>> -> memref<1x128x128xf32, #tpu.memory_space<hbm>>
        %dma_start3A_396 = tpu.memref_squeeze %dma_start3A_395 : memref<1x128x128xf32, #tpu.memory_space<hbm>> -> memref<128x128xf32, #tpu.memory_space<hbm>>
        %dma_start3A_397 = tpu.memref_slice %arg10[%dma_start3A_388] : memref<4x!tpu.dma_semaphore, #tpu.memory_space<semaphore_mem>> -> memref<1x!tpu.dma_semaphore, #tpu.memory_space<semaphore_mem>>
        %dma_start3A_398 = tpu.memref_squeeze %dma_start3A_397 : memref<1x!tpu.dma_semaphore, #tpu.memory_space<semaphore_mem>> -> memref<!tpu.dma_semaphore, #tpu.memory_space<semaphore_mem>>
        %dma_start3A_399 = arith.constant 0 : i32
        %dma_start3A_400 = arith.constant 0 : i32
        %dma_start3A_401 = tpu.memref_slice %arg4[%add3A_386, %dma_start3A_399, %dma_start3A_400] : memref<25600x128x128xf32, #tpu.memory_space<hbm>> -> memref<1x128x128xf32, #tpu.memory_space<hbm>>
        %dma_start3A_402 = tpu.memref_squeeze %dma_start3A_401 : memref<1x128x128xf32, #tpu.memory_space<hbm>> -> memref<128x128xf32, #tpu.memory_space<hbm>>
        %dma_start3A_403 = arith.constant 0 : i32
        %dma_start3A_404 = arith.constant 0 : i32
        %dma_start3A_405 = tpu.memref_slice %arg8[%dma_start3A_387, %dma_start3A_403, %dma_start3A_404] : memref<4x128x128xf32, #tpu.memory_space<vmem>> -> memref<1x128x128xf32, #tpu.memory_space<vmem>>
        %dma_start3A_406 = tpu.memref_squeeze %dma_start3A_405 : memref<1x128x128xf32, #tpu.memory_space<vmem>> -> memref<128x128xf32, #tpu.memory_space<vmem>>
        tpu.enqueue_dma source(%dma_start3A_406 : memref<128x128xf32, #tpu.memory_space<vmem>>) target(%dma_start3A_402 : memref<128x128xf32, #tpu.memory_space<hbm>>) target_semaphore(%dma_start3A_398 : memref<!tpu.dma_semaphore, #tpu.memory_space<semaphore_mem>>)
      }
      %scan3A_152 = arith.constant 100 : i32
      %add3A_153 = arith.constant 396 : i32
      %add3A_154 = arith.addi %add3A_13, %add3A_153 : i32
      %dma_wait3A = arith.constant 0 : i32
      %dma_wait3A_155 = arith.constant 0 : i32
      %dma_wait3A_156 = arith.constant 0 : i32
      %dma_wait3A_157 = arith.constant 0 : i32
      %dma_wait3A_158 = tpu.memref_slice %arg8[%dma_wait3A, %dma_wait3A_156, %dma_wait3A_157] : memref<4x128x128xf32, #tpu.memory_space<vmem>> -> memref<1x128x128xf32, #tpu.memory_space<vmem>>
      %dma_wait3A_159 = tpu.memref_squeeze %dma_wait3A_158 : memref<1x128x128xf32, #tpu.memory_space<vmem>> -> memref<128x128xf32, #tpu.memory_space<vmem>>
      %dma_wait3A_160 = arith.constant 0 : i32
      %dma_wait3A_161 = arith.constant 0 : i32
      %dma_wait3A_162 = tpu.memref_slice %arg4[%add3A_154, %dma_wait3A_160, %dma_wait3A_161] : memref<25600x128x128xf32, #tpu.memory_space<hbm>> -> memref<1x128x128xf32, #tpu.memory_space<hbm>>
      %dma_wait3A_163 = tpu.memref_squeeze %dma_wait3A_162 : memref<1x128x128xf32, #tpu.memory_space<hbm>> -> memref<128x128xf32, #tpu.memory_space<hbm>>
      %dma_wait3A_164 = tpu.memref_slice %arg10[%dma_wait3A_155] : memref<4x!tpu.dma_semaphore, #tpu.memory_space<semaphore_mem>> -> memref<1x!tpu.dma_semaphore, #tpu.memory_space<semaphore_mem>>
      %dma_wait3A_165 = tpu.memref_squeeze %dma_wait3A_164 : memref<1x!tpu.dma_semaphore, #tpu.memory_space<semaphore_mem>> -> memref<!tpu.dma_semaphore, #tpu.memory_space<semaphore_mem>>
      %dma_wait3A_166 = arith.constant 0 : i32
      %dma_wait3A_167 = arith.constant 0 : i32
      %dma_wait3A_168 = tpu.memref_slice %arg4[%add3A_154, %dma_wait3A_166, %dma_wait3A_167] : memref<25600x128x128xf32, #tpu.memory_space<hbm>> -> memref<1x128x128xf32, #tpu.memory_space<hbm>>
      %dma_wait3A_169 = tpu.memref_squeeze %dma_wait3A_168 : memref<1x128x128xf32, #tpu.memory_space<hbm>> -> memref<128x128xf32, #tpu.memory_space<hbm>>
      %dma_wait3A_170 = arith.constant 0 : i32
      %dma_wait3A_171 = arith.constant 0 : i32
      %dma_wait3A_172 = tpu.memref_slice %arg8[%dma_wait3A, %dma_wait3A_170, %dma_wait3A_171] : memref<4x128x128xf32, #tpu.memory_space<vmem>> -> memref<1x128x128xf32, #tpu.memory_space<vmem>>
      %dma_wait3A_173 = tpu.memref_squeeze %dma_wait3A_172 : memref<1x128x128xf32, #tpu.memory_space<vmem>> -> memref<128x128xf32, #tpu.memory_space<vmem>>
      tpu.wait_dma2 semaphore(%dma_wait3A_165 : memref<!tpu.dma_semaphore, #tpu.memory_space<semaphore_mem>>) src(%dma_wait3A_173 : memref<128x128xf32, #tpu.memory_space<vmem>>) dst(%dma_wait3A_169 : memref<128x128xf32, #tpu.memory_space<hbm>>)
      %add3A_174 = arith.constant 397 : i32
      %add3A_175 = arith.addi %add3A_13, %add3A_174 : i32
      %dma_wait3A_176 = arith.constant 1 : i32
      %dma_wait3A_177 = arith.constant 1 : i32
      %dma_wait3A_178 = arith.constant 0 : i32
      %dma_wait3A_179 = arith.constant 0 : i32
      %dma_wait3A_180 = tpu.memref_slice %arg8[%dma_wait3A_176, %dma_wait3A_178, %dma_wait3A_179] : memref<4x128x128xf32, #tpu.memory_space<vmem>> -> memref<1x128x128xf32, #tpu.memory_space<vmem>>
      %dma_wait3A_181 = tpu.memref_squeeze %dma_wait3A_180 : memref<1x128x128xf32, #tpu.memory_space<vmem>> -> memref<128x128xf32, #tpu.memory_space<vmem>>
      %dma_wait3A_182 = arith.constant 0 : i32
      %dma_wait3A_183 = arith.constant 0 : i32
      %dma_wait3A_184 = tpu.memref_slice %arg4[%add3A_175, %dma_wait3A_182, %dma_wait3A_183] : memref<25600x128x128xf32, #tpu.memory_space<hbm>> -> memref<1x128x128xf32, #tpu.memory_space<hbm>>
      %dma_wait3A_185 = tpu.memref_squeeze %dma_wait3A_184 : memref<1x128x128xf32, #tpu.memory_space<hbm>> -> memref<128x128xf32, #tpu.memory_space<hbm>>
      %dma_wait3A_186 = tpu.memref_slice %arg10[%dma_wait3A_177] : memref<4x!tpu.dma_semaphore, #tpu.memory_space<semaphore_mem>> -> memref<1x!tpu.dma_semaphore, #tpu.memory_space<semaphore_mem>>
      %dma_wait3A_187 = tpu.memref_squeeze %dma_wait3A_186 : memref<1x!tpu.dma_semaphore, #tpu.memory_space<semaphore_mem>> -> memref<!tpu.dma_semaphore, #tpu.memory_space<semaphore_mem>>
      %dma_wait3A_188 = arith.constant 0 : i32
      %dma_wait3A_189 = arith.constant 0 : i32
      %dma_wait3A_190 = tpu.memref_slice %arg4[%add3A_175, %dma_wait3A_188, %dma_wait3A_189] : memref<25600x128x128xf32, #tpu.memory_space<hbm>> -> memref<1x128x128xf32, #tpu.memory_space<hbm>>
      %dma_wait3A_191 = tpu.memref_squeeze %dma_wait3A_190 : memref<1x128x128xf32, #tpu.memory_space<hbm>> -> memref<128x128xf32, #tpu.memory_space<hbm>>
      %dma_wait3A_192 = arith.constant 0 : i32
      %dma_wait3A_193 = arith.constant 0 : i32
      %dma_wait3A_194 = tpu.memref_slice %arg8[%dma_wait3A_176, %dma_wait3A_192, %dma_wait3A_193] : memref<4x128x128xf32, #tpu.memory_space<vmem>> -> memref<1x128x128xf32, #tpu.memory_space<vmem>>
      %dma_wait3A_195 = tpu.memref_squeeze %dma_wait3A_194 : memref<1x128x128xf32, #tpu.memory_space<vmem>> -> memref<128x128xf32, #tpu.memory_space<vmem>>
      tpu.wait_dma2 semaphore(%dma_wait3A_187 : memref<!tpu.dma_semaphore, #tpu.memory_space<semaphore_mem>>) src(%dma_wait3A_195 : memref<128x128xf32, #tpu.memory_space<vmem>>) dst(%dma_wait3A_191 : memref<128x128xf32, #tpu.memory_space<hbm>>)
      %add3A_196 = arith.constant 398 : i32
      %add3A_197 = arith.addi %add3A_13, %add3A_196 : i32
      %dma_wait3A_198 = arith.constant 2 : i32
      %dma_wait3A_199 = arith.constant 2 : i32
      %dma_wait3A_200 = arith.constant 0 : i32
      %dma_wait3A_201 = arith.constant 0 : i32
      %dma_wait3A_202 = tpu.memref_slice %arg8[%dma_wait3A_198, %dma_wait3A_200, %dma_wait3A_201] : memref<4x128x128xf32, #tpu.memory_space<vmem>> -> memref<1x128x128xf32, #tpu.memory_space<vmem>>
      %dma_wait3A_203 = tpu.memref_squeeze %dma_wait3A_202 : memref<1x128x128xf32, #tpu.memory_space<vmem>> -> memref<128x128xf32, #tpu.memory_space<vmem>>
      %dma_wait3A_204 = arith.constant 0 : i32
      %dma_wait3A_205 = arith.constant 0 : i32
      %dma_wait3A_206 = tpu.memref_slice %arg4[%add3A_197, %dma_wait3A_204, %dma_wait3A_205] : memref<25600x128x128xf32, #tpu.memory_space<hbm>> -> memref<1x128x128xf32, #tpu.memory_space<hbm>>
      %dma_wait3A_207 = tpu.memref_squeeze %dma_wait3A_206 : memref<1x128x128xf32, #tpu.memory_space<hbm>> -> memref<128x128xf32, #tpu.memory_space<hbm>>
      %dma_wait3A_208 = tpu.memref_slice %arg10[%dma_wait3A_199] : memref<4x!tpu.dma_semaphore, #tpu.memory_space<semaphore_mem>> -> memref<1x!tpu.dma_semaphore, #tpu.memory_space<semaphore_mem>>
      %dma_wait3A_209 = tpu.memref_squeeze %dma_wait3A_208 : memref<1x!tpu.dma_semaphore, #tpu.memory_space<semaphore_mem>> -> memref<!tpu.dma_semaphore, #tpu.memory_space<semaphore_mem>>
      %dma_wait3A_210 = arith.constant 0 : i32
      %dma_wait3A_211 = arith.constant 0 : i32
      %dma_wait3A_212 = tpu.memref_slice %arg4[%add3A_197, %dma_wait3A_210, %dma_wait3A_211] : memref<25600x128x128xf32, #tpu.memory_space<hbm>> -> memref<1x128x128xf32, #tpu.memory_space<hbm>>
      %dma_wait3A_213 = tpu.memref_squeeze %dma_wait3A_212 : memref<1x128x128xf32, #tpu.memory_space<hbm>> -> memref<128x128xf32, #tpu.memory_space<hbm>>
      %dma_wait3A_214 = arith.constant 0 : i32
      %dma_wait3A_215 = arith.constant 0 : i32
      %dma_wait3A_216 = tpu.memref_slice %arg8[%dma_wait3A_198, %dma_wait3A_214, %dma_wait3A_215] : memref<4x128x128xf32, #tpu.memory_space<vmem>> -> memref<1x128x128xf32, #tpu.memory_space<vmem>>
      %dma_wait3A_217 = tpu.memref_squeeze %dma_wait3A_216 : memref<1x128x128xf32, #tpu.memory_space<vmem>> -> memref<128x128xf32, #tpu.memory_space<vmem>>
      tpu.wait_dma2 semaphore(%dma_wait3A_209 : memref<!tpu.dma_semaphore, #tpu.memory_space<semaphore_mem>>) src(%dma_wait3A_217 : memref<128x128xf32, #tpu.memory_space<vmem>>) dst(%dma_wait3A_213 : memref<128x128xf32, #tpu.memory_space<hbm>>)
      %add3A_218 = arith.constant 399 : i32
      %add3A_219 = arith.addi %add3A_13, %add3A_218 : i32
      %dma_wait3A_220 = arith.constant 3 : i32
      %dma_wait3A_221 = arith.constant 3 : i32
      %dma_wait3A_222 = arith.constant 0 : i32
      %dma_wait3A_223 = arith.constant 0 : i32
      %dma_wait3A_224 = tpu.memref_slice %arg8[%dma_wait3A_220, %dma_wait3A_222, %dma_wait3A_223] : memref<4x128x128xf32, #tpu.memory_space<vmem>> -> memref<1x128x128xf32, #tpu.memory_space<vmem>>
      %dma_wait3A_225 = tpu.memref_squeeze %dma_wait3A_224 : memref<1x128x128xf32, #tpu.memory_space<vmem>> -> memref<128x128xf32, #tpu.memory_space<vmem>>
      %dma_wait3A_226 = arith.constant 0 : i32
      %dma_wait3A_227 = arith.constant 0 : i32
      %dma_wait3A_228 = tpu.memref_slice %arg4[%add3A_219, %dma_wait3A_226, %dma_wait3A_227] : memref<25600x128x128xf32, #tpu.memory_space<hbm>> -> memref<1x128x128xf32, #tpu.memory_space<hbm>>
      %dma_wait3A_229 = tpu.memref_squeeze %dma_wait3A_228 : memref<1x128x128xf32, #tpu.memory_space<hbm>> -> memref<128x128xf32, #tpu.memory_space<hbm>>
      %dma_wait3A_230 = tpu.memref_slice %arg10[%dma_wait3A_221] : memref<4x!tpu.dma_semaphore, #tpu.memory_space<semaphore_mem>> -> memref<1x!tpu.dma_semaphore, #tpu.memory_space<semaphore_mem>>
      %dma_wait3A_231 = tpu.memref_squeeze %dma_wait3A_230 : memref<1x!tpu.dma_semaphore, #tpu.memory_space<semaphore_mem>> -> memref<!tpu.dma_semaphore, #tpu.memory_space<semaphore_mem>>
      %dma_wait3A_232 = arith.constant 0 : i32
      %dma_wait3A_233 = arith.constant 0 : i32
      %dma_wait3A_234 = tpu.memref_slice %arg4[%add3A_219, %dma_wait3A_232, %dma_wait3A_233] : memref<25600x128x128xf32, #tpu.memory_space<hbm>> -> memref<1x128x128xf32, #tpu.memory_space<hbm>>
      %dma_wait3A_235 = tpu.memref_squeeze %dma_wait3A_234 : memref<1x128x128xf32, #tpu.memory_space<hbm>> -> memref<128x128xf32, #tpu.memory_space<hbm>>
      %dma_wait3A_236 = arith.constant 0 : i32
      %dma_wait3A_237 = arith.constant 0 : i32
      %dma_wait3A_238 = tpu.memref_slice %arg8[%dma_wait3A_220, %dma_wait3A_236, %dma_wait3A_237] : memref<4x128x128xf32, #tpu.memory_space<vmem>> -> memref<1x128x128xf32, #tpu.memory_space<vmem>>
      %dma_wait3A_239 = tpu.memref_squeeze %dma_wait3A_238 : memref<1x128x128xf32, #tpu.memory_space<vmem>> -> memref<128x128xf32, #tpu.memory_space<vmem>>
      tpu.wait_dma2 semaphore(%dma_wait3A_231 : memref<!tpu.dma_semaphore, #tpu.memory_space<semaphore_mem>>) src(%dma_wait3A_239 : memref<128x128xf32, #tpu.memory_space<vmem>>) dst(%dma_wait3A_235 : memref<128x128xf32, #tpu.memory_space<hbm>>)
    }
    %scan3A_9 = arith.constant 2 : i32
    return
  }
}

</mosaic_0001>

<sc_bundles>
// kernel: kernel.3.cloned.1.call-start
scs
__scs_entry_jumppad:
0x0: {  	(pc) =	sbr.rel $0x88, $3  }
0x1: {  	(tag) =	ssettag $0x0;
	lr =	simm.s32 $0x1  }
0x2: {  	[smem:$0x3F9F] =	sst lr;
	_ =	strace $0xD0000000  }
0x3: {  	_ = 	snop  }
0x4: {  	_ = 	snop  }
0x5: {  	_ = 	snop  }
0x6: {  	_ = 	snop  }
0x7: {  	_ = 	snop  }
__scs_overlays_trampoline_lowered:
0x8: {  	[smem:$0x3FAE] =	sst s0  }
0x9: {  	[smem:$0x3FAF] =	sst s1  }
0xa: {  	[smem:$0x3FB0] =	sst s2  }
0xb: {  	[smem:$0x3FB1] =	sst s3  }
0xc: {  	[smem:$0x3FB2] =	sst s4  }
0xd: {  	[smem:$0x3FB3] =	sst s5  }
0xe: {  	[smem:$0x3FB4] =	sst s6  }
0xf: {  	[smem:$0x3FB5] =	sst s7  }
0x10: {  	[smem:$0x3FB6] =	sst s8  }
0x11: {  	[smem:$0x3FB7] =	sst s9;
	s0 =	simm.s32 @!p0 $0x0  }
0x12: {  	s1 =	sld [smem:$0x3F9D];
	s0 =	simm.s32 @p0 $0x1  }
0x13: {  	[smem:$0x3FB8] =	sst s0;
	s0 =	simm.s32 @!p1 $0x0  }
0x14: {  	s2 =	sld [smem:$0x3F9C];
	s0 =	simm.s32 @p1 $0x1  }
0x15: {  	[smem:$0x3FB9] =	sst s0;
	s0 =	simm.s32 @!p2 $0x0  }
0x16: {  	s3 =	sld [smem:$0x3FDB];
	s0 =	simm.s32 @p2 $0x1  }
0x17: {  	s4 =	simm.s32 $0x1BF5;
	[smem:$0x3FBB] =	sst s0  }
0x18: {  	s0 =	sld [smem:$0x3F9E];
	_ =	swait.ge [sflag:s4], $0x0  }
0x19: {  	s7 =	sld [smem:$0x3F9F]  }
0x1a: {  	s8 =	sadd.s32 $0xFFFFE003, lr  }
0x1b: {  	s9 =	sadd.s32 $0xFFFFFEF7, lr;
	s5 =	simm.s32 $0xFFFFFFFF;
	p2 =	slt.u32 s8, $0xFFFFF086  }
0x1c: {  	p1 =	slt.u32 s9, $0xF7A;
	s5 =	simm.s32 @!p2 $0x0  }
0x1d: {  	s5 =	simm.s32 @p1 $0x1;
	p0 =	seq.s32 s7, s2  }
0x1e: {  	s7 =	smul.u32 @!p0 $0xF7A, s2;
	p2 =	seq.s32 @!p0 s5, $0x0  }
0x1f: {  	s9 =	smul.u32 $0xF7A, s1;
	s8 =	simm.s32 @!p0 $0x1BF5;
	p2 =	por !p2, p0  }
0x20: {  	[sflag:s8] =	ssyncset.s32 @!p0 $0xFFFFF086;
	s6 =	sadd.s32 @!p0 s3, s7;
	s7 =	simm.s32 @!p0 $0x108  }
0x21: {  	s3 =	sadd.s32 s3, s9;
	s6 =	sadd.s32 @!p0 $0x88, s6;
	s7 =	simm.s32 @p2 $0x1082  }
0x22: {  	[simem:s7], [sflag:s8] =	dma.local @!p0 [hbm:s6], $0xF7A  }
0x23: {  	s9 =	sor.u32 $0xD0000000, s2;
	s6 =	simm.s32 $0x108;
	_ =	swait.ge @!p0 [sflag:s8], $0x0  }
0x24: {  	s3 =	sadd.s32 $0x88, s3;
	s6 =	simm.s32 @!p1 $0x1082;
	[sflag:s4] =	ssyncset.s32 $0xFFFFF086  }
0x25: {  	[simem:s6], [sflag:s4] =	dma.local [hbm:s3], $0xF7A  }
0x26: {  	[smem:$0x3F9F] =	sst s1;
	(tag) =	ssettag s2;
	_ =	strace s9  }
0x27: {  	s1 =	sld [smem:$0x3FAF]  }
0x28: {  	s2 =	sld [smem:$0x3FB0]  }
0x29: {  	s4 =	sld [smem:$0x3FB2]  }
0x2a: {  	p0 =	seq.s32 s5, $0x0;
	s5 =	sld [smem:$0x3FB3]  }
0x2b: {  	s6 =	sld [smem:$0x3FB4]  }
0x2c: {  	s7 =	sld [smem:$0x3FB5]  }
0x2d: {  	s3 =	simm.s32 $0x108;
	s8 =	sld [smem:$0x3FB6]  }
0x2e: {  	s3 =	simm.s32 @!p0 $0x1082;
	s9 =	sld [smem:$0x3FB7]  }
0x2f: {  	lr =	sadd.s32 s0, s3;
	s0 =	sld [smem:$0x3FAE]  }
0x30: {  	s3 =	sld [smem:$0x3FB1]  }
0x31: {  	[smem:$0x3FBA] =	sst s10  }
0x32: {  	s10 =	sld [smem:$0x3FB8];
	_ =	sdelay $0x3  }
0x33: {  	p0 =	seq.s32 s10, $0x1;
	s10 =	sld [smem:$0x3FBA];
	_ =	sdelay $0x3  }
0x34: {  	[smem:$0x3FBA] =	sst s10  }
0x35: {  	s10 =	sld [smem:$0x3FB9];
	_ =	sdelay $0x3  }
0x36: {  	p1 =	seq.s32 s10, $0x1;
	s10 =	sld [smem:$0x3FBA];
	_ =	sdelay $0x3  }
0x37: {  	[smem:$0x3FBA] =	sst s10  }
0x38: {  	s10 =	sld [smem:$0x3FBB]  }
0x39: {  	_ = 	snop;
	(pc) =	sbr.ind lr, $3  }
0x3a: {  	_ = 	snop  }
0x3b: {  	_ = 	snop  }
0x3c: {  	p2 =	seq.s32 s10, $0x1;
	s10 =	sld [smem:$0x3FBA]  }
0x3d: {  	_ =	shalt  }
0x3e: {  	_ =	shalt  }
0x3f: {  	_ =	shalt  }
0x40: {  	_ =	shalt  }
0x41: {  	_ =	shalt  }
0x42: {  	_ =	shalt  }
0x43: {  	_ =	shalt  }
0x44: {  	_ =	shalt  }
0x45: {  	_ =	shalt  }
0x46: {  	_ =	shalt  }
0x47: {  	_ =	shalt  }
0x48: {  	_ =	shalt  }
0x49: {  	_ =	shalt  }
0x4a: {  	_ =	shalt  }
0x4b: {  	_ =	shalt  }
0x4c: {  	_ =	shalt  }
0x4d: {  	_ =	shalt  }
0x4e: {  	_ =	shalt  }
0x4f: {  	_ =	shalt  }
0x50: {  	_ =	shalt  }
0x51: {  	_ =	shalt  }
0x52: {  	_ =	shalt  }
0x53: {  	_ =	shalt  }
0x54: {  	_ =	shalt  }
0x55: {  	_ =	shalt  }
0x56: {  	_ =	shalt  }
0x57: {  	_ =	shalt  }
0x58: {  	_ =	shalt  }
0x59: {  	_ =	shalt  }
0x5a: {  	_ =	shalt  }
0x5b: {  	_ =	shalt  }
0x5c: {  	_ =	shalt  }
0x5d: {  	_ =	shalt  }
0x5e: {  	_ =	shalt  }
0x5f: {  	_ =	shalt  }
0x60: {  	_ =	shalt  }
0x61: {  	_ =	shalt  }
0x62: {  	_ =	shalt  }
0x63: {  	_ =	shalt  }
0x64: {  	_ =	shalt  }
0x65: {  	_ =	shalt  }
0x66: {  	_ =	shalt  }
0x67: {  	_ =	shalt  }
0x68: {  	_ =	shalt  }
0x69: {  	_ =	shalt  }
0x6a: {  	_ =	shalt  }
0x6b: {  	_ =	shalt  }
0x6c: {  	_ =	shalt  }
0x6d: {  	_ =	shalt  }
0x6e: {  	_ =	shalt  }
0x6f: {  	_ =	shalt  }
0x70: {  	_ =	shalt  }
0x71: {  	_ =	shalt  }
0x72: {  	_ =	shalt  }
0x73: {  	_ =	shalt  }
0x74: {  	_ =	shalt  }
0x75: {  	_ =	shalt  }
0x76: {  	_ =	shalt  }
0x77: {  	_ =	shalt  }
0x78: {  	_ =	shalt  }
0x79: {  	_ =	shalt  }
0x7a: {  	_ =	shalt  }
0x7b: {  	_ =	shalt  }
0x7c: {  	_ =	shalt  }
0x7d: {  	_ =	shalt  }
0x7e: {  	_ =	shalt  }
0x7f: {  	_ =	shalt  }
0x80: {  	_ =	shalt  }
0x81: {  	_ =	shalt  }
0x82: {  	_ =	shalt  }
0x83: {  	_ =	shalt  }
0x84: {  	_ =	shalt  }
0x85: {  	_ =	shalt  }
0x86: {  	_ =	shalt  }
0x87: {  	_ =	shalt  }
.Lfunc_end0:
.L_simem_size_0:
called_computation_lowered:
.L_overlay_start_0:
0x88: {  	s2 =	sld [smem:$0x3FD9]  }
0x89: {  	s3 =	sld [smem:$0x3FFE];
	_ =	sdelay $0x1  }
0x8a: {  	s1 =	srdreg.scid  }
0x8b: {  	s0 =	sand.u32 $0x1, s1  }
0x8c: {  	s17 =	sshll.u32 s0, $0xA;
	s2 =	sadd.s32 s3, s2  }
0x8d: {  	s2 =	sadd.s32 s2, s17  }
0x8e: {  	[smem:$0x3FC6] =	sst s2  }
0x8f: {  	_ = 	snop  }
0x90: {  	s2 =	sld [smem:$0x3FC8]  }
0x91: {  	s18 =	sld [smem:$0x3FD0];
	(tm) =	ssettm $0x1  }
0x92: {  	s4 =	sld [smem:$0x3FFB];
	_ =	sdelay $0x3  }
0x93: {  	_ =	strace s4  }
0x94: {  	s4 =	sld [smem:$0x3FFC];
	_ =	sdelay $0x3  }
0x95: {  	_ =	strace s4  }
0x96: {  	s4 =	sld [smem:$0x3FFD];
	_ =	sdelay $0x3  }
0x97: {  	_ =	strace s4  }
0x98: {  	_ =	strace $0x8FFFFFFF  }
0x99: {  	s19 =	sld [smem:$0x3FDB];
	_ =	sdelay $0x1  }
0x9a: {  	s5 =	simm.s32 $_scs_section_size  }
0x9b: {  	s6 =	simm.s32 $_size__tile_overlayer_lowered;
	s7 =	simm.s32 $_tile_overlayer_lowered  }
0x9c: {  	s22 =	simm.s32 $0x1BFF;
	s21 =	sshll.u32 s7, $0x1;
	s4 =	sadd.s32 s5, s19  }
0x9d: {  	s8 =	simm.s32 $0x0;
	s20 =	sshll.u32 s6, $0x1;
	s6 =	sadd.s32 s21, s4  }
0x9e: {  	[timem:s8], [sflag:s22] =	dma.local [hbm:s6], s20  }
0x9f: {  	_ =	swait.ge [sflag:s22], s20  }
0xa0: {  	s5 =	ssub.s32 $0x0, s20;
	[sflag:s22] =	ssyncset.done $0x0  }
0xa1: {  	[sflag:s22] =	ssyncadd.s32 s5;
	_ =	sdelay $0x1  }
0xa2: {  	s23 =	simm.s32 $0x1B8B  }
0xa3: {  	_ =	swait.ge [sflag:s23], $0x1  }
0xa4: {  	[sflag:s23] =	ssyncset.done $0x0  }
0xa5: {  	s25 =	simm.s32 $0x1B8E;
	s24 =	sld [smem:$0x3FFE];
	[sflag:s23] =	ssyncadd.s32 $0xFFFFFFFF  }
0xa6: {  	s26 =	simm.s32 $execute0_lowered;
	[smem:$0x3FD2] =	sst s25  }
0xa7: {  	s6 =	sshll.u32 s26, $0x1;
	_ =	strace $0x80000046;
	[dreg:$0x1] =	wrdreg $0xFFFFFFFF  }
0xa8: {  	s28 =	simm.s32 $_size_execute0_lowered;
	s4 =	sadd.s32 s4, s6;
	[dreg:$0x0] =	wrdreg $0x0  }
0xa9: {  	s6 =	sshll.u32 s28, $0x1;
	[dreg:$0x2] =	wrdreg s4  }
0xaa: {  	[dreg:$0x3] =	wrdreg s6  }
0xab: {  	[dreg:$0x4] =	wrdreg $0xC0  }
0xac: {  	_ =	task [dreg:s8], $0x5FFFF  }
0xad: {  	[dreg:$0x1] =	wrdreg $0xFFFFFFFF  }
0xae: {  	[dreg:$0x0] =	wrdreg $0x60  }
0xaf: {  	[dreg:$0x2] =	wrdreg s2  }
0xb0: {  	[dreg:$0x3] =	wrdreg s24  }
0xb1: {  	[dreg:$0x4] =	wrdreg s18  }
0xb2: {  	[dreg:$0x5] =	wrdreg $0x0  }
0xb3: {  	[dreg:$0x6] =	wrdreg $0x9  }
0xb4: {  	_ =	task.clear_ibuf [dreg:s8], $0x7FFFF;
	_ =	strace $0x90000046  }
0xb5: {  	s29 =	simm.s32 $0x9;
	_ =	strace $0x80000048  }
0xb6: {  	_ =	swait.ge [sflag:s29], $0x1  }
0xb7: {  	[sflag:s29] =	ssyncadd.s32 $0xFFFFFFFF  }
0xb8: {  	_ =	strace $0x90000048  }
0xb9: {  	_ =	sfence  }
0xba: {  	s30 =	sld [smem:$0x0];
	_ =	sdelay $0x2  }
0xbb: {  	s31 =	sshll.u32 s1, $0xD;
	s1 =	sshrl.u32 s1, $0x2  }
0xbc: {  	s3 =	sand.u32 $0x4000, s31;
	s1 =	sadd.s32 s1, s30  }
0xbd: {  	s0 =	sor.u32 s3, s0;
	s1 =	sshll.u32 s1, $0x11  }
0xbe: {  	s0 =	sor.u32 s1, s0  }
0xbf: {  	s0 =	sadd.s32 $0x8F2B, s0  }
0xc0: {  	[sflag:s0] =	ssyncadd.remote.s32 $0x1  }
0xc1: {  	_ =	sfence.sel $0xFFFF  }
0xc2: {  	[dreg:$0x0] =	wrdreg $0xFFFFFFFF;
	(pc) =	sbr.abs _section_cstart, $3  }
0xc3: {  	[dreg:$0x1] =	wrdreg $0xFFFFFFFF  }
0xc4: {  	_ =	task.clear_ibuf [dreg:s8], $0x2FFFF;
	_ =	strace $0x9FFFFFFF  }
0xc5: {  	(tm) =	ssettm $0x7FFFFFFF  }
tec
execute0_lowered:
.L_overlay_start_1:
0x0: {  	(tag) =	ssettag $0x1  }
0x1: {  	s0 =	rddreg [dreg:$0x1]  }
0x2: {  	s2 =	rddreg [dreg:$0x2]  }
0x3: {  	s3 =	rddreg [dreg:$0x3];
	s4 =	simm.s32 $0x0  }
0x4: {  	s1 =	srdreg.scid;
	s5 =	stileid.u32;
	s10 =	simm.s32 $0x9  }
0x5: {  	s13 =	simm.s32 $0xCA18;
	s14 =	simm.s32 $0x1;
	s15 =	simm.s32 $0x10A18  }
0x6: {  	s16 =	simm.s32 $0x3;
	s17 =	simm.s32 $0x14A18;
	s18 =	simm.s32 $0x18A18  }
0x7: {  	s20 =	simm.s32 $0x6;
	s1 =	sand.u32 $0x1, s1;
	s7 =	sshll.u32 s5, $0x1  }
0x8: {  	[smem:$0x7FF] =	sst s4;
	s6 =	ssub.s32 $0x2, s1;
	s1 =	sor.u32 s1, s7  }
0x9: {  	s0 =	sadd.s32 $0x400, s0;
	s31 =	sshrl.u32 s6, $0x1;
	s1 =	smul.u32 $0x320, s1  }
0xa: {  	_ =	strace $0x80000047;
	[dreg:$0x5] =	wrdreg s0;
	s0 =	ssub.s32 s6, s31  }
0xb: {  	p0 =	sne.s32 s5, $0x0;
	[dreg:$0x6] =	wrdreg s1;
	s0 =	smax.u32 s0, $0x1  }
0xc: {  	s21 =	simm.s32 $0x7;
	[dreg:$0x7] =	wrdreg s0;
	s0 =	sshrl.u32 @!p0 s3, $0x3  }
0xd: {  	s22 =	simm.s32 $0x8;
	s1 =	simm.s32 $0x0;
	[dreg:$0x8] =	wrdreg s0  }
.LBB2_1:
0xe: {  	[dreg:$0x9] =	wrdreg s1  }
0xf: {  	s1 =	rddreg [dreg:$0x0]  }
0x10: {  	s0 =	simm.s32 @!p0 $0x1C09;
	s5 =	rddreg [dreg:$0x8]  }
0x11: {  	[spmem:s5], [sflag:s0] =	dma.local @!p0 [hbm:s1], $0x30  }
0x12: {  	s0 =	simm.s32 @!p0 $0x9  }
0x13: {  	_ =	swait.ge @!p0 [sflag:s0], $0x30  }
0x14: {  	[sflag:s0] =	ssyncset.done @!p0 $0x0  }
0x15: {  	s31 =	simm.s32 $0x18;
	[sflag:s0] =	ssyncadd.s32 @!p0 $0xFFFFFFD0  }
0x16: {  	[tilespmem:s31], [sflag:$0x9] =	stream.linear.gather [hbm4b:s1+s4], $0x180, $0x38;
	[tilespmem:$0x1CA18] =	vst v63  }
0x17: {  	_ =	swait.ge [sflag:s10], $0x180  }
0x18: {  	[sflag:s10] =	ssyncset.done $0x0  }
0x19: {  	[sflag:s10] =	ssyncadd.s32 $0xFFFFFE80  }
0x1a: {  	p2 =	por $0x1, $0x1;
	s0 =	simm.s32 $0x0;
	[bflag:$0x0] =	sbarrier.arrive $0xFFFF  }
.LBB2_2:
0x1b: {  	s1 =	rddreg [dreg:$0x6]  }
0x1c: {  	s24 =	sadd.s32 s1, s0  }
0x1d: {  	s29 =	rddreg [dreg:$0x5];
	s0 =	sshll.u32 s24, $0x4  }
0x1e: {  	s25 =	simm.s32 $0x0;
	s30 =	simm.s32 $0x218;
	s0 =	sadd.s32 s29, s0  }
0x1f: {  	[tilespmem:s30], [sflag:$0x9] =	stream.linear.gather [hbm4b:s0+s25], $0xC800, $0x38;
	[tilespmem:$0x1CA18] =	vst v63  }
0x20: {  	_ =	swait.ge [sflag:s10], $0xC800  }
0x21: {  	[sflag:s10] =	ssyncset.done $0x0  }
0x22: {  	[sflag:s10] =	ssyncadd.s32 $0xFFFF3800  }
0x23: {  	v0 =	vld [tilespmem:$0x18]  }
0x24: {  	v2 =	vld [tilespmem:$0x28]  }
0x25: {  	v3 =	vld [tilespmem:$0x38]  }
0x26: {  	v4 =	vld [tilespmem:$0x48]  }
0x27: {  	v5 =	vld [tilespmem:$0x58]  }
0x28: {  	v6 =	vld [tilespmem:$0x68]  }
0x29: {  	v7 =	vld [tilespmem:$0x78]  }
0x2a: {  	v8 =	vld [tilespmem:$0x88]  }
0x2b: {  	v9 =	vld [tilespmem:$0x98]  }
0x2c: {  	v10 =	vld [tilespmem:$0xA8]  }
0x2d: {  	v11 =	vld [tilespmem:$0xB8]  }
0x2e: {  	v12 =	vld [tilespmem:$0xC8]  }
0x2f: {  	v13 =	vld [tilespmem:$0xD8]  }
0x30: {  	v14 =	vld [tilespmem:$0xE8]  }
0x31: {  	v15 =	vld [tilespmem:$0xF8]  }
0x32: {  	v16 =	vld [tilespmem:$0x108]  }
0x33: {  	v17 =	vld [tilespmem:$0x118]  }
0x34: {  	v52 =	vld [tilespmem:$0x128]  }
0x35: {  	v19 =	vld [tilespmem:$0x138]  }
0x36: {  	v20 =	vld [tilespmem:$0x148]  }
0x37: {  	v21 =	vld [tilespmem:$0x158]  }
0x38: {  	v22 =	vld [tilespmem:$0x168]  }
0x39: {  	s31 =	simm.s32 $0x80;
	v23 =	vld [tilespmem:$0x178]  }
0x3a: {  	v1 =	vld [tilespmem:$0x188];
	[tilespmem:s13], [sflag:$0x1] =	stream.indirect.gather [spmem:s3], $0x80, s30, s31, $0xb8  }
0x3b: {  	p1 =	por p2, p2;
	s28 =	simm.s32 $0x398;
	s0 =	simm.s32 $0x298;
	[tilespmem:$0x1FFF0] =	vst v0  }
.LBB2_3:
0x3c: {  	s1 =	sshll.u32 s25, $0x2  }
0x3d: {  	_ =	swait.ge [sflag:s14], $0x4000;
	s5 =	sadd.s32 s24, s1  }
0x3e: {  	[sflag:s14] =	ssyncset.done $0x0;
	s5 =	sshll.u32 s5, $0xB  }
0x3f: {  	p2 =	sne.s32 s25, $0x0;
	[sflag:s14] =	ssyncadd.s32 $0xFFFFC000;
	s5 =	sadd.s32 s2, s5  }
0x40: {  	[hbm4b:s5+s4] =	stream.linear.scatter [tilespmem:s13], [sflag:$0x5], $0x4000, $0x38;
	[tilespmem:$0x1CA18] =	vst v63  }
0x41: {  	s5 =	simm.s32 @p2 $0x7  }
0x42: {  	s30 =	sor.u32 $0x2, s1;
	_ =	swait.ge @p2 [sflag:s5], $0x4000  }
0x43: {  	s6 =	sshll.u32 @p2 s30, $0x7;
	[sflag:s5] =	ssyncset.done @p2 $0x0  }
0x44: {  	[sflag:s5] =	ssyncadd.s32 @p2 $0xFFFFC000;
	s5 =	sand.u32 @p2 $0x3FFFFF80, s6  }
0x45: {  	s7 =	simm.s32 @p2 $0x14A18;
	s6 =	simm.s32 @p2 $0x80;
	s5 =	sadd.s32 @p2 $0x218, s5  }
0x46: {  	[tilespmem:s7], [sflag:$0x3] =	stream.indirect.gather @p2 [spmem:s3], $0x80, s5, s6, $0xb8;
	[tilespmem:$0x1CA18] =	vst v63  }
0x47: {  	s29 =	sshllo.u32 s25, $0x2;
	s5 =	simm.s32 @p2 $0x6  }
0x48: {  	s26 =	smov.u32 s0;
	s9 =	simm.s32 $0x0;
	_ =	swait.ge @p2 [sflag:s5], $0x4000  }
0x49: {  	s31 =	sor.u32 $0x1, s1;
	s6 =	simm.s32 @!p2 $0x318;
	[sflag:s5] =	ssyncset.done @p2 $0x0  }
0x4a: {  	s7 =	simm.s32 @!p2 $0x14A18;
	[sflag:s5] =	ssyncadd.s32 @p2 $0xFFFFC000;
	s5 =	simm.s32 @!p2 $0x80  }
0x4b: {  	[tilespmem:s7], [sflag:$0x3] =	stream.indirect.gather @!p2 [spmem:s3], $0x80, s6, s5, $0xb8;
	[tilespmem:$0x1CA18] =	vst v63  }
.LBB2_4:
0x4c: {  	v24 =	vld [tilespmem:s26+$0x0];
	_ =	sdelay $0x4  }
0x4d: {  	(v2sf) =	vpush v24, $0x0;
	_ =	sdelay $0xb  }
0x4e: {  	(v2sf) =	vpush v24, $0x1;
	_ =	sdelay $0x2  }
0x4f: {  	s1 =	spop (v2sf)  }
0x50: {  	s1 =	scvt.s32.f32 s1;
	_ =	sdelay $0x1  }
0x51: {  	s5 =	ssub.f32 $1.000000000e+00, s1  }
0x52: {  	s6 =	ssub.f32 $2.000000000e+00, s1;
	_ =	sdelay $0x1  }
0x53: {  	s5 =	smul.f32 s6, s5  }
0x54: {  	s6 =	smul.f32 s1, s6  }
0x55: {  	v18 =	vld [tilespmem:$0x1FFF0];
	s7 =	sadd.f32 $-1.000000000e+00, s1  }
0x56: {  	v26 =	vmul.f32 s6, v9;
	v28 =	vmul.f32 s6, v10  }
0x57: {  	s1 =	smul.f32 s1, s7;
	v30 =	vmul.f32 s6, v11;
	v48 =	vmul.f32 s6, v12  }
0x58: {  	s5 =	smul.f32 $5.000000000e-01, s5;
	v54 =	vmul.f32 s6, v13;
	v57 =	vmul.f32 s6, v14  }
0x59: {  	s23 =	spop (v2sf);
	s1 =	smul.f32 $5.000000000e-01, s1;
	v59 =	vmul.f32 s6, v15;
	v31 =	vmul.f32 s6, v16  }
0x5a: {  	(v2sf) =	vpush v24, $0x2;
	s7 =	scvt.s32.f32 s23;
	v25 =	vmul.f32 s5, v18;
	v27 =	vmul.f32 s5, v2  }
0x5b: {  	v45 =	vmul.f32 s1, v17;
	v29 =	vmul.f32 s1, v52  }
0x5c: {  	s8 =	ssub.f32 $1.000000000e+00, s7;
	v46 =	vmul.f32 s5, v3;
	v47 =	vmul.f32 s5, v4  }
0x5d: {  	s12 =	ssub.f32 $2.000000000e+00, s7;
	v50 =	vmul.f32 s1, v19;
	v51 =	vmul.f32 s1, v20  }
0x5e: {  	v53 =	vmul.f32 s5, v5;
	v55 =	vmul.f32 s1, v21  }
0x5f: {  	(v2sf) =	vpush v24, $0x3;
	s19 =	sadd.f32 $-1.000000000e+00, s7;
	v56 =	vmul.f32 s5, v6;
	s8 =	smul.f32 s12, s8;
	v58 =	vmul.f32 s5, v7  }
0x60: {  	v60 =	vmul.f32 s5, v8;
	v32 =	vmul.f32 s1, v22;
	s23 =	smul.f32 s7, s12;
	v25 =	vadd.f32 v25, v26  }
0x61: {  	v61 =	vmul.f32 s1, v23;
	s7 =	smul.f32 s7, s19;
	v27 =	vadd.f32 v27, v28;
	v49 =	vadd.f32 v46, v30  }
0x62: {  	v62 =	vmul.f32 s1, v1;
	s8 =	smul.f32 $5.000000000e-01, s8;
	v26 =	vadd.f32 v60, v31;
	v33 =	vadd.f32 v25, v45  }
0x63: {  	s1 =	smul.f32 $5.000000000e-01, s7;
	v41 =	vmul.f32 s23, v10;
	v0 =	vadd.f32 v27, v29;
	v25 =	vadd.f32 v47, v48  }
0x64: {  	v35 =	vadd.f32 v49, v50;
	v63 =	vmul.f32 s8, v18;
	v40 =	vmul.f32 s8, v2  }
0x65: {  	v27 =	vadd.f32 v53, v54;
	v42 =	vmul.f32 s1, v17;
	v43 =	vmul.f32 s1, v52  }
0x66: {  	v29 =	vadd.f32 v58, v59;
	v44 =	vmul.f32 s8, v3;
	v45 =	vmul.f32 s23, v11  }
0x67: {  	v36 =	vadd.f32 v26, v62;
	v46 =	vmul.f32 s8, v4;
	v47 =	vmul.f32 s23, v12  }
0x68: {  	v58 =	vmul.f32 s23, v13;
	v59 =	vmul.f32 s1, v21;
	v34 =	vadd.f32 v25, v51  }
0x69: {  	v60 =	vmul.f32 s8, v6;
	v25 =	vadd.f32 v56, v57;
	v39 =	vadd.f32 v27, v55;
	s11 =	spop (v2sf)  }
0x6a: {  	v37 =	vadd.f32 v29, v61;
	v27 =	vadd.f32 v40, v41;
	v55 =	vmul.f32 s1, v19;
	s6 =	scvt.s32.f32 s11  }
0x6b: {  	v53 =	vadd.f32 v44, v45;
	v56 =	vmul.f32 s1, v20;
	v57 =	vmul.f32 s8, v5  }
0x6c: {  	v40 =	vmul.f32 s8, v7;
	v38 =	vadd.f32 v25, v32;
	v32 =	vmul.f32 s23, v9;
	s12 =	ssub.f32 $1.000000000e+00, s6  }
0x6d: {  	v41 =	vmul.f32 s23, v15;
	v44 =	vmul.f32 s1, v22;
	(v2sf) =	vpush v24, $0x4;
	s19 =	ssub.f32 $2.000000000e+00, s6  }
0x6e: {  	v45 =	vmul.f32 s1, v23;
	v51 =	vadd.f32 v27, v43;
	v25 =	vadd.f32 v63, v32  }
0x6f: {  	v62 =	vadd.f32 v53, v55;
	v27 =	vadd.f32 v57, v58;
	v43 =	vmul.f32 s23, v16;
	s7 =	smul.f32 s19, s12  }
0x70: {  	v54 =	vadd.f32 v25, v42;
	v25 =	vadd.f32 v46, v47;
	v42 =	vmul.f32 s8, v8;
	s8 =	smul.f32 s6, s19  }
0x71: {  	v29 =	vadd.f32 v40, v41;
	v63 =	vmul.f32 s23, v14;
	v46 =	vmul.f32 s1, v1  }
0x72: {  	s23 =	sadd.f32 $-1.000000000e+00, s6;
	s5 =	smul.f32 $5.000000000e-01, s7;
	v61 =	vadd.f32 v25, v56;
	v49 =	vmul.f32 s8, v9;
	v53 =	vmul.f32 s8, v10  }
0x73: {  	v25 =	vadd.f32 v60, v63;
	v58 =	vmul.f32 s8, v11;
	v60 =	vmul.f32 s8, v12  }
0x74: {  	s11 =	smul.f32 s6, s23;
	v26 =	vadd.f32 v42, v43;
	v43 =	vmul.f32 s8, v13;
	v48 =	vmul.f32 s5, v18  }
0x75: {  	s12 =	spop (v2sf);
	v47 =	vadd.f32 v29, v45;
	v50 =	vmul.f32 s5, v2;
	v57 =	vmul.f32 s5, v3  }
0x76: {  	v27 =	vadd.f32 v27, v59;
	s6 =	scvt.s32.f32 s12;
	s1 =	smul.f32 $5.000000000e-01, s11;
	v59 =	vmul.f32 s5, v4;
	v42 =	vmul.f32 s5, v5  }
0x77: {  	(v2sf) =	vpush v24, $0x5;
	[tilespmem:$0x1FE70] =	vst v47;
	v45 =	vmul.f32 s5, v6;
	v47 =	vmul.f32 s5, v7  }
0x78: {  	s19 =	ssub.f32 $1.000000000e+00, s6;
	v25 =	vadd.f32 v25, v44;
	v55 =	vmul.f32 s1, v17;
	v56 =	vmul.f32 s1, v52  }
0x79: {  	s23 =	ssub.f32 $2.000000000e+00, s6;
	v63 =	vadd.f32 v26, v46;
	v40 =	vmul.f32 s1, v19;
	v41 =	vmul.f32 s1, v20  }
0x7a: {  	[tilespmem:$0x1FE50] =	vst v27;
	v44 =	vmul.f32 s1, v21;
	v46 =	vmul.f32 s8, v14;
	v27 =	vadd.f32 v50, v53  }
0x7b: {  	s7 =	smul.f32 s23, s19;
	v50 =	vmul.f32 s8, v16;
	v53 =	vmul.f32 s1, v22;
	[tilespmem:$0x1FE60] =	vst v25;
	v25 =	vadd.f32 v48, v49  }
0x7c: {  	s19 =	sadd.f32 $-1.000000000e+00, s6;
	s23 =	smul.f32 s6, s23;
	v32 =	vadd.f32 v57, v58;
	v48 =	vmul.f32 s8, v15;
	v49 =	vmul.f32 s5, v8  }
0x7d: {  	s8 =	smul.f32 $5.000000000e-01, s7;
	v27 =	vadd.f32 v27, v56;
	v56 =	vmul.f32 s1, v1;
	v25 =	vadd.f32 v25, v55  }
0x7e: {  	s7 =	smul.f32 s6, s19;
	v29 =	vadd.f32 v47, v48;
	v55 =	vmul.f32 s1, v23;
	v26 =	vadd.f32 v49, v50  }
0x7f: {  	v50 =	vmul.f32 s8, v5;
	[tilespmem:$0x1FE90] =	vst v27;
	v27 =	vadd.f32 v32, v40;
	v32 =	vmul.f32 s8, v2  }
0x80: {  	s1 =	smul.f32 $5.000000000e-01, s7;
	v40 =	vmul.f32 s23, v10;
	s11 =	spop (v2sf);
	(v2sf) =	vpush v24, $0x6;
	[tilespmem:$0x1FE80] =	vst v25;
	v25 =	vadd.f32 v59, v60  }
0x81: {  	v57 =	vadd.f32 v29, v55;
	v59 =	vmul.f32 s8, v18;
	v60 =	vmul.f32 s23, v9  }
0x82: {  	v58 =	vadd.f32 v26, v56;
	s6 =	scvt.s32.f32 s11;
	v48 =	vmul.f32 s1, v19;
	v49 =	vmul.f32 s1, v20  }
0x83: {  	v55 =	vmul.f32 s1, v21;
	v56 =	vmul.f32 s8, v6;
	[tilespmem:$0x1FEA0] =	vst v27;
	v27 =	vadd.f32 v42, v43  }
0x84: {  	v42 =	vmul.f32 s1, v52;
	v43 =	vmul.f32 s8, v3;
	v25 =	vadd.f32 v25, v41;
	[tilespmem:$0x1FEE0] =	vst v57;
	s12 =	ssub.f32 $1.000000000e+00, s6  }
0x85: {  	[tilespmem:$0x1FEF0] =	vst v58;
	v41 =	vmul.f32 s1, v17;
	s19 =	ssub.f32 $2.000000000e+00, s6;
	v57 =	vmul.f32 s23, v14;
	v27 =	vadd.f32 v27, v44  }
0x86: {  	v58 =	vmul.f32 s8, v7;
	v44 =	vmul.f32 s23, v11;
	[tilespmem:$0x1FEB0] =	vst v25;
	v25 =	vadd.f32 v45, v46  }
0x87: {  	v45 =	vmul.f32 s8, v4;
	v46 =	vmul.f32 s23, v12;
	s7 =	smul.f32 s19, s12;
	[tilespmem:$0x1FEC0] =	vst v27;
	v27 =	vadd.f32 v32, v40  }
0x88: {  	v47 =	vadd.f32 v43, v44;
	v40 =	vmul.f32 s23, v16;
	v25 =	vadd.f32 v25, v53  }
0x89: {  	v43 =	vmul.f32 s1, v1;
	v53 =	vmul.f32 s23, v13;
	s5 =	smul.f32 $5.000000000e-01, s7;
	v27 =	vadd.f32 v27, v42  }
0x8a: {  	v42 =	vmul.f32 s1, v23;
	[tilespmem:$0x1FED0] =	vst v25;
	v25 =	vadd.f32 v59, v60;
	v59 =	vmul.f32 s23, v15;
	s23 =	sadd.f32 $-1.000000000e+00, s6  }
0x8b: {  	v60 =	vmul.f32 s8, v8;
	s8 =	smul.f32 s6, s19;
	[tilespmem:$0x1FF10] =	vst v27;
	v27 =	vadd.f32 v47, v48;
	v48 =	vmul.f32 s5, v2  }
0x8c: {  	v25 =	vadd.f32 v25, v41;
	v41 =	vmul.f32 s1, v22;
	v29 =	vadd.f32 v58, v59;
	s7 =	smul.f32 s6, s23  }
0x8d: {  	v26 =	vadd.f32 v60, v40;
	v47 =	vmul.f32 s8, v9;
	v60 =	vmul.f32 s8, v11  }
0x8e: {  	v40 =	vmul.f32 s5, v4;
	[tilespmem:$0x1FF00] =	vst v25;
	v25 =	vadd.f32 v45, v46;
	v44 =	vadd.f32 v29, v42;
	s1 =	smul.f32 $5.000000000e-01, s7  }
0x8f: {  	[tilespmem:$0x1FF20] =	vst v27;
	v27 =	vadd.f32 v50, v53;
	v45 =	vadd.f32 v26, v43;
	v46 =	vmul.f32 s5, v18  }
0x90: {  	s11 =	spop (v2sf);
	v25 =	vadd.f32 v25, v49;
	[tilespmem:$0x1FF50] =	vst v44;
	v49 =	vmul.f32 s8, v10;
	v50 =	vmul.f32 s1, v17  }
0x91: {  	(v2sf) =	vpush v24, $0x7;
	s6 =	scvt.s32.f32 s11;
	[tilespmem:$0x1FF60] =	vst v45;
	v53 =	vmul.f32 s1, v52;
	v43 =	vmul.f32 s1, v19  }
0x92: {  	v44 =	vmul.f32 s1, v20;
	v45 =	vmul.f32 s5, v5;
	[tilespmem:$0x1FF30] =	vst v25;
	v25 =	vadd.f32 v56, v57  }
0x93: {  	s12 =	ssub.f32 $1.000000000e+00, s6;
	v59 =	vmul.f32 s1, v23;
	v56 =	vadd.f32 v27, v55;
	v55 =	vmul.f32 s5, v3  }
0x94: {  	s19 =	ssub.f32 $2.000000000e+00, s6;
	v27 =	vadd.f32 v48, v49;
	v48 =	vmul.f32 s5, v6;
	v25 =	vadd.f32 v25, v41  }
0x95: {  	v49 =	vmul.f32 s8, v14;
	v57 =	vmul.f32 s1, v22;
	v42 =	vadd.f32 v55, v60  }
0x96: {  	s7 =	smul.f32 s19, s12;
	v41 =	vmul.f32 s8, v12;
	v27 =	vadd.f32 v27, v53;
	[tilespmem:$0x1FF40] =	vst v25;
	v25 =	vadd.f32 v46, v47  }
0x97: {  	v53 =	vmul.f32 s8, v15;
	v60 =	vadd.f32 v42, v43;
	v46 =	vmul.f32 s8, v13  }
0x98: {  	s7 =	smul.f32 $5.000000000e-01, s7;
	v47 =	vmul.f32 s1, v21;
	v58 =	vadd.f32 v25, v50;
	v25 =	vadd.f32 v40, v41  }
0x99: {  	s23 =	sadd.f32 $-1.000000000e+00, s6;
	[tilespmem:$0x1FF70] =	vst v27;
	v27 =	vadd.f32 v45, v46;
	v50 =	vmul.f32 s5, v7;
	v40 =	vmul.f32 s5, v8  }
0x9a: {  	v41 =	vmul.f32 s8, v16;
	s5 =	smul.f32 s6, s19;
	v45 =	vmul.f32 s7, v18;
	v55 =	vadd.f32 v25, v44  }
0x9b: {  	s6 =	smul.f32 s6, s23;
	v25 =	vadd.f32 v48, v49;
	v29 =	vadd.f32 v50, v53;
	v44 =	vmul.f32 s1, v1  }
0x9c: {  	v50 =	vadd.f32 v27, v47;
	v46 =	vmul.f32 s5, v9;
	v47 =	vmul.f32 s7, v2  }
0x9d: {  	s11 =	spop (v2sf);
	v43 =	vadd.f32 v40, v41;
	s1 =	smul.f32 $5.000000000e-01, s6;
	v48 =	vmul.f32 s5, v10;
	v40 =	vmul.f32 s7, v3  }
0x9e: {  	v41 =	vmul.f32 s5, v11;
	s6 =	scvt.s32.f32 s11;
	v25 =	vadd.f32 v25, v57;
	v42 =	vadd.f32 v29, v59  }
0x9f: {  	v27 =	vadd.f32 v45, v46;
	v49 =	vmul.f32 s1, v17;
	v53 =	vmul.f32 s1, v52  }
0xa0: {  	v45 =	vmul.f32 s1, v19;
	s12 =	ssub.f32 $1.000000000e+00, s6;
	v46 =	vmul.f32 s1, v20;
	[tilespmem:$0x1FF80] =	vst v25  }
0xa1: {  	s19 =	ssub.f32 $2.000000000e+00, s6;
	[tilespmem:$0x1FF90] =	vst v42;
	v25 =	vadd.f32 v43, v44;
	v59 =	vadd.f32 v27, v49;
	v42 =	vmul.f32 s7, v4  }
0xa2: {  	v43 =	vmul.f32 s5, v12;
	v44 =	vadd.f32 v40, v41;
	v49 =	vmul.f32 s1, v21  }
0xa3: {  	v41 =	vmul.f32 s5, v14;
	s8 =	smul.f32 s19, s12;
	s12 =	spop (v2sf);
	[tilespmem:$0x1FFA0] =	vst v25;
	v25 =	vadd.f32 v47, v48;
	v47 =	vmul.f32 s7, v5  }
0xa4: {  	s12 =	scvt.s32.f32 s12;
	v27 =	vadd.f32 v42, v43;
	v42 =	vmul.f32 s7, v7;
	v43 =	vmul.f32 s5, v15  }
0xa5: {  	v57 =	vadd.f32 v44, v45;
	v48 =	vmul.f32 s5, v13;
	v44 =	vmul.f32 s1, v22  }
0xa6: {  	v45 =	vmul.f32 s1, v23;
	v29 =	vadd.f32 v42, v43;
	v42 =	vmul.f32 s1, v1;
	s1 =	ssub.f32 $1.000000000e+00, s12  }
0xa7: {  	v53 =	vadd.f32 v25, v53;
	v25 =	vadd.f32 v47, v48;
	v47 =	vmul.f32 s5, v16;
	s5 =	smul.f32 s6, s19;
	s19 =	ssub.f32 $2.000000000e+00, s12  }
0xa8: {  	s11 =	sadd.f32 $-1.000000000e+00, s6;
	s23 =	smul.f32 $5.000000000e-01, s8  }
0xa9: {  	v27 =	vadd.f32 v27, v46;
	s1 =	smul.f32 s19, s1  }
0xaa: {  	v40 =	vmul.f32 s7, v6;
	s6 =	smul.f32 s6, s11  }
0xab: {  	(v2sf) =	vpush v24, $0x8;
	v46 =	vmul.f32 s7, v8;
	[tilespmem:$0x1FFB0] =	vst v27;
	s7 =	smul.f32 $5.000000000e-01, s1;
	s1 =	sshra.s32 s9, $0x2  }
0xac: {  	v43 =	vmul.f32 s23, v18;
	v28 =	vmul.f32 s23, v6;
	v27 =	vadd.f32 v40, v41;
	[tilespmem:s1+$0x10A28] =	vst v0;
	v0 =	vld [tilespmem:$0x1FE50]  }
0xad: {  	v48 =	vadd.f32 v25, v49;
	v40 =	vadd.f32 v29, v45;
	s6 =	smul.f32 $5.000000000e-01, s6;
	v45 =	vmul.f32 s23, v2  }
0xae: {  	v41 =	vadd.f32 v46, v47;
	v46 =	vmul.f32 s5, v10;
	v32 =	vmul.f32 s5, v14  }
0xaf: {  	v49 =	vadd.f32 v27, v44;
	[tilespmem:$0x1FFC0] =	vst v40;
	v44 =	vmul.f32 s5, v9;
	v47 =	vmul.f32 s6, v17  }
0xb0: {  	s8 =	smul.f32 s12, s19;
	v29 =	vmul.f32 s6, v52;
	v40 =	vmul.f32 s23, v3;
	[tilespmem:s1+$0x10A78] =	vst v37  }
0xb1: {  	v25 =	vadd.f32 v41, v42;
	v41 =	vmul.f32 s5, v11;
	v42 =	vmul.f32 s6, v19;
	[tilespmem:s1+$0x10AD8] =	vst v0;
	v0 =	vld [tilespmem:$0x1FE60]  }
0xb2: {  	v30 =	vmul.f32 s8, v9;
	v37 =	vmul.f32 s8, v12;
	[tilespmem:s1+$0x10A98] =	vst v54  }
0xb3: {  	v54 =	vmul.f32 s8, v15;
	[tilespmem:$0x1FFD0] =	vst v25;
	v27 =	vadd.f32 v43, v44;
	v25 =	vadd.f32 v45, v46  }
0xb4: {  	v43 =	vmul.f32 s23, v4;
	v44 =	vmul.f32 s5, v12;
	v26 =	vadd.f32 v40, v41  }
0xb5: {  	[tilespmem:s1+$0x10A18] =	vst v33;
	v45 =	vmul.f32 s23, v5;
	v46 =	vadd.f32 v27, v47;
	v47 =	vmul.f32 s5, v13  }
0xb6: {  	v40 =	vmul.f32 s5, v16;
	v33 =	vmul.f32 s7, v3;
	v25 =	vadd.f32 v25, v29;
	[tilespmem:s1+$0x10AE8] =	vst v0;
	v0 =	vld [tilespmem:$0x1FE70]  }
0xb7: {  	s11 =	sadd.f32 $-1.000000000e+00, s12;
	v41 =	vadd.f32 v45, v47;
	v47 =	vadd.f32 v28, v32;
	v32 =	vmul.f32 s6, v22  }
0xb8: {  	v42 =	vadd.f32 v26, v42;
	[tilespmem:$0x1FFE0] =	vst v25;
	v25 =	vadd.f32 v43, v44;
	v43 =	vmul.f32 s6, v21  }
0xb9: {  	v26 =	vmul.f32 s23, v7;
	v47 =	vadd.f32 v47, v32;
	v32 =	vmul.f32 s23, v8;
	s23 =	smul.f32 s12, s11  }
0xba: {  	[tilespmem:s1+$0x10AA8] =	vst v51;
	v29 =	vmul.f32 s6, v20;
	v43 =	vadd.f32 v41, v43;
	v41 =	vmul.f32 s5, v15  }
0xbb: {  	v51 =	vmul.f32 s7, v7;
	v28 =	vmul.f32 s7, v18;
	s5 =	smul.f32 $5.000000000e-01, s23;
	[tilespmem:s1+$0x10AF8] =	vst v0;
	v0 =	vld [tilespmem:$0x1FE80]  }
0xbc: {  	[tilespmem:s1+$0x10A38] =	vst v35;
	v45 =	vadd.f32 v25, v29;
	v26 =	vadd.f32 v26, v41;
	v41 =	vmul.f32 s6, v23  }
0xbd: {  	[tilespmem:s1+$0x10A48] =	vst v34;
	v29 =	vmul.f32 s6, v1;
	v34 =	vadd.f32 v28, v30;
	s11 =	spop (v2sf);
	v35 =	vmul.f32 s5, v17  }
0xbe: {  	[tilespmem:s1+$0x10A58] =	vst v39;
	v28 =	vmul.f32 s7, v5;
	v25 =	vadd.f32 v32, v40;
	s6 =	scvt.s32.f32 s11;
	v40 =	vadd.f32 v26, v41  }
0xbf: {  	[tilespmem:s1+$0x10A68] =	vst v38;
	v39 =	vadd.f32 v34, v35;
	v34 =	vmul.f32 s8, v11;
	v35 =	vmul.f32 s7, v4  }
0xc0: {  	v41 =	vadd.f32 v25, v29;
	s12 =	ssub.f32 $1.000000000e+00, s6;
	v38 =	vmul.f32 s5, v19;
	v29 =	vmul.f32 s5, v20;
	[tilespmem:s1+$0x10B18] =	vst v0;
	v0 =	vld [tilespmem:$0x1FE90]  }
0xc1: {  	s23 =	ssub.f32 $2.000000000e+00, s6;
	v26 =	vadd.f32 v33, v34;
	v25 =	vadd.f32 v35, v37;
	v33 =	vmul.f32 s8, v13  }
0xc2: {  	(v2sf) =	vpush v24, $0x9;
	[tilespmem:s1+$0x10A88] =	vst v36;
	s19 =	sadd.f32 $-1.000000000e+00, s6;
	v34 =	vmul.f32 s7, v6;
	v35 =	vmul.f32 s8, v14  }
0xc3: {  	[tilespmem:s1+$0x10AC8] =	vst v61;
	v61 =	vmul.f32 s5, v21;
	s11 =	smul.f32 s23, s12;
	v37 =	vadd.f32 v26, v38;
	v36 =	vadd.f32 v25, v29  }
0xc4: {  	[tilespmem:s1+$0x10AB8] =	vst v62;
	v62 =	vmul.f32 s5, v22;
	s19 =	smul.f32 s6, s19;
	v28 =	vadd.f32 v28, v33;
	v26 =	vadd.f32 v34, v35  }
0xc5: {  	s6 =	smul.f32 s6, s23;
	v25 =	vadd.f32 v51, v54;
	v51 =	vmul.f32 s7, v8;
	v54 =	vmul.f32 s8, v16;
	[tilespmem:s1+$0x10B28] =	vst v0;
	v0 =	vld [tilespmem:$0x1FEA0]  }
0xc6: {  	s12 =	smul.f32 $5.000000000e-01, s11;
	v38 =	vmul.f32 s5, v23;
	v33 =	vadd.f32 v28, v61  }
0xc7: {  	v34 =	vadd.f32 v26, v62;
	v61 =	vmul.f32 s5, v1;
	v62 =	vadd.f32 v51, v54  }
0xc8: {  	[tilespmem:s1+$0x10B08] =	vst v63;
	v63 =	vmul.f32 s12, v18;
	v51 =	vmul.f32 s6, v9  }
0xc9: {  	v54 =	vmul.f32 s12, v2;
	v35 =	vadd.f32 v62, v61;
	v61 =	vmul.f32 s6, v10  }
0xca: {  	v27 =	vadd.f32 v63, v51;
	v62 =	vmul.f32 s12, v3;
	v63 =	vmul.f32 s6, v11;
	[tilespmem:s1+$0x10B38] =	vst v0;
	v0 =	vld [tilespmem:$0x1FEB0]  }
0xcb: {  	v31 =	vmul.f32 s7, v2;
	v44 =	vmul.f32 s8, v10;
	v38 =	vadd.f32 v25, v38  }
0xcc: {  	v32 =	vmul.f32 s5, v52;
	s5 =	smul.f32 $5.000000000e-01, s19;
	v25 =	vadd.f32 v54, v61;
	v61 =	vadd.f32 v62, v63;
	v63 =	vld [tilespmem:$0x1FED0];
	_ =	sdelay $0x1  }
0xcd: {  	v44 =	vadd.f32 v31, v44;
	v29 =	vmul.f32 s5, v17;
	v26 =	vmul.f32 s5, v52;
	v54 =	vld [tilespmem:$0x1FEC0]  }
0xce: {  	v51 =	vmul.f32 s12, v4;
	[tilespmem:s1+$0x10B48] =	vst v0;
	v0 =	vmul.f32 s6, v12  }
0xcf: {  	v44 =	vadd.f32 v44, v32;
	v32 =	vadd.f32 v27, v29;
	v62 =	vmul.f32 s5, v19  }
0xd0: {  	v29 =	vadd.f32 v25, v26;
	[tilespmem:s1+$0x10B68] =	vst v63;
	v63 =	vld [tilespmem:$0x1FEF0];
	v0 =	vadd.f32 v51, v0;
	v51 =	vmul.f32 s5, v20  }
0xd1: {  	v30 =	vadd.f32 v61, v62;
	v61 =	vmul.f32 s12, v5;
	v62 =	vmul.f32 s6, v13  }
0xd2: {  	v25 =	vmul.f32 s6, v14;
	[tilespmem:s1+$0x10B58] =	vst v54;
	v54 =	vld [tilespmem:$0x1FEE0];
	v31 =	vadd.f32 v0, v51;
	v0 =	vmul.f32 s12, v6  }
0xd3: {  	s11 =	spop (v2sf);
	v51 =	vld [tilespmem:$0x1FF00]  }
0xd4: {  	s7 =	scvt.s32.f32 s11;
	v26 =	vadd.f32 v61, v62;
	v61 =	vmul.f32 s5, v22;
	v0 =	vadd.f32 v0, v25  }
0xd5: {  	[tilespmem:s1+$0x10B88] =	vst v63;
	v63 =	vld [tilespmem:$0x1FF10]  }
0xd6: {  	s19 =	ssub.f32 $1.000000000e+00, s7;
	v27 =	vadd.f32 v0, v61;
	v0 =	vld [tilespmem:$0x1FF40]  }
0xd7: {  	(v2sf) =	vpush v24, $0xA;
	s11 =	ssub.f32 $2.000000000e+00, s7;
	[tilespmem:s1+$0x10B78] =	vst v54;
	v54 =	vmul.f32 s5, v21  }
0xd8: {  	[tilespmem:s1+$0x10B98] =	vst v51;
	v51 =	vld [tilespmem:$0x1FF20]  }
0xd9: {  	s8 =	smul.f32 s11, s19;
	v28 =	vadd.f32 v26, v54;
	v54 =	vld [tilespmem:$0x1FF30]  }
0xda: {  	s23 =	sadd.f32 $-1.000000000e+00, s7;
	s11 =	smul.f32 s7, s11;
	v26 =	vmul.f32 s12, v8;
	[tilespmem:s1+$0x10BA8] =	vst v63;
	v63 =	vmul.f32 s6, v16  }
0xdb: {  	s8 =	smul.f32 $5.000000000e-01, s8;
	v62 =	vmul.f32 s6, v15;
	v25 =	vmul.f32 s12, v7;
	[tilespmem:s1+$0x10BE8] =	vst v0;
	v0 =	vld [tilespmem:$0x1FF50]  }
0xdc: {  	[tilespmem:s1+$0x10BD8] =	vst v56;
	s23 =	smul.f32 s7, s23;
	v26 =	vadd.f32 v26, v63;
	v63 =	vmul.f32 s11, v9  }
0xdd: {  	v25 =	vadd.f32 v25, v62;
	v62 =	vmul.f32 s8, v18;
	[tilespmem:s1+$0x10BB8] =	vst v51;
	v51 =	vmul.f32 s5, v23  }
0xde: {  	[tilespmem:s1+$0x10BC8] =	vst v54;
	v54 =	vld [tilespmem:$0x1FF60];
	v61 =	vmul.f32 s5, v1;
	s5 =	smul.f32 $5.000000000e-01, s23  }
0xdf: {  	[tilespmem:s1+$0x10C18] =	vst v58;
	v58 =	vadd.f32 v62, v63;
	v62 =	vmul.f32 s8, v3;
	v56 =	vadd.f32 v25, v51;
	v51 =	vld [tilespmem:$0x1FF70]  }
0xe0: {  	v63 =	vmul.f32 s11, v11;
	[tilespmem:s1+$0x10BF8] =	vst v0;
	v0 =	vmul.f32 s5, v17  }
0xe1: {  	v26 =	vadd.f32 v26, v61;
	v61 =	vmul.f32 s11, v10  }
0xe2: {  	v25 =	vmul.f32 s8, v2;
	v58 =	vadd.f32 v58, v0;
	v0 =	vadd.f32 v62, v63;
	v62 =	vld [tilespmem:$0x1FF80]  }
0xe3: {  	(v2sf) =	vpush v24, $0xB;
	[tilespmem:s1+$0x10C08] =	vst v54;
	v54 =	vmul.f32 s5, v52  }
0xe4: {  	v25 =	vadd.f32 v25, v61;
	v61 =	vmul.f32 s8, v4;
	[tilespmem:s1+$0x10C28] =	vst v51;
	v51 =	vmul.f32 s11, v12  }
0xe5: {  	[tilespmem:s1+$0x10C38] =	vst v60  }
0xe6: {  	[tilespmem:s1+$0x10C48] =	vst v55;
	s12 =	spop (v2sf);
	v60 =	vmul.f32 s5, v19;
	v55 =	vadd.f32 v25, v54;
	v25 =	vadd.f32 v61, v51;
	v61 =	vld [tilespmem:$0x1FF90]  }
0xe7: {  	s6 =	scvt.s32.f32 s12;
	v51 =	vmul.f32 s5, v20;
	[tilespmem:s1+$0x10C68] =	vst v62;
	v62 =	vld [tilespmem:$0x1FFA0]  }
0xe8: {  	v54 =	vmul.f32 s11, v13;
	v60 =	vadd.f32 v0, v60;
	v0 =	vmul.f32 s8, v5  }
0xe9: {  	[tilespmem:s1+$0x10C58] =	vst v50;
	s19 =	ssub.f32 $1.000000000e+00, s6;
	v50 =	vadd.f32 v25, v51;
	v25 =	vmul.f32 s8, v6;
	v51 =	vmul.f32 s11, v14  }
0xea: {  	s23 =	ssub.f32 $2.000000000e+00, s6;
	v0 =	vadd.f32 v0, v54  }
0xeb: {  	v54 =	vmul.f32 s5, v21;
	v25 =	vadd.f32 v25, v51;
	v51 =	vmul.f32 s8, v7;
	[tilespmem:s1+$0x10C78] =	vst v61  }
0xec: {  	(v2sf) =	vpush v24, $0xC;
	s7 =	smul.f32 s23, s19;
	v61 =	vmul.f32 s5, v22;
	[tilespmem:s1+$0x10C88] =	vst v62;
	v62 =	vmul.f32 s11, v15  }
0xed: {  	[tilespmem:s1+$0x10C98] =	vst v59;
	s23 =	smul.f32 s6, s23;
	v63 =	vmul.f32 s11, v16;
	v59 =	vadd.f32 v0, v54;
	v0 =	vmul.f32 s8, v8  }
0xee: {  	[tilespmem:s1+$0x10CA8] =	vst v53;
	s7 =	smul.f32 $5.000000000e-01, s7;
	v53 =	vadd.f32 v25, v61;
	v61 =	vadd.f32 v51, v62;
	v62 =	vmul.f32 s5, v23  }
0xef: {  	s19 =	sadd.f32 $-1.000000000e+00, s6;
	v0 =	vadd.f32 v0, v63;
	v63 =	vld [tilespmem:$0x1FFB0]  }
0xf0: {  	[tilespmem:s1+$0x10CB8] =	vst v57;
	v57 =	vadd.f32 v61, v62;
	v61 =	vmul.f32 s7, v18;
	v62 =	vmul.f32 s23, v9  }
0xf1: {  	[tilespmem:s1+$0x10CD8] =	vst v48;
	s6 =	smul.f32 s6, s19;
	v54 =	vmul.f32 s5, v1  }
0xf2: {  	[tilespmem:s1+$0x10CE8] =	vst v49;
	s8 =	spop (v2sf);
	v25 =	vadd.f32 v61, v62;
	v61 =	vld [tilespmem:$0x1FFC0]  }
0xf3: {  	[tilespmem:s1+$0x10D38] =	vst v42;
	v48 =	vadd.f32 v0, v54;
	v0 =	vmul.f32 s7, v2;
	v54 =	vmul.f32 s23, v10;
	s5 =	smul.f32 $5.000000000e-01, s6;
	s6 =	scvt.s32.f32 s8;
	v62 =	vld [tilespmem:$0x1FFD0]  }
0xf4: {  	v42 =	vmul.f32 s23, v14;
	[tilespmem:s1+$0x10CC8] =	vst v63;
	v63 =	vld [tilespmem:$0x1FFE0]  }
0xf5: {  	[tilespmem:s1+$0x10D18] =	vst v46;
	v0 =	vadd.f32 v0, v54;
	v54 =	vmul.f32 s7, v3;
	v51 =	vmul.f32 s5, v52;
	s11 =	ssub.f32 $1.000000000e+00, s6  }
0xf6: {  	[tilespmem:s1+$0x10D68] =	vst v47;
	v49 =	vmul.f32 s5, v17;
	s12 =	ssub.f32 $2.000000000e+00, s6;
	v47 =	vmul.f32 s5, v1  }
0xf7: {  	v46 =	vadd.f32 v0, v51;
	v0 =	vmul.f32 s23, v12;
	[tilespmem:s1+$0x10CF8] =	vst v61;
	v61 =	vmul.f32 s23, v11  }
0xf8: {  	(v2sf) =	vpush v24, $0xD;
	v51 =	vmul.f32 s5, v20;
	s8 =	smul.f32 s12, s11;
	[tilespmem:s1+$0x10D08] =	vst v62;
	v62 =	vmul.f32 s7, v4  }
0xf9: {  	[tilespmem:s1+$0x10D28] =	vst v63;
	v63 =	vmul.f32 s23, v13;
	v54 =	vadd.f32 v54, v61;
	v61 =	vmul.f32 s7, v5  }
0xfa: {  	s19 =	sadd.f32 $-1.000000000e+00, s6;
	v49 =	vadd.f32 v25, v49;
	s8 =	smul.f32 $5.000000000e-01, s8;
	v0 =	vadd.f32 v62, v0;
	v62 =	vmul.f32 s7, v6  }
0xfb: {  	[tilespmem:s1+$0x10D48] =	vst v45;
	s12 =	smul.f32 s6, s12;
	v25 =	vmul.f32 s5, v19;
	v63 =	vadd.f32 v61, v63;
	v61 =	vmul.f32 s5, v21  }
0xfc: {  	[tilespmem:s1+$0x10D98] =	vst v39;
	s6 =	smul.f32 s6, s19;
	v39 =	vmul.f32 s8, v18;
	v42 =	vadd.f32 v62, v42;
	v62 =	vmul.f32 s5, v22  }
0xfd: {  	[tilespmem:s1+$0x10D58] =	vst v43;
	s11 =	spop (v2sf);
	v45 =	vadd.f32 v54, v25;
	v54 =	vmul.f32 s23, v15;
	v43 =	vadd.f32 v63, v61  }
0xfe: {  	[tilespmem:s1+$0x10D78] =	vst v40;
	v63 =	vmul.f32 s7, v7;
	v40 =	vadd.f32 v42, v62;
	v42 =	vmul.f32 s5, v23;
	s5 =	smul.f32 $5.000000000e-01, s6;
	s6 =	scvt.s32.f32 s11  }
0xff: {  	[tilespmem:s1+$0x10D88] =	vst v41;
	v0 =	vadd.f32 v0, v51;
	v61 =	vmul.f32 s7, v8;
	v62 =	vmul.f32 s23, v16  }
0x100: {  	[tilespmem:s1+$0x10DA8] =	vst v44;
	v51 =	vmul.f32 s8, v4;
	v25 =	vadd.f32 v63, v54;
	v63 =	vmul.f32 s12, v9;
	s19 =	ssub.f32 $1.000000000e+00, s6  }
0x101: {  	[tilespmem:s1+$0x10DB8] =	vst v37;
	v41 =	vadd.f32 v61, v62;
	v61 =	vmul.f32 s8, v2;
	v62 =	vmul.f32 s12, v10;
	s23 =	ssub.f32 $2.000000000e+00, s6  }
0x102: {  	[tilespmem:s1+$0x10DC8] =	vst v36;
	v54 =	vmul.f32 s5, v17;
	v44 =	vmul.f32 s5, v22;
	v63 =	vadd.f32 v39, v63  }
0x103: {  	[tilespmem:s1+$0x10DD8] =	vst v33;
	v36 =	vadd.f32 v41, v47;
	v61 =	vadd.f32 v61, v62;
	v62 =	vmul.f32 s5, v52;
	s7 =	smul.f32 s23, s19  }
0x104: {  	[tilespmem:s1+$0x10DE8] =	vst v34;
	v47 =	vmul.f32 s12, v11;
	s23 =	smul.f32 s6, s23;
	v33 =	vadd.f32 v63, v54;
	v63 =	vmul.f32 s8, v3  }
0x105: {  	[tilespmem:s1+$0x10E78] =	vst v56;
	v34 =	vadd.f32 v61, v62;
	v54 =	vmul.f32 s12, v12;
	v61 =	vmul.f32 s5, v19  }
0x106: {  	[tilespmem:s1+$0x10EB8] =	vst v60;
	v37 =	vadd.f32 v25, v42;
	v62 =	vmul.f32 s5, v20;
	v56 =	vmul.f32 s23, v10  }
0x107: {  	[tilespmem:s1+$0x10EE8] =	vst v53;
	s7 =	smul.f32 $5.000000000e-01, s7;
	v60 =	vmul.f32 s23, v14;
	v53 =	vmul.f32 s23, v16;
	v25 =	vadd.f32 v63, v47  }
0x108: {  	[tilespmem:s1+$0x10E98] =	vst v58;
	s19 =	sadd.f32 $-1.000000000e+00, s6;
	v63 =	vadd.f32 v51, v54;
	v47 =	vmul.f32 s8, v5;
	v51 =	vmul.f32 s12, v13  }
0x109: {  	[tilespmem:s1+$0x10EA8] =	vst v55;
	(v2sf) =	vpush v24, $0xE;
	v54 =	vmul.f32 s8, v6;
	v41 =	vmul.f32 s7, v18  }
0x10a: {  	[tilespmem:s1+$0x10EC8] =	vst v50;
	s11 =	spop (v2sf);
	(v2sf) =	vpush v24, $0xF;
	s6 =	smul.f32 s6, s19;
	v58 =	vmul.f32 s7, v3;
	v50 =	vmul.f32 s7, v4  }
0x10b: {  	[tilespmem:s1+$0x10ED8] =	vst v59;
	v55 =	vmul.f32 s7, v5;
	v59 =	vmul.f32 s7, v6;
	v25 =	vadd.f32 v25, v61  }
0x10c: {  	[tilespmem:s1+$0x10E28] =	vst v29;
	s6 =	smul.f32 $5.000000000e-01, s6;
	v61 =	vmul.f32 s12, v14;
	v29 =	vadd.f32 v63, v62;
	v63 =	vmul.f32 s5, v21  }
0x10d: {  	v62 =	vadd.f32 v47, v51;
	v47 =	vmul.f32 s8, v7;
	v51 =	vmul.f32 s12, v15  }
0x10e: {  	[tilespmem:s1+$0x10F18] =	vst v49;
	v49 =	vmul.f32 s6, v22;
	v42 =	vadd.f32 v54, v61;
	v54 =	vmul.f32 s5, v23  }
0x10f: {  	[tilespmem:s1+$0x10E48] =	vst v31;
	v31 =	vadd.f32 v62, v63;
	v61 =	vmul.f32 s8, v8;
	v62 =	vmul.f32 s12, v16  }
0x110: {  	[tilespmem:s1+$0x10E58] =	vst v28;
	v63 =	vadd.f32 v47, v51;
	v51 =	vmul.f32 s6, v17;
	v28 =	vadd.f32 v42, v44  }
0x111: {  	[tilespmem:s1+$0x10E38] =	vst v30;
	v42 =	vmul.f32 s23, v9;
	v30 =	vadd.f32 v61, v62;
	v44 =	vmul.f32 s5, v1;
	s5 =	scvt.s32.f32 s11  }
0x112: {  	[tilespmem:s1+$0x10E88] =	vst v26;
	v26 =	vadd.f32 v63, v54;
	v54 =	vmul.f32 s7, v2;
	v61 =	vmul.f32 s23, v11  }
0x113: {  	v62 =	vmul.f32 s6, v52;
	v63 =	vmul.f32 s6, v19;
	v47 =	vadd.f32 v41, v42;
	s12 =	ssub.f32 $1.000000000e+00, s5  }
0x114: {  	[tilespmem:s1+$0x10E18] =	vst v32;
	v30 =	vadd.f32 v30, v44;
	v32 =	vadd.f32 v54, v56;
	s11 =	ssub.f32 $2.000000000e+00, s5;
	v54 =	vmul.f32 s6, v20  }
0x115: {  	[tilespmem:s1+$0x10E08] =	vst v35;
	v35 =	vadd.f32 v58, v61;
	v56 =	vmul.f32 s23, v13;
	v58 =	vmul.f32 s6, v21;
	s19 =	sadd.f32 $-1.000000000e+00, s5  }
0x116: {  	[tilespmem:s1+$0x10E68] =	vst v27;
	v27 =	vadd.f32 v47, v51;
	v51 =	vmul.f32 s23, v12;
	v32 =	vadd.f32 v32, v62;
	s8 =	smul.f32 s11, s12  }
0x117: {  	[tilespmem:s1+$0x10DF8] =	vst v38;
	v61 =	vmul.f32 s7, v7;
	v35 =	vadd.f32 v35, v63;
	v41 =	vadd.f32 v55, v56;
	s12 =	smul.f32 s5, s19  }
0x118: {  	[tilespmem:s1+$0x10F08] =	vst v48;
	v62 =	vmul.f32 s23, v15;
	v63 =	vadd.f32 v59, v60;
	s5 =	smul.f32 s5, s11;
	v39 =	vadd.f32 v50, v51  }
0x119: {  	[tilespmem:s1+$0x10EF8] =	vst v57;
	s8 =	smul.f32 $5.000000000e-01, s8;
	v41 =	vadd.f32 v41, v58;
	v50 =	vmul.f32 s6, v23;
	v51 =	vmul.f32 s7, v8  }
0x11a: {  	[tilespmem:s1+$0x10F28] =	vst v46;
	v44 =	vadd.f32 v61, v62;
	s12 =	smul.f32 $5.000000000e-01, s12;
	v56 =	vmul.f32 s5, v9;
	v60 =	vmul.f32 s5, v10  }
0x11b: {  	[tilespmem:s1+$0x10F38] =	vst v45;
	v38 =	vadd.f32 v39, v54;
	v54 =	vmul.f32 s6, v1;
	v55 =	vmul.f32 s8, v18  }
0x11c: {  	[tilespmem:s1+$0x10F48] =	vst v0;
	v39 =	vadd.f32 v63, v49;
	v57 =	vmul.f32 s12, v17;
	v59 =	vmul.f32 s8, v2  }
0x11d: {  	[tilespmem:s1+$0x10F58] =	vst v43;
	v0 =	vadd.f32 v44, v50;
	v62 =	vmul.f32 s8, v3;
	v63 =	vmul.f32 s5, v11  }
0x11e: {  	[tilespmem:s1+$0x10F68] =	vst v40;
	v58 =	vadd.f32 v51, v53;
	v47 =	vmul.f32 s12, v52;
	v49 =	vmul.f32 s12, v19  }
0x11f: {  	[tilespmem:s1+$0x10F78] =	vst v37;
	v50 =	vmul.f32 s8, v4;
	v51 =	vmul.f32 s5, v12;
	v61 =	vadd.f32 v55, v56  }
0x120: {  	[tilespmem:s1+$0x10F88] =	vst v36;
	s11 =	spop (v2sf);
	v53 =	vmul.f32 s8, v5;
	v36 =	vadd.f32 v58, v54;
	v45 =	vadd.f32 v59, v60  }
0x121: {  	[tilespmem:s1+$0x10F98] =	vst v33;
	s6 =	scvt.s32.f32 s11;
	v48 =	vadd.f32 v62, v63;
	v54 =	vmul.f32 s5, v13;
	v56 =	vmul.f32 s12, v20  }
0x122: {  	[tilespmem:s1+$0x10FA8] =	vst v34;
	v55 =	vadd.f32 v50, v51;
	v59 =	vmul.f32 s8, v6;
	v60 =	vmul.f32 s5, v14  }
0x123: {  	[tilespmem:s1+$0x10FB8] =	vst v25;
	s11 =	ssub.f32 $2.000000000e+00, s6;
	v62 =	vmul.f32 s8, v7;
	v63 =	vmul.f32 s5, v15;
	v24 =	vadd.f32 v61, v57  }
0x124: {  	[tilespmem:s1+$0x10FC8] =	vst v29;
	s19 =	ssub.f32 $1.000000000e+00, s6;
	v34 =	vadd.f32 v45, v47;
	v25 =	vadd.f32 v48, v49;
	v57 =	vmul.f32 s12, v21  }
0x125: {  	[tilespmem:s1+$0x10FD8] =	vst v31;
	s23 =	sadd.f32 $-1.000000000e+00, s6;
	v58 =	vadd.f32 v53, v54;
	s7 =	smul.f32 s6, s11;
	v61 =	vmul.f32 s12, v22;
	v45 =	vmul.f32 s12, v23  }
0x126: {  	[tilespmem:s1+$0x10FE8] =	vst v28;
	s19 =	smul.f32 s11, s19;
	v46 =	vadd.f32 v59, v60;
	v47 =	vmul.f32 s8, v8;
	v48 =	vmul.f32 s5, v16  }
0x127: {  	[tilespmem:s1+$0x10FF8] =	vst v26;
	s6 =	smul.f32 s6, s23;
	v49 =	vadd.f32 v62, v63;
	v54 =	vmul.f32 s12, v1;
	v51 =	vmul.f32 s7, v9  }
0x128: {  	[tilespmem:s1+$0x11008] =	vst v30;
	v26 =	vadd.f32 v58, v57;
	s23 =	smul.f32 $5.000000000e-01, s19;
	v57 =	vmul.f32 s7, v10;
	v59 =	vmul.f32 s7, v11  }
0x129: {  	[tilespmem:s1+$0x11058] =	vst v41;
	s5 =	smul.f32 $5.000000000e-01, s6;
	v63 =	vmul.f32 s7, v12;
	v41 =	vmul.f32 s7, v13  }
0x12a: {  	[tilespmem:s1+$0x11018] =	vst v27;
	v27 =	vadd.f32 v49, v45;
	v43 =	vmul.f32 s7, v14;
	v49 =	vmul.f32 s7, v15  }
0x12b: {  	[tilespmem:s1+$0x11028] =	vst v32;
	v28 =	vadd.f32 v55, v56;
	v50 =	vmul.f32 s23, v18;
	v55 =	vmul.f32 s5, v17  }
0x12c: {  	[tilespmem:s1+$0x11038] =	vst v35;
	v56 =	vmul.f32 s23, v2;
	v58 =	vmul.f32 s23, v3  }
0x12d: {  	[tilespmem:s1+$0x11048] =	vst v38;
	v29 =	vadd.f32 v46, v61;
	v60 =	vmul.f32 s5, v52;
	v61 =	vmul.f32 s5, v19  }
0x12e: {  	[tilespmem:s1+$0x11068] =	vst v39;
	s12 =	spop (v2sf);
	v62 =	vmul.f32 s23, v4;
	v40 =	vmul.f32 s23, v5  }
0x12f: {  	[tilespmem:s1+$0x11078] =	vst v0;
	s8 =	scvt.s32.f32 s12;
	v53 =	vadd.f32 v47, v48;
	v42 =	vmul.f32 s23, v6;
	v44 =	vmul.f32 s23, v7  }
0x130: {  	[tilespmem:s1+$0x11088] =	vst v36;
	v45 =	vmul.f32 s23, v8;
	v46 =	vmul.f32 s5, v20  }
0x131: {  	[tilespmem:s1+$0x11098] =	vst v24;
	s19 =	ssub.f32 $2.000000000e+00, s8;
	v30 =	vadd.f32 v53, v54;
	v47 =	vmul.f32 s5, v21;
	v48 =	vmul.f32 s5, v22  }
0x132: {  	[tilespmem:s1+$0x110A8] =	vst v34;
	v53 =	vmul.f32 s5, v23;
	v31 =	vadd.f32 v50, v51;
	v32 =	vadd.f32 v56, v57  }
0x133: {  	[tilespmem:s1+$0x110B8] =	vst v25;
	s6 =	ssub.f32 $1.000000000e+00, s8;
	v54 =	vmul.f32 s5, v1;
	s12 =	smul.f32 s8, s19;
	v0 =	vadd.f32 v58, v59;
	v33 =	vadd.f32 v62, v63  }
0x134: {  	[tilespmem:s1+$0x110C8] =	vst v28;
	v35 =	vadd.f32 v40, v41;
	v24 =	vadd.f32 v42, v43;
	v50 =	vmul.f32 s7, v16  }
0x135: {  	[tilespmem:s1+$0x110D8] =	vst v26;
	s23 =	smul.f32 s19, s6;
	v57 =	vmul.f32 s12, v9;
	v38 =	vmul.f32 s12, v11;
	v31 =	vadd.f32 v31, v55  }
0x136: {  	[tilespmem:s1+$0x110E8] =	vst v29;
	v41 =	vmul.f32 s12, v12;
	v32 =	vadd.f32 v32, v60;
	v0 =	vadd.f32 v0, v61  }
0x137: {  	[tilespmem:s1+$0x110F8] =	vst v27;
	s6 =	sadd.f32 $-1.000000000e+00, s8;
	s19 =	smul.f32 $5.000000000e-01, s23;
	v25 =	vadd.f32 v33, v46;
	v51 =	vadd.f32 v35, v47;
	v60 =	vmul.f32 s12, v10  }
0x138: {  	[tilespmem:s1+$0x11108] =	vst v30;
	v58 =	vadd.f32 v45, v50;
	v47 =	vmul.f32 s12, v13;
	v50 =	vmul.f32 s12, v14  }
0x139: {  	s8 =	smul.f32 s8, s6;
	v55 =	vadd.f32 v44, v49;
	v56 =	vmul.f32 s19, v18;
	v59 =	vmul.f32 s19, v2;
	[tilespmem:s1+$0x11118] =	vst v31  }
0x13a: {  	v24 =	vadd.f32 v24, v48;
	v37 =	vmul.f32 s19, v3;
	v40 =	vmul.f32 s19, v4;
	[tilespmem:s1+$0x11128] =	vst v32  }
0x13b: {  	s23 =	smul.f32 $5.000000000e-01, s8;
	v46 =	vmul.f32 s19, v5;
	v49 =	vmul.f32 s19, v6;
	v27 =	vadd.f32 v55, v53;
	[tilespmem:s1+$0x11138] =	vst v0  }
0x13c: {  	v29 =	vadd.f32 v58, v54;
	[tilespmem:s1+$0x11148] =	vst v25;
	v53 =	vmul.f32 s19, v7;
	v54 =	vmul.f32 s12, v15  }
0x13d: {  	[tilespmem:s1+$0x11158] =	vst v51;
	v61 =	vadd.f32 v56, v57;
	v62 =	vmul.f32 s23, v17;
	v63 =	vadd.f32 v59, v60  }
0x13e: {  	[tilespmem:s1+$0x11168] =	vst v24;
	v36 =	vmul.f32 s23, v52;
	v42 =	vadd.f32 v37, v38;
	v43 =	vmul.f32 s23, v19  }
0x13f: {  	v44 =	vmul.f32 s23, v20;
	v45 =	vadd.f32 v40, v41;
	[tilespmem:s1+$0x11178] =	vst v27;
	v0 =	vadd.f32 v61, v62  }
0x140: {  	v51 =	vmul.f32 s23, v22;
	v55 =	vadd.f32 v49, v50;
	[tilespmem:s1+$0x11188] =	vst v29;
	v39 =	vadd.f32 v63, v36  }
0x141: {  	v56 =	vmul.f32 s19, v8;
	v57 =	vmul.f32 s12, v16;
	v26 =	vadd.f32 v42, v43;
	[tilespmem:s1+$0x11198] =	vst v0  }
0x142: {  	v48 =	vmul.f32 s23, v21;
	v24 =	vadd.f32 v45, v44;
	v0 =	vadd.f32 v46, v47;
	[tilespmem:s1+$0x111A8] =	vst v39  }
0x143: {  	p2 =	sne.s32 s9, $0xE000;
	v60 =	vadd.f32 v55, v51;
	v61 =	vadd.f32 v56, v57;
	v62 =	vmul.f32 s23, v1;
	[tilespmem:s1+$0x111B8] =	vst v26  }
.Ltmp0:
0x144: {  	v59 =	vmul.f32 s23, v23;
	v58 =	vadd.f32 v53, v54;
	[tilespmem:s1+$0x111C8] =	vst v24;
	v0 =	vadd.f32 v0, v48;
	(pc) =	sbr.rel @p2 .LBB2_4-.Ltmp0, $4  }
0x145: {  	[tilespmem:s1+$0x111E8] =	vst v60;
	v63 =	vadd.f32 v61, v62  }
0x146: {  	[tilespmem:s1+$0x111D8] =	vst v0;
	v0 =	vadd.f32 v58, v59  }
0x147: {  	[tilespmem:s1+$0x11208] =	vst v63  }
0x148: {  	s26 =	sadd.s32 $0x10, s26;
	s9 =	sadd.s32 $0x2000, s9;
	[tilespmem:s1+$0x111F8] =	vst v0  }
0x149: {  	s1 =	sadd.s32 s24, s31  }
0x14a: {  	s1 =	sshll.u32 s1, $0xB  }
0x14b: {  	s1 =	sand.u32 $0x1FFFE800, s1  }
0x14c: {  	s31 =	sadd.s32 s24, s30;
	s1 =	sadd.s32 s2, s1  }
0x14d: {  	[hbm4b:s1+s4] =	stream.linear.scatter [tilespmem:s15], [sflag:$0x6], $0x4000, $0x38;
	[tilespmem:$0x1CA18] =	vst v63  }
0x14e: {  	s1 =	sshll.u32 s31, $0xB;
	_ =	swait.ge [sflag:s16], $0x4000  }
0x14f: {  	s1 =	sand.u32 $0x1FFFF000, s1;
	[sflag:s16] =	ssyncset.done $0x0  }
0x150: {  	p2 =	seq.s32 s25, $0x63;
	s1 =	sadd.s32 s2, s1;
	[sflag:s16] =	ssyncadd.s32 $0xFFFFC000  }
0x151: {  	[hbm4b:s1+s4] =	stream.linear.scatter [tilespmem:s17], [sflag:$0x7], $0x4000, $0x38;
	[tilespmem:$0x1CA18] =	vst v63  }
0x152: {  	s1 =	simm.s32 @!p2 $0x5  }
0x153: {  	_ =	swait.ge @!p2 [sflag:s1], $0x4000  }
0x154: {  	s5 =	sshll.u32 @!p2 s25, $0x9;
	[sflag:s1] =	ssyncset.done @!p2 $0x0  }
0x155: {  	p3 =	seq.s32 @!p2 s25, $0x0;
	[sflag:s1] =	ssyncadd.s32 @!p2 $0xFFFFC000;
	s1 =	sand.u32 @!p2 $0x3FFFFE00, s5  }
0x156: {  	s6 =	simm.s32 @!p2 $0xCA18;
	s5 =	simm.s32 @!p2 $0x80;
	s1 =	sadd.s32 @!p2 $0x418, s1  }
0x157: {  	[tilespmem:s6], [sflag:$0x1] =	stream.indirect.gather @!p2 [spmem:s3], $0x80, s1, s5, $0xb8;
	[tilespmem:$0x1CA18] =	vst v63  }
0x158: {  	p2 =	por p2, !p3  }
0x159: {  	_ =	swait.ge @p2 [sflag:s22], $0x4000  }
0x15a: {  	[sflag:s22] =	ssyncset.done @p2 $0x0  }
0x15b: {  	s26 =	simm.s32 $0x0;
	s9 =	smov.u32 s28;
	[sflag:s22] =	ssyncadd.s32 @p2 $0xFFFFC000  }
.LBB2_6:
0x15c: {  	v24 =	vld [tilespmem:s9+$0x0];
	_ =	sdelay $0x4  }
0x15d: {  	(v2sf) =	vpush v24, $0x0;
	_ =	sdelay $0xb  }
0x15e: {  	(v2sf) =	vpush v24, $0x1;
	_ =	sdelay $0x2  }
0x15f: {  	s1 =	spop (v2sf)  }
0x160: {  	s1 =	scvt.s32.f32 s1;
	_ =	sdelay $0x1  }
0x161: {  	s5 =	ssub.f32 $1.000000000e+00, s1  }
0x162: {  	s6 =	ssub.f32 $2.000000000e+00, s1;
	_ =	sdelay $0x1  }
0x163: {  	s5 =	smul.f32 s6, s5  }
0x164: {  	v18 =	vld [tilespmem:$0x1FFF0];
	s7 =	sadd.f32 $-1.000000000e+00, s1;
	s6 =	smul.f32 s1, s6  }
0x165: {  	_ = 	snop  }
0x166: {  	s1 =	smul.f32 s1, s7;
	v25 =	vmul.f32 s6, v9  }
0x167: {  	(v2sf) =	vpush v24, $0x2;
	s5 =	smul.f32 $5.000000000e-01, s5;
	v27 =	vmul.f32 s6, v10;
	v29 =	vmul.f32 s6, v11  }
0x168: {  	v47 =	vmul.f32 s6, v12;
	v53 =	vmul.f32 s6, v13  }
0x169: {  	s31 =	spop (v2sf);
	s1 =	smul.f32 $5.000000000e-01, s1;
	v55 =	vmul.f32 s6, v14;
	v0 =	vmul.f32 s5, v18  }
0x16a: {  	s7 =	scvt.s32.f32 s31;
	v57 =	vmul.f32 s6, v15;
	v30 =	vmul.f32 s6, v16  }
0x16b: {  	v26 =	vmul.f32 s5, v2;
	v45 =	vmul.f32 s1, v17;
	v0 =	vadd.f32 v0, v25  }
0x16c: {  	s8 =	ssub.f32 $1.000000000e+00, s7;
	v28 =	vmul.f32 s1, v52;
	v46 =	vmul.f32 s5, v3  }
0x16d: {  	s11 =	ssub.f32 $2.000000000e+00, s7;
	v49 =	vmul.f32 s1, v19;
	v34 =	vadd.f32 v0, v45;
	v0 =	vmul.f32 s5, v4  }
0x16e: {  	v50 =	vmul.f32 s1, v20;
	v51 =	vmul.f32 s5, v5  }
0x16f: {  	v54 =	vmul.f32 s1, v21;
	s8 =	smul.f32 s11, s8;
	v56 =	vmul.f32 s5, v7;
	v0 =	vadd.f32 v0, v47  }
0x170: {  	(v2sf) =	vpush v24, $0x3;
	v58 =	vmul.f32 s5, v8;
	v31 =	vmul.f32 s1, v22;
	s12 =	smul.f32 s7, s11  }
0x171: {  	v59 =	vmul.f32 s1, v23;
	v35 =	vadd.f32 v0, v50;
	v0 =	vmul.f32 s5, v6;
	s5 =	smul.f32 $5.000000000e-01, s8;
	s8 =	sadd.f32 $-1.000000000e+00, s7  }
0x172: {  	v60 =	vmul.f32 s1, v1;
	v26 =	vadd.f32 v26, v27;
	v48 =	vadd.f32 v46, v29  }
0x173: {  	v61 =	vmul.f32 s12, v9;
	v63 =	vmul.f32 s12, v10;
	v0 =	vadd.f32 v0, v55;
	s19 =	smul.f32 s7, s8  }
0x174: {  	v25 =	vadd.f32 v58, v30;
	v43 =	vmul.f32 s12, v11;
	v44 =	vmul.f32 s12, v12  }
0x175: {  	v33 =	vadd.f32 v26, v28;
	v39 =	vadd.f32 v0, v31;
	s1 =	smul.f32 $5.000000000e-01, s19;
	v0 =	vmul.f32 s5, v18  }
0x176: {  	v58 =	vmul.f32 s12, v14;
	v36 =	vadd.f32 v48, v49;
	v26 =	vadd.f32 v51, v53;
	s23 =	spop (v2sf)  }
0x177: {  	v28 =	vadd.f32 v56, v57;
	s6 =	scvt.s32.f32 s23;
	v0 =	vadd.f32 v0, v61;
	v32 =	vmul.f32 s1, v17  }
0x178: {  	v37 =	vadd.f32 v25, v60;
	v49 =	vmul.f32 s12, v13;
	v60 =	vmul.f32 s12, v15  }
0x179: {  	v41 =	vadd.f32 v26, v54;
	s30 =	ssub.f32 $1.000000000e+00, s6;
	v53 =	vadd.f32 v0, v32;
	v0 =	vmul.f32 s5, v4  }
0x17a: {  	v38 =	vadd.f32 v28, v59;
	s31 =	ssub.f32 $2.000000000e+00, s6;
	v62 =	vmul.f32 s5, v2;
	v42 =	vmul.f32 s5, v3  }
0x17b: {  	v48 =	vmul.f32 s5, v5;
	v47 =	vmul.f32 s1, v20;
	v0 =	vadd.f32 v0, v44  }
0x17c: {  	v59 =	vmul.f32 s5, v7;
	s8 =	sadd.f32 $-1.000000000e+00, s6;
	s7 =	smul.f32 s31, s30;
	v26 =	vadd.f32 v62, v63;
	v62 =	vmul.f32 s12, v16  }
0x17d: {  	s12 =	smul.f32 s6, s31;
	v40 =	vmul.f32 s1, v52;
	v55 =	vadd.f32 v0, v47;
	v0 =	vmul.f32 s5, v6  }
0x17e: {  	v45 =	vadd.f32 v42, v43;
	s19 =	smul.f32 s6, s8;
	v46 =	vmul.f32 s1, v19;
	v51 =	vmul.f32 s1, v21  }
0x17f: {  	v61 =	vmul.f32 s5, v8;
	v63 =	vmul.f32 s1, v22;
	s5 =	smul.f32 $5.000000000e-01, s7;
	v0 =	vadd.f32 v0, v58  }
0x180: {  	v42 =	vmul.f32 s12, v9;
	v50 =	vadd.f32 v26, v40;
	v32 =	vmul.f32 s1, v23  }
0x181: {  	v40 =	vmul.f32 s1, v1;
	s1 =	smul.f32 $5.000000000e-01, s19;
	v63 =	vadd.f32 v0, v63;
	v0 =	vmul.f32 s5, v18;
	_ =	sdelay $0x1  }
0x182: {  	v57 =	vadd.f32 v45, v46;
	v45 =	vmul.f32 s1, v17;
	v0 =	vadd.f32 v0, v42;
	_ =	sdelay $0x1  }
0x183: {  	v0 =	vadd.f32 v0, v45;
	_ =	sdelay $0x1  }
0x184: {  	v26 =	vadd.f32 v48, v49;
	v49 =	vmul.f32 s12, v12;
	[tilespmem:$0x1FCC0] =	vst v0;
	v0 =	vmul.f32 s5, v4;
	_ =	sdelay $0x1  }
0x185: {  	v28 =	vadd.f32 v59, v60;
	v56 =	vmul.f32 s1, v20;
	v0 =	vadd.f32 v0, v49  }
0x186: {  	v26 =	vadd.f32 v26, v51;
	v44 =	vmul.f32 s12, v10;
	v43 =	vmul.f32 s5, v2  }
0x187: {  	v25 =	vadd.f32 v61, v62;
	v48 =	vmul.f32 s12, v11;
	v0 =	vadd.f32 v0, v56  }
0x188: {  	s23 =	spop (v2sf);
	v62 =	vadd.f32 v28, v32;
	v46 =	vmul.f32 s1, v52;
	[tilespmem:$0x1FCB0] =	vst v26;
	v26 =	vadd.f32 v43, v44  }
0x189: {  	s6 =	scvt.s32.f32 s23;
	v59 =	vadd.f32 v25, v40;
	v40 =	vmul.f32 s12, v14;
	[tilespmem:$0x1FCF0] =	vst v0;
	v0 =	vmul.f32 s5, v6  }
0x18a: {  	v47 =	vmul.f32 s5, v3;
	v43 =	vmul.f32 s12, v15;
	v26 =	vadd.f32 v26, v46  }
0x18b: {  	s30 =	ssub.f32 $1.000000000e+00, s6;
	v42 =	vmul.f32 s5, v7;
	v46 =	vmul.f32 s1, v22;
	v0 =	vadd.f32 v0, v40  }
0x18c: {  	s8 =	sadd.f32 $-1.000000000e+00, s6;
	v51 =	vadd.f32 v47, v48;
	v44 =	vmul.f32 s5, v8;
	v47 =	vmul.f32 s1, v23  }
0x18d: {  	s31 =	ssub.f32 $2.000000000e+00, s6;
	v45 =	vmul.f32 s12, v16;
	v28 =	vadd.f32 v42, v43;
	v0 =	vadd.f32 v0, v46  }
0x18e: {  	(v2sf) =	vpush v24, $0x4;
	s19 =	smul.f32 s6, s8  }
0x18f: {  	s7 =	smul.f32 s31, s30;
	v48 =	vmul.f32 s1, v1;
	v25 =	vadd.f32 v44, v45;
	[tilespmem:$0x1FD10] =	vst v0;
	v0 =	vadd.f32 v28, v47  }
0x190: {  	v60 =	vmul.f32 s12, v13;
	s12 =	smul.f32 s6, s31  }
0x191: {  	v58 =	vmul.f32 s5, v5;
	s5 =	smul.f32 $5.000000000e-01, s7;
	[tilespmem:$0x1FD20] =	vst v0;
	v0 =	vadd.f32 v25, v48  }
0x192: {  	v54 =	vmul.f32 s1, v19;
	v61 =	vmul.f32 s1, v21  }
0x193: {  	s1 =	smul.f32 $5.000000000e-01, s19;
	v49 =	vmul.f32 s12, v9;
	[tilespmem:$0x1FD30] =	vst v0;
	v0 =	vmul.f32 s5, v18;
	_ =	sdelay $0x1  }
0x194: {  	v56 =	vmul.f32 s1, v17;
	v0 =	vadd.f32 v0, v49;
	_ =	sdelay $0x1  }
0x195: {  	v0 =	vadd.f32 v0, v56  }
0x196: {  	(v2sf) =	vpush v24, $0x5;
	[tilespmem:$0x1FCD0] =	vst v26;
	v26 =	vadd.f32 v51, v54  }
0x197: {  	v32 =	vmul.f32 s12, v12;
	[tilespmem:$0x1FD40] =	vst v0;
	v0 =	vmul.f32 s5, v4  }
0x198: {  	[tilespmem:$0x1FCE0] =	vst v26;
	v26 =	vadd.f32 v58, v60  }
0x199: {  	v43 =	vmul.f32 s1, v20;
	v0 =	vadd.f32 v0, v32  }
0x19a: {  	v54 =	vmul.f32 s12, v10;
	v26 =	vadd.f32 v26, v61;
	v51 =	vmul.f32 s5, v2  }
0x19b: {  	v42 =	vmul.f32 s1, v19;
	v58 =	vmul.f32 s1, v52;
	v0 =	vadd.f32 v0, v43  }
0x19c: {  	s23 =	spop (v2sf);
	v61 =	vmul.f32 s12, v11;
	[tilespmem:$0x1FD00] =	vst v26;
	v60 =	vmul.f32 s5, v3;
	v26 =	vadd.f32 v51, v54  }
0x19d: {  	(v2sf) =	vpush v24, $0x6;
	s6 =	scvt.s32.f32 s23;
	v47 =	vmul.f32 s12, v14;
	[tilespmem:$0x1FD70] =	vst v0;
	v0 =	vmul.f32 s5, v6  }
0x19e: {  	v40 =	vadd.f32 v60, v61;
	v61 =	vmul.f32 s1, v22;
	v26 =	vadd.f32 v26, v58  }
0x19f: {  	s31 =	ssub.f32 $2.000000000e+00, s6;
	v48 =	vmul.f32 s5, v7;
	v49 =	vmul.f32 s12, v15;
	v0 =	vadd.f32 v0, v47  }
0x1a0: {  	s8 =	sadd.f32 $-1.000000000e+00, s6;
	v51 =	vmul.f32 s5, v8;
	v60 =	vmul.f32 s12, v16;
	[tilespmem:$0x1FD50] =	vst v26;
	v26 =	vadd.f32 v40, v42  }
0x1a1: {  	s30 =	ssub.f32 $1.000000000e+00, s6;
	s11 =	smul.f32 s6, s31;
	v40 =	vmul.f32 s1, v23;
	v28 =	vadd.f32 v48, v49;
	v0 =	vadd.f32 v0, v61  }
0x1a2: {  	v45 =	vmul.f32 s12, v13;
	s19 =	smul.f32 s6, s8;
	v44 =	vmul.f32 s5, v5  }
0x1a3: {  	s7 =	smul.f32 s31, s30;
	v25 =	vadd.f32 v51, v60;
	v42 =	vmul.f32 s1, v1;
	[tilespmem:$0x1FD80] =	vst v0;
	v0 =	vadd.f32 v28, v40  }
0x1a4: {  	v46 =	vmul.f32 s1, v21;
	s1 =	smul.f32 $5.000000000e-01, s19;
	v51 =	vmul.f32 s11, v12;
	[tilespmem:$0x1FD60] =	vst v26  }
0x1a5: {  	s23 =	spop (v2sf);
	v26 =	vadd.f32 v44, v45;
	v45 =	vmul.f32 s11, v10;
	s5 =	smul.f32 $5.000000000e-01, s7;
	[tilespmem:$0x1FD90] =	vst v0;
	v0 =	vadd.f32 v25, v42  }
0x1a6: {  	s6 =	scvt.s32.f32 s23;
	v58 =	vmul.f32 s1, v19;
	v60 =	vmul.f32 s1, v20  }
0x1a7: {  	v43 =	vmul.f32 s11, v9;
	[tilespmem:$0x1FDA0] =	vst v0;
	v0 =	vmul.f32 s5, v18  }
0x1a8: {  	s30 =	ssub.f32 $1.000000000e+00, s6;
	v56 =	vadd.f32 v26, v46;
	v46 =	vmul.f32 s1, v17;
	v49 =	vmul.f32 s11, v11  }
0x1a9: {  	s31 =	ssub.f32 $2.000000000e+00, s6;
	v32 =	vmul.f32 s11, v13;
	v44 =	vmul.f32 s5, v2;
	v0 =	vadd.f32 v0, v43  }
0x1aa: {  	v47 =	vmul.f32 s1, v52;
	v48 =	vmul.f32 s5, v3  }
0x1ab: {  	s7 =	smul.f32 s31, s30;
	v26 =	vadd.f32 v44, v45;
	v61 =	vmul.f32 s5, v5;
	v0 =	vadd.f32 v0, v46  }
0x1ac: {  	v54 =	vadd.f32 v48, v49;
	v44 =	vmul.f32 s11, v15;
	v45 =	vmul.f32 s1, v22  }
0x1ad: {  	(v2sf) =	vpush v24, $0x7;
	s12 =	sadd.f32 $-1.000000000e+00, s6;
	s7 =	smul.f32 $5.000000000e-01, s7;
	v48 =	vmul.f32 s11, v16;
	[tilespmem:$0x1FDB0] =	vst v0;
	v0 =	vmul.f32 s5, v4  }
0x1ae: {  	v26 =	vadd.f32 v26, v47;
	v58 =	vadd.f32 v54, v58;
	v42 =	vmul.f32 s11, v14;
	s11 =	smul.f32 s6, s31  }
0x1af: {  	v40 =	vmul.f32 s1, v21;
	v47 =	vmul.f32 s5, v8;
	s6 =	smul.f32 s6, s12;
	v0 =	vadd.f32 v0, v51  }
0x1b0: {  	s19 =	spop (v2sf);
	v54 =	vmul.f32 s7, v18;
	[tilespmem:$0x1FDC0] =	vst v26;
	v26 =	vadd.f32 v61, v32;
	v32 =	vmul.f32 s7, v2  }
0x1b1: {  	v46 =	vmul.f32 s1, v23;
	v51 =	vmul.f32 s1, v1;
	s1 =	smul.f32 $5.000000000e-01, s6;
	s6 =	scvt.s32.f32 s19;
	v0 =	vadd.f32 v0, v60  }
0x1b2: {  	v49 =	vadd.f32 v47, v48;
	v61 =	vmul.f32 s11, v9;
	v47 =	vmul.f32 s11, v12  }
0x1b3: {  	v43 =	vmul.f32 s5, v7;
	s23 =	ssub.f32 $1.000000000e+00, s6;
	[tilespmem:$0x1FDD0] =	vst v0;
	v0 =	vmul.f32 s5, v6  }
0x1b4: {  	v27 =	vadd.f32 v54, v61;
	v60 =	vadd.f32 v26, v40;
	v40 =	vmul.f32 s11, v10;
	s30 =	ssub.f32 $2.000000000e+00, s6  }
0x1b5: {  	v54 =	vmul.f32 s7, v5;
	v28 =	vadd.f32 v43, v44;
	v0 =	vadd.f32 v0, v42  }
0x1b6: {  	v44 =	vmul.f32 s7, v3;
	v43 =	vmul.f32 s1, v52;
	v25 =	vadd.f32 v32, v40;
	s8 =	smul.f32 s30, s23  }
0x1b7: {  	v32 =	vmul.f32 s11, v13;
	v42 =	vmul.f32 s1, v17;
	v0 =	vadd.f32 v0, v45  }
0x1b8: {  	v40 =	vmul.f32 s1, v21;
	s12 =	smul.f32 $5.000000000e-01, s8;
	v45 =	vmul.f32 s11, v11  }
0x1b9: {  	v61 =	vadd.f32 v27, v42;
	v42 =	vmul.f32 s7, v6;
	[tilespmem:$0x1FDE0] =	vst v0;
	v0 =	vadd.f32 v28, v46  }
0x1ba: {  	v26 =	vmul.f32 s12, v3;
	v46 =	vmul.f32 s7, v4;
	v48 =	vadd.f32 v44, v45  }
0x1bb: {  	v44 =	vmul.f32 s7, v7;
	v45 =	vmul.f32 s11, v15;
	[tilespmem:$0x1FDF0] =	vst v0;
	v0 =	vadd.f32 v49, v51  }
0x1bc: {  	v28 =	vmul.f32 s12, v6;
	v49 =	vmul.f32 s1, v19;
	v27 =	vadd.f32 v46, v47  }
0x1bd: {  	s31 =	sadd.f32 $-1.000000000e+00, s6;
	v51 =	vmul.f32 s1, v20;
	v46 =	vmul.f32 s1, v22;
	[tilespmem:$0x1FE00] =	vst v0;
	v0 =	vadd.f32 v25, v43  }
0x1be: {  	s23 =	spop (v2sf);
	v43 =	vmul.f32 s11, v14;
	v25 =	vadd.f32 v54, v32;
	v32 =	vmul.f32 s11, v16;
	s11 =	smul.f32 s6, s30  }
0x1bf: {  	v47 =	vmul.f32 s1, v23;
	v29 =	vadd.f32 v44, v45;
	v54 =	vmul.f32 s7, v8;
	s6 =	smul.f32 s6, s31;
	s30 =	scvt.s32.f32 s23  }
0x1c0: {  	v45 =	vmul.f32 s12, v2;
	[tilespmem:$0x1FE10] =	vst v0;
	v0 =	vadd.f32 v48, v49;
	v48 =	vadd.f32 v25, v40  }
0x1c1: {  	v40 =	vadd.f32 v54, v32;
	s6 =	smul.f32 $5.000000000e-01, s6;
	v44 =	vmul.f32 s11, v9;
	s31 =	ssub.f32 $2.000000000e+00, s30;
	v32 =	vmul.f32 s11, v14  }
0x1c2: {  	s19 =	sadd.f32 $-1.000000000e+00, s30;
	[tilespmem:$0x1FE20] =	vst v0;
	v0 =	vadd.f32 v27, v51;
	v27 =	vadd.f32 v42, v43;
	v42 =	vmul.f32 s1, v1  }
0x1c3: {  	(v2sf) =	vpush v24, $0x8;
	v43 =	vmul.f32 s12, v18;
	v51 =	vmul.f32 s6, v52;
	s1 =	ssub.f32 $1.000000000e+00, s30  }
0x1c4: {  	s19 =	smul.f32 s30, s19;
	[tilespmem:$0x1FE30] =	vst v0;
	v49 =	vadd.f32 v27, v46;
	v0 =	vadd.f32 v29, v47;
	v46 =	vmul.f32 s11, v10  }
0x1c5: {  	v54 =	vadd.f32 v40, v42;
	v47 =	vmul.f32 s6, v17;
	v40 =	vmul.f32 s11, v11;
	s1 =	smul.f32 s31, s1  }
0x1c6: {  	v27 =	vadd.f32 v43, v44;
	v42 =	vmul.f32 s6, v19;
	v43 =	vmul.f32 s12, v4;
	s5 =	smul.f32 $5.000000000e-01, s19  }
0x1c7: {  	v44 =	vmul.f32 s11, v12;
	v29 =	vmul.f32 s6, v20;
	v25 =	vadd.f32 v45, v46;
	s7 =	smul.f32 $5.000000000e-01, s1;
	s1 =	sshra.s32 s26, $0x2  }
0x1c8: {  	s8 =	smul.f32 s30, s31;
	v46 =	vadd.f32 v27, v47;
	v45 =	vmul.f32 s12, v5;
	v47 =	vmul.f32 s11, v13;
	[tilespmem:s1+$0x18A18] =	vst v34  }
0x1c9: {  	v26 =	vadd.f32 v26, v40;
	v34 =	vmul.f32 s5, v52;
	[tilespmem:s1+$0x18AA8] =	vst v50;
	v50 =	vmul.f32 s5, v23  }
0x1ca: {  	[tilespmem:s1+$0x18AC8] =	vst v55;
	v55 =	vmul.f32 s8, v16;
	v51 =	vadd.f32 v25, v51;
	v25 =	vadd.f32 v43, v44  }
0x1cb: {  	v42 =	vadd.f32 v26, v42;
	v40 =	vadd.f32 v45, v47;
	v43 =	vmul.f32 s6, v21  }
0x1cc: {  	v47 =	vadd.f32 v28, v32;
	v32 =	vmul.f32 s6, v22;
	v26 =	vmul.f32 s12, v7  }
0x1cd: {  	[tilespmem:$0x1FE40] =	vst v0;
	v44 =	vmul.f32 s12, v8;
	v28 =	vmul.f32 s7, v18  }
0x1ce: {  	(v2sf) =	vpush v24, $0x9;
	[tilespmem:s1+$0x18A48] =	vst v35;
	v31 =	vmul.f32 s7, v2;
	v35 =	vmul.f32 s7, v3  }
0x1cf: {  	[tilespmem:s1+$0x18A78] =	vst v38;
	v38 =	vmul.f32 s7, v4;
	v47 =	vadd.f32 v47, v32;
	v32 =	vmul.f32 s11, v16  }
0x1d0: {  	v0 =	vld [tilespmem:$0x1FCB0];
	[tilespmem:s1+$0x18A98] =	vst v53;
	v53 =	vmul.f32 s7, v6;
	v43 =	vadd.f32 v40, v43;
	v40 =	vmul.f32 s11, v15  }
0x1d1: {  	[tilespmem:s1+$0x18A28] =	vst v33;
	v45 =	vadd.f32 v25, v29;
	v25 =	vadd.f32 v44, v32;
	v44 =	vmul.f32 s8, v9  }
0x1d2: {  	s23 =	spop (v2sf);
	[tilespmem:s1+$0x18A38] =	vst v36;
	v26 =	vadd.f32 v26, v40;
	v40 =	vmul.f32 s6, v23;
	v32 =	vmul.f32 s8, v10  }
0x1d3: {  	[tilespmem:s1+$0x18A58] =	vst v41;
	v29 =	vmul.f32 s6, v1;
	s6 =	scvt.s32.f32 s23;
	v36 =	vadd.f32 v28, v44;
	v44 =	vmul.f32 s5, v17  }
0x1d4: {  	[tilespmem:s1+$0x18A68] =	vst v39;
	v40 =	vadd.f32 v26, v40;
	v33 =	vadd.f32 v31, v32;
	v32 =	vmul.f32 s8, v12  }
0x1d5: {  	[tilespmem:s1+$0x18AD8] =	vst v0;
	v0 =	vld [tilespmem:$0x1FCC0];
	v41 =	vadd.f32 v25, v29;
	s30 =	ssub.f32 $1.000000000e+00, s6;
	v39 =	vadd.f32 v36, v44;
	v36 =	vmul.f32 s8, v11  }
0x1d6: {  	s31 =	ssub.f32 $2.000000000e+00, s6;
	v44 =	vadd.f32 v33, v34;
	v34 =	vmul.f32 s5, v20;
	v25 =	vadd.f32 v38, v32  }
0x1d7: {  	v28 =	vmul.f32 s7, v5;
	s23 =	sadd.f32 $-1.000000000e+00, s6;
	v33 =	vmul.f32 s5, v19;
	v26 =	vadd.f32 v35, v36  }
0x1d8: {  	[tilespmem:s1+$0x18A88] =	vst v37;
	v32 =	vmul.f32 s8, v14;
	s11 =	smul.f32 s31, s30;
	v35 =	vmul.f32 s8, v13;
	v36 =	vadd.f32 v25, v34  }
0x1d9: {  	[tilespmem:s1+$0x18AB8] =	vst v57;
	s30 =	smul.f32 s6, s23;
	v34 =	vmul.f32 s8, v15;
	v37 =	vadd.f32 v26, v33;
	v33 =	vmul.f32 s7, v7  }
0x1da: {  	v57 =	vmul.f32 s5, v1;
	v38 =	vmul.f32 s5, v22;
	[tilespmem:s1+$0x18B18] =	vst v0;
	v0 =	vld [tilespmem:$0x1FCD0];
	s12 =	smul.f32 $5.000000000e-01, s11;
	v26 =	vadd.f32 v53, v32  }
0x1db: {  	s31 =	smul.f32 s6, s31;
	v28 =	vadd.f32 v28, v35;
	v53 =	vmul.f32 s7, v8;
	v25 =	vadd.f32 v33, v34  }
0x1dc: {  	[tilespmem:s1+$0x18AE8] =	vst v63;
	s6 =	smul.f32 $5.000000000e-01, s30;
	v35 =	vmul.f32 s5, v21;
	v63 =	vmul.f32 s12, v18;
	v34 =	vadd.f32 v26, v38  }
0x1dd: {  	[tilespmem:s1+$0x18AF8] =	vst v62;
	v62 =	vadd.f32 v53, v55;
	v38 =	vadd.f32 v25, v50;
	v50 =	vmul.f32 s31, v9  }
0x1de: {  	[tilespmem:s1+$0x18B08] =	vst v59;
	v59 =	vmul.f32 s12, v3;
	v33 =	vadd.f32 v28, v35;
	v53 =	vmul.f32 s6, v17  }
0x1df: {  	[tilespmem:s1+$0x18B28] =	vst v0;
	v0 =	vld [tilespmem:$0x1FCE0];
	v35 =	vadd.f32 v62, v57;
	v62 =	vmul.f32 s31, v11;
	v27 =	vadd.f32 v63, v50;
	_ =	sdelay $0x1  }
0x1e0: {  	v32 =	vadd.f32 v27, v53;
	v53 =	vadd.f32 v59, v62;
	v62 =	vld [tilespmem:$0x1FD20];
	_ =	sdelay $0x1  }
0x1e1: {  	v55 =	vmul.f32 s12, v2;
	v57 =	vmul.f32 s31, v10  }
0x1e2: {  	[tilespmem:s1+$0x18B38] =	vst v0;
	v0 =	vld [tilespmem:$0x1FCF0]  }
0x1e3: {  	v25 =	vadd.f32 v55, v57;
	v57 =	vld [tilespmem:$0x1FD10]  }
0x1e4: {  	[tilespmem:s1+$0x18B78] =	vst v62;
	v62 =	vld [tilespmem:$0x1FD50]  }
0x1e5: {  	v50 =	vld [tilespmem:$0x1FD00];
	_ =	sdelay $0x1  }
0x1e6: {  	v63 =	vmul.f32 s12, v4;
	[tilespmem:s1+$0x18B48] =	vst v0;
	v0 =	vmul.f32 s31, v12  }
0x1e7: {  	v55 =	vmul.f32 s6, v19;
	[tilespmem:s1+$0x18B68] =	vst v57;
	v57 =	vld [tilespmem:$0x1FD40]  }
0x1e8: {  	v26 =	vmul.f32 s6, v52;
	v59 =	vmul.f32 s6, v20;
	v0 =	vadd.f32 v63, v0;
	[tilespmem:s1+$0x18BA8] =	vst v62;
	v62 =	vld [tilespmem:$0x1FD70]  }
0x1e9: {  	s8 =	spop (v2sf);
	v30 =	vadd.f32 v53, v55;
	v53 =	vld [tilespmem:$0x1FD30];
	[tilespmem:s1+$0x18B58] =	vst v50;
	v50 =	vmul.f32 s31, v13;
	v63 =	vmul.f32 s12, v5  }
0x1ea: {  	s11 =	scvt.s32.f32 s8;
	v29 =	vadd.f32 v25, v26;
	v55 =	vmul.f32 s31, v14;
	v31 =	vadd.f32 v0, v59  }
0x1eb: {  	v0 =	vmul.f32 s12, v6;
	v26 =	vadd.f32 v63, v50;
	v59 =	vmul.f32 s6, v21  }
0x1ec: {  	s5 =	ssub.f32 $1.000000000e+00, s11;
	v50 =	vmul.f32 s6, v22;
	[tilespmem:s1+$0x18B98] =	vst v57;
	v57 =	vmul.f32 s31, v16  }
0x1ed: {  	s23 =	ssub.f32 $2.000000000e+00, s11;
	v0 =	vadd.f32 v0, v55;
	v28 =	vadd.f32 v26, v59;
	v59 =	vmul.f32 s12, v8;
	[tilespmem:s1+$0x18BC8] =	vst v62;
	v62 =	vld [tilespmem:$0x1FD90]  }
0x1ee: {  	v25 =	vmul.f32 s12, v7;
	[tilespmem:s1+$0x18B88] =	vst v53;
	v63 =	vmul.f32 s31, v15;
	v53 =	vld [tilespmem:$0x1FD60]  }
0x1ef: {  	s5 =	smul.f32 s23, s5;
	v27 =	vadd.f32 v0, v50;
	v50 =	vadd.f32 v59, v57;
	v59 =	vld [tilespmem:$0x1FD80]  }
0x1f0: {  	s30 =	sadd.f32 $-1.000000000e+00, s11;
	s8 =	smul.f32 s11, s23;
	v0 =	vadd.f32 v25, v63;
	v63 =	vmul.f32 s6, v23  }
0x1f1: {  	s5 =	smul.f32 $5.000000000e-01, s5  }
0x1f2: {  	s31 =	smul.f32 s11, s30;
	[tilespmem:s1+$0x18BF8] =	vst v62;
	v62 =	vadd.f32 v0, v63;
	v63 =	vld [tilespmem:$0x1FDA0]  }
0x1f3: {  	v55 =	vmul.f32 s5, v18;
	[tilespmem:s1+$0x18BB8] =	vst v53  }
0x1f4: {  	v53 =	vmul.f32 s6, v1;
	s6 =	smul.f32 $5.000000000e-01, s31;
	[tilespmem:s1+$0x18BE8] =	vst v59;
	v59 =	vmul.f32 s8, v9  }
0x1f5: {  	(v2sf) =	vpush v24, $0xA  }
0x1f6: {  	v55 =	vadd.f32 v55, v59;
	v59 =	vmul.f32 s5, v3;
	v0 =	vmul.f32 s6, v17  }
0x1f7: {  	v25 =	vmovc v52;
	[tilespmem:s1+$0x18C08] =	vst v63;
	v63 =	vadd.f32 v50, v53;
	v53 =	vmul.f32 s6, v52;
	v52 =	vmul.f32 s8, v11;
	_ =	sdelay $0x1  }
0x1f8: {  	[tilespmem:s1+$0x18C38] =	vst v58;
	v58 =	vadd.f32 v55, v0;
	v0 =	vadd.f32 v59, v52;
	v52 =	vmul.f32 s6, v19;
	_ =	sdelay $0x1  }
0x1f9: {  	[tilespmem:s1+$0x18C58] =	vst v60;
	v60 =	vadd.f32 v0, v52;
	v0 =	vld [tilespmem:$0x1FDE0];
	_ =	sdelay $0x2  }
0x1fa: {  	[tilespmem:s1+$0x18C98] =	vst v61;
	v61 =	vld [tilespmem:$0x1FE10]  }
0x1fb: {  	v57 =	vmul.f32 s5, v2;
	v26 =	vmovc v3;
	v3 =	vmov v2;
	v2 =	vmov v18;
	v18 =	vld [tilespmem:$0x1FDC0]  }
0x1fc: {  	[tilespmem:s1+$0x18C68] =	vst v0;
	v0 =	vld [tilespmem:$0x1FDF0]  }
0x1fd: {  	v59 =	vld [tilespmem:$0x1FDD0]  }
0x1fe: {  	[tilespmem:s1+$0x18BD8] =	vst v56;
	v50 =	vmul.f32 s8, v10  }
0x1ff: {  	v56 =	vld [tilespmem:$0x1FDB0];
	[tilespmem:s1+$0x18CA8] =	vst v61;
	(v2sf) =	vpush v24, $0xB  }
0x200: {  	v61 =	vld [tilespmem:$0x1FE20];
	s12 =	spop (v2sf);
	[tilespmem:s1+$0x18C28] =	vst v18;
	v18 =	vmovc v1;
	v1 =	vmul.f32 s8, v12;
	v50 =	vadd.f32 v57, v50;
	v57 =	vmul.f32 s5, v4  }
0x201: {  	s19 =	scvt.s32.f32 s12;
	[tilespmem:s1+$0x18C78] =	vst v0;
	v0 =	vld [tilespmem:$0x1FE00]  }
0x202: {  	(v2sf) =	vpush v24, $0xC;
	v1 =	vadd.f32 v57, v1;
	[tilespmem:s1+$0x18C48] =	vst v59;
	v59 =	vmul.f32 s6, v20  }
0x203: {  	s7 =	ssub.f32 $1.000000000e+00, s19;
	v55 =	vmul.f32 s8, v13;
	v50 =	vadd.f32 v50, v53;
	v52 =	vmul.f32 s5, v5  }
0x204: {  	[tilespmem:s1+$0x18C18] =	vst v56;
	s30 =	ssub.f32 $2.000000000e+00, s19;
	v53 =	vmul.f32 s8, v14;
	v56 =	vadd.f32 v1, v59;
	v1 =	vmul.f32 s5, v6  }
0x205: {  	[tilespmem:s1+$0x18CB8] =	vst v61;
	v61 =	vld [tilespmem:$0x1FE30];
	v57 =	vmul.f32 s6, v22;
	v52 =	vadd.f32 v52, v55;
	v55 =	vmul.f32 s6, v21  }
0x206: {  	s7 =	smul.f32 s30, s7;
	v59 =	vmul.f32 s5, v7;
	v1 =	vadd.f32 v1, v53;
	[tilespmem:s1+$0x18C88] =	vst v0;
	v0 =	vmul.f32 s8, v15  }
0x207: {  	s23 =	smul.f32 s19, s30;
	v55 =	vadd.f32 v52, v55;
	v52 =	vmul.f32 s5, v8;
	v53 =	vmul.f32 s8, v16  }
0x208: {  	s31 =	sadd.f32 $-1.000000000e+00, s19;
	s7 =	smul.f32 $5.000000000e-01, s7;
	v1 =	vadd.f32 v1, v57;
	v57 =	vmul.f32 s6, v23;
	v0 =	vadd.f32 v59, v0  }
0x209: {  	v52 =	vadd.f32 v52, v53;
	v53 =	vmul.f32 s6, v18  }
0x20a: {  	[tilespmem:s1+$0x18CC8] =	vst v61;
	s11 =	smul.f32 s19, s31;
	v61 =	vmul.f32 s23, v9;
	v57 =	vadd.f32 v0, v57;
	v0 =	vmul.f32 s7, v2  }
0x20b: {  	[tilespmem:s1+$0x18CD8] =	vst v48;
	v48 =	vadd.f32 v52, v53  }
0x20c: {  	s5 =	smul.f32 $5.000000000e-01, s11;
	v52 =	vmul.f32 s7, v3;
	v53 =	vmul.f32 s23, v10;
	v0 =	vadd.f32 v0, v61;
	v61 =	vld [tilespmem:$0x1FE40]  }
0x20d: {  	[tilespmem:s1+$0x18CE8] =	vst v49  }
0x20e: {  	[tilespmem:s1+$0x18D08] =	vst v54;
	v54 =	vmul.f32 s7, v4;
	v52 =	vadd.f32 v52, v53;
	v59 =	vmul.f32 s5, v25  }
0x20f: {  	[tilespmem:s1+$0x18D68] =	vst v47;
	s12 =	spop (v2sf);
	v49 =	vmul.f32 s5, v17;
	v47 =	vmul.f32 s5, v18  }
0x210: {  	[tilespmem:s1+$0x18D18] =	vst v46;
	s6 =	scvt.s32.f32 s12;
	v53 =	vmul.f32 s7, v26;
	v46 =	vadd.f32 v52, v59;
	v52 =	vmul.f32 s23, v12  }
0x211: {  	(v2sf) =	vpush v24, $0xD;
	v59 =	vmul.f32 s5, v20;
	[tilespmem:s1+$0x18CF8] =	vst v61;
	v61 =	vmul.f32 s23, v11  }
0x212: {  	[tilespmem:s1+$0x18D38] =	vst v42;
	s30 =	ssub.f32 $2.000000000e+00, s6;
	v42 =	vadd.f32 v54, v52;
	v49 =	vadd.f32 v0, v49;
	v0 =	vmul.f32 s5, v19  }
0x213: {  	[tilespmem:s1+$0x18D28] =	vst v51;
	s19 =	ssub.f32 $1.000000000e+00, s6;
	v51 =	vadd.f32 v53, v61;
	v53 =	vmul.f32 s7, v5;
	v61 =	vmul.f32 s23, v13  }
0x214: {  	s31 =	sadd.f32 $-1.000000000e+00, s6;
	s12 =	smul.f32 s6, s30;
	v52 =	vmul.f32 s7, v6;
	v54 =	vmul.f32 s23, v14;
	v42 =	vadd.f32 v42, v59  }
0x215: {  	[tilespmem:s1+$0x18D48] =	vst v45;
	s8 =	smul.f32 s30, s19;
	v45 =	vadd.f32 v51, v0;
	v0 =	vadd.f32 v53, v61;
	v51 =	vmul.f32 s5, v21  }
0x216: {  	[tilespmem:s1+$0x18D58] =	vst v43;
	s6 =	smul.f32 s6, s31;
	v52 =	vadd.f32 v52, v54;
	v59 =	vmul.f32 s23, v15;
	v61 =	vmul.f32 s5, v22  }
0x217: {  	[tilespmem:s1+$0x18D78] =	vst v40;
	s19 =	spop (v2sf);
	s8 =	smul.f32 $5.000000000e-01, s8;
	v43 =	vadd.f32 v0, v51;
	v0 =	vmul.f32 s7, v7;
	v51 =	vmul.f32 s5, v23  }
0x218: {  	[tilespmem:s1+$0x18D98] =	vst v39;
	v40 =	vadd.f32 v52, v61;
	v52 =	vmul.f32 s7, v8;
	v61 =	vmul.f32 s23, v16;
	s5 =	smul.f32 $5.000000000e-01, s6;
	s6 =	scvt.s32.f32 s19  }
0x219: {  	[tilespmem:s1+$0x18DA8] =	vst v44;
	v39 =	vmul.f32 s8, v2;
	v44 =	vmul.f32 s8, v3;
	v0 =	vadd.f32 v0, v59  }
0x21a: {  	[tilespmem:s1+$0x18D88] =	vst v41;
	v54 =	vmul.f32 s12, v11;
	v59 =	vmul.f32 s12, v9;
	v41 =	vadd.f32 v52, v61;
	s23 =	ssub.f32 $1.000000000e+00, s6  }
0x21b: {  	[tilespmem:s1+$0x18DB8] =	vst v37;
	v61 =	vmul.f32 s12, v10;
	v53 =	vmul.f32 s5, v25;
	s30 =	ssub.f32 $2.000000000e+00, s6;
	v37 =	vadd.f32 v0, v51  }
0x21c: {  	[tilespmem:s1+$0x18DC8] =	vst v36;
	v0 =	vadd.f32 v39, v59;
	v59 =	vmul.f32 s5, v17;
	v36 =	vadd.f32 v41, v47  }
0x21d: {  	[tilespmem:s1+$0x18DD8] =	vst v33;
	s31 =	sadd.f32 $-1.000000000e+00, s6;
	v61 =	vadd.f32 v44, v61;
	v39 =	vmul.f32 s5, v20;
	s7 =	smul.f32 s30, s23;
	v44 =	vmul.f32 s5, v23  }
0x21e: {  	[tilespmem:s1+$0x18DE8] =	vst v34;
	s23 =	smul.f32 s6, s30;
	v41 =	vmul.f32 s5, v18;
	v33 =	vadd.f32 v0, v59;
	v0 =	vmul.f32 s8, v26  }
0x21f: {  	[tilespmem:s1+$0x18E98] =	vst v58;
	s6 =	smul.f32 s6, s31;
	v34 =	vadd.f32 v61, v53;
	v59 =	vmul.f32 s8, v4;
	v61 =	vmul.f32 s12, v12  }
0x220: {  	[tilespmem:s1+$0x18EA8] =	vst v50;
	v51 =	vmovc v2;
	v2 =	vmovc v3;
	v3 =	vmov v26;
	v26 =	vmul.f32 s5, v19;
	s7 =	smul.f32 $5.000000000e-01, s7;
	v50 =	vmul.f32 s23, v12  }
0x221: {  	[tilespmem:s1+$0x18ED8] =	vst v55;
	s6 =	smul.f32 $5.000000000e-01, s6;
	v55 =	vmul.f32 s23, v13;
	v0 =	vadd.f32 v0, v54;
	v54 =	vmul.f32 s8, v5  }
0x222: {  	[tilespmem:s1+$0x18E88] =	vst v63;
	v53 =	vadd.f32 v59, v61;
	v59 =	vmul.f32 s12, v13;
	v61 =	vmul.f32 s8, v6  }
0x223: {  	[tilespmem:s1+$0x18EB8] =	vst v60;
	(v2sf) =	vpush v24, $0xE;
	v58 =	vmul.f32 s7, v3;
	v60 =	vmul.f32 s6, v25  }
0x224: {  	[tilespmem:s1+$0x18EC8] =	vst v56;
	v63 =	vmul.f32 s7, v4;
	v56 =	vmul.f32 s6, v21;
	v0 =	vadd.f32 v0, v26  }
0x225: {  	[tilespmem:s1+$0x18E28] =	vst v29;
	v26 =	vmul.f32 s12, v14;
	v29 =	vadd.f32 v53, v39;
	v47 =	vadd.f32 v54, v59  }
0x226: {  	[tilespmem:s1+$0x18E08] =	vst v35;
	v53 =	vmul.f32 s5, v21;
	v59 =	vmul.f32 s5, v22;
	v35 =	vadd.f32 v63, v50  }
0x227: {  	v63 =	vmul.f32 s6, v22;
	v54 =	vadd.f32 v61, v26;
	v61 =	vmul.f32 s8, v7  }
0x228: {  	[tilespmem:s1+$0x18E48] =	vst v31;
	v31 =	vadd.f32 v47, v53;
	v26 =	vmul.f32 s12, v15;
	v53 =	vmul.f32 s12, v16;
	s12 =	spop (v2sf)  }
0x229: {  	[tilespmem:s1+$0x18DF8] =	vst v38;
	v50 =	vmul.f32 s6, v23;
	v47 =	vmul.f32 s8, v8;
	(v2sf) =	vpush v24, $0xF;
	s5 =	scvt.s32.f32 s12  }
0x22a: {  	[tilespmem:s1+$0x18E58] =	vst v28;
	v28 =	vadd.f32 v54, v59;
	v54 =	vadd.f32 v61, v26;
	v59 =	vmul.f32 s7, v51  }
0x22b: {  	[tilespmem:s1+$0x18E38] =	vst v30;
	v61 =	vmul.f32 s23, v9;
	v30 =	vadd.f32 v47, v53;
	v47 =	vmul.f32 s6, v17;
	s31 =	sadd.f32 $-1.000000000e+00, s5  }
0x22c: {  	[tilespmem:s1+$0x18E18] =	vst v32;
	v53 =	vmul.f32 s7, v2;
	s30 =	ssub.f32 $2.000000000e+00, s5;
	v26 =	vadd.f32 v54, v44;
	v54 =	vmul.f32 s23, v10  }
0x22d: {  	[tilespmem:s1+$0x18E68] =	vst v27;
	s19 =	ssub.f32 $1.000000000e+00, s5;
	v44 =	vadd.f32 v59, v61;
	v59 =	vmul.f32 s23, v11;
	v61 =	vmul.f32 s6, v19;
	s12 =	smul.f32 s5, s31  }
0x22e: {  	[tilespmem:s1+$0x18E78] =	vst v62;
	s5 =	smul.f32 s5, s30;
	v32 =	vadd.f32 v53, v54;
	v53 =	vmul.f32 s6, v20;
	v54 =	vmul.f32 s7, v5  }
0x22f: {  	[tilespmem:s1+$0x18EF8] =	vst v57;
	s8 =	smul.f32 s30, s19;
	v62 =	vadd.f32 v58, v59;
	v58 =	vmul.f32 s7, v6;
	v59 =	vmul.f32 s23, v14  }
0x230: {  	[tilespmem:s1+$0x18F38] =	vst v45;
	v30 =	vadd.f32 v30, v41;
	v57 =	vmul.f32 s5, v9;
	v45 =	vmul.f32 s5, v15  }
0x231: {  	[tilespmem:s1+$0x18EE8] =	vst v1;
	s8 =	smul.f32 $5.000000000e-01, s8;
	v32 =	vadd.f32 v32, v60;
	v1 =	vadd.f32 v62, v61;
	v60 =	vmul.f32 s7, v7  }
0x232: {  	[tilespmem:s1+$0x18F08] =	vst v48;
	s12 =	smul.f32 $5.000000000e-01, s12;
	v61 =	vmul.f32 s23, v15;
	v35 =	vadd.f32 v35, v53;
	v53 =	vmul.f32 s7, v8  }
0x233: {  	[tilespmem:s1+$0x18F28] =	vst v46;
	v52 =	vmovc v25;
	v25 =	vadd.f32 v54, v55;
	v54 =	vmul.f32 s23, v16;
	v55 =	vmul.f32 s6, v18  }
0x234: {  	[tilespmem:s1+$0x18F18] =	vst v49;
	v62 =	vadd.f32 v58, v59;
	v58 =	vmul.f32 s12, v17;
	v59 =	vmul.f32 s8, v2  }
0x235: {  	[tilespmem:s1+$0x18F48] =	vst v42;
	v27 =	vadd.f32 v44, v47;
	v48 =	vmul.f32 s12, v52;
	v44 =	vmul.f32 s8, v7  }
0x236: {  	[tilespmem:s1+$0x18F58] =	vst v43;
	s11 =	spop (v2sf);
	v46 =	vmul.f32 s12, v23;
	v25 =	vadd.f32 v25, v56;
	v49 =	vadd.f32 v60, v61  }
0x237: {  	[tilespmem:s1+$0x18F68] =	vst v40;
	s6 =	scvt.s32.f32 s11;
	v38 =	vadd.f32 v62, v63;
	v56 =	vmul.f32 s8, v51;
	v60 =	vmul.f32 s5, v10  }
0x238: {  	[tilespmem:s1+$0x18F78] =	vst v37;
	v39 =	vadd.f32 v53, v54;
	v62 =	vmul.f32 s8, v3;
	v63 =	vmul.f32 s5, v11  }
0x239: {  	[tilespmem:s1+$0x18F88] =	vst v36;
	s19 =	ssub.f32 $1.000000000e+00, s6;
	v53 =	vmul.f32 s8, v4;
	v41 =	vadd.f32 v49, v50;
	v61 =	vadd.f32 v56, v57  }
0x23a: {  	[tilespmem:s1+$0x18F98] =	vst v33;
	v54 =	vmul.f32 s5, v12;
	s23 =	ssub.f32 $2.000000000e+00, s6;
	v36 =	vadd.f32 v39, v55;
	v47 =	vadd.f32 v59, v60  }
0x23b: {  	[tilespmem:s1+$0x18FA8] =	vst v34;
	v49 =	vadd.f32 v62, v63;
	v50 =	vmul.f32 s12, v19;
	v55 =	vmul.f32 s8, v5  }
0x23c: {  	[tilespmem:s1+$0x18FB8] =	vst v0;
	s30 =	sadd.f32 $-1.000000000e+00, s6;
	v56 =	vmul.f32 s5, v13;
	v57 =	vadd.f32 v53, v54;
	v59 =	vmul.f32 s12, v21;
	s31 =	smul.f32 s23, s19  }
0x23d: {  	[tilespmem:s1+$0x18FC8] =	vst v29;
	v62 =	vmul.f32 s5, v14;
	s7 =	smul.f32 s6, s23;
	v63 =	vmul.f32 s12, v22;
	v24 =	vadd.f32 v61, v58  }
0x23e: {  	[tilespmem:s1+$0x18FD8] =	vst v31;
	s6 =	smul.f32 s6, s30;
	v34 =	vadd.f32 v47, v48;
	v58 =	vmul.f32 s12, v20;
	v61 =	vmul.f32 s8, v6  }
0x23f: {  	[tilespmem:s1+$0x18FE8] =	vst v28;
	v0 =	vadd.f32 v49, v50;
	s31 =	smul.f32 $5.000000000e-01, s31;
	v48 =	vmul.f32 s8, v8;
	v49 =	vmul.f32 s5, v16  }
0x240: {  	[tilespmem:s1+$0x18FF8] =	vst v26;
	v60 =	vadd.f32 v55, v56;
	s5 =	smul.f32 $5.000000000e-01, s6;
	v54 =	vmul.f32 s7, v9;
	v56 =	vmul.f32 s12, v18  }
0x241: {  	[tilespmem:s1+$0x19008] =	vst v30;
	v50 =	vadd.f32 v44, v45;
	v43 =	vmul.f32 s7, v12;
	v45 =	vmul.f32 s7, v13  }
0x242: {  	[tilespmem:s1+$0x19018] =	vst v27;
	v28 =	vadd.f32 v57, v58;
	v53 =	vmul.f32 s31, v51;
	v58 =	vmul.f32 s5, v17  }
0x243: {  	[tilespmem:s1+$0x19028] =	vst v32;
	v26 =	vadd.f32 v60, v59;
	v59 =	vmul.f32 s31, v2;
	v60 =	vmul.f32 s7, v10  }
0x244: {  	[tilespmem:s1+$0x19038] =	vst v1;
	v47 =	vadd.f32 v61, v62;
	v61 =	vmul.f32 s31, v3;
	v62 =	vmul.f32 s7, v11  }
0x245: {  	[tilespmem:s1+$0x19048] =	vst v35;
	v55 =	vadd.f32 v48, v49;
	v40 =	vmul.f32 s5, v19;
	v42 =	vmul.f32 s31, v4  }
0x246: {  	[tilespmem:s1+$0x19058] =	vst v25;
	v1 =	vadd.f32 v50, v46;
	v44 =	vmul.f32 s31, v5;
	v48 =	vmul.f32 s7, v14  }
0x247: {  	[tilespmem:s1+$0x19068] =	vst v38;
	s12 =	spop (v2sf);
	v49 =	vmul.f32 s31, v7;
	v50 =	vmul.f32 s31, v8;
	v29 =	vadd.f32 v47, v63  }
0x248: {  	s19 =	scvt.s32.f32 s12;
	[tilespmem:s1+$0x190B8] =	vst v0;
	v0 =	vmul.f32 s5, v20;
	v57 =	vadd.f32 v53, v54;
	v30 =	vadd.f32 v55, v56  }
0x249: {  	[tilespmem:s1+$0x19078] =	vst v41;
	v32 =	vadd.f32 v59, v60;
	v63 =	vmul.f32 s5, v52;
	v27 =	vadd.f32 v61, v62  }
0x24a: {  	[tilespmem:s1+$0x19088] =	vst v36;
	s30 =	ssub.f32 $2.000000000e+00, s19;
	v47 =	vmul.f32 s31, v6;
	v31 =	vadd.f32 v42, v43;
	v53 =	vmul.f32 s5, v21  }
0x24b: {  	[tilespmem:s1+$0x19098] =	vst v24;
	v33 =	vadd.f32 v44, v45;
	v54 =	vmul.f32 s5, v22;
	v55 =	vmul.f32 s7, v15  }
0x24c: {  	[tilespmem:s1+$0x190A8] =	vst v34;
	s6 =	ssub.f32 $1.000000000e+00, s19;
	v56 =	vmul.f32 s7, v16;
	v25 =	vadd.f32 v57, v58;
	v32 =	vadd.f32 v32, v63;
	s23 =	smul.f32 s19, s30  }
0x24d: {  	[tilespmem:s1+$0x190C8] =	vst v28;
	v59 =	vmul.f32 s5, v18;
	v46 =	vadd.f32 v27, v40;
	v27 =	vadd.f32 v47, v48  }
0x24e: {  	[tilespmem:s1+$0x190F8] =	vst v1;
	s31 =	smul.f32 s30, s6;
	v58 =	vmul.f32 s5, v23;
	v1 =	vadd.f32 v49, v55;
	v61 =	vmul.f32 s23, v9  }
0x24f: {  	[tilespmem:s1+$0x190D8] =	vst v26;
	v62 =	vadd.f32 v50, v56;
	v36 =	vmul.f32 s23, v10;
	v43 =	vmul.f32 s23, v11  }
0x250: {  	s6 =	sadd.f32 $-1.000000000e+00, s19;
	[tilespmem:s1+$0x190E8] =	vst v29;
	s30 =	smul.f32 $5.000000000e-01, s31;
	v27 =	vadd.f32 v27, v54;
	v45 =	vmul.f32 s23, v12;
	v50 =	vmul.f32 s23, v13  }
0x251: {  	[tilespmem:s1+$0x19108] =	vst v30;
	v1 =	vadd.f32 v1, v58;
	v54 =	vmul.f32 s23, v14;
	v58 =	vmul.f32 s23, v15  }
0x252: {  	v0 =	vadd.f32 v31, v0;
	s8 =	smul.f32 s19, s6;
	[tilespmem:s1+$0x19118] =	vst v25;
	v60 =	vmul.f32 s30, v51;
	v63 =	vmul.f32 s30, v2  }
0x253: {  	v57 =	vadd.f32 v33, v53;
	[tilespmem:s1+$0x19128] =	vst v32;
	v42 =	vmul.f32 s30, v3;
	v44 =	vmul.f32 s30, v4  }
0x254: {  	v29 =	vadd.f32 v62, v59;
	[tilespmem:s1+$0x19138] =	vst v46;
	s31 =	smul.f32 $5.000000000e-01, s8;
	v49 =	vmul.f32 s30, v5;
	v53 =	vmul.f32 s30, v6  }
0x255: {  	[tilespmem:s1+$0x19158] =	vst v57;
	v57 =	vmul.f32 s30, v7;
	v59 =	vmul.f32 s30, v8;
	v37 =	vadd.f32 v60, v61  }
0x256: {  	[tilespmem:s1+$0x19148] =	vst v0;
	v38 =	vmul.f32 s31, v17;
	v39 =	vadd.f32 v63, v36;
	v40 =	vmul.f32 s31, v52  }
0x257: {  	[tilespmem:s1+$0x19168] =	vst v27;
	v25 =	vadd.f32 v42, v43;
	v46 =	vmul.f32 s31, v19;
	v47 =	vmul.f32 s31, v20  }
0x258: {  	[tilespmem:s1+$0x19178] =	vst v1;
	v48 =	vadd.f32 v44, v45;
	v51 =	vmul.f32 s31, v21;
	v0 =	vadd.f32 v39, v40  }
0x259: {  	[tilespmem:s1+$0x19188] =	vst v29;
	v55 =	vmul.f32 s31, v22;
	v56 =	vadd.f32 v49, v50;
	v1 =	vadd.f32 v25, v46  }
0x25a: {  	v60 =	vmul.f32 s23, v16;
	v61 =	vadd.f32 v57, v58;
	v41 =	vadd.f32 v37, v38;
	[tilespmem:s1+$0x191A8] =	vst v0  }
0x25b: {  	v62 =	vmul.f32 s31, v23;
	v0 =	vadd.f32 v53, v54;
	[tilespmem:s1+$0x191B8] =	vst v1;
	v1 =	vadd.f32 v56, v51  }
0x25c: {  	p2 =	sne.s32 s26, $0xE000;
	v27 =	vadd.f32 v48, v47;
	v26 =	vadd.f32 v59, v60;
	[tilespmem:s1+$0x19198] =	vst v41  }
.Ltmp1:
0x25d: {  	v63 =	vmul.f32 s31, v18;
	v0 =	vadd.f32 v0, v55;
	[tilespmem:s1+$0x191D8] =	vst v1;
	v1 =	vadd.f32 v61, v62;
	(pc) =	sbr.rel @p2 .LBB2_6-.Ltmp1, $4  }
0x25e: {  	[tilespmem:s1+$0x191C8] =	vst v27  }
0x25f: {  	[tilespmem:s1+$0x191E8] =	vst v0;
	v0 =	vadd.f32 v26, v63  }
0x260: {  	[tilespmem:s1+$0x191F8] =	vst v1  }
0x261: {  	s9 =	sadd.s32 $0x10, s9;
	s26 =	sadd.s32 $0x2000, s26;
	v1 =	vmov v18;
	[tilespmem:s1+$0x19208] =	vst v0  }
0x262: {  	s25 =	sadd.s32 $0x1, s25  }
0x263: {  	p2 =	sne.s32 s25, $0x64  }
.Ltmp2:
0x264: {  	s1 =	sadd.s32 s24, s29;
	(pc) =	sbr.rel @p2 .LBB2_3-.Ltmp2, $4  }
0x265: {  	s1 =	sshll.u32 s1, $0xB  }
0x266: {  	s1 =	sand.u32 $0x1FFFF800, s1  }
0x267: {  	s0 =	sadd.s32 $0x200, s0;
	s28 =	sadd.s32 $0x200, s28;
	s1 =	sadd.s32 s2, s1  }
0x268: {  	[hbm4b:s1+s4] =	stream.linear.scatter [tilespmem:s18], [sflag:$0x8], $0x4000, $0x38;
	[tilespmem:$0x1CA18] =	vst v63  }
0x269: {  	s0 =	simm.s32 $0x5  }
0x26a: {  	_ =	swait.ge [sflag:s0], $0x4000  }
0x26b: {  	[sflag:s0] =	ssyncset.done $0x0  }
0x26c: {  	[sflag:s0] =	ssyncadd.s32 $0xFFFFC000  }
0x26d: {  	_ =	swait.ge [sflag:s20], $0x4000  }
0x26e: {  	[sflag:s20] =	ssyncset.done $0x0  }
0x26f: {  	[sflag:s20] =	ssyncadd.s32 $0xFFFFC000  }
0x270: {  	_ =	swait.ge [sflag:s21], $0x4000  }
.Ltmp3:
0x271: {  	[sflag:s21] =	ssyncset.done $0x0;
	(pc) =	sbr.rel @p1 .LBB2_2-.Ltmp3, $4  }
0x272: {  	[sflag:s21] =	ssyncadd.s32 $0xFFFFC000  }
0x273: {  	_ =	swait.ge [sflag:s22], $0x4000  }
0x274: {  	[sflag:s22] =	ssyncset.done $0x0  }
0x275: {  	p2 =	por $0x0, $0x0;
	s0 =	simm.s32 $0x190;
	[sflag:s22] =	ssyncadd.s32 $0xFFFFC000  }
0x276: {  	s1 =	rddreg [dreg:$0x9]  }
0x277: {  	s0 =	rddreg [dreg:$0x7];
	s1 =	sadd.s32 $0x1, s1  }
0x278: {  	p1 =	sne.s32 s1, s0  }
.Ltmp4:
0x279: {  	_ = 	snop;
	(pc) =	sbr.rel @p1 .LBB2_1-.Ltmp4, $1  }
0x27a: {  	_ =	sdelay $0x3  }
0x27b: {  	_ =	sfence.sel $0x180000  }
0x27c: {  	[bflag:$0x0] =	sbarrier.arrive $0xFFFF  }
0x27d: {  	_ =	strace $0x90000047  }
0x27e: {  	[bflag:$0x2] =	sbarrier.arrive $0xFFFF  }
0x27f: {  	s0 =	rddreg [dreg:$0x4]  }
0x280: {  	s0 =	sadd.s32 @!p0 $0x100000, s0  }
0x281: {  	[sflag:s0] =	ssyncadd.tile.s32 @!p0 $0x1;
	_ =	shalt  }
.Lfunc_end2:
_tile_overlayer_lowered:
.L_overlay_start_2:
0x282: {  	(tag) =	ssettag $0x2  }
0x283: {  	s0 =	rddreg [dreg:$0x0];
	s2 =	stileid.u32  }
0x284: {  	s1 =	rddreg [dreg:$0x1];
	p0 =	sne.s32 s2, $0x0  }
0x285: {  	s3 =	rddreg [dreg:$0x2];
	[bflag:$0x3] =	sbarrier.arrive $0xFFFF;
	s2 =	simm.s32 @!p0 $0x1C09  }
0x286: {  	[timem:s3], [sflag:s2] =	dma.local @!p0 [hbm:s0], s1  }
0x287: {  	s0 =	simm.s32 @!p0 $0x9  }
0x288: {  	_ =	swait.ge @!p0 [sflag:s0], s1  }
0x289: {  	s1 =	ssub.s32 @!p0 $0x0, s1;
	[sflag:s0] =	ssyncset.done @!p0 $0x0  }
0x28a: {  	[sflag:s0] =	ssyncadd.s32 @!p0 s1  }
0x28b: {  	[bflag:$0x3] =	sbarrier.arrive $0xFFFF  }
0x28c: {  	_ =	shalt  }

</sc_bundles>
